<compile_context>
chip_gen: v7x
topology: tpu7x:2x2x1
jax: 0.10.2.dev20260603
libtpu: 0.0.44.dev20260713+nightly
codegen_flags: <defaults>
</compile_context>

<pallas_src>
import functools

import jax
import jax.numpy as jnp
from jax import lax
from jax.experimental import pallas as pl
from jax.experimental.pallas import tpu as pltpu
from jax.experimental.pallas import tpu_sc as plsc

_N, _E, _DIN, _DH, _DOUT = 10000, 320000, 128, 64, 2
_NH = _N // 2
_R = 1000
_NBLK = _NH // _R

_NW = 32
_TPC = 16
_CHW = 128
_NCH = 80
_EPAD = _NW * _NCH * _CHW
_NPAD = 10240
_RPT = _NPAD // _TPC
_NBUF = 8

_f32 = jnp.float32



def _mm1_body(xlo_ref, xhi_ref, w_ref, h_ref):
    w = w_ref[...]
    hlo = jnp.dot(xlo_ref[...], w, preferred_element_type=jnp.float32)
    hhi = jnp.dot(xhi_ref[...], w, preferred_element_type=jnp.float32)
    h_ref[...] = jnp.concatenate([hlo, hhi], axis=1)


def _stage1_body(deg_ref, h_ref, dinv_ref, g_ref):
    deg = deg_ref[0] + deg_ref[1] + 1.0
    dinv = jax.lax.rsqrt(deg)
    dlo = jnp.broadcast_to(dinv[:, 0:1], (_R, _DH))
    dhi = jnp.broadcast_to(dinv[:, 1:2], (_R, _DH))
    dp = jnp.concatenate([dlo, dhi], axis=1)
    dinv_ref[...] = dp
    g_ref[...] = h_ref[...] * dp


def _mid_body(s_ref, g_ref, dinv_ref, b_ref, w_ref, gout_ref):
    dp = dinv_ref[...]
    s = s_ref[0] + s_ref[1] + g_ref[...]
    xn = jnp.maximum(dp * s + b_ref[...], 0.0)
    h = jnp.dot(xn, w_ref[...], preferred_element_type=jnp.float32)
    gout_ref[...] = h * dp


def _final_body(s_ref, g_ref, dinv_ref, b_ref, wfc_ref, bfc_ref, out_ref):
    dp = dinv_ref[...]
    s = s_ref[0] + s_ref[1] + g_ref[...]
    xn = jnp.maximum(dp * s + b_ref[...], 0.0)
    logits = jnp.dot(xn, wfc_ref[...], preferred_element_type=jnp.float32)
    logits = logits + bfc_ref[...]
    la, lb = logits[:, 0:2], logits[:, 2:4]
    ma = jnp.max(la, axis=1, keepdims=True)
    mb = jnp.max(lb, axis=1, keepdims=True)
    za = jnp.log(jnp.sum(jnp.exp(la - ma), axis=1, keepdims=True)) + ma
    zb = jnp.log(jnp.sum(jnp.exp(lb - mb), axis=1, keepdims=True)) + mb
    out_ref[...] = jnp.concatenate([la - za, lb - zb], axis=1)


def _rows(i):
    return (i, 0)


def _rows_hi(i):
    return (i + _NBLK, 0)


def _rows3(i):
    return (0, i, 0)


def _rep(i):
    return (0, 0)


def _rep3(i):
    return (0, 0, 0)


def _mm1(x, w1):
    return pl.pallas_call(
        _mm1_body,
        grid=(_NBLK,),
        in_specs=[
            pl.BlockSpec((_R, _DIN), _rows),
            pl.BlockSpec((_R, _DIN), _rows_hi),
            pl.BlockSpec((_DIN, _DH), _rep),
        ],
        out_specs=pl.BlockSpec((_R, 2 * _DH), _rows),
        out_shape=jax.ShapeDtypeStruct((_NH, 2 * _DH), _f32),
    )(x, x, w1)


def _stage1(degs, h1):
    return pl.pallas_call(
        _stage1_body,
        grid=(_NBLK,),
        in_specs=[
            pl.BlockSpec((2, _R, 2), _rows3),
            pl.BlockSpec((_R, 2 * _DH), _rows),
        ],
        out_specs=[
            pl.BlockSpec((_R, 2 * _DH), _rows),
            pl.BlockSpec((_R, 2 * _DH), _rows),
        ],
        out_shape=[
            jax.ShapeDtypeStruct((_NH, 2 * _DH), _f32),
            jax.ShapeDtypeStruct((_NH, 2 * _DH), _f32),
        ],
    )(degs, h1)


def _mid(s, g, dinv, b, w):
    return pl.pallas_call(
        _mid_body,
        grid=(_NBLK,),
        in_specs=[
            pl.BlockSpec((2, _R, 2 * _DH), _rows3),
            pl.BlockSpec((_R, 2 * _DH), _rows),
            pl.BlockSpec((_R, 2 * _DH), _rows),
            pl.BlockSpec((1, 2 * _DH), _rep),
            pl.BlockSpec((2 * _DH, 2 * _DH), _rep),
        ],
        out_specs=pl.BlockSpec((_R, 2 * _DH), _rows),
        out_shape=jax.ShapeDtypeStruct((_NH, 2 * _DH), _f32),
    )(s, g, dinv, b, w)


def _final(s, g, dinv, b, wfc, bfc):
    return pl.pallas_call(
        _final_body,
        grid=(_NBLK,),
        in_specs=[
            pl.BlockSpec((2, _R, 2 * _DH), _rows3),
            pl.BlockSpec((_R, 2 * _DH), _rows),
            pl.BlockSpec((_R, 2 * _DH), _rows),
            pl.BlockSpec((1, 2 * _DH), _rep),
            pl.BlockSpec((2 * _DH, 2 * _DOUT), _rep),
            pl.BlockSpec((1, 2 * _DOUT), _rep),
        ],
        out_specs=pl.BlockSpec((_R, 2 * _DOUT), _rows),
        out_shape=jax.ShapeDtypeStruct((_NH, 2 * _DOUT), _f32),
    )(s, g, dinv, b, wfc, bfc)



_MESH = plsc.VectorSubcoreMesh(core_axis_name="c", subcore_axis_name="s")
_SC_PARAMS = pltpu.CompilerParams(use_tc_tiling_on_sc=False)


def _drain(sem, src, dst):
    pltpu.make_async_copy(src, dst, sem).wait()


def _sc_deg(dst_r, z1d):

    @functools.partial(
        pl.kernel,
        out_type=jax.ShapeDtypeStruct((2, _NPAD), _f32),
        mesh=_MESH,
        compiler_params=_SC_PARAMS,
        scratch_types=[
            pltpu.VMEM((_NCH, _CHW), jnp.int32),
            pltpu.VMEM((_CHW,), _f32),
            pltpu.VMEM_SHARED((_NPAD,), _f32),
            pltpu.SemaphoreType.DMA,
        ],
    )
    def k(dst_hbm, z1d_hbm, out_hbm, idx_d, ones_v, acc, ssem):
        cid = lax.axis_index("c")
        sid = lax.axis_index("s")
        wid = cid * _TPC + sid
        pltpu.sync_copy(dst_hbm.at[wid], idx_d)
        for i in range(_CHW // 16):
            ones_v[pl.ds(i * 16, 16)] = jnp.ones((16,), _f32)
        r0 = sid * _RPT
        pltpu.sync_copy(z1d_hbm.at[pl.ds(r0, _RPT)], acc.at[pl.ds(r0, _RPT)])
        plsc.subcore_barrier()

        @pl.loop(0, _NCH)
        def _(j):
            pltpu.async_copy(ones_v, acc.at[idx_d.at[j]], ssem, add=True)

        @pl.loop(0, _NCH)
        def _(j):
            _drain(ssem, z1d_hbm.at[pl.ds(0, _CHW)], ones_v)

        plsc.subcore_barrier()
        pltpu.sync_copy(acc.at[pl.ds(r0, _RPT)],
                        out_hbm.at[cid, pl.ds(r0, _RPT)])

    return k(dst_r, z1d)


def _sc_scatter(src_r, dst_r, g, z2d):

    @functools.partial(
        pl.kernel,
        out_type=jax.ShapeDtypeStruct((2, _NPAD, _DH), _f32),
        mesh=_MESH,
        compiler_params=_SC_PARAMS,
        scratch_types=[
            pltpu.VMEM((_NCH, _CHW), jnp.int32),
            pltpu.VMEM((_NCH, _CHW), jnp.int32),
            [pltpu.VMEM((_CHW, _DH), _f32) for _ in range(_NBUF)],
            pltpu.VMEM_SHARED((_NPAD, _DH), _f32),
            [pltpu.SemaphoreType.DMA for _ in range(_NBUF)],
            [pltpu.SemaphoreType.DMA for _ in range(_NBUF)],
        ],
    )
    def k(src_hbm, dst_hbm, g_hbm, z2d_hbm, out_hbm,
          idx_s, idx_d, bufs, acc, gsems, ssems):
        cid = lax.axis_index("c")
        sid = lax.axis_index("s")
        wid = cid * _TPC + sid
        pltpu.sync_copy(src_hbm.at[wid], idx_s)
        pltpu.sync_copy(dst_hbm.at[wid], idx_d)
        r0 = sid * _RPT
        pltpu.sync_copy(z2d_hbm, acc.at[pl.ds(r0, _RPT)])
        plsc.subcore_barrier()

        for kk in range(_NBUF):
            pltpu.async_copy(g_hbm.at[idx_s.at[kk]], bufs[kk], gsems[kk])

        @pl.loop(0, _NCH, step=_NBUF)
        def _(j):
            for kk in range(_NBUF):
                _drain(gsems[kk], g_hbm.at[pl.ds(0, _CHW)], bufs[kk])
                pltpu.async_copy(bufs[kk], acc.at[idx_d.at[j + kk]],
                                 ssems[kk], add=True)
            for kk in range(_NBUF):
                jn = j + _NBUF + kk

                @pl.when(jn < _NCH)
                def _():
                    _drain(ssems[kk], g_hbm.at[pl.ds(0, _CHW)], bufs[kk])
                    pltpu.async_copy(g_hbm.at[idx_s.at[jn]], bufs[kk],
                                     gsems[kk])

        for kk in range(_NBUF):
            _drain(ssems[kk], g_hbm.at[pl.ds(0, _CHW)], bufs[kk])
        plsc.subcore_barrier()
        pltpu.sync_copy(acc.at[pl.ds(r0, _RPT)],
                        out_hbm.at[cid, pl.ds(r0, _RPT)])

    return k(src_r, dst_r, g, z2d)


def _blockdiag(w):
    z = jnp.zeros(w.shape, w.dtype)
    return jnp.concatenate(
        [jnp.concatenate([w, z], axis=1), jnp.concatenate([z, w], axis=1)],
        axis=0)



def kernel(x, edge_index, W1, b1, W2, b2, W3, b3, Wfc, bfc):
    src, dst = edge_index[0], edge_index[1]
    src = 2 * src - jnp.where(src >= _NH, 9999, 0)
    dst = 2 * dst - jnp.where(dst >= _NH, 9999, 0)
    npad = _EPAD - _E
    pidx = jnp.arange(npad, dtype=jnp.int32)
    psrc = jnp.bitwise_and(pidx * 37, 8191)
    pdst = _N + jnp.bitwise_and(pidx, 127)
    src_p = jnp.concatenate([src, psrc]).reshape(_NW, _NCH, _CHW)
    dst_p = jnp.concatenate([dst, pdst]).reshape(_NW, _NCH, _CHW)
    z1d = jnp.zeros((_NPAD,), _f32)
    z2d = jnp.zeros((_RPT, _DH), _f32)
    w2d = _blockdiag(W2)
    w3d = _blockdiag(W3)
    wfcd = _blockdiag(Wfc)
    b1p = jnp.concatenate([b1, b1])[None, :]
    b2p = jnp.concatenate([b2, b2])[None, :]
    b3p = jnp.concatenate([b3, b3])[None, :]
    bfcp = jnp.concatenate([bfc, bfc])[None, :]

    h1 = _mm1(x, W1)
    degs = _sc_deg(dst_p, z1d).reshape(2, _NPAD // 2, 2)
    dinv, g1 = _stage1(degs, h1)

    def s_packed(g):
        s = _sc_scatter(src_p, dst_p, g.reshape(_N, _DH), z2d)
        return s.reshape(2, _NPAD // 2, 2 * _DH)

    g2 = _mid(s_packed(g1), g1, dinv, b1p, w2d)
    g3 = _mid(s_packed(g2), g2, dinv, b2p, w3d)
    outp = _final(s_packed(g3), g3, dinv, b3p, wfcd, bfcp)
    o = outp.reshape(_NH, 2, _DOUT)
    return jnp.concatenate([o[:, 0], o[:, 1]], axis=0)

# --- scband reference (transcript-rebuilt; emitter-appended) ---
"""Pipeline reference for scband-fraud-detection-gcn-83648783057204 (READ-ONLY COPY).

The authoritative reference and input builder live on the scoring server;
editing this copy changes nothing except your own understanding.
"""

import jax, jax.numpy as jnp
import numpy as np

N = 10000
E = 320000
D_IN = 128
D_H = 64
D_OUT = 2


def setup_inputs(seed: int = 0) -> dict:
    key = jax.random.key(seed)
    ks = jax.random.split(key, 12)
    x = jax.random.normal(ks[0], (N, D_IN), dtype=jnp.float32)
    edge_index = jax.random.randint(ks[1], (2, E), 0, N, dtype=jnp.int32)
    def glorot(k, shape):
        fan_in, fan_out = shape
        lim = float(np.sqrt(6.0 / (fan_in + fan_out)))
        return jax.random.uniform(k, shape, dtype=jnp.float32, minval=-lim, maxval=lim)
    W1 = glorot(ks[2], (D_IN, D_H)); b1 = jnp.zeros((D_H,), dtype=jnp.float32)
    W2 = glorot(ks[3], (D_H, D_H)); b2 = jnp.zeros((D_H,), dtype=jnp.float32)
    W3 = glorot(ks[4], (D_H, D_H)); b3 = jnp.zeros((D_H,), dtype=jnp.float32)
    Wfc = glorot(ks[5], (D_H, D_OUT)); bfc = jnp.zeros((D_OUT,), dtype=jnp.float32)
    return {"x": x, "edge_index": edge_index, "W1": W1, "b1": b1,
            "W2": W2, "b2": b2, "W3": W3, "b3": b3, "Wfc": Wfc, "bfc": bfc}


def _gcn_layer(x, src, dst, norm, W, b):
    # GCNConv: linear transform, normalized message passing (scatter-add), bias
    h = x @ W
    msg = h[src] * norm[:, None]
    agg = jax.ops.segment_sum(msg, dst, num_segments=N)
    return agg + b


def reference(x, edge_index, W1, b1, W2, b2, W3, b3, Wfc, bfc):
    # Add self-loops (torch_geometric GCNConv default)
    loops = jnp.arange(N, dtype=edge_index.dtype)
    src = jnp.concatenate([edge_index[0], loops])
    dst = jnp.concatenate([edge_index[1], loops])
    ones = jnp.ones(src.shape[0], dtype=jnp.float32)
    deg = jax.ops.segment_sum(ones, dst, num_segments=N)
    deg_inv_sqrt = jnp.where(deg > 0, 1.0 / jnp.sqrt(deg), 0.0)
    norm = deg_inv_sqrt[src] * deg_inv_sqrt[dst]
    # Dropout is identity in eval mode
    h = jax.nn.relu(_gcn_layer(x, src, dst, norm, W1, b1))
    h = jax.nn.relu(_gcn_layer(h, src, dst, norm, W2, b2))
    h = jax.nn.relu(_gcn_layer(h, src, dst, norm, W3, b3))
    logits = h @ Wfc + bfc
    return jax.nn.log_softmax(logits, axis=1)

if __name__ == "__main__":
    import jax
    _d = setup_inputs()
    print(jax.jit(kernel)(*tuple(_d.values())))

</pallas_src>

<mosaic_0001>
#map = affine_map<(d0, d1) -> (0, 0, 0)>
#map1 = affine_map<(d0, d1) -> (0, 0)>
module attributes {stable_mosaic.version = 14 : i64} {
  func.func @k(%arg0: i32, %arg1: i32, %arg2: memref<32x80x128xi32, #tpu.memory_space<hbm>>, %arg3: memref<32x80x128xi32, #tpu.memory_space<hbm>>, %arg4: memref<10000x64xf32, #tpu.memory_space<hbm>>, %arg5: memref<640x64xf32, #tpu.memory_space<hbm>>, %arg6: memref<2x10240x64xf32, #tpu.memory_space<hbm>>, %arg7: memref<80x128xi32, #tpu.memory_space<vmem>>, %arg8: memref<80x128xi32, #tpu.memory_space<vmem>>, %arg9: memref<128x64xf32, #tpu.memory_space<vmem>>, %arg10: memref<128x64xf32, #tpu.memory_space<vmem>>, %arg11: memref<128x64xf32, #tpu.memory_space<vmem>>, %arg12: memref<128x64xf32, #tpu.memory_space<vmem>>, %arg13: memref<128x64xf32, #tpu.memory_space<vmem>>, %arg14: memref<128x64xf32, #tpu.memory_space<vmem>>, %arg15: memref<128x64xf32, #tpu.memory_space<vmem>>, %arg16: memref<128x64xf32, #tpu.memory_space<vmem>>, %arg17: memref<10240x64xf32, #tpu.memory_space<vmem_shared>>, %arg18: memref<!tpu.dma_semaphore, #tpu.memory_space<semaphore_mem>>, %arg19: memref<!tpu.dma_semaphore, #tpu.memory_space<semaphore_mem>>, %arg20: memref<!tpu.dma_semaphore, #tpu.memory_space<semaphore_mem>>, %arg21: memref<!tpu.dma_semaphore, #tpu.memory_space<semaphore_mem>>, %arg22: memref<!tpu.dma_semaphore, #tpu.memory_space<semaphore_mem>>, %arg23: memref<!tpu.dma_semaphore, #tpu.memory_space<semaphore_mem>>, %arg24: memref<!tpu.dma_semaphore, #tpu.memory_space<semaphore_mem>>, %arg25: memref<!tpu.dma_semaphore, #tpu.memory_space<semaphore_mem>>, %arg26: memref<!tpu.dma_semaphore, #tpu.memory_space<semaphore_mem>>, %arg27: memref<!tpu.dma_semaphore, #tpu.memory_space<semaphore_mem>>, %arg28: memref<!tpu.dma_semaphore, #tpu.memory_space<semaphore_mem>>, %arg29: memref<!tpu.dma_semaphore, #tpu.memory_space<semaphore_mem>>, %arg30: memref<!tpu.dma_semaphore, #tpu.memory_space<semaphore_mem>>, %arg31: memref<!tpu.dma_semaphore, #tpu.memory_space<semaphore_mem>>, %arg32: memref<!tpu.dma_semaphore, #tpu.memory_space<semaphore_mem>>, %arg33: memref<!tpu.dma_semaphore, #tpu.memory_space<semaphore_mem>>) attributes {dimension_semantics = [#tpu.dimension_semantics<core_parallel>, #tpu.dimension_semantics<subcore_parallel>], iteration_bounds = array<i64: 2, 16>, scalar_prefetch = 0 : i64, scratch_operands = 27 : i64, tpu.core_type = #tpu.core_type<sc_vector_subcore>, window_params = [{transform_indices = #map}, {transform_indices = #map}, {transform_indices = #map1}, {transform_indices = #map1}, {transform_indices = #map}]} {
    %mul3A = arith.constant 16 : i32
    %mul3A_0 = arith.muli %arg0, %mul3A : i32
    %add3A = arith.addi %mul3A_0, %arg1 : i32
    "tpu.region"() ({
      %run_scoped3A = tpu.sem_alloc : memref<!tpu.dma_semaphore, #tpu.memory_space<semaphore_mem>>
      %dma_start3A_110 = arith.constant 0 : i32
      %dma_start3A_111 = arith.constant 0 : i32
      %dma_start3A_112 = tpu.memref_slice %arg2[%add3A, %dma_start3A_110, %dma_start3A_111] : memref<32x80x128xi32, #tpu.memory_space<hbm>> -> memref<1x80x128xi32, #tpu.memory_space<hbm>>
      %dma_start3A_113 = tpu.memref_squeeze %dma_start3A_112 : memref<1x80x128xi32, #tpu.memory_space<hbm>> -> memref<80x128xi32, #tpu.memory_space<hbm>>
      %dma_start3A_114 = arith.constant 0 : i32
      %dma_start3A_115 = arith.constant 0 : i32
      %dma_start3A_116 = tpu.memref_slice %arg2[%add3A, %dma_start3A_114, %dma_start3A_115] : memref<32x80x128xi32, #tpu.memory_space<hbm>> -> memref<1x80x128xi32, #tpu.memory_space<hbm>>
      %dma_start3A_117 = tpu.memref_squeeze %dma_start3A_116 : memref<1x80x128xi32, #tpu.memory_space<hbm>> -> memref<80x128xi32, #tpu.memory_space<hbm>>
      tpu.enqueue_dma source(%dma_start3A_117 : memref<80x128xi32, #tpu.memory_space<hbm>>) target(%arg7 : memref<80x128xi32, #tpu.memory_space<vmem>>) target_semaphore(%run_scoped3A : memref<!tpu.dma_semaphore, #tpu.memory_space<semaphore_mem>>)
      %dma_wait3A_118 = arith.constant 0 : i32
      %dma_wait3A_119 = arith.constant 0 : i32
      %dma_wait3A_120 = tpu.memref_slice %arg2[%add3A, %dma_wait3A_118, %dma_wait3A_119] : memref<32x80x128xi32, #tpu.memory_space<hbm>> -> memref<1x80x128xi32, #tpu.memory_space<hbm>>
      %dma_wait3A_121 = tpu.memref_squeeze %dma_wait3A_120 : memref<1x80x128xi32, #tpu.memory_space<hbm>> -> memref<80x128xi32, #tpu.memory_space<hbm>>
      %dma_wait3A_122 = arith.constant 0 : i32
      %dma_wait3A_123 = arith.constant 0 : i32
      %dma_wait3A_124 = tpu.memref_slice %arg2[%add3A, %dma_wait3A_122, %dma_wait3A_123] : memref<32x80x128xi32, #tpu.memory_space<hbm>> -> memref<1x80x128xi32, #tpu.memory_space<hbm>>
      %dma_wait3A_125 = tpu.memref_squeeze %dma_wait3A_124 : memref<1x80x128xi32, #tpu.memory_space<hbm>> -> memref<80x128xi32, #tpu.memory_space<hbm>>
      tpu.wait_dma2 semaphore(%run_scoped3A : memref<!tpu.dma_semaphore, #tpu.memory_space<semaphore_mem>>) src(%dma_wait3A_125 : memref<80x128xi32, #tpu.memory_space<hbm>>) dst(%arg7 : memref<80x128xi32, #tpu.memory_space<vmem>>)
      tpu.yield
    }) : () -> ()
    "tpu.region"() ({
      %run_scoped3A = tpu.sem_alloc : memref<!tpu.dma_semaphore, #tpu.memory_space<semaphore_mem>>
      %dma_start3A_110 = arith.constant 0 : i32
      %dma_start3A_111 = arith.constant 0 : i32
      %dma_start3A_112 = tpu.memref_slice %arg3[%add3A, %dma_start3A_110, %dma_start3A_111] : memref<32x80x128xi32, #tpu.memory_space<hbm>> -> memref<1x80x128xi32, #tpu.memory_space<hbm>>
      %dma_start3A_113 = tpu.memref_squeeze %dma_start3A_112 : memref<1x80x128xi32, #tpu.memory_space<hbm>> -> memref<80x128xi32, #tpu.memory_space<hbm>>
      %dma_start3A_114 = arith.constant 0 : i32
      %dma_start3A_115 = arith.constant 0 : i32
      %dma_start3A_116 = tpu.memref_slice %arg3[%add3A, %dma_start3A_114, %dma_start3A_115] : memref<32x80x128xi32, #tpu.memory_space<hbm>> -> memref<1x80x128xi32, #tpu.memory_space<hbm>>
      %dma_start3A_117 = tpu.memref_squeeze %dma_start3A_116 : memref<1x80x128xi32, #tpu.memory_space<hbm>> -> memref<80x128xi32, #tpu.memory_space<hbm>>
      tpu.enqueue_dma source(%dma_start3A_117 : memref<80x128xi32, #tpu.memory_space<hbm>>) target(%arg8 : memref<80x128xi32, #tpu.memory_space<vmem>>) target_semaphore(%run_scoped3A : memref<!tpu.dma_semaphore, #tpu.memory_space<semaphore_mem>>)
      %dma_wait3A_118 = arith.constant 0 : i32
      %dma_wait3A_119 = arith.constant 0 : i32
      %dma_wait3A_120 = tpu.memref_slice %arg3[%add3A, %dma_wait3A_118, %dma_wait3A_119] : memref<32x80x128xi32, #tpu.memory_space<hbm>> -> memref<1x80x128xi32, #tpu.memory_space<hbm>>
      %dma_wait3A_121 = tpu.memref_squeeze %dma_wait3A_120 : memref<1x80x128xi32, #tpu.memory_space<hbm>> -> memref<80x128xi32, #tpu.memory_space<hbm>>
      %dma_wait3A_122 = arith.constant 0 : i32
      %dma_wait3A_123 = arith.constant 0 : i32
      %dma_wait3A_124 = tpu.memref_slice %arg3[%add3A, %dma_wait3A_122, %dma_wait3A_123] : memref<32x80x128xi32, #tpu.memory_space<hbm>> -> memref<1x80x128xi32, #tpu.memory_space<hbm>>
      %dma_wait3A_125 = tpu.memref_squeeze %dma_wait3A_124 : memref<1x80x128xi32, #tpu.memory_space<hbm>> -> memref<80x128xi32, #tpu.memory_space<hbm>>
      tpu.wait_dma2 semaphore(%run_scoped3A : memref<!tpu.dma_semaphore, #tpu.memory_space<semaphore_mem>>) src(%dma_wait3A_125 : memref<80x128xi32, #tpu.memory_space<hbm>>) dst(%arg8 : memref<80x128xi32, #tpu.memory_space<vmem>>)
      tpu.yield
    }) : () -> ()
    %mul3A_1 = arith.constant 640 : i32
    %mul3A_2 = arith.muli %arg1, %mul3A_1 : i32
    "tpu.region"() ({
      %run_scoped3A = tpu.sem_alloc : memref<!tpu.dma_semaphore, #tpu.memory_space<semaphore_mem>>
      %dma_start3A_110 = arith.constant 0 : i32
      %dma_start3A_111 = tpu.memref_slice %arg17[%mul3A_2, %dma_start3A_110] : memref<10240x64xf32, #tpu.memory_space<vmem_shared>> -> memref<640x64xf32, #tpu.memory_space<vmem_shared>>
      tpu.enqueue_dma source(%arg5 : memref<640x64xf32, #tpu.memory_space<hbm>>) target(%dma_start3A_111 : memref<640x64xf32, #tpu.memory_space<vmem_shared>>) target_semaphore(%run_scoped3A : memref<!tpu.dma_semaphore, #tpu.memory_space<semaphore_mem>>)
      %dma_wait3A_112 = arith.constant 0 : i32
      %dma_wait3A_113 = tpu.memref_slice %arg17[%mul3A_2, %dma_wait3A_112] : memref<10240x64xf32, #tpu.memory_space<vmem_shared>> -> memref<640x64xf32, #tpu.memory_space<vmem_shared>>
      tpu.wait_dma2 semaphore(%run_scoped3A : memref<!tpu.dma_semaphore, #tpu.memory_space<semaphore_mem>>) src(%arg5 : memref<640x64xf32, #tpu.memory_space<hbm>>) dst(%dma_wait3A_113 : memref<640x64xf32, #tpu.memory_space<vmem_shared>>)
      tpu.yield
    }) : () -> ()
    %barrier3A = arith.constant 0 : index
    tpu.barrier barrier_id(%barrier3A)
    %dma_start3A = arith.constant 0 : i32
    %dma_start3A_3 = arith.constant 0 : i32
    %dma_start3A_4 = tpu.memref_slice %arg7[%dma_start3A, %dma_start3A_3] : memref<80x128xi32, #tpu.memory_space<vmem>> -> memref<1x128xi32, #tpu.memory_space<vmem>>
    %dma_start3A_5 = tpu.memref_squeeze %dma_start3A_4 : memref<1x128xi32, #tpu.memory_space<vmem>> -> memref<128xi32, #tpu.memory_space<vmem>>
    %dma_start3A_6 = arith.constant 0 : i32
    %dma_start3A_7 = arith.constant 0 : i32
    %dma_start3A_8 = tpu.memref_slice %arg4[%dma_start3A_6, %dma_start3A_7] : memref<10000x64xf32, #tpu.memory_space<hbm>> -> memref<10000x64xf32, #tpu.memory_space<hbm>>
    tpu.enqueue_indirect_dma source(%dma_start3A_8 : memref<10000x64xf32, #tpu.memory_space<hbm>>) target(%arg9 : memref<128x64xf32, #tpu.memory_space<vmem>>) offsets(%dma_start3A_5 : memref<128xi32, #tpu.memory_space<vmem>>) semaphore(%arg18 : memref<!tpu.dma_semaphore, #tpu.memory_space<semaphore_mem>>)
    %dma_start3A_9 = arith.constant 1 : i32
    %dma_start3A_10 = arith.constant 0 : i32
    %dma_start3A_11 = tpu.memref_slice %arg7[%dma_start3A_9, %dma_start3A_10] : memref<80x128xi32, #tpu.memory_space<vmem>> -> memref<1x128xi32, #tpu.memory_space<vmem>>
    %dma_start3A_12 = tpu.memref_squeeze %dma_start3A_11 : memref<1x128xi32, #tpu.memory_space<vmem>> -> memref<128xi32, #tpu.memory_space<vmem>>
    %dma_start3A_13 = arith.constant 0 : i32
    %dma_start3A_14 = arith.constant 0 : i32
    %dma_start3A_15 = tpu.memref_slice %arg4[%dma_start3A_13, %dma_start3A_14] : memref<10000x64xf32, #tpu.memory_space<hbm>> -> memref<10000x64xf32, #tpu.memory_space<hbm>>
    tpu.enqueue_indirect_dma source(%dma_start3A_15 : memref<10000x64xf32, #tpu.memory_space<hbm>>) target(%arg10 : memref<128x64xf32, #tpu.memory_space<vmem>>) offsets(%dma_start3A_12 : memref<128xi32, #tpu.memory_space<vmem>>) semaphore(%arg19 : memref<!tpu.dma_semaphore, #tpu.memory_space<semaphore_mem>>)
    %dma_start3A_16 = arith.constant 2 : i32
    %dma_start3A_17 = arith.constant 0 : i32
    %dma_start3A_18 = tpu.memref_slice %arg7[%dma_start3A_16, %dma_start3A_17] : memref<80x128xi32, #tpu.memory_space<vmem>> -> memref<1x128xi32, #tpu.memory_space<vmem>>
    %dma_start3A_19 = tpu.memref_squeeze %dma_start3A_18 : memref<1x128xi32, #tpu.memory_space<vmem>> -> memref<128xi32, #tpu.memory_space<vmem>>
    %dma_start3A_20 = arith.constant 0 : i32
    %dma_start3A_21 = arith.constant 0 : i32
    %dma_start3A_22 = tpu.memref_slice %arg4[%dma_start3A_20, %dma_start3A_21] : memref<10000x64xf32, #tpu.memory_space<hbm>> -> memref<10000x64xf32, #tpu.memory_space<hbm>>
    tpu.enqueue_indirect_dma source(%dma_start3A_22 : memref<10000x64xf32, #tpu.memory_space<hbm>>) target(%arg11 : memref<128x64xf32, #tpu.memory_space<vmem>>) offsets(%dma_start3A_19 : memref<128xi32, #tpu.memory_space<vmem>>) semaphore(%arg20 : memref<!tpu.dma_semaphore, #tpu.memory_space<semaphore_mem>>)
    %dma_start3A_23 = arith.constant 3 : i32
    %dma_start3A_24 = arith.constant 0 : i32
    %dma_start3A_25 = tpu.memref_slice %arg7[%dma_start3A_23, %dma_start3A_24] : memref<80x128xi32, #tpu.memory_space<vmem>> -> memref<1x128xi32, #tpu.memory_space<vmem>>
    %dma_start3A_26 = tpu.memref_squeeze %dma_start3A_25 : memref<1x128xi32, #tpu.memory_space<vmem>> -> memref<128xi32, #tpu.memory_space<vmem>>
    %dma_start3A_27 = arith.constant 0 : i32
    %dma_start3A_28 = arith.constant 0 : i32
    %dma_start3A_29 = tpu.memref_slice %arg4[%dma_start3A_27, %dma_start3A_28] : memref<10000x64xf32, #tpu.memory_space<hbm>> -> memref<10000x64xf32, #tpu.memory_space<hbm>>
    tpu.enqueue_indirect_dma source(%dma_start3A_29 : memref<10000x64xf32, #tpu.memory_space<hbm>>) target(%arg12 : memref<128x64xf32, #tpu.memory_space<vmem>>) offsets(%dma_start3A_26 : memref<128xi32, #tpu.memory_space<vmem>>) semaphore(%arg21 : memref<!tpu.dma_semaphore, #tpu.memory_space<semaphore_mem>>)
    %dma_start3A_30 = arith.constant 4 : i32
    %dma_start3A_31 = arith.constant 0 : i32
    %dma_start3A_32 = tpu.memref_slice %arg7[%dma_start3A_30, %dma_start3A_31] : memref<80x128xi32, #tpu.memory_space<vmem>> -> memref<1x128xi32, #tpu.memory_space<vmem>>
    %dma_start3A_33 = tpu.memref_squeeze %dma_start3A_32 : memref<1x128xi32, #tpu.memory_space<vmem>> -> memref<128xi32, #tpu.memory_space<vmem>>
    %dma_start3A_34 = arith.constant 0 : i32
    %dma_start3A_35 = arith.constant 0 : i32
    %dma_start3A_36 = tpu.memref_slice %arg4[%dma_start3A_34, %dma_start3A_35] : memref<10000x64xf32, #tpu.memory_space<hbm>> -> memref<10000x64xf32, #tpu.memory_space<hbm>>
    tpu.enqueue_indirect_dma source(%dma_start3A_36 : memref<10000x64xf32, #tpu.memory_space<hbm>>) target(%arg13 : memref<128x64xf32, #tpu.memory_space<vmem>>) offsets(%dma_start3A_33 : memref<128xi32, #tpu.memory_space<vmem>>) semaphore(%arg22 : memref<!tpu.dma_semaphore, #tpu.memory_space<semaphore_mem>>)
    %dma_start3A_37 = arith.constant 5 : i32
    %dma_start3A_38 = arith.constant 0 : i32
    %dma_start3A_39 = tpu.memref_slice %arg7[%dma_start3A_37, %dma_start3A_38] : memref<80x128xi32, #tpu.memory_space<vmem>> -> memref<1x128xi32, #tpu.memory_space<vmem>>
    %dma_start3A_40 = tpu.memref_squeeze %dma_start3A_39 : memref<1x128xi32, #tpu.memory_space<vmem>> -> memref<128xi32, #tpu.memory_space<vmem>>
    %dma_start3A_41 = arith.constant 0 : i32
    %dma_start3A_42 = arith.constant 0 : i32
    %dma_start3A_43 = tpu.memref_slice %arg4[%dma_start3A_41, %dma_start3A_42] : memref<10000x64xf32, #tpu.memory_space<hbm>> -> memref<10000x64xf32, #tpu.memory_space<hbm>>
    tpu.enqueue_indirect_dma source(%dma_start3A_43 : memref<10000x64xf32, #tpu.memory_space<hbm>>) target(%arg14 : memref<128x64xf32, #tpu.memory_space<vmem>>) offsets(%dma_start3A_40 : memref<128xi32, #tpu.memory_space<vmem>>) semaphore(%arg23 : memref<!tpu.dma_semaphore, #tpu.memory_space<semaphore_mem>>)
    %dma_start3A_44 = arith.constant 6 : i32
    %dma_start3A_45 = arith.constant 0 : i32
    %dma_start3A_46 = tpu.memref_slice %arg7[%dma_start3A_44, %dma_start3A_45] : memref<80x128xi32, #tpu.memory_space<vmem>> -> memref<1x128xi32, #tpu.memory_space<vmem>>
    %dma_start3A_47 = tpu.memref_squeeze %dma_start3A_46 : memref<1x128xi32, #tpu.memory_space<vmem>> -> memref<128xi32, #tpu.memory_space<vmem>>
    %dma_start3A_48 = arith.constant 0 : i32
    %dma_start3A_49 = arith.constant 0 : i32
    %dma_start3A_50 = tpu.memref_slice %arg4[%dma_start3A_48, %dma_start3A_49] : memref<10000x64xf32, #tpu.memory_space<hbm>> -> memref<10000x64xf32, #tpu.memory_space<hbm>>
    tpu.enqueue_indirect_dma source(%dma_start3A_50 : memref<10000x64xf32, #tpu.memory_space<hbm>>) target(%arg15 : memref<128x64xf32, #tpu.memory_space<vmem>>) offsets(%dma_start3A_47 : memref<128xi32, #tpu.memory_space<vmem>>) semaphore(%arg24 : memref<!tpu.dma_semaphore, #tpu.memory_space<semaphore_mem>>)
    %dma_start3A_51 = arith.constant 7 : i32
    %dma_start3A_52 = arith.constant 0 : i32
    %dma_start3A_53 = tpu.memref_slice %arg7[%dma_start3A_51, %dma_start3A_52] : memref<80x128xi32, #tpu.memory_space<vmem>> -> memref<1x128xi32, #tpu.memory_space<vmem>>
    %dma_start3A_54 = tpu.memref_squeeze %dma_start3A_53 : memref<1x128xi32, #tpu.memory_space<vmem>> -> memref<128xi32, #tpu.memory_space<vmem>>
    %dma_start3A_55 = arith.constant 0 : i32
    %dma_start3A_56 = arith.constant 0 : i32
    %dma_start3A_57 = tpu.memref_slice %arg4[%dma_start3A_55, %dma_start3A_56] : memref<10000x64xf32, #tpu.memory_space<hbm>> -> memref<10000x64xf32, #tpu.memory_space<hbm>>
    tpu.enqueue_indirect_dma source(%dma_start3A_57 : memref<10000x64xf32, #tpu.memory_space<hbm>>) target(%arg16 : memref<128x64xf32, #tpu.memory_space<vmem>>) offsets(%dma_start3A_54 : memref<128xi32, #tpu.memory_space<vmem>>) semaphore(%arg25 : memref<!tpu.dma_semaphore, #tpu.memory_space<semaphore_mem>>)
    %scan3A = arith.constant 0 : i32
    %scan3A_58 = arith.constant 10 : i32
    %scan3A_59 = arith.addi %scan3A, %scan3A_58 : i32
    %scan3A_60 = arith.constant 1 : i32
    scf.for %scan3A_110 = %scan3A to %scan3A_59 step %scan3A_60  : i32 {
      %mul3A_111 = arith.constant 8 : i32
      %mul3A_112 = arith.muli %scan3A_110, %mul3A_111 : i32
      %add3A_113 = arith.constant 0 : i32
      %add3A_114 = arith.addi %add3A_113, %mul3A_112 : i32
      %dma_wait3A_115 = arith.constant 0 : i32
      %dma_wait3A_116 = arith.constant 0 : i32
      %dma_wait3A_117 = tpu.memref_slice %arg4[%dma_wait3A_115, %dma_wait3A_116] : memref<10000x64xf32, #tpu.memory_space<hbm>> -> memref<128x64xf32, #tpu.memory_space<hbm>>
      %dma_wait3A_118 = arith.constant 0 : i32
      %dma_wait3A_119 = arith.constant 0 : i32
      %dma_wait3A_120 = tpu.memref_slice %arg4[%dma_wait3A_118, %dma_wait3A_119] : memref<10000x64xf32, #tpu.memory_space<hbm>> -> memref<128x64xf32, #tpu.memory_space<hbm>>
      tpu.wait_dma2 semaphore(%arg18 : memref<!tpu.dma_semaphore, #tpu.memory_space<semaphore_mem>>) src(%dma_wait3A_120 : memref<128x64xf32, #tpu.memory_space<hbm>>) dst(%arg9 : memref<128x64xf32, #tpu.memory_space<vmem>>)
      %add3A_121 = arith.constant 0 : i32
      %add3A_122 = arith.addi %add3A_114, %add3A_121 : i32
      %dma_start3A_123 = arith.constant 0 : i32
      %dma_start3A_124 = tpu.memref_slice %arg8[%add3A_122, %dma_start3A_123] : memref<80x128xi32, #tpu.memory_space<vmem>> -> memref<1x128xi32, #tpu.memory_space<vmem>>
      %dma_start3A_125 = tpu.memref_squeeze %dma_start3A_124 : memref<1x128xi32, #tpu.memory_space<vmem>> -> memref<128xi32, #tpu.memory_space<vmem>>
      %dma_start3A_126 = arith.constant 0 : i32
      %dma_start3A_127 = arith.constant 0 : i32
      %dma_start3A_128 = tpu.memref_slice %arg17[%dma_start3A_126, %dma_start3A_127] : memref<10240x64xf32, #tpu.memory_space<vmem_shared>> -> memref<10240x64xf32, #tpu.memory_space<vmem_shared>>
      tpu.enqueue_indirect_dma source(%arg9 : memref<128x64xf32, #tpu.memory_space<vmem>>) target(%dma_start3A_128 : memref<10240x64xf32, #tpu.memory_space<vmem_shared>>) offsets(%dma_start3A_125 : memref<128xi32, #tpu.memory_space<vmem>>) semaphore(%arg26 : memref<!tpu.dma_semaphore, #tpu.memory_space<semaphore_mem>>) {add = true}
      %dma_wait3A_129 = arith.constant 0 : i32
      %dma_wait3A_130 = arith.constant 0 : i32
      %dma_wait3A_131 = tpu.memref_slice %arg4[%dma_wait3A_129, %dma_wait3A_130] : memref<10000x64xf32, #tpu.memory_space<hbm>> -> memref<128x64xf32, #tpu.memory_space<hbm>>
      %dma_wait3A_132 = arith.constant 0 : i32
      %dma_wait3A_133 = arith.constant 0 : i32
      %dma_wait3A_134 = tpu.memref_slice %arg4[%dma_wait3A_132, %dma_wait3A_133] : memref<10000x64xf32, #tpu.memory_space<hbm>> -> memref<128x64xf32, #tpu.memory_space<hbm>>
      tpu.wait_dma2 semaphore(%arg19 : memref<!tpu.dma_semaphore, #tpu.memory_space<semaphore_mem>>) src(%dma_wait3A_134 : memref<128x64xf32, #tpu.memory_space<hbm>>) dst(%arg10 : memref<128x64xf32, #tpu.memory_space<vmem>>)
      %add3A_135 = arith.constant 1 : i32
      %add3A_136 = arith.addi %add3A_114, %add3A_135 : i32
      %dma_start3A_137 = arith.constant 0 : i32
      %dma_start3A_138 = tpu.memref_slice %arg8[%add3A_136, %dma_start3A_137] : memref<80x128xi32, #tpu.memory_space<vmem>> -> memref<1x128xi32, #tpu.memory_space<vmem>>
      %dma_start3A_139 = tpu.memref_squeeze %dma_start3A_138 : memref<1x128xi32, #tpu.memory_space<vmem>> -> memref<128xi32, #tpu.memory_space<vmem>>
      %dma_start3A_140 = arith.constant 0 : i32
      %dma_start3A_141 = arith.constant 0 : i32
      %dma_start3A_142 = tpu.memref_slice %arg17[%dma_start3A_140, %dma_start3A_141] : memref<10240x64xf32, #tpu.memory_space<vmem_shared>> -> memref<10240x64xf32, #tpu.memory_space<vmem_shared>>
      tpu.enqueue_indirect_dma source(%arg10 : memref<128x64xf32, #tpu.memory_space<vmem>>) target(%dma_start3A_142 : memref<10240x64xf32, #tpu.memory_space<vmem_shared>>) offsets(%dma_start3A_139 : memref<128xi32, #tpu.memory_space<vmem>>) semaphore(%arg27 : memref<!tpu.dma_semaphore, #tpu.memory_space<semaphore_mem>>) {add = true}
      %dma_wait3A_143 = arith.constant 0 : i32
      %dma_wait3A_144 = arith.constant 0 : i32
      %dma_wait3A_145 = tpu.memref_slice %arg4[%dma_wait3A_143, %dma_wait3A_144] : memref<10000x64xf32, #tpu.memory_space<hbm>> -> memref<128x64xf32, #tpu.memory_space<hbm>>
      %dma_wait3A_146 = arith.constant 0 : i32
      %dma_wait3A_147 = arith.constant 0 : i32
      %dma_wait3A_148 = tpu.memref_slice %arg4[%dma_wait3A_146, %dma_wait3A_147] : memref<10000x64xf32, #tpu.memory_space<hbm>> -> memref<128x64xf32, #tpu.memory_space<hbm>>
      tpu.wait_dma2 semaphore(%arg20 : memref<!tpu.dma_semaphore, #tpu.memory_space<semaphore_mem>>) src(%dma_wait3A_148 : memref<128x64xf32, #tpu.memory_space<hbm>>) dst(%arg11 : memref<128x64xf32, #tpu.memory_space<vmem>>)
      %add3A_149 = arith.constant 2 : i32
      %add3A_150 = arith.addi %add3A_114, %add3A_149 : i32
      %dma_start3A_151 = arith.constant 0 : i32
      %dma_start3A_152 = tpu.memref_slice %arg8[%add3A_150, %dma_start3A_151] : memref<80x128xi32, #tpu.memory_space<vmem>> -> memref<1x128xi32, #tpu.memory_space<vmem>>
      %dma_start3A_153 = tpu.memref_squeeze %dma_start3A_152 : memref<1x128xi32, #tpu.memory_space<vmem>> -> memref<128xi32, #tpu.memory_space<vmem>>
      %dma_start3A_154 = arith.constant 0 : i32
      %dma_start3A_155 = arith.constant 0 : i32
      %dma_start3A_156 = tpu.memref_slice %arg17[%dma_start3A_154, %dma_start3A_155] : memref<10240x64xf32, #tpu.memory_space<vmem_shared>> -> memref<10240x64xf32, #tpu.memory_space<vmem_shared>>
      tpu.enqueue_indirect_dma source(%arg11 : memref<128x64xf32, #tpu.memory_space<vmem>>) target(%dma_start3A_156 : memref<10240x64xf32, #tpu.memory_space<vmem_shared>>) offsets(%dma_start3A_153 : memref<128xi32, #tpu.memory_space<vmem>>) semaphore(%arg28 : memref<!tpu.dma_semaphore, #tpu.memory_space<semaphore_mem>>) {add = true}
      %dma_wait3A_157 = arith.constant 0 : i32
      %dma_wait3A_158 = arith.constant 0 : i32
      %dma_wait3A_159 = tpu.memref_slice %arg4[%dma_wait3A_157, %dma_wait3A_158] : memref<10000x64xf32, #tpu.memory_space<hbm>> -> memref<128x64xf32, #tpu.memory_space<hbm>>
      %dma_wait3A_160 = arith.constant 0 : i32
      %dma_wait3A_161 = arith.constant 0 : i32
      %dma_wait3A_162 = tpu.memref_slice %arg4[%dma_wait3A_160, %dma_wait3A_161] : memref<10000x64xf32, #tpu.memory_space<hbm>> -> memref<128x64xf32, #tpu.memory_space<hbm>>
      tpu.wait_dma2 semaphore(%arg21 : memref<!tpu.dma_semaphore, #tpu.memory_space<semaphore_mem>>) src(%dma_wait3A_162 : memref<128x64xf32, #tpu.memory_space<hbm>>) dst(%arg12 : memref<128x64xf32, #tpu.memory_space<vmem>>)
      %add3A_163 = arith.constant 3 : i32
      %add3A_164 = arith.addi %add3A_114, %add3A_163 : i32
      %dma_start3A_165 = arith.constant 0 : i32
      %dma_start3A_166 = tpu.memref_slice %arg8[%add3A_164, %dma_start3A_165] : memref<80x128xi32, #tpu.memory_space<vmem>> -> memref<1x128xi32, #tpu.memory_space<vmem>>
      %dma_start3A_167 = tpu.memref_squeeze %dma_start3A_166 : memref<1x128xi32, #tpu.memory_space<vmem>> -> memref<128xi32, #tpu.memory_space<vmem>>
      %dma_start3A_168 = arith.constant 0 : i32
      %dma_start3A_169 = arith.constant 0 : i32
      %dma_start3A_170 = tpu.memref_slice %arg17[%dma_start3A_168, %dma_start3A_169] : memref<10240x64xf32, #tpu.memory_space<vmem_shared>> -> memref<10240x64xf32, #tpu.memory_space<vmem_shared>>
      tpu.enqueue_indirect_dma source(%arg12 : memref<128x64xf32, #tpu.memory_space<vmem>>) target(%dma_start3A_170 : memref<10240x64xf32, #tpu.memory_space<vmem_shared>>) offsets(%dma_start3A_167 : memref<128xi32, #tpu.memory_space<vmem>>) semaphore(%arg29 : memref<!tpu.dma_semaphore, #tpu.memory_space<semaphore_mem>>) {add = true}
      %dma_wait3A_171 = arith.constant 0 : i32
      %dma_wait3A_172 = arith.constant 0 : i32
      %dma_wait3A_173 = tpu.memref_slice %arg4[%dma_wait3A_171, %dma_wait3A_172] : memref<10000x64xf32, #tpu.memory_space<hbm>> -> memref<128x64xf32, #tpu.memory_space<hbm>>
      %dma_wait3A_174 = arith.constant 0 : i32
      %dma_wait3A_175 = arith.constant 0 : i32
      %dma_wait3A_176 = tpu.memref_slice %arg4[%dma_wait3A_174, %dma_wait3A_175] : memref<10000x64xf32, #tpu.memory_space<hbm>> -> memref<128x64xf32, #tpu.memory_space<hbm>>
      tpu.wait_dma2 semaphore(%arg22 : memref<!tpu.dma_semaphore, #tpu.memory_space<semaphore_mem>>) src(%dma_wait3A_176 : memref<128x64xf32, #tpu.memory_space<hbm>>) dst(%arg13 : memref<128x64xf32, #tpu.memory_space<vmem>>)
      %add3A_177 = arith.constant 4 : i32
      %add3A_178 = arith.addi %add3A_114, %add3A_177 : i32
      %dma_start3A_179 = arith.constant 0 : i32
      %dma_start3A_180 = tpu.memref_slice %arg8[%add3A_178, %dma_start3A_179] : memref<80x128xi32, #tpu.memory_space<vmem>> -> memref<1x128xi32, #tpu.memory_space<vmem>>
      %dma_start3A_181 = tpu.memref_squeeze %dma_start3A_180 : memref<1x128xi32, #tpu.memory_space<vmem>> -> memref<128xi32, #tpu.memory_space<vmem>>
      %dma_start3A_182 = arith.constant 0 : i32
      %dma_start3A_183 = arith.constant 0 : i32
      %dma_start3A_184 = tpu.memref_slice %arg17[%dma_start3A_182, %dma_start3A_183] : memref<10240x64xf32, #tpu.memory_space<vmem_shared>> -> memref<10240x64xf32, #tpu.memory_space<vmem_shared>>
      tpu.enqueue_indirect_dma source(%arg13 : memref<128x64xf32, #tpu.memory_space<vmem>>) target(%dma_start3A_184 : memref<10240x64xf32, #tpu.memory_space<vmem_shared>>) offsets(%dma_start3A_181 : memref<128xi32, #tpu.memory_space<vmem>>) semaphore(%arg30 : memref<!tpu.dma_semaphore, #tpu.memory_space<semaphore_mem>>) {add = true}
      %dma_wait3A_185 = arith.constant 0 : i32
      %dma_wait3A_186 = arith.constant 0 : i32
      %dma_wait3A_187 = tpu.memref_slice %arg4[%dma_wait3A_185, %dma_wait3A_186] : memref<10000x64xf32, #tpu.memory_space<hbm>> -> memref<128x64xf32, #tpu.memory_space<hbm>>
      %dma_wait3A_188 = arith.constant 0 : i32
      %dma_wait3A_189 = arith.constant 0 : i32
      %dma_wait3A_190 = tpu.memref_slice %arg4[%dma_wait3A_188, %dma_wait3A_189] : memref<10000x64xf32, #tpu.memory_space<hbm>> -> memref<128x64xf32, #tpu.memory_space<hbm>>
      tpu.wait_dma2 semaphore(%arg23 : memref<!tpu.dma_semaphore, #tpu.memory_space<semaphore_mem>>) src(%dma_wait3A_190 : memref<128x64xf32, #tpu.memory_space<hbm>>) dst(%arg14 : memref<128x64xf32, #tpu.memory_space<vmem>>)
      %add3A_191 = arith.constant 5 : i32
      %add3A_192 = arith.addi %add3A_114, %add3A_191 : i32
      %dma_start3A_193 = arith.constant 0 : i32
      %dma_start3A_194 = tpu.memref_slice %arg8[%add3A_192, %dma_start3A_193] : memref<80x128xi32, #tpu.memory_space<vmem>> -> memref<1x128xi32, #tpu.memory_space<vmem>>
      %dma_start3A_195 = tpu.memref_squeeze %dma_start3A_194 : memref<1x128xi32, #tpu.memory_space<vmem>> -> memref<128xi32, #tpu.memory_space<vmem>>
      %dma_start3A_196 = arith.constant 0 : i32
      %dma_start3A_197 = arith.constant 0 : i32
      %dma_start3A_198 = tpu.memref_slice %arg17[%dma_start3A_196, %dma_start3A_197] : memref<10240x64xf32, #tpu.memory_space<vmem_shared>> -> memref<10240x64xf32, #tpu.memory_space<vmem_shared>>
      tpu.enqueue_indirect_dma source(%arg14 : memref<128x64xf32, #tpu.memory_space<vmem>>) target(%dma_start3A_198 : memref<10240x64xf32, #tpu.memory_space<vmem_shared>>) offsets(%dma_start3A_195 : memref<128xi32, #tpu.memory_space<vmem>>) semaphore(%arg31 : memref<!tpu.dma_semaphore, #tpu.memory_space<semaphore_mem>>) {add = true}
      %dma_wait3A_199 = arith.constant 0 : i32
      %dma_wait3A_200 = arith.constant 0 : i32
      %dma_wait3A_201 = tpu.memref_slice %arg4[%dma_wait3A_199, %dma_wait3A_200] : memref<10000x64xf32, #tpu.memory_space<hbm>> -> memref<128x64xf32, #tpu.memory_space<hbm>>
      %dma_wait3A_202 = arith.constant 0 : i32
      %dma_wait3A_203 = arith.constant 0 : i32
      %dma_wait3A_204 = tpu.memref_slice %arg4[%dma_wait3A_202, %dma_wait3A_203] : memref<10000x64xf32, #tpu.memory_space<hbm>> -> memref<128x64xf32, #tpu.memory_space<hbm>>
      tpu.wait_dma2 semaphore(%arg24 : memref<!tpu.dma_semaphore, #tpu.memory_space<semaphore_mem>>) src(%dma_wait3A_204 : memref<128x64xf32, #tpu.memory_space<hbm>>) dst(%arg15 : memref<128x64xf32, #tpu.memory_space<vmem>>)
      %add3A_205 = arith.constant 6 : i32
      %add3A_206 = arith.addi %add3A_114, %add3A_205 : i32
      %dma_start3A_207 = arith.constant 0 : i32
      %dma_start3A_208 = tpu.memref_slice %arg8[%add3A_206, %dma_start3A_207] : memref<80x128xi32, #tpu.memory_space<vmem>> -> memref<1x128xi32, #tpu.memory_space<vmem>>
      %dma_start3A_209 = tpu.memref_squeeze %dma_start3A_208 : memref<1x128xi32, #tpu.memory_space<vmem>> -> memref<128xi32, #tpu.memory_space<vmem>>
      %dma_start3A_210 = arith.constant 0 : i32
      %dma_start3A_211 = arith.constant 0 : i32
      %dma_start3A_212 = tpu.memref_slice %arg17[%dma_start3A_210, %dma_start3A_211] : memref<10240x64xf32, #tpu.memory_space<vmem_shared>> -> memref<10240x64xf32, #tpu.memory_space<vmem_shared>>
      tpu.enqueue_indirect_dma source(%arg15 : memref<128x64xf32, #tpu.memory_space<vmem>>) target(%dma_start3A_212 : memref<10240x64xf32, #tpu.memory_space<vmem_shared>>) offsets(%dma_start3A_209 : memref<128xi32, #tpu.memory_space<vmem>>) semaphore(%arg32 : memref<!tpu.dma_semaphore, #tpu.memory_space<semaphore_mem>>) {add = true}
      %dma_wait3A_213 = arith.constant 0 : i32
      %dma_wait3A_214 = arith.constant 0 : i32
      %dma_wait3A_215 = tpu.memref_slice %arg4[%dma_wait3A_213, %dma_wait3A_214] : memref<10000x64xf32, #tpu.memory_space<hbm>> -> memref<128x64xf32, #tpu.memory_space<hbm>>
      %dma_wait3A_216 = arith.constant 0 : i32
      %dma_wait3A_217 = arith.constant 0 : i32
      %dma_wait3A_218 = tpu.memref_slice %arg4[%dma_wait3A_216, %dma_wait3A_217] : memref<10000x64xf32, #tpu.memory_space<hbm>> -> memref<128x64xf32, #tpu.memory_space<hbm>>
      tpu.wait_dma2 semaphore(%arg25 : memref<!tpu.dma_semaphore, #tpu.memory_space<semaphore_mem>>) src(%dma_wait3A_218 : memref<128x64xf32, #tpu.memory_space<hbm>>) dst(%arg16 : memref<128x64xf32, #tpu.memory_space<vmem>>)
      %add3A_219 = arith.constant 7 : i32
      %add3A_220 = arith.addi %add3A_114, %add3A_219 : i32
      %dma_start3A_221 = arith.constant 0 : i32
      %dma_start3A_222 = tpu.memref_slice %arg8[%add3A_220, %dma_start3A_221] : memref<80x128xi32, #tpu.memory_space<vmem>> -> memref<1x128xi32, #tpu.memory_space<vmem>>
      %dma_start3A_223 = tpu.memref_squeeze %dma_start3A_222 : memref<1x128xi32, #tpu.memory_space<vmem>> -> memref<128xi32, #tpu.memory_space<vmem>>
      %dma_start3A_224 = arith.constant 0 : i32
      %dma_start3A_225 = arith.constant 0 : i32
      %dma_start3A_226 = tpu.memref_slice %arg17[%dma_start3A_224, %dma_start3A_225] : memref<10240x64xf32, #tpu.memory_space<vmem_shared>> -> memref<10240x64xf32, #tpu.memory_space<vmem_shared>>
      tpu.enqueue_indirect_dma source(%arg16 : memref<128x64xf32, #tpu.memory_space<vmem>>) target(%dma_start3A_226 : memref<10240x64xf32, #tpu.memory_space<vmem_shared>>) offsets(%dma_start3A_223 : memref<128xi32, #tpu.memory_space<vmem>>) semaphore(%arg33 : memref<!tpu.dma_semaphore, #tpu.memory_space<semaphore_mem>>) {add = true}
      %add3A_227 = arith.constant 8 : i32
      %add3A_228 = arith.addi %add3A_114, %add3A_227 : i32
      %add3A_229 = arith.constant 0 : i32
      %add3A_230 = arith.addi %add3A_228, %add3A_229 : i32
      %lt3A = arith.constant 80 : i32
      %lt3A_231 = arith.cmpi slt, %add3A_230, %lt3A : i32
      %convert_element_type3A = arith.extui %lt3A_231 : i1 to i32
      %cond3A = arith.constant 0 : i32
      %cond3A_232 = arith.cmpi ne, %convert_element_type3A, %cond3A : i32
      scf.if %cond3A_232 {
        %dma_wait3A_296 = arith.constant 0 : i32
        %dma_wait3A_297 = arith.constant 0 : i32
        %dma_wait3A_298 = tpu.memref_slice %arg4[%dma_wait3A_296, %dma_wait3A_297] : memref<10000x64xf32, #tpu.memory_space<hbm>> -> memref<128x64xf32, #tpu.memory_space<hbm>>
        %dma_wait3A_299 = arith.constant 0 : i32
        %dma_wait3A_300 = arith.constant 0 : i32
        %dma_wait3A_301 = tpu.memref_slice %arg4[%dma_wait3A_299, %dma_wait3A_300] : memref<10000x64xf32, #tpu.memory_space<hbm>> -> memref<128x64xf32, #tpu.memory_space<hbm>>
        tpu.wait_dma2 semaphore(%arg26 : memref<!tpu.dma_semaphore, #tpu.memory_space<semaphore_mem>>) src(%dma_wait3A_301 : memref<128x64xf32, #tpu.memory_space<hbm>>) dst(%arg9 : memref<128x64xf32, #tpu.memory_space<vmem>>)
        %dma_start3A_302 = arith.constant 0 : i32
        %dma_start3A_303 = tpu.memref_slice %arg7[%add3A_230, %dma_start3A_302] : memref<80x128xi32, #tpu.memory_space<vmem>> -> memref<1x128xi32, #tpu.memory_space<vmem>>
        %dma_start3A_304 = tpu.memref_squeeze %dma_start3A_303 : memref<1x128xi32, #tpu.memory_space<vmem>> -> memref<128xi32, #tpu.memory_space<vmem>>
        %dma_start3A_305 = arith.constant 0 : i32
        %dma_start3A_306 = arith.constant 0 : i32
        %dma_start3A_307 = tpu.memref_slice %arg4[%dma_start3A_305, %dma_start3A_306] : memref<10000x64xf32, #tpu.memory_space<hbm>> -> memref<10000x64xf32, #tpu.memory_space<hbm>>
        tpu.enqueue_indirect_dma source(%dma_start3A_307 : memref<10000x64xf32, #tpu.memory_space<hbm>>) target(%arg9 : memref<128x64xf32, #tpu.memory_space<vmem>>) offsets(%dma_start3A_304 : memref<128xi32, #tpu.memory_space<vmem>>) semaphore(%arg18 : memref<!tpu.dma_semaphore, #tpu.memory_space<semaphore_mem>>)
      } else {
      }
      %add3A_233 = arith.constant 8 : i32
      %add3A_234 = arith.addi %add3A_114, %add3A_233 : i32
      %add3A_235 = arith.constant 1 : i32
      %add3A_236 = arith.addi %add3A_234, %add3A_235 : i32
      %lt3A_237 = arith.constant 80 : i32
      %lt3A_238 = arith.cmpi slt, %add3A_236, %lt3A_237 : i32
      %convert_element_type3A_239 = arith.extui %lt3A_238 : i1 to i32
      %cond3A_240 = arith.constant 0 : i32
      %cond3A_241 = arith.cmpi ne, %convert_element_type3A_239, %cond3A_240 : i32
      scf.if %cond3A_241 {
        %dma_wait3A_296 = arith.constant 0 : i32
        %dma_wait3A_297 = arith.constant 0 : i32
        %dma_wait3A_298 = tpu.memref_slice %arg4[%dma_wait3A_296, %dma_wait3A_297] : memref<10000x64xf32, #tpu.memory_space<hbm>> -> memref<128x64xf32, #tpu.memory_space<hbm>>
        %dma_wait3A_299 = arith.constant 0 : i32
        %dma_wait3A_300 = arith.constant 0 : i32
        %dma_wait3A_301 = tpu.memref_slice %arg4[%dma_wait3A_299, %dma_wait3A_300] : memref<10000x64xf32, #tpu.memory_space<hbm>> -> memref<128x64xf32, #tpu.memory_space<hbm>>
        tpu.wait_dma2 semaphore(%arg27 : memref<!tpu.dma_semaphore, #tpu.memory_space<semaphore_mem>>) src(%dma_wait3A_301 : memref<128x64xf32, #tpu.memory_space<hbm>>) dst(%arg10 : memref<128x64xf32, #tpu.memory_space<vmem>>)
        %dma_start3A_302 = arith.constant 0 : i32
        %dma_start3A_303 = tpu.memref_slice %arg7[%add3A_236, %dma_start3A_302] : memref<80x128xi32, #tpu.memory_space<vmem>> -> memref<1x128xi32, #tpu.memory_space<vmem>>
        %dma_start3A_304 = tpu.memref_squeeze %dma_start3A_303 : memref<1x128xi32, #tpu.memory_space<vmem>> -> memref<128xi32, #tpu.memory_space<vmem>>
        %dma_start3A_305 = arith.constant 0 : i32
        %dma_start3A_306 = arith.constant 0 : i32
        %dma_start3A_307 = tpu.memref_slice %arg4[%dma_start3A_305, %dma_start3A_306] : memref<10000x64xf32, #tpu.memory_space<hbm>> -> memref<10000x64xf32, #tpu.memory_space<hbm>>
        tpu.enqueue_indirect_dma source(%dma_start3A_307 : memref<10000x64xf32, #tpu.memory_space<hbm>>) target(%arg10 : memref<128x64xf32, #tpu.memory_space<vmem>>) offsets(%dma_start3A_304 : memref<128xi32, #tpu.memory_space<vmem>>) semaphore(%arg19 : memref<!tpu.dma_semaphore, #tpu.memory_space<semaphore_mem>>)
      } else {
      }
      %add3A_242 = arith.constant 8 : i32
      %add3A_243 = arith.addi %add3A_114, %add3A_242 : i32
      %add3A_244 = arith.constant 2 : i32
      %add3A_245 = arith.addi %add3A_243, %add3A_244 : i32
      %lt3A_246 = arith.constant 80 : i32
      %lt3A_247 = arith.cmpi slt, %add3A_245, %lt3A_246 : i32
      %convert_element_type3A_248 = arith.extui %lt3A_247 : i1 to i32
      %cond3A_249 = arith.constant 0 : i32
      %cond3A_250 = arith.cmpi ne, %convert_element_type3A_248, %cond3A_249 : i32
      scf.if %cond3A_250 {
        %dma_wait3A_296 = arith.constant 0 : i32
        %dma_wait3A_297 = arith.constant 0 : i32
        %dma_wait3A_298 = tpu.memref_slice %arg4[%dma_wait3A_296, %dma_wait3A_297] : memref<10000x64xf32, #tpu.memory_space<hbm>> -> memref<128x64xf32, #tpu.memory_space<hbm>>
        %dma_wait3A_299 = arith.constant 0 : i32
        %dma_wait3A_300 = arith.constant 0 : i32
        %dma_wait3A_301 = tpu.memref_slice %arg4[%dma_wait3A_299, %dma_wait3A_300] : memref<10000x64xf32, #tpu.memory_space<hbm>> -> memref<128x64xf32, #tpu.memory_space<hbm>>
        tpu.wait_dma2 semaphore(%arg28 : memref<!tpu.dma_semaphore, #tpu.memory_space<semaphore_mem>>) src(%dma_wait3A_301 : memref<128x64xf32, #tpu.memory_space<hbm>>) dst(%arg11 : memref<128x64xf32, #tpu.memory_space<vmem>>)
        %dma_start3A_302 = arith.constant 0 : i32
        %dma_start3A_303 = tpu.memref_slice %arg7[%add3A_245, %dma_start3A_302] : memref<80x128xi32, #tpu.memory_space<vmem>> -> memref<1x128xi32, #tpu.memory_space<vmem>>
        %dma_start3A_304 = tpu.memref_squeeze %dma_start3A_303 : memref<1x128xi32, #tpu.memory_space<vmem>> -> memref<128xi32, #tpu.memory_space<vmem>>
        %dma_start3A_305 = arith.constant 0 : i32
        %dma_start3A_306 = arith.constant 0 : i32
        %dma_start3A_307 = tpu.memref_slice %arg4[%dma_start3A_305, %dma_start3A_306] : memref<10000x64xf32, #tpu.memory_space<hbm>> -> memref<10000x64xf32, #tpu.memory_space<hbm>>
        tpu.enqueue_indirect_dma source(%dma_start3A_307 : memref<10000x64xf32, #tpu.memory_space<hbm>>) target(%arg11 : memref<128x64xf32, #tpu.memory_space<vmem>>) offsets(%dma_start3A_304 : memref<128xi32, #tpu.memory_space<vmem>>) semaphore(%arg20 : memref<!tpu.dma_semaphore, #tpu.memory_space<semaphore_mem>>)
      } else {
      }
      %add3A_251 = arith.constant 8 : i32
      %add3A_252 = arith.addi %add3A_114, %add3A_251 : i32
      %add3A_253 = arith.constant 3 : i32
      %add3A_254 = arith.addi %add3A_252, %add3A_253 : i32
      %lt3A_255 = arith.constant 80 : i32
      %lt3A_256 = arith.cmpi slt, %add3A_254, %lt3A_255 : i32
      %convert_element_type3A_257 = arith.extui %lt3A_256 : i1 to i32
      %cond3A_258 = arith.constant 0 : i32
      %cond3A_259 = arith.cmpi ne, %convert_element_type3A_257, %cond3A_258 : i32
      scf.if %cond3A_259 {
        %dma_wait3A_296 = arith.constant 0 : i32
        %dma_wait3A_297 = arith.constant 0 : i32
        %dma_wait3A_298 = tpu.memref_slice %arg4[%dma_wait3A_296, %dma_wait3A_297] : memref<10000x64xf32, #tpu.memory_space<hbm>> -> memref<128x64xf32, #tpu.memory_space<hbm>>
        %dma_wait3A_299 = arith.constant 0 : i32
        %dma_wait3A_300 = arith.constant 0 : i32
        %dma_wait3A_301 = tpu.memref_slice %arg4[%dma_wait3A_299, %dma_wait3A_300] : memref<10000x64xf32, #tpu.memory_space<hbm>> -> memref<128x64xf32, #tpu.memory_space<hbm>>
        tpu.wait_dma2 semaphore(%arg29 : memref<!tpu.dma_semaphore, #tpu.memory_space<semaphore_mem>>) src(%dma_wait3A_301 : memref<128x64xf32, #tpu.memory_space<hbm>>) dst(%arg12 : memref<128x64xf32, #tpu.memory_space<vmem>>)
        %dma_start3A_302 = arith.constant 0 : i32
        %dma_start3A_303 = tpu.memref_slice %arg7[%add3A_254, %dma_start3A_302] : memref<80x128xi32, #tpu.memory_space<vmem>> -> memref<1x128xi32, #tpu.memory_space<vmem>>
        %dma_start3A_304 = tpu.memref_squeeze %dma_start3A_303 : memref<1x128xi32, #tpu.memory_space<vmem>> -> memref<128xi32, #tpu.memory_space<vmem>>
        %dma_start3A_305 = arith.constant 0 : i32
        %dma_start3A_306 = arith.constant 0 : i32
        %dma_start3A_307 = tpu.memref_slice %arg4[%dma_start3A_305, %dma_start3A_306] : memref<10000x64xf32, #tpu.memory_space<hbm>> -> memref<10000x64xf32, #tpu.memory_space<hbm>>
        tpu.enqueue_indirect_dma source(%dma_start3A_307 : memref<10000x64xf32, #tpu.memory_space<hbm>>) target(%arg12 : memref<128x64xf32, #tpu.memory_space<vmem>>) offsets(%dma_start3A_304 : memref<128xi32, #tpu.memory_space<vmem>>) semaphore(%arg21 : memref<!tpu.dma_semaphore, #tpu.memory_space<semaphore_mem>>)
      } else {
      }
      %add3A_260 = arith.constant 8 : i32
      %add3A_261 = arith.addi %add3A_114, %add3A_260 : i32
      %add3A_262 = arith.constant 4 : i32
      %add3A_263 = arith.addi %add3A_261, %add3A_262 : i32
      %lt3A_264 = arith.constant 80 : i32
      %lt3A_265 = arith.cmpi slt, %add3A_263, %lt3A_264 : i32
      %convert_element_type3A_266 = arith.extui %lt3A_265 : i1 to i32
      %cond3A_267 = arith.constant 0 : i32
      %cond3A_268 = arith.cmpi ne, %convert_element_type3A_266, %cond3A_267 : i32
      scf.if %cond3A_268 {
        %dma_wait3A_296 = arith.constant 0 : i32
        %dma_wait3A_297 = arith.constant 0 : i32
        %dma_wait3A_298 = tpu.memref_slice %arg4[%dma_wait3A_296, %dma_wait3A_297] : memref<10000x64xf32, #tpu.memory_space<hbm>> -> memref<128x64xf32, #tpu.memory_space<hbm>>
        %dma_wait3A_299 = arith.constant 0 : i32
        %dma_wait3A_300 = arith.constant 0 : i32
        %dma_wait3A_301 = tpu.memref_slice %arg4[%dma_wait3A_299, %dma_wait3A_300] : memref<10000x64xf32, #tpu.memory_space<hbm>> -> memref<128x64xf32, #tpu.memory_space<hbm>>
        tpu.wait_dma2 semaphore(%arg30 : memref<!tpu.dma_semaphore, #tpu.memory_space<semaphore_mem>>) src(%dma_wait3A_301 : memref<128x64xf32, #tpu.memory_space<hbm>>) dst(%arg13 : memref<128x64xf32, #tpu.memory_space<vmem>>)
        %dma_start3A_302 = arith.constant 0 : i32
        %dma_start3A_303 = tpu.memref_slice %arg7[%add3A_263, %dma_start3A_302] : memref<80x128xi32, #tpu.memory_space<vmem>> -> memref<1x128xi32, #tpu.memory_space<vmem>>
        %dma_start3A_304 = tpu.memref_squeeze %dma_start3A_303 : memref<1x128xi32, #tpu.memory_space<vmem>> -> memref<128xi32, #tpu.memory_space<vmem>>
        %dma_start3A_305 = arith.constant 0 : i32
        %dma_start3A_306 = arith.constant 0 : i32
        %dma_start3A_307 = tpu.memref_slice %arg4[%dma_start3A_305, %dma_start3A_306] : memref<10000x64xf32, #tpu.memory_space<hbm>> -> memref<10000x64xf32, #tpu.memory_space<hbm>>
        tpu.enqueue_indirect_dma source(%dma_start3A_307 : memref<10000x64xf32, #tpu.memory_space<hbm>>) target(%arg13 : memref<128x64xf32, #tpu.memory_space<vmem>>) offsets(%dma_start3A_304 : memref<128xi32, #tpu.memory_space<vmem>>) semaphore(%arg22 : memref<!tpu.dma_semaphore, #tpu.memory_space<semaphore_mem>>)
      } else {
      }
      %add3A_269 = arith.constant 8 : i32
      %add3A_270 = arith.addi %add3A_114, %add3A_269 : i32
      %add3A_271 = arith.constant 5 : i32
      %add3A_272 = arith.addi %add3A_270, %add3A_271 : i32
      %lt3A_273 = arith.constant 80 : i32
      %lt3A_274 = arith.cmpi slt, %add3A_272, %lt3A_273 : i32
      %convert_element_type3A_275 = arith.extui %lt3A_274 : i1 to i32
      %cond3A_276 = arith.constant 0 : i32
      %cond3A_277 = arith.cmpi ne, %convert_element_type3A_275, %cond3A_276 : i32
      scf.if %cond3A_277 {
        %dma_wait3A_296 = arith.constant 0 : i32
        %dma_wait3A_297 = arith.constant 0 : i32
        %dma_wait3A_298 = tpu.memref_slice %arg4[%dma_wait3A_296, %dma_wait3A_297] : memref<10000x64xf32, #tpu.memory_space<hbm>> -> memref<128x64xf32, #tpu.memory_space<hbm>>
        %dma_wait3A_299 = arith.constant 0 : i32
        %dma_wait3A_300 = arith.constant 0 : i32
        %dma_wait3A_301 = tpu.memref_slice %arg4[%dma_wait3A_299, %dma_wait3A_300] : memref<10000x64xf32, #tpu.memory_space<hbm>> -> memref<128x64xf32, #tpu.memory_space<hbm>>
        tpu.wait_dma2 semaphore(%arg31 : memref<!tpu.dma_semaphore, #tpu.memory_space<semaphore_mem>>) src(%dma_wait3A_301 : memref<128x64xf32, #tpu.memory_space<hbm>>) dst(%arg14 : memref<128x64xf32, #tpu.memory_space<vmem>>)
        %dma_start3A_302 = arith.constant 0 : i32
        %dma_start3A_303 = tpu.memref_slice %arg7[%add3A_272, %dma_start3A_302] : memref<80x128xi32, #tpu.memory_space<vmem>> -> memref<1x128xi32, #tpu.memory_space<vmem>>
        %dma_start3A_304 = tpu.memref_squeeze %dma_start3A_303 : memref<1x128xi32, #tpu.memory_space<vmem>> -> memref<128xi32, #tpu.memory_space<vmem>>
        %dma_start3A_305 = arith.constant 0 : i32
        %dma_start3A_306 = arith.constant 0 : i32
        %dma_start3A_307 = tpu.memref_slice %arg4[%dma_start3A_305, %dma_start3A_306] : memref<10000x64xf32, #tpu.memory_space<hbm>> -> memref<10000x64xf32, #tpu.memory_space<hbm>>
        tpu.enqueue_indirect_dma source(%dma_start3A_307 : memref<10000x64xf32, #tpu.memory_space<hbm>>) target(%arg14 : memref<128x64xf32, #tpu.memory_space<vmem>>) offsets(%dma_start3A_304 : memref<128xi32, #tpu.memory_space<vmem>>) semaphore(%arg23 : memref<!tpu.dma_semaphore, #tpu.memory_space<semaphore_mem>>)
      } else {
      }
      %add3A_278 = arith.constant 8 : i32
      %add3A_279 = arith.addi %add3A_114, %add3A_278 : i32
      %add3A_280 = arith.constant 6 : i32
      %add3A_281 = arith.addi %add3A_279, %add3A_280 : i32
      %lt3A_282 = arith.constant 80 : i32
      %lt3A_283 = arith.cmpi slt, %add3A_281, %lt3A_282 : i32
      %convert_element_type3A_284 = arith.extui %lt3A_283 : i1 to i32
      %cond3A_285 = arith.constant 0 : i32
      %cond3A_286 = arith.cmpi ne, %convert_element_type3A_284, %cond3A_285 : i32
      scf.if %cond3A_286 {
        %dma_wait3A_296 = arith.constant 0 : i32
        %dma_wait3A_297 = arith.constant 0 : i32
        %dma_wait3A_298 = tpu.memref_slice %arg4[%dma_wait3A_296, %dma_wait3A_297] : memref<10000x64xf32, #tpu.memory_space<hbm>> -> memref<128x64xf32, #tpu.memory_space<hbm>>
        %dma_wait3A_299 = arith.constant 0 : i32
        %dma_wait3A_300 = arith.constant 0 : i32
        %dma_wait3A_301 = tpu.memref_slice %arg4[%dma_wait3A_299, %dma_wait3A_300] : memref<10000x64xf32, #tpu.memory_space<hbm>> -> memref<128x64xf32, #tpu.memory_space<hbm>>
        tpu.wait_dma2 semaphore(%arg32 : memref<!tpu.dma_semaphore, #tpu.memory_space<semaphore_mem>>) src(%dma_wait3A_301 : memref<128x64xf32, #tpu.memory_space<hbm>>) dst(%arg15 : memref<128x64xf32, #tpu.memory_space<vmem>>)
        %dma_start3A_302 = arith.constant 0 : i32
        %dma_start3A_303 = tpu.memref_slice %arg7[%add3A_281, %dma_start3A_302] : memref<80x128xi32, #tpu.memory_space<vmem>> -> memref<1x128xi32, #tpu.memory_space<vmem>>
        %dma_start3A_304 = tpu.memref_squeeze %dma_start3A_303 : memref<1x128xi32, #tpu.memory_space<vmem>> -> memref<128xi32, #tpu.memory_space<vmem>>
        %dma_start3A_305 = arith.constant 0 : i32
        %dma_start3A_306 = arith.constant 0 : i32
        %dma_start3A_307 = tpu.memref_slice %arg4[%dma_start3A_305, %dma_start3A_306] : memref<10000x64xf32, #tpu.memory_space<hbm>> -> memref<10000x64xf32, #tpu.memory_space<hbm>>
        tpu.enqueue_indirect_dma source(%dma_start3A_307 : memref<10000x64xf32, #tpu.memory_space<hbm>>) target(%arg15 : memref<128x64xf32, #tpu.memory_space<vmem>>) offsets(%dma_start3A_304 : memref<128xi32, #tpu.memory_space<vmem>>) semaphore(%arg24 : memref<!tpu.dma_semaphore, #tpu.memory_space<semaphore_mem>>)
      } else {
      }
      %add3A_287 = arith.constant 8 : i32
      %add3A_288 = arith.addi %add3A_114, %add3A_287 : i32
      %add3A_289 = arith.constant 7 : i32
      %add3A_290 = arith.addi %add3A_288, %add3A_289 : i32
      %lt3A_291 = arith.constant 80 : i32
      %lt3A_292 = arith.cmpi slt, %add3A_290, %lt3A_291 : i32
      %convert_element_type3A_293 = arith.extui %lt3A_292 : i1 to i32
      %cond3A_294 = arith.constant 0 : i32
      %cond3A_295 = arith.cmpi ne, %convert_element_type3A_293, %cond3A_294 : i32
      scf.if %cond3A_295 {
        %dma_wait3A_296 = arith.constant 0 : i32
        %dma_wait3A_297 = arith.constant 0 : i32
        %dma_wait3A_298 = tpu.memref_slice %arg4[%dma_wait3A_296, %dma_wait3A_297] : memref<10000x64xf32, #tpu.memory_space<hbm>> -> memref<128x64xf32, #tpu.memory_space<hbm>>
        %dma_wait3A_299 = arith.constant 0 : i32
        %dma_wait3A_300 = arith.constant 0 : i32
        %dma_wait3A_301 = tpu.memref_slice %arg4[%dma_wait3A_299, %dma_wait3A_300] : memref<10000x64xf32, #tpu.memory_space<hbm>> -> memref<128x64xf32, #tpu.memory_space<hbm>>
        tpu.wait_dma2 semaphore(%arg33 : memref<!tpu.dma_semaphore, #tpu.memory_space<semaphore_mem>>) src(%dma_wait3A_301 : memref<128x64xf32, #tpu.memory_space<hbm>>) dst(%arg16 : memref<128x64xf32, #tpu.memory_space<vmem>>)
        %dma_start3A_302 = arith.constant 0 : i32
        %dma_start3A_303 = tpu.memref_slice %arg7[%add3A_290, %dma_start3A_302] : memref<80x128xi32, #tpu.memory_space<vmem>> -> memref<1x128xi32, #tpu.memory_space<vmem>>
        %dma_start3A_304 = tpu.memref_squeeze %dma_start3A_303 : memref<1x128xi32, #tpu.memory_space<vmem>> -> memref<128xi32, #tpu.memory_space<vmem>>
        %dma_start3A_305 = arith.constant 0 : i32
        %dma_start3A_306 = arith.constant 0 : i32
        %dma_start3A_307 = tpu.memref_slice %arg4[%dma_start3A_305, %dma_start3A_306] : memref<10000x64xf32, #tpu.memory_space<hbm>> -> memref<10000x64xf32, #tpu.memory_space<hbm>>
        tpu.enqueue_indirect_dma source(%dma_start3A_307 : memref<10000x64xf32, #tpu.memory_space<hbm>>) target(%arg16 : memref<128x64xf32, #tpu.memory_space<vmem>>) offsets(%dma_start3A_304 : memref<128xi32, #tpu.memory_space<vmem>>) semaphore(%arg25 : memref<!tpu.dma_semaphore, #tpu.memory_space<semaphore_mem>>)
      } else {
      }
    }
    %scan3A_61 = arith.constant 10 : i32
    %dma_wait3A = arith.constant 0 : i32
    %dma_wait3A_62 = arith.constant 0 : i32
    %dma_wait3A_63 = tpu.memref_slice %arg4[%dma_wait3A, %dma_wait3A_62] : memref<10000x64xf32, #tpu.memory_space<hbm>> -> memref<128x64xf32, #tpu.memory_space<hbm>>
    %dma_wait3A_64 = arith.constant 0 : i32
    %dma_wait3A_65 = arith.constant 0 : i32
    %dma_wait3A_66 = tpu.memref_slice %arg4[%dma_wait3A_64, %dma_wait3A_65] : memref<10000x64xf32, #tpu.memory_space<hbm>> -> memref<128x64xf32, #tpu.memory_space<hbm>>
    tpu.wait_dma2 semaphore(%arg26 : memref<!tpu.dma_semaphore, #tpu.memory_space<semaphore_mem>>) src(%dma_wait3A_66 : memref<128x64xf32, #tpu.memory_space<hbm>>) dst(%arg9 : memref<128x64xf32, #tpu.memory_space<vmem>>)
    %dma_wait3A_67 = arith.constant 0 : i32
    %dma_wait3A_68 = arith.constant 0 : i32
    %dma_wait3A_69 = tpu.memref_slice %arg4[%dma_wait3A_67, %dma_wait3A_68] : memref<10000x64xf32, #tpu.memory_space<hbm>> -> memref<128x64xf32, #tpu.memory_space<hbm>>
    %dma_wait3A_70 = arith.constant 0 : i32
    %dma_wait3A_71 = arith.constant 0 : i32
    %dma_wait3A_72 = tpu.memref_slice %arg4[%dma_wait3A_70, %dma_wait3A_71] : memref<10000x64xf32, #tpu.memory_space<hbm>> -> memref<128x64xf32, #tpu.memory_space<hbm>>
    tpu.wait_dma2 semaphore(%arg27 : memref<!tpu.dma_semaphore, #tpu.memory_space<semaphore_mem>>) src(%dma_wait3A_72 : memref<128x64xf32, #tpu.memory_space<hbm>>) dst(%arg10 : memref<128x64xf32, #tpu.memory_space<vmem>>)
    %dma_wait3A_73 = arith.constant 0 : i32
    %dma_wait3A_74 = arith.constant 0 : i32
    %dma_wait3A_75 = tpu.memref_slice %arg4[%dma_wait3A_73, %dma_wait3A_74] : memref<10000x64xf32, #tpu.memory_space<hbm>> -> memref<128x64xf32, #tpu.memory_space<hbm>>
    %dma_wait3A_76 = arith.constant 0 : i32
    %dma_wait3A_77 = arith.constant 0 : i32
    %dma_wait3A_78 = tpu.memref_slice %arg4[%dma_wait3A_76, %dma_wait3A_77] : memref<10000x64xf32, #tpu.memory_space<hbm>> -> memref<128x64xf32, #tpu.memory_space<hbm>>
    tpu.wait_dma2 semaphore(%arg28 : memref<!tpu.dma_semaphore, #tpu.memory_space<semaphore_mem>>) src(%dma_wait3A_78 : memref<128x64xf32, #tpu.memory_space<hbm>>) dst(%arg11 : memref<128x64xf32, #tpu.memory_space<vmem>>)
    %dma_wait3A_79 = arith.constant 0 : i32
    %dma_wait3A_80 = arith.constant 0 : i32
    %dma_wait3A_81 = tpu.memref_slice %arg4[%dma_wait3A_79, %dma_wait3A_80] : memref<10000x64xf32, #tpu.memory_space<hbm>> -> memref<128x64xf32, #tpu.memory_space<hbm>>
    %dma_wait3A_82 = arith.constant 0 : i32
    %dma_wait3A_83 = arith.constant 0 : i32
    %dma_wait3A_84 = tpu.memref_slice %arg4[%dma_wait3A_82, %dma_wait3A_83] : memref<10000x64xf32, #tpu.memory_space<hbm>> -> memref<128x64xf32, #tpu.memory_space<hbm>>
    tpu.wait_dma2 semaphore(%arg29 : memref<!tpu.dma_semaphore, #tpu.memory_space<semaphore_mem>>) src(%dma_wait3A_84 : memref<128x64xf32, #tpu.memory_space<hbm>>) dst(%arg12 : memref<128x64xf32, #tpu.memory_space<vmem>>)
    %dma_wait3A_85 = arith.constant 0 : i32
    %dma_wait3A_86 = arith.constant 0 : i32
    %dma_wait3A_87 = tpu.memref_slice %arg4[%dma_wait3A_85, %dma_wait3A_86] : memref<10000x64xf32, #tpu.memory_space<hbm>> -> memref<128x64xf32, #tpu.memory_space<hbm>>
    %dma_wait3A_88 = arith.constant 0 : i32
    %dma_wait3A_89 = arith.constant 0 : i32
    %dma_wait3A_90 = tpu.memref_slice %arg4[%dma_wait3A_88, %dma_wait3A_89] : memref<10000x64xf32, #tpu.memory_space<hbm>> -> memref<128x64xf32, #tpu.memory_space<hbm>>
    tpu.wait_dma2 semaphore(%arg30 : memref<!tpu.dma_semaphore, #tpu.memory_space<semaphore_mem>>) src(%dma_wait3A_90 : memref<128x64xf32, #tpu.memory_space<hbm>>) dst(%arg13 : memref<128x64xf32, #tpu.memory_space<vmem>>)
    %dma_wait3A_91 = arith.constant 0 : i32
    %dma_wait3A_92 = arith.constant 0 : i32
    %dma_wait3A_93 = tpu.memref_slice %arg4[%dma_wait3A_91, %dma_wait3A_92] : memref<10000x64xf32, #tpu.memory_space<hbm>> -> memref<128x64xf32, #tpu.memory_space<hbm>>
    %dma_wait3A_94 = arith.constant 0 : i32
    %dma_wait3A_95 = arith.constant 0 : i32
    %dma_wait3A_96 = tpu.memref_slice %arg4[%dma_wait3A_94, %dma_wait3A_95] : memref<10000x64xf32, #tpu.memory_space<hbm>> -> memref<128x64xf32, #tpu.memory_space<hbm>>
    tpu.wait_dma2 semaphore(%arg31 : memref<!tpu.dma_semaphore, #tpu.memory_space<semaphore_mem>>) src(%dma_wait3A_96 : memref<128x64xf32, #tpu.memory_space<hbm>>) dst(%arg14 : memref<128x64xf32, #tpu.memory_space<vmem>>)
    %dma_wait3A_97 = arith.constant 0 : i32
    %dma_wait3A_98 = arith.constant 0 : i32
    %dma_wait3A_99 = tpu.memref_slice %arg4[%dma_wait3A_97, %dma_wait3A_98] : memref<10000x64xf32, #tpu.memory_space<hbm>> -> memref<128x64xf32, #tpu.memory_space<hbm>>
    %dma_wait3A_100 = arith.constant 0 : i32
    %dma_wait3A_101 = arith.constant 0 : i32
    %dma_wait3A_102 = tpu.memref_slice %arg4[%dma_wait3A_100, %dma_wait3A_101] : memref<10000x64xf32, #tpu.memory_space<hbm>> -> memref<128x64xf32, #tpu.memory_space<hbm>>
    tpu.wait_dma2 semaphore(%arg32 : memref<!tpu.dma_semaphore, #tpu.memory_space<semaphore_mem>>) src(%dma_wait3A_102 : memref<128x64xf32, #tpu.memory_space<hbm>>) dst(%arg15 : memref<128x64xf32, #tpu.memory_space<vmem>>)
    %dma_wait3A_103 = arith.constant 0 : i32
    %dma_wait3A_104 = arith.constant 0 : i32
    %dma_wait3A_105 = tpu.memref_slice %arg4[%dma_wait3A_103, %dma_wait3A_104] : memref<10000x64xf32, #tpu.memory_space<hbm>> -> memref<128x64xf32, #tpu.memory_space<hbm>>
    %dma_wait3A_106 = arith.constant 0 : i32
    %dma_wait3A_107 = arith.constant 0 : i32
    %dma_wait3A_108 = tpu.memref_slice %arg4[%dma_wait3A_106, %dma_wait3A_107] : memref<10000x64xf32, #tpu.memory_space<hbm>> -> memref<128x64xf32, #tpu.memory_space<hbm>>
    tpu.wait_dma2 semaphore(%arg33 : memref<!tpu.dma_semaphore, #tpu.memory_space<semaphore_mem>>) src(%dma_wait3A_108 : memref<128x64xf32, #tpu.memory_space<hbm>>) dst(%arg16 : memref<128x64xf32, #tpu.memory_space<vmem>>)
    %barrier3A_109 = arith.constant 0 : index
    tpu.barrier barrier_id(%barrier3A_109)
    "tpu.region"() ({
      %run_scoped3A = tpu.sem_alloc : memref<!tpu.dma_semaphore, #tpu.memory_space<semaphore_mem>>
      %dma_start3A_110 = arith.constant 0 : i32
      %dma_start3A_111 = tpu.memref_slice %arg6[%arg0, %mul3A_2, %dma_start3A_110] : memref<2x10240x64xf32, #tpu.memory_space<hbm>> -> memref<1x640x64xf32, #tpu.memory_space<hbm>>
      %dma_start3A_112 = tpu.memref_squeeze %dma_start3A_111 : memref<1x640x64xf32, #tpu.memory_space<hbm>> -> memref<640x64xf32, #tpu.memory_space<hbm>>
      %dma_start3A_113 = arith.constant 0 : i32
      %dma_start3A_114 = tpu.memref_slice %arg17[%mul3A_2, %dma_start3A_113] : memref<10240x64xf32, #tpu.memory_space<vmem_shared>> -> memref<640x64xf32, #tpu.memory_space<vmem_shared>>
      tpu.enqueue_dma source(%dma_start3A_114 : memref<640x64xf32, #tpu.memory_space<vmem_shared>>) target(%dma_start3A_112 : memref<640x64xf32, #tpu.memory_space<hbm>>) target_semaphore(%run_scoped3A : memref<!tpu.dma_semaphore, #tpu.memory_space<semaphore_mem>>)
      %dma_wait3A_115 = arith.constant 0 : i32
      %dma_wait3A_116 = tpu.memref_slice %arg6[%arg0, %mul3A_2, %dma_wait3A_115] : memref<2x10240x64xf32, #tpu.memory_space<hbm>> -> memref<1x640x64xf32, #tpu.memory_space<hbm>>
      %dma_wait3A_117 = tpu.memref_squeeze %dma_wait3A_116 : memref<1x640x64xf32, #tpu.memory_space<hbm>> -> memref<640x64xf32, #tpu.memory_space<hbm>>
      %dma_wait3A_118 = arith.constant 0 : i32
      %dma_wait3A_119 = tpu.memref_slice %arg17[%mul3A_2, %dma_wait3A_118] : memref<10240x64xf32, #tpu.memory_space<vmem_shared>> -> memref<640x64xf32, #tpu.memory_space<vmem_shared>>
      tpu.wait_dma2 semaphore(%run_scoped3A : memref<!tpu.dma_semaphore, #tpu.memory_space<semaphore_mem>>) src(%dma_wait3A_119 : memref<640x64xf32, #tpu.memory_space<vmem_shared>>) dst(%dma_wait3A_117 : memref<640x64xf32, #tpu.memory_space<hbm>>)
      tpu.yield
    }) : () -> ()
    return
  }
}

#map = affine_map<(d0, d1) -> (0, 0, 0)>
#map1 = affine_map<(d0, d1) -> (0, 0)>
module attributes {stable_mosaic.version = 14 : i64} {
  func.func @k(%arg0: i32, %arg1: i32, %arg2: memref<32x80x128xi32, #tpu.memory_space<hbm>>, %arg3: memref<32x80x128xi32, #tpu.memory_space<hbm>>, %arg4: memref<10000x64xf32, #tpu.memory_space<hbm>>, %arg5: memref<640x64xf32, #tpu.memory_space<hbm>>, %arg6: memref<2x10240x64xf32, #tpu.memory_space<hbm>>, %arg7: memref<80x128xi32, #tpu.memory_space<vmem>>, %arg8: memref<80x128xi32, #tpu.memory_space<vmem>>, %arg9: memref<128x64xf32, #tpu.memory_space<vmem>>, %arg10: memref<128x64xf32, #tpu.memory_space<vmem>>, %arg11: memref<128x64xf32, #tpu.memory_space<vmem>>, %arg12: memref<128x64xf32, #tpu.memory_space<vmem>>, %arg13: memref<128x64xf32, #tpu.memory_space<vmem>>, %arg14: memref<128x64xf32, #tpu.memory_space<vmem>>, %arg15: memref<128x64xf32, #tpu.memory_space<vmem>>, %arg16: memref<128x64xf32, #tpu.memory_space<vmem>>, %arg17: memref<10240x64xf32, #tpu.memory_space<vmem_shared>>, %arg18: memref<!tpu.dma_semaphore, #tpu.memory_space<semaphore_mem>>, %arg19: memref<!tpu.dma_semaphore, #tpu.memory_space<semaphore_mem>>, %arg20: memref<!tpu.dma_semaphore, #tpu.memory_space<semaphore_mem>>, %arg21: memref<!tpu.dma_semaphore, #tpu.memory_space<semaphore_mem>>, %arg22: memref<!tpu.dma_semaphore, #tpu.memory_space<semaphore_mem>>, %arg23: memref<!tpu.dma_semaphore, #tpu.memory_space<semaphore_mem>>, %arg24: memref<!tpu.dma_semaphore, #tpu.memory_space<semaphore_mem>>, %arg25: memref<!tpu.dma_semaphore, #tpu.memory_space<semaphore_mem>>, %arg26: memref<!tpu.dma_semaphore, #tpu.memory_space<semaphore_mem>>, %arg27: memref<!tpu.dma_semaphore, #tpu.memory_space<semaphore_mem>>, %arg28: memref<!tpu.dma_semaphore, #tpu.memory_space<semaphore_mem>>, %arg29: memref<!tpu.dma_semaphore, #tpu.memory_space<semaphore_mem>>, %arg30: memref<!tpu.dma_semaphore, #tpu.memory_space<semaphore_mem>>, %arg31: memref<!tpu.dma_semaphore, #tpu.memory_space<semaphore_mem>>, %arg32: memref<!tpu.dma_semaphore, #tpu.memory_space<semaphore_mem>>, %arg33: memref<!tpu.dma_semaphore, #tpu.memory_space<semaphore_mem>>) attributes {dimension_semantics = [#tpu.dimension_semantics<core_parallel>, #tpu.dimension_semantics<subcore_parallel>], iteration_bounds = array<i64: 2, 16>, scalar_prefetch = 0 : i64, scratch_operands = 27 : i64, tpu.core_type = #tpu.core_type<sc_vector_subcore>, window_params = [{transform_indices = #map}, {transform_indices = #map}, {transform_indices = #map1}, {transform_indices = #map1}, {transform_indices = #map}]} {
    %mul3A = arith.constant 16 : i32
    %mul3A_0 = arith.muli %arg0, %mul3A : i32
    %add3A = arith.addi %mul3A_0, %arg1 : i32
    "tpu.region"() ({
      %run_scoped3A = tpu.sem_alloc : memref<!tpu.dma_semaphore, #tpu.memory_space<semaphore_mem>>
      %dma_start3A_110 = arith.constant 0 : i32
      %dma_start3A_111 = arith.constant 0 : i32
      %dma_start3A_112 = tpu.memref_slice %arg2[%add3A, %dma_start3A_110, %dma_start3A_111] : memref<32x80x128xi32, #tpu.memory_space<hbm>> -> memref<1x80x128xi32, #tpu.memory_space<hbm>>
      %dma_start3A_113 = tpu.memref_squeeze %dma_start3A_112 : memref<1x80x128xi32, #tpu.memory_space<hbm>> -> memref<80x128xi32, #tpu.memory_space<hbm>>
      %dma_start3A_114 = arith.constant 0 : i32
      %dma_start3A_115 = arith.constant 0 : i32
      %dma_start3A_116 = tpu.memref_slice %arg2[%add3A, %dma_start3A_114, %dma_start3A_115] : memref<32x80x128xi32, #tpu.memory_space<hbm>> -> memref<1x80x128xi32, #tpu.memory_space<hbm>>
      %dma_start3A_117 = tpu.memref_squeeze %dma_start3A_116 : memref<1x80x128xi32, #tpu.memory_space<hbm>> -> memref<80x128xi32, #tpu.memory_space<hbm>>
      tpu.enqueue_dma source(%dma_start3A_117 : memref<80x128xi32, #tpu.memory_space<hbm>>) target(%arg7 : memref<80x128xi32, #tpu.memory_space<vmem>>) target_semaphore(%run_scoped3A : memref<!tpu.dma_semaphore, #tpu.memory_space<semaphore_mem>>)
      %dma_wait3A_118 = arith.constant 0 : i32
      %dma_wait3A_119 = arith.constant 0 : i32
      %dma_wait3A_120 = tpu.memref_slice %arg2[%add3A, %dma_wait3A_118, %dma_wait3A_119] : memref<32x80x128xi32, #tpu.memory_space<hbm>> -> memref<1x80x128xi32, #tpu.memory_space<hbm>>
      %dma_wait3A_121 = tpu.memref_squeeze %dma_wait3A_120 : memref<1x80x128xi32, #tpu.memory_space<hbm>> -> memref<80x128xi32, #tpu.memory_space<hbm>>
      %dma_wait3A_122 = arith.constant 0 : i32
      %dma_wait3A_123 = arith.constant 0 : i32
      %dma_wait3A_124 = tpu.memref_slice %arg2[%add3A, %dma_wait3A_122, %dma_wait3A_123] : memref<32x80x128xi32, #tpu.memory_space<hbm>> -> memref<1x80x128xi32, #tpu.memory_space<hbm>>
      %dma_wait3A_125 = tpu.memref_squeeze %dma_wait3A_124 : memref<1x80x128xi32, #tpu.memory_space<hbm>> -> memref<80x128xi32, #tpu.memory_space<hbm>>
      tpu.wait_dma2 semaphore(%run_scoped3A : memref<!tpu.dma_semaphore, #tpu.memory_space<semaphore_mem>>) src(%dma_wait3A_125 : memref<80x128xi32, #tpu.memory_space<hbm>>) dst(%arg7 : memref<80x128xi32, #tpu.memory_space<vmem>>)
      tpu.yield
    }) : () -> ()
    "tpu.region"() ({
      %run_scoped3A = tpu.sem_alloc : memref<!tpu.dma_semaphore, #tpu.memory_space<semaphore_mem>>
      %dma_start3A_110 = arith.constant 0 : i32
      %dma_start3A_111 = arith.constant 0 : i32
      %dma_start3A_112 = tpu.memref_slice %arg3[%add3A, %dma_start3A_110, %dma_start3A_111] : memref<32x80x128xi32, #tpu.memory_space<hbm>> -> memref<1x80x128xi32, #tpu.memory_space<hbm>>
      %dma_start3A_113 = tpu.memref_squeeze %dma_start3A_112 : memref<1x80x128xi32, #tpu.memory_space<hbm>> -> memref<80x128xi32, #tpu.memory_space<hbm>>
      %dma_start3A_114 = arith.constant 0 : i32
      %dma_start3A_115 = arith.constant 0 : i32
      %dma_start3A_116 = tpu.memref_slice %arg3[%add3A, %dma_start3A_114, %dma_start3A_115] : memref<32x80x128xi32, #tpu.memory_space<hbm>> -> memref<1x80x128xi32, #tpu.memory_space<hbm>>
      %dma_start3A_117 = tpu.memref_squeeze %dma_start3A_116 : memref<1x80x128xi32, #tpu.memory_space<hbm>> -> memref<80x128xi32, #tpu.memory_space<hbm>>
      tpu.enqueue_dma source(%dma_start3A_117 : memref<80x128xi32, #tpu.memory_space<hbm>>) target(%arg8 : memref<80x128xi32, #tpu.memory_space<vmem>>) target_semaphore(%run_scoped3A : memref<!tpu.dma_semaphore, #tpu.memory_space<semaphore_mem>>)
      %dma_wait3A_118 = arith.constant 0 : i32
      %dma_wait3A_119 = arith.constant 0 : i32
      %dma_wait3A_120 = tpu.memref_slice %arg3[%add3A, %dma_wait3A_118, %dma_wait3A_119] : memref<32x80x128xi32, #tpu.memory_space<hbm>> -> memref<1x80x128xi32, #tpu.memory_space<hbm>>
      %dma_wait3A_121 = tpu.memref_squeeze %dma_wait3A_120 : memref<1x80x128xi32, #tpu.memory_space<hbm>> -> memref<80x128xi32, #tpu.memory_space<hbm>>
      %dma_wait3A_122 = arith.constant 0 : i32
      %dma_wait3A_123 = arith.constant 0 : i32
      %dma_wait3A_124 = tpu.memref_slice %arg3[%add3A, %dma_wait3A_122, %dma_wait3A_123] : memref<32x80x128xi32, #tpu.memory_space<hbm>> -> memref<1x80x128xi32, #tpu.memory_space<hbm>>
      %dma_wait3A_125 = tpu.memref_squeeze %dma_wait3A_124 : memref<1x80x128xi32, #tpu.memory_space<hbm>> -> memref<80x128xi32, #tpu.memory_space<hbm>>
      tpu.wait_dma2 semaphore(%run_scoped3A : memref<!tpu.dma_semaphore, #tpu.memory_space<semaphore_mem>>) src(%dma_wait3A_125 : memref<80x128xi32, #tpu.memory_space<hbm>>) dst(%arg8 : memref<80x128xi32, #tpu.memory_space<vmem>>)
      tpu.yield
    }) : () -> ()
    %mul3A_1 = arith.constant 640 : i32
    %mul3A_2 = arith.muli %arg1, %mul3A_1 : i32
    "tpu.region"() ({
      %run_scoped3A = tpu.sem_alloc : memref<!tpu.dma_semaphore, #tpu.memory_space<semaphore_mem>>
      %dma_start3A_110 = arith.constant 0 : i32
      %dma_start3A_111 = tpu.memref_slice %arg17[%mul3A_2, %dma_start3A_110] : memref<10240x64xf32, #tpu.memory_space<vmem_shared>> -> memref<640x64xf32, #tpu.memory_space<vmem_shared>>
      tpu.enqueue_dma source(%arg5 : memref<640x64xf32, #tpu.memory_space<hbm>>) target(%dma_start3A_111 : memref<640x64xf32, #tpu.memory_space<vmem_shared>>) target_semaphore(%run_scoped3A : memref<!tpu.dma_semaphore, #tpu.memory_space<semaphore_mem>>)
      %dma_wait3A_112 = arith.constant 0 : i32
      %dma_wait3A_113 = tpu.memref_slice %arg17[%mul3A_2, %dma_wait3A_112] : memref<10240x64xf32, #tpu.memory_space<vmem_shared>> -> memref<640x64xf32, #tpu.memory_space<vmem_shared>>
      tpu.wait_dma2 semaphore(%run_scoped3A : memref<!tpu.dma_semaphore, #tpu.memory_space<semaphore_mem>>) src(%arg5 : memref<640x64xf32, #tpu.memory_space<hbm>>) dst(%dma_wait3A_113 : memref<640x64xf32, #tpu.memory_space<vmem_shared>>)
      tpu.yield
    }) : () -> ()
    %barrier3A = arith.constant 0 : index
    tpu.barrier barrier_id(%barrier3A)
    %dma_start3A = arith.constant 0 : i32
    %dma_start3A_3 = arith.constant 0 : i32
    %dma_start3A_4 = tpu.memref_slice %arg7[%dma_start3A, %dma_start3A_3] : memref<80x128xi32, #tpu.memory_space<vmem>> -> memref<1x128xi32, #tpu.memory_space<vmem>>
    %dma_start3A_5 = tpu.memref_squeeze %dma_start3A_4 : memref<1x128xi32, #tpu.memory_space<vmem>> -> memref<128xi32, #tpu.memory_space<vmem>>
    %dma_start3A_6 = arith.constant 0 : i32
    %dma_start3A_7 = arith.constant 0 : i32
    %dma_start3A_8 = tpu.memref_slice %arg4[%dma_start3A_6, %dma_start3A_7] : memref<10000x64xf32, #tpu.memory_space<hbm>> -> memref<10000x64xf32, #tpu.memory_space<hbm>>
    tpu.enqueue_indirect_dma source(%dma_start3A_8 : memref<10000x64xf32, #tpu.memory_space<hbm>>) target(%arg9 : memref<128x64xf32, #tpu.memory_space<vmem>>) offsets(%dma_start3A_5 : memref<128xi32, #tpu.memory_space<vmem>>) semaphore(%arg18 : memref<!tpu.dma_semaphore, #tpu.memory_space<semaphore_mem>>)
    %dma_start3A_9 = arith.constant 1 : i32
    %dma_start3A_10 = arith.constant 0 : i32
    %dma_start3A_11 = tpu.memref_slice %arg7[%dma_start3A_9, %dma_start3A_10] : memref<80x128xi32, #tpu.memory_space<vmem>> -> memref<1x128xi32, #tpu.memory_space<vmem>>
    %dma_start3A_12 = tpu.memref_squeeze %dma_start3A_11 : memref<1x128xi32, #tpu.memory_space<vmem>> -> memref<128xi32, #tpu.memory_space<vmem>>
    %dma_start3A_13 = arith.constant 0 : i32
    %dma_start3A_14 = arith.constant 0 : i32
    %dma_start3A_15 = tpu.memref_slice %arg4[%dma_start3A_13, %dma_start3A_14] : memref<10000x64xf32, #tpu.memory_space<hbm>> -> memref<10000x64xf32, #tpu.memory_space<hbm>>
    tpu.enqueue_indirect_dma source(%dma_start3A_15 : memref<10000x64xf32, #tpu.memory_space<hbm>>) target(%arg10 : memref<128x64xf32, #tpu.memory_space<vmem>>) offsets(%dma_start3A_12 : memref<128xi32, #tpu.memory_space<vmem>>) semaphore(%arg19 : memref<!tpu.dma_semaphore, #tpu.memory_space<semaphore_mem>>)
    %dma_start3A_16 = arith.constant 2 : i32
    %dma_start3A_17 = arith.constant 0 : i32
    %dma_start3A_18 = tpu.memref_slice %arg7[%dma_start3A_16, %dma_start3A_17] : memref<80x128xi32, #tpu.memory_space<vmem>> -> memref<1x128xi32, #tpu.memory_space<vmem>>
    %dma_start3A_19 = tpu.memref_squeeze %dma_start3A_18 : memref<1x128xi32, #tpu.memory_space<vmem>> -> memref<128xi32, #tpu.memory_space<vmem>>
    %dma_start3A_20 = arith.constant 0 : i32
    %dma_start3A_21 = arith.constant 0 : i32
    %dma_start3A_22 = tpu.memref_slice %arg4[%dma_start3A_20, %dma_start3A_21] : memref<10000x64xf32, #tpu.memory_space<hbm>> -> memref<10000x64xf32, #tpu.memory_space<hbm>>
    tpu.enqueue_indirect_dma source(%dma_start3A_22 : memref<10000x64xf32, #tpu.memory_space<hbm>>) target(%arg11 : memref<128x64xf32, #tpu.memory_space<vmem>>) offsets(%dma_start3A_19 : memref<128xi32, #tpu.memory_space<vmem>>) semaphore(%arg20 : memref<!tpu.dma_semaphore, #tpu.memory_space<semaphore_mem>>)
    %dma_start3A_23 = arith.constant 3 : i32
    %dma_start3A_24 = arith.constant 0 : i32
    %dma_start3A_25 = tpu.memref_slice %arg7[%dma_start3A_23, %dma_start3A_24] : memref<80x128xi32, #tpu.memory_space<vmem>> -> memref<1x128xi32, #tpu.memory_space<vmem>>
    %dma_start3A_26 = tpu.memref_squeeze %dma_start3A_25 : memref<1x128xi32, #tpu.memory_space<vmem>> -> memref<128xi32, #tpu.memory_space<vmem>>
    %dma_start3A_27 = arith.constant 0 : i32
    %dma_start3A_28 = arith.constant 0 : i32
    %dma_start3A_29 = tpu.memref_slice %arg4[%dma_start3A_27, %dma_start3A_28] : memref<10000x64xf32, #tpu.memory_space<hbm>> -> memref<10000x64xf32, #tpu.memory_space<hbm>>
    tpu.enqueue_indirect_dma source(%dma_start3A_29 : memref<10000x64xf32, #tpu.memory_space<hbm>>) target(%arg12 : memref<128x64xf32, #tpu.memory_space<vmem>>) offsets(%dma_start3A_26 : memref<128xi32, #tpu.memory_space<vmem>>) semaphore(%arg21 : memref<!tpu.dma_semaphore, #tpu.memory_space<semaphore_mem>>)
    %dma_start3A_30 = arith.constant 4 : i32
    %dma_start3A_31 = arith.constant 0 : i32
    %dma_start3A_32 = tpu.memref_slice %arg7[%dma_start3A_30, %dma_start3A_31] : memref<80x128xi32, #tpu.memory_space<vmem>> -> memref<1x128xi32, #tpu.memory_space<vmem>>
    %dma_start3A_33 = tpu.memref_squeeze %dma_start3A_32 : memref<1x128xi32, #tpu.memory_space<vmem>> -> memref<128xi32, #tpu.memory_space<vmem>>
    %dma_start3A_34 = arith.constant 0 : i32
    %dma_start3A_35 = arith.constant 0 : i32
    %dma_start3A_36 = tpu.memref_slice %arg4[%dma_start3A_34, %dma_start3A_35] : memref<10000x64xf32, #tpu.memory_space<hbm>> -> memref<10000x64xf32, #tpu.memory_space<hbm>>
    tpu.enqueue_indirect_dma source(%dma_start3A_36 : memref<10000x64xf32, #tpu.memory_space<hbm>>) target(%arg13 : memref<128x64xf32, #tpu.memory_space<vmem>>) offsets(%dma_start3A_33 : memref<128xi32, #tpu.memory_space<vmem>>) semaphore(%arg22 : memref<!tpu.dma_semaphore, #tpu.memory_space<semaphore_mem>>)
    %dma_start3A_37 = arith.constant 5 : i32
    %dma_start3A_38 = arith.constant 0 : i32
    %dma_start3A_39 = tpu.memref_slice %arg7[%dma_start3A_37, %dma_start3A_38] : memref<80x128xi32, #tpu.memory_space<vmem>> -> memref<1x128xi32, #tpu.memory_space<vmem>>
    %dma_start3A_40 = tpu.memref_squeeze %dma_start3A_39 : memref<1x128xi32, #tpu.memory_space<vmem>> -> memref<128xi32, #tpu.memory_space<vmem>>
    %dma_start3A_41 = arith.constant 0 : i32
    %dma_start3A_42 = arith.constant 0 : i32
    %dma_start3A_43 = tpu.memref_slice %arg4[%dma_start3A_41, %dma_start3A_42] : memref<10000x64xf32, #tpu.memory_space<hbm>> -> memref<10000x64xf32, #tpu.memory_space<hbm>>
    tpu.enqueue_indirect_dma source(%dma_start3A_43 : memref<10000x64xf32, #tpu.memory_space<hbm>>) target(%arg14 : memref<128x64xf32, #tpu.memory_space<vmem>>) offsets(%dma_start3A_40 : memref<128xi32, #tpu.memory_space<vmem>>) semaphore(%arg23 : memref<!tpu.dma_semaphore, #tpu.memory_space<semaphore_mem>>)
    %dma_start3A_44 = arith.constant 6 : i32
    %dma_start3A_45 = arith.constant 0 : i32
    %dma_start3A_46 = tpu.memref_slice %arg7[%dma_start3A_44, %dma_start3A_45] : memref<80x128xi32, #tpu.memory_space<vmem>> -> memref<1x128xi32, #tpu.memory_space<vmem>>
    %dma_start3A_47 = tpu.memref_squeeze %dma_start3A_46 : memref<1x128xi32, #tpu.memory_space<vmem>> -> memref<128xi32, #tpu.memory_space<vmem>>
    %dma_start3A_48 = arith.constant 0 : i32
    %dma_start3A_49 = arith.constant 0 : i32
    %dma_start3A_50 = tpu.memref_slice %arg4[%dma_start3A_48, %dma_start3A_49] : memref<10000x64xf32, #tpu.memory_space<hbm>> -> memref<10000x64xf32, #tpu.memory_space<hbm>>
    tpu.enqueue_indirect_dma source(%dma_start3A_50 : memref<10000x64xf32, #tpu.memory_space<hbm>>) target(%arg15 : memref<128x64xf32, #tpu.memory_space<vmem>>) offsets(%dma_start3A_47 : memref<128xi32, #tpu.memory_space<vmem>>) semaphore(%arg24 : memref<!tpu.dma_semaphore, #tpu.memory_space<semaphore_mem>>)
    %dma_start3A_51 = arith.constant 7 : i32
    %dma_start3A_52 = arith.constant 0 : i32
    %dma_start3A_53 = tpu.memref_slice %arg7[%dma_start3A_51, %dma_start3A_52] : memref<80x128xi32, #tpu.memory_space<vmem>> -> memref<1x128xi32, #tpu.memory_space<vmem>>
    %dma_start3A_54 = tpu.memref_squeeze %dma_start3A_53 : memref<1x128xi32, #tpu.memory_space<vmem>> -> memref<128xi32, #tpu.memory_space<vmem>>
    %dma_start3A_55 = arith.constant 0 : i32
    %dma_start3A_56 = arith.constant 0 : i32
    %dma_start3A_57 = tpu.memref_slice %arg4[%dma_start3A_55, %dma_start3A_56] : memref<10000x64xf32, #tpu.memory_space<hbm>> -> memref<10000x64xf32, #tpu.memory_space<hbm>>
    tpu.enqueue_indirect_dma source(%dma_start3A_57 : memref<10000x64xf32, #tpu.memory_space<hbm>>) target(%arg16 : memref<128x64xf32, #tpu.memory_space<vmem>>) offsets(%dma_start3A_54 : memref<128xi32, #tpu.memory_space<vmem>>) semaphore(%arg25 : memref<!tpu.dma_semaphore, #tpu.memory_space<semaphore_mem>>)
    %scan3A = arith.constant 0 : i32
    %scan3A_58 = arith.constant 10 : i32
    %scan3A_59 = arith.addi %scan3A, %scan3A_58 : i32
    %scan3A_60 = arith.constant 1 : i32
    scf.for %scan3A_110 = %scan3A to %scan3A_59 step %scan3A_60  : i32 {
      %mul3A_111 = arith.constant 8 : i32
      %mul3A_112 = arith.muli %scan3A_110, %mul3A_111 : i32
      %add3A_113 = arith.constant 0 : i32
      %add3A_114 = arith.addi %add3A_113, %mul3A_112 : i32
      %dma_wait3A_115 = arith.constant 0 : i32
      %dma_wait3A_116 = arith.constant 0 : i32
      %dma_wait3A_117 = tpu.memref_slice %arg4[%dma_wait3A_115, %dma_wait3A_116] : memref<10000x64xf32, #tpu.memory_space<hbm>> -> memref<128x64xf32, #tpu.memory_space<hbm>>
      %dma_wait3A_118 = arith.constant 0 : i32
      %dma_wait3A_119 = arith.constant 0 : i32
      %dma_wait3A_120 = tpu.memref_slice %arg4[%dma_wait3A_118, %dma_wait3A_119] : memref<10000x64xf32, #tpu.memory_space<hbm>> -> memref<128x64xf32, #tpu.memory_space<hbm>>
      tpu.wait_dma2 semaphore(%arg18 : memref<!tpu.dma_semaphore, #tpu.memory_space<semaphore_mem>>) src(%dma_wait3A_120 : memref<128x64xf32, #tpu.memory_space<hbm>>) dst(%arg9 : memref<128x64xf32, #tpu.memory_space<vmem>>)
      %add3A_121 = arith.constant 0 : i32
      %add3A_122 = arith.addi %add3A_114, %add3A_121 : i32
      %dma_start3A_123 = arith.constant 0 : i32
      %dma_start3A_124 = tpu.memref_slice %arg8[%add3A_122, %dma_start3A_123] : memref<80x128xi32, #tpu.memory_space<vmem>> -> memref<1x128xi32, #tpu.memory_space<vmem>>
      %dma_start3A_125 = tpu.memref_squeeze %dma_start3A_124 : memref<1x128xi32, #tpu.memory_space<vmem>> -> memref<128xi32, #tpu.memory_space<vmem>>
      %dma_start3A_126 = arith.constant 0 : i32
      %dma_start3A_127 = arith.constant 0 : i32
      %dma_start3A_128 = tpu.memref_slice %arg17[%dma_start3A_126, %dma_start3A_127] : memref<10240x64xf32, #tpu.memory_space<vmem_shared>> -> memref<10240x64xf32, #tpu.memory_space<vmem_shared>>
      tpu.enqueue_indirect_dma source(%arg9 : memref<128x64xf32, #tpu.memory_space<vmem>>) target(%dma_start3A_128 : memref<10240x64xf32, #tpu.memory_space<vmem_shared>>) offsets(%dma_start3A_125 : memref<128xi32, #tpu.memory_space<vmem>>) semaphore(%arg26 : memref<!tpu.dma_semaphore, #tpu.memory_space<semaphore_mem>>) {add = true}
      %dma_wait3A_129 = arith.constant 0 : i32
      %dma_wait3A_130 = arith.constant 0 : i32
      %dma_wait3A_131 = tpu.memref_slice %arg4[%dma_wait3A_129, %dma_wait3A_130] : memref<10000x64xf32, #tpu.memory_space<hbm>> -> memref<128x64xf32, #tpu.memory_space<hbm>>
      %dma_wait3A_132 = arith.constant 0 : i32
      %dma_wait3A_133 = arith.constant 0 : i32
      %dma_wait3A_134 = tpu.memref_slice %arg4[%dma_wait3A_132, %dma_wait3A_133] : memref<10000x64xf32, #tpu.memory_space<hbm>> -> memref<128x64xf32, #tpu.memory_space<hbm>>
      tpu.wait_dma2 semaphore(%arg19 : memref<!tpu.dma_semaphore, #tpu.memory_space<semaphore_mem>>) src(%dma_wait3A_134 : memref<128x64xf32, #tpu.memory_space<hbm>>) dst(%arg10 : memref<128x64xf32, #tpu.memory_space<vmem>>)
      %add3A_135 = arith.constant 1 : i32
      %add3A_136 = arith.addi %add3A_114, %add3A_135 : i32
      %dma_start3A_137 = arith.constant 0 : i32
      %dma_start3A_138 = tpu.memref_slice %arg8[%add3A_136, %dma_start3A_137] : memref<80x128xi32, #tpu.memory_space<vmem>> -> memref<1x128xi32, #tpu.memory_space<vmem>>
      %dma_start3A_139 = tpu.memref_squeeze %dma_start3A_138 : memref<1x128xi32, #tpu.memory_space<vmem>> -> memref<128xi32, #tpu.memory_space<vmem>>
      %dma_start3A_140 = arith.constant 0 : i32
      %dma_start3A_141 = arith.constant 0 : i32
      %dma_start3A_142 = tpu.memref_slice %arg17[%dma_start3A_140, %dma_start3A_141] : memref<10240x64xf32, #tpu.memory_space<vmem_shared>> -> memref<10240x64xf32, #tpu.memory_space<vmem_shared>>
      tpu.enqueue_indirect_dma source(%arg10 : memref<128x64xf32, #tpu.memory_space<vmem>>) target(%dma_start3A_142 : memref<10240x64xf32, #tpu.memory_space<vmem_shared>>) offsets(%dma_start3A_139 : memref<128xi32, #tpu.memory_space<vmem>>) semaphore(%arg27 : memref<!tpu.dma_semaphore, #tpu.memory_space<semaphore_mem>>) {add = true}
      %dma_wait3A_143 = arith.constant 0 : i32
      %dma_wait3A_144 = arith.constant 0 : i32
      %dma_wait3A_145 = tpu.memref_slice %arg4[%dma_wait3A_143, %dma_wait3A_144] : memref<10000x64xf32, #tpu.memory_space<hbm>> -> memref<128x64xf32, #tpu.memory_space<hbm>>
      %dma_wait3A_146 = arith.constant 0 : i32
      %dma_wait3A_147 = arith.constant 0 : i32
      %dma_wait3A_148 = tpu.memref_slice %arg4[%dma_wait3A_146, %dma_wait3A_147] : memref<10000x64xf32, #tpu.memory_space<hbm>> -> memref<128x64xf32, #tpu.memory_space<hbm>>
      tpu.wait_dma2 semaphore(%arg20 : memref<!tpu.dma_semaphore, #tpu.memory_space<semaphore_mem>>) src(%dma_wait3A_148 : memref<128x64xf32, #tpu.memory_space<hbm>>) dst(%arg11 : memref<128x64xf32, #tpu.memory_space<vmem>>)
      %add3A_149 = arith.constant 2 : i32
      %add3A_150 = arith.addi %add3A_114, %add3A_149 : i32
      %dma_start3A_151 = arith.constant 0 : i32
      %dma_start3A_152 = tpu.memref_slice %arg8[%add3A_150, %dma_start3A_151] : memref<80x128xi32, #tpu.memory_space<vmem>> -> memref<1x128xi32, #tpu.memory_space<vmem>>
      %dma_start3A_153 = tpu.memref_squeeze %dma_start3A_152 : memref<1x128xi32, #tpu.memory_space<vmem>> -> memref<128xi32, #tpu.memory_space<vmem>>
      %dma_start3A_154 = arith.constant 0 : i32
      %dma_start3A_155 = arith.constant 0 : i32
      %dma_start3A_156 = tpu.memref_slice %arg17[%dma_start3A_154, %dma_start3A_155] : memref<10240x64xf32, #tpu.memory_space<vmem_shared>> -> memref<10240x64xf32, #tpu.memory_space<vmem_shared>>
      tpu.enqueue_indirect_dma source(%arg11 : memref<128x64xf32, #tpu.memory_space<vmem>>) target(%dma_start3A_156 : memref<10240x64xf32, #tpu.memory_space<vmem_shared>>) offsets(%dma_start3A_153 : memref<128xi32, #tpu.memory_space<vmem>>) semaphore(%arg28 : memref<!tpu.dma_semaphore, #tpu.memory_space<semaphore_mem>>) {add = true}
      %dma_wait3A_157 = arith.constant 0 : i32
      %dma_wait3A_158 = arith.constant 0 : i32
      %dma_wait3A_159 = tpu.memref_slice %arg4[%dma_wait3A_157, %dma_wait3A_158] : memref<10000x64xf32, #tpu.memory_space<hbm>> -> memref<128x64xf32, #tpu.memory_space<hbm>>
      %dma_wait3A_160 = arith.constant 0 : i32
      %dma_wait3A_161 = arith.constant 0 : i32
      %dma_wait3A_162 = tpu.memref_slice %arg4[%dma_wait3A_160, %dma_wait3A_161] : memref<10000x64xf32, #tpu.memory_space<hbm>> -> memref<128x64xf32, #tpu.memory_space<hbm>>
      tpu.wait_dma2 semaphore(%arg21 : memref<!tpu.dma_semaphore, #tpu.memory_space<semaphore_mem>>) src(%dma_wait3A_162 : memref<128x64xf32, #tpu.memory_space<hbm>>) dst(%arg12 : memref<128x64xf32, #tpu.memory_space<vmem>>)
      %add3A_163 = arith.constant 3 : i32
      %add3A_164 = arith.addi %add3A_114, %add3A_163 : i32
      %dma_start3A_165 = arith.constant 0 : i32
      %dma_start3A_166 = tpu.memref_slice %arg8[%add3A_164, %dma_start3A_165] : memref<80x128xi32, #tpu.memory_space<vmem>> -> memref<1x128xi32, #tpu.memory_space<vmem>>
      %dma_start3A_167 = tpu.memref_squeeze %dma_start3A_166 : memref<1x128xi32, #tpu.memory_space<vmem>> -> memref<128xi32, #tpu.memory_space<vmem>>
      %dma_start3A_168 = arith.constant 0 : i32
      %dma_start3A_169 = arith.constant 0 : i32
      %dma_start3A_170 = tpu.memref_slice %arg17[%dma_start3A_168, %dma_start3A_169] : memref<10240x64xf32, #tpu.memory_space<vmem_shared>> -> memref<10240x64xf32, #tpu.memory_space<vmem_shared>>
      tpu.enqueue_indirect_dma source(%arg12 : memref<128x64xf32, #tpu.memory_space<vmem>>) target(%dma_start3A_170 : memref<10240x64xf32, #tpu.memory_space<vmem_shared>>) offsets(%dma_start3A_167 : memref<128xi32, #tpu.memory_space<vmem>>) semaphore(%arg29 : memref<!tpu.dma_semaphore, #tpu.memory_space<semaphore_mem>>) {add = true}
      %dma_wait3A_171 = arith.constant 0 : i32
      %dma_wait3A_172 = arith.constant 0 : i32
      %dma_wait3A_173 = tpu.memref_slice %arg4[%dma_wait3A_171, %dma_wait3A_172] : memref<10000x64xf32, #tpu.memory_space<hbm>> -> memref<128x64xf32, #tpu.memory_space<hbm>>
      %dma_wait3A_174 = arith.constant 0 : i32
      %dma_wait3A_175 = arith.constant 0 : i32
      %dma_wait3A_176 = tpu.memref_slice %arg4[%dma_wait3A_174, %dma_wait3A_175] : memref<10000x64xf32, #tpu.memory_space<hbm>> -> memref<128x64xf32, #tpu.memory_space<hbm>>
      tpu.wait_dma2 semaphore(%arg22 : memref<!tpu.dma_semaphore, #tpu.memory_space<semaphore_mem>>) src(%dma_wait3A_176 : memref<128x64xf32, #tpu.memory_space<hbm>>) dst(%arg13 : memref<128x64xf32, #tpu.memory_space<vmem>>)
      %add3A_177 = arith.constant 4 : i32
      %add3A_178 = arith.addi %add3A_114, %add3A_177 : i32
      %dma_start3A_179 = arith.constant 0 : i32
      %dma_start3A_180 = tpu.memref_slice %arg8[%add3A_178, %dma_start3A_179] : memref<80x128xi32, #tpu.memory_space<vmem>> -> memref<1x128xi32, #tpu.memory_space<vmem>>
      %dma_start3A_181 = tpu.memref_squeeze %dma_start3A_180 : memref<1x128xi32, #tpu.memory_space<vmem>> -> memref<128xi32, #tpu.memory_space<vmem>>
      %dma_start3A_182 = arith.constant 0 : i32
      %dma_start3A_183 = arith.constant 0 : i32
      %dma_start3A_184 = tpu.memref_slice %arg17[%dma_start3A_182, %dma_start3A_183] : memref<10240x64xf32, #tpu.memory_space<vmem_shared>> -> memref<10240x64xf32, #tpu.memory_space<vmem_shared>>
      tpu.enqueue_indirect_dma source(%arg13 : memref<128x64xf32, #tpu.memory_space<vmem>>) target(%dma_start3A_184 : memref<10240x64xf32, #tpu.memory_space<vmem_shared>>) offsets(%dma_start3A_181 : memref<128xi32, #tpu.memory_space<vmem>>) semaphore(%arg30 : memref<!tpu.dma_semaphore, #tpu.memory_space<semaphore_mem>>) {add = true}
      %dma_wait3A_185 = arith.constant 0 : i32
      %dma_wait3A_186 = arith.constant 0 : i32
      %dma_wait3A_187 = tpu.memref_slice %arg4[%dma_wait3A_185, %dma_wait3A_186] : memref<10000x64xf32, #tpu.memory_space<hbm>> -> memref<128x64xf32, #tpu.memory_space<hbm>>
      %dma_wait3A_188 = arith.constant 0 : i32
      %dma_wait3A_189 = arith.constant 0 : i32
      %dma_wait3A_190 = tpu.memref_slice %arg4[%dma_wait3A_188, %dma_wait3A_189] : memref<10000x64xf32, #tpu.memory_space<hbm>> -> memref<128x64xf32, #tpu.memory_space<hbm>>
      tpu.wait_dma2 semaphore(%arg23 : memref<!tpu.dma_semaphore, #tpu.memory_space<semaphore_mem>>) src(%dma_wait3A_190 : memref<128x64xf32, #tpu.memory_space<hbm>>) dst(%arg14 : memref<128x64xf32, #tpu.memory_space<vmem>>)
      %add3A_191 = arith.constant 5 : i32
      %add3A_192 = arith.addi %add3A_114, %add3A_191 : i32
      %dma_start3A_193 = arith.constant 0 : i32
      %dma_start3A_194 = tpu.memref_slice %arg8[%add3A_192, %dma_start3A_193] : memref<80x128xi32, #tpu.memory_space<vmem>> -> memref<1x128xi32, #tpu.memory_space<vmem>>
      %dma_start3A_195 = tpu.memref_squeeze %dma_start3A_194 : memref<1x128xi32, #tpu.memory_space<vmem>> -> memref<128xi32, #tpu.memory_space<vmem>>
      %dma_start3A_196 = arith.constant 0 : i32
      %dma_start3A_197 = arith.constant 0 : i32
      %dma_start3A_198 = tpu.memref_slice %arg17[%dma_start3A_196, %dma_start3A_197] : memref<10240x64xf32, #tpu.memory_space<vmem_shared>> -> memref<10240x64xf32, #tpu.memory_space<vmem_shared>>
      tpu.enqueue_indirect_dma source(%arg14 : memref<128x64xf32, #tpu.memory_space<vmem>>) target(%dma_start3A_198 : memref<10240x64xf32, #tpu.memory_space<vmem_shared>>) offsets(%dma_start3A_195 : memref<128xi32, #tpu.memory_space<vmem>>) semaphore(%arg31 : memref<!tpu.dma_semaphore, #tpu.memory_space<semaphore_mem>>) {add = true}
      %dma_wait3A_199 = arith.constant 0 : i32
      %dma_wait3A_200 = arith.constant 0 : i32
      %dma_wait3A_201 = tpu.memref_slice %arg4[%dma_wait3A_199, %dma_wait3A_200] : memref<10000x64xf32, #tpu.memory_space<hbm>> -> memref<128x64xf32, #tpu.memory_space<hbm>>
      %dma_wait3A_202 = arith.constant 0 : i32
      %dma_wait3A_203 = arith.constant 0 : i32
      %dma_wait3A_204 = tpu.memref_slice %arg4[%dma_wait3A_202, %dma_wait3A_203] : memref<10000x64xf32, #tpu.memory_space<hbm>> -> memref<128x64xf32, #tpu.memory_space<hbm>>
      tpu.wait_dma2 semaphore(%arg24 : memref<!tpu.dma_semaphore, #tpu.memory_space<semaphore_mem>>) src(%dma_wait3A_204 : memref<128x64xf32, #tpu.memory_space<hbm>>) dst(%arg15 : memref<128x64xf32, #tpu.memory_space<vmem>>)
      %add3A_205 = arith.constant 6 : i32
      %add3A_206 = arith.addi %add3A_114, %add3A_205 : i32
      %dma_start3A_207 = arith.constant 0 : i32
      %dma_start3A_208 = tpu.memref_slice %arg8[%add3A_206, %dma_start3A_207] : memref<80x128xi32, #tpu.memory_space<vmem>> -> memref<1x128xi32, #tpu.memory_space<vmem>>
      %dma_start3A_209 = tpu.memref_squeeze %dma_start3A_208 : memref<1x128xi32, #tpu.memory_space<vmem>> -> memref<128xi32, #tpu.memory_space<vmem>>
      %dma_start3A_210 = arith.constant 0 : i32
      %dma_start3A_211 = arith.constant 0 : i32
      %dma_start3A_212 = tpu.memref_slice %arg17[%dma_start3A_210, %dma_start3A_211] : memref<10240x64xf32, #tpu.memory_space<vmem_shared>> -> memref<10240x64xf32, #tpu.memory_space<vmem_shared>>
      tpu.enqueue_indirect_dma source(%arg15 : memref<128x64xf32, #tpu.memory_space<vmem>>) target(%dma_start3A_212 : memref<10240x64xf32, #tpu.memory_space<vmem_shared>>) offsets(%dma_start3A_209 : memref<128xi32, #tpu.memory_space<vmem>>) semaphore(%arg32 : memref<!tpu.dma_semaphore, #tpu.memory_space<semaphore_mem>>) {add = true}
      %dma_wait3A_213 = arith.constant 0 : i32
      %dma_wait3A_214 = arith.constant 0 : i32
      %dma_wait3A_215 = tpu.memref_slice %arg4[%dma_wait3A_213, %dma_wait3A_214] : memref<10000x64xf32, #tpu.memory_space<hbm>> -> memref<128x64xf32, #tpu.memory_space<hbm>>
      %dma_wait3A_216 = arith.constant 0 : i32
      %dma_wait3A_217 = arith.constant 0 : i32
      %dma_wait3A_218 = tpu.memref_slice %arg4[%dma_wait3A_216, %dma_wait3A_217] : memref<10000x64xf32, #tpu.memory_space<hbm>> -> memref<128x64xf32, #tpu.memory_space<hbm>>
      tpu.wait_dma2 semaphore(%arg25 : memref<!tpu.dma_semaphore, #tpu.memory_space<semaphore_mem>>) src(%dma_wait3A_218 : memref<128x64xf32, #tpu.memory_space<hbm>>) dst(%arg16 : memref<128x64xf32, #tpu.memory_space<vmem>>)
      %add3A_219 = arith.constant 7 : i32
      %add3A_220 = arith.addi %add3A_114, %add3A_219 : i32
      %dma_start3A_221 = arith.constant 0 : i32
      %dma_start3A_222 = tpu.memref_slice %arg8[%add3A_220, %dma_start3A_221] : memref<80x128xi32, #tpu.memory_space<vmem>> -> memref<1x128xi32, #tpu.memory_space<vmem>>
      %dma_start3A_223 = tpu.memref_squeeze %dma_start3A_222 : memref<1x128xi32, #tpu.memory_space<vmem>> -> memref<128xi32, #tpu.memory_space<vmem>>
      %dma_start3A_224 = arith.constant 0 : i32
      %dma_start3A_225 = arith.constant 0 : i32
      %dma_start3A_226 = tpu.memref_slice %arg17[%dma_start3A_224, %dma_start3A_225] : memref<10240x64xf32, #tpu.memory_space<vmem_shared>> -> memref<10240x64xf32, #tpu.memory_space<vmem_shared>>
      tpu.enqueue_indirect_dma source(%arg16 : memref<128x64xf32, #tpu.memory_space<vmem>>) target(%dma_start3A_226 : memref<10240x64xf32, #tpu.memory_space<vmem_shared>>) offsets(%dma_start3A_223 : memref<128xi32, #tpu.memory_space<vmem>>) semaphore(%arg33 : memref<!tpu.dma_semaphore, #tpu.memory_space<semaphore_mem>>) {add = true}
      %add3A_227 = arith.constant 8 : i32
      %add3A_228 = arith.addi %add3A_114, %add3A_227 : i32
      %add3A_229 = arith.constant 0 : i32
      %add3A_230 = arith.addi %add3A_228, %add3A_229 : i32
      %lt3A = arith.constant 80 : i32
      %lt3A_231 = arith.cmpi slt, %add3A_230, %lt3A : i32
      %convert_element_type3A = arith.extui %lt3A_231 : i1 to i32
      %cond3A = arith.constant 0 : i32
      %cond3A_232 = arith.cmpi ne, %convert_element_type3A, %cond3A : i32
      scf.if %cond3A_232 {
        %dma_wait3A_296 = arith.constant 0 : i32
        %dma_wait3A_297 = arith.constant 0 : i32
        %dma_wait3A_298 = tpu.memref_slice %arg4[%dma_wait3A_296, %dma_wait3A_297] : memref<10000x64xf32, #tpu.memory_space<hbm>> -> memref<128x64xf32, #tpu.memory_space<hbm>>
        %dma_wait3A_299 = arith.constant 0 : i32
        %dma_wait3A_300 = arith.constant 0 : i32
        %dma_wait3A_301 = tpu.memref_slice %arg4[%dma_wait3A_299, %dma_wait3A_300] : memref<10000x64xf32, #tpu.memory_space<hbm>> -> memref<128x64xf32, #tpu.memory_space<hbm>>
        tpu.wait_dma2 semaphore(%arg26 : memref<!tpu.dma_semaphore, #tpu.memory_space<semaphore_mem>>) src(%dma_wait3A_301 : memref<128x64xf32, #tpu.memory_space<hbm>>) dst(%arg9 : memref<128x64xf32, #tpu.memory_space<vmem>>)
        %dma_start3A_302 = arith.constant 0 : i32
        %dma_start3A_303 = tpu.memref_slice %arg7[%add3A_230, %dma_start3A_302] : memref<80x128xi32, #tpu.memory_space<vmem>> -> memref<1x128xi32, #tpu.memory_space<vmem>>
        %dma_start3A_304 = tpu.memref_squeeze %dma_start3A_303 : memref<1x128xi32, #tpu.memory_space<vmem>> -> memref<128xi32, #tpu.memory_space<vmem>>
        %dma_start3A_305 = arith.constant 0 : i32
        %dma_start3A_306 = arith.constant 0 : i32
        %dma_start3A_307 = tpu.memref_slice %arg4[%dma_start3A_305, %dma_start3A_306] : memref<10000x64xf32, #tpu.memory_space<hbm>> -> memref<10000x64xf32, #tpu.memory_space<hbm>>
        tpu.enqueue_indirect_dma source(%dma_start3A_307 : memref<10000x64xf32, #tpu.memory_space<hbm>>) target(%arg9 : memref<128x64xf32, #tpu.memory_space<vmem>>) offsets(%dma_start3A_304 : memref<128xi32, #tpu.memory_space<vmem>>) semaphore(%arg18 : memref<!tpu.dma_semaphore, #tpu.memory_space<semaphore_mem>>)
      } else {
      }
      %add3A_233 = arith.constant 8 : i32
      %add3A_234 = arith.addi %add3A_114, %add3A_233 : i32
      %add3A_235 = arith.constant 1 : i32
      %add3A_236 = arith.addi %add3A_234, %add3A_235 : i32
      %lt3A_237 = arith.constant 80 : i32
      %lt3A_238 = arith.cmpi slt, %add3A_236, %lt3A_237 : i32
      %convert_element_type3A_239 = arith.extui %lt3A_238 : i1 to i32
      %cond3A_240 = arith.constant 0 : i32
      %cond3A_241 = arith.cmpi ne, %convert_element_type3A_239, %cond3A_240 : i32
      scf.if %cond3A_241 {
        %dma_wait3A_296 = arith.constant 0 : i32
        %dma_wait3A_297 = arith.constant 0 : i32
        %dma_wait3A_298 = tpu.memref_slice %arg4[%dma_wait3A_296, %dma_wait3A_297] : memref<10000x64xf32, #tpu.memory_space<hbm>> -> memref<128x64xf32, #tpu.memory_space<hbm>>
        %dma_wait3A_299 = arith.constant 0 : i32
        %dma_wait3A_300 = arith.constant 0 : i32
        %dma_wait3A_301 = tpu.memref_slice %arg4[%dma_wait3A_299, %dma_wait3A_300] : memref<10000x64xf32, #tpu.memory_space<hbm>> -> memref<128x64xf32, #tpu.memory_space<hbm>>
        tpu.wait_dma2 semaphore(%arg27 : memref<!tpu.dma_semaphore, #tpu.memory_space<semaphore_mem>>) src(%dma_wait3A_301 : memref<128x64xf32, #tpu.memory_space<hbm>>) dst(%arg10 : memref<128x64xf32, #tpu.memory_space<vmem>>)
        %dma_start3A_302 = arith.constant 0 : i32
        %dma_start3A_303 = tpu.memref_slice %arg7[%add3A_236, %dma_start3A_302] : memref<80x128xi32, #tpu.memory_space<vmem>> -> memref<1x128xi32, #tpu.memory_space<vmem>>
        %dma_start3A_304 = tpu.memref_squeeze %dma_start3A_303 : memref<1x128xi32, #tpu.memory_space<vmem>> -> memref<128xi32, #tpu.memory_space<vmem>>
        %dma_start3A_305 = arith.constant 0 : i32
        %dma_start3A_306 = arith.constant 0 : i32
        %dma_start3A_307 = tpu.memref_slice %arg4[%dma_start3A_305, %dma_start3A_306] : memref<10000x64xf32, #tpu.memory_space<hbm>> -> memref<10000x64xf32, #tpu.memory_space<hbm>>
        tpu.enqueue_indirect_dma source(%dma_start3A_307 : memref<10000x64xf32, #tpu.memory_space<hbm>>) target(%arg10 : memref<128x64xf32, #tpu.memory_space<vmem>>) offsets(%dma_start3A_304 : memref<128xi32, #tpu.memory_space<vmem>>) semaphore(%arg19 : memref<!tpu.dma_semaphore, #tpu.memory_space<semaphore_mem>>)
      } else {
      }
      %add3A_242 = arith.constant 8 : i32
      %add3A_243 = arith.addi %add3A_114, %add3A_242 : i32
      %add3A_244 = arith.constant 2 : i32
      %add3A_245 = arith.addi %add3A_243, %add3A_244 : i32
      %lt3A_246 = arith.constant 80 : i32
      %lt3A_247 = arith.cmpi slt, %add3A_245, %lt3A_246 : i32
      %convert_element_type3A_248 = arith.extui %lt3A_247 : i1 to i32
      %cond3A_249 = arith.constant 0 : i32
      %cond3A_250 = arith.cmpi ne, %convert_element_type3A_248, %cond3A_249 : i32
      scf.if %cond3A_250 {
        %dma_wait3A_296 = arith.constant 0 : i32
        %dma_wait3A_297 = arith.constant 0 : i32
        %dma_wait3A_298 = tpu.memref_slice %arg4[%dma_wait3A_296, %dma_wait3A_297] : memref<10000x64xf32, #tpu.memory_space<hbm>> -> memref<128x64xf32, #tpu.memory_space<hbm>>
        %dma_wait3A_299 = arith.constant 0 : i32
        %dma_wait3A_300 = arith.constant 0 : i32
        %dma_wait3A_301 = tpu.memref_slice %arg4[%dma_wait3A_299, %dma_wait3A_300] : memref<10000x64xf32, #tpu.memory_space<hbm>> -> memref<128x64xf32, #tpu.memory_space<hbm>>
        tpu.wait_dma2 semaphore(%arg28 : memref<!tpu.dma_semaphore, #tpu.memory_space<semaphore_mem>>) src(%dma_wait3A_301 : memref<128x64xf32, #tpu.memory_space<hbm>>) dst(%arg11 : memref<128x64xf32, #tpu.memory_space<vmem>>)
        %dma_start3A_302 = arith.constant 0 : i32
        %dma_start3A_303 = tpu.memref_slice %arg7[%add3A_245, %dma_start3A_302] : memref<80x128xi32, #tpu.memory_space<vmem>> -> memref<1x128xi32, #tpu.memory_space<vmem>>
        %dma_start3A_304 = tpu.memref_squeeze %dma_start3A_303 : memref<1x128xi32, #tpu.memory_space<vmem>> -> memref<128xi32, #tpu.memory_space<vmem>>
        %dma_start3A_305 = arith.constant 0 : i32
        %dma_start3A_306 = arith.constant 0 : i32
        %dma_start3A_307 = tpu.memref_slice %arg4[%dma_start3A_305, %dma_start3A_306] : memref<10000x64xf32, #tpu.memory_space<hbm>> -> memref<10000x64xf32, #tpu.memory_space<hbm>>
        tpu.enqueue_indirect_dma source(%dma_start3A_307 : memref<10000x64xf32, #tpu.memory_space<hbm>>) target(%arg11 : memref<128x64xf32, #tpu.memory_space<vmem>>) offsets(%dma_start3A_304 : memref<128xi32, #tpu.memory_space<vmem>>) semaphore(%arg20 : memref<!tpu.dma_semaphore, #tpu.memory_space<semaphore_mem>>)
      } else {
      }
      %add3A_251 = arith.constant 8 : i32
      %add3A_252 = arith.addi %add3A_114, %add3A_251 : i32
      %add3A_253 = arith.constant 3 : i32
      %add3A_254 = arith.addi %add3A_252, %add3A_253 : i32
      %lt3A_255 = arith.constant 80 : i32
      %lt3A_256 = arith.cmpi slt, %add3A_254, %lt3A_255 : i32
      %convert_element_type3A_257 = arith.extui %lt3A_256 : i1 to i32
      %cond3A_258 = arith.constant 0 : i32
      %cond3A_259 = arith.cmpi ne, %convert_element_type3A_257, %cond3A_258 : i32
      scf.if %cond3A_259 {
        %dma_wait3A_296 = arith.constant 0 : i32
        %dma_wait3A_297 = arith.constant 0 : i32
        %dma_wait3A_298 = tpu.memref_slice %arg4[%dma_wait3A_296, %dma_wait3A_297] : memref<10000x64xf32, #tpu.memory_space<hbm>> -> memref<128x64xf32, #tpu.memory_space<hbm>>
        %dma_wait3A_299 = arith.constant 0 : i32
        %dma_wait3A_300 = arith.constant 0 : i32
        %dma_wait3A_301 = tpu.memref_slice %arg4[%dma_wait3A_299, %dma_wait3A_300] : memref<10000x64xf32, #tpu.memory_space<hbm>> -> memref<128x64xf32, #tpu.memory_space<hbm>>
        tpu.wait_dma2 semaphore(%arg29 : memref<!tpu.dma_semaphore, #tpu.memory_space<semaphore_mem>>) src(%dma_wait3A_301 : memref<128x64xf32, #tpu.memory_space<hbm>>) dst(%arg12 : memref<128x64xf32, #tpu.memory_space<vmem>>)
        %dma_start3A_302 = arith.constant 0 : i32
        %dma_start3A_303 = tpu.memref_slice %arg7[%add3A_254, %dma_start3A_302] : memref<80x128xi32, #tpu.memory_space<vmem>> -> memref<1x128xi32, #tpu.memory_space<vmem>>
        %dma_start3A_304 = tpu.memref_squeeze %dma_start3A_303 : memref<1x128xi32, #tpu.memory_space<vmem>> -> memref<128xi32, #tpu.memory_space<vmem>>
        %dma_start3A_305 = arith.constant 0 : i32
        %dma_start3A_306 = arith.constant 0 : i32
        %dma_start3A_307 = tpu.memref_slice %arg4[%dma_start3A_305, %dma_start3A_306] : memref<10000x64xf32, #tpu.memory_space<hbm>> -> memref<10000x64xf32, #tpu.memory_space<hbm>>
        tpu.enqueue_indirect_dma source(%dma_start3A_307 : memref<10000x64xf32, #tpu.memory_space<hbm>>) target(%arg12 : memref<128x64xf32, #tpu.memory_space<vmem>>) offsets(%dma_start3A_304 : memref<128xi32, #tpu.memory_space<vmem>>) semaphore(%arg21 : memref<!tpu.dma_semaphore, #tpu.memory_space<semaphore_mem>>)
      } else {
      }
      %add3A_260 = arith.constant 8 : i32
      %add3A_261 = arith.addi %add3A_114, %add3A_260 : i32
      %add3A_262 = arith.constant 4 : i32
      %add3A_263 = arith.addi %add3A_261, %add3A_262 : i32
      %lt3A_264 = arith.constant 80 : i32
      %lt3A_265 = arith.cmpi slt, %add3A_263, %lt3A_264 : i32
      %convert_element_type3A_266 = arith.extui %lt3A_265 : i1 to i32
      %cond3A_267 = arith.constant 0 : i32
      %cond3A_268 = arith.cmpi ne, %convert_element_type3A_266, %cond3A_267 : i32
      scf.if %cond3A_268 {
        %dma_wait3A_296 = arith.constant 0 : i32
        %dma_wait3A_297 = arith.constant 0 : i32
        %dma_wait3A_298 = tpu.memref_slice %arg4[%dma_wait3A_296, %dma_wait3A_297] : memref<10000x64xf32, #tpu.memory_space<hbm>> -> memref<128x64xf32, #tpu.memory_space<hbm>>
        %dma_wait3A_299 = arith.constant 0 : i32
        %dma_wait3A_300 = arith.constant 0 : i32
        %dma_wait3A_301 = tpu.memref_slice %arg4[%dma_wait3A_299, %dma_wait3A_300] : memref<10000x64xf32, #tpu.memory_space<hbm>> -> memref<128x64xf32, #tpu.memory_space<hbm>>
        tpu.wait_dma2 semaphore(%arg30 : memref<!tpu.dma_semaphore, #tpu.memory_space<semaphore_mem>>) src(%dma_wait3A_301 : memref<128x64xf32, #tpu.memory_space<hbm>>) dst(%arg13 : memref<128x64xf32, #tpu.memory_space<vmem>>)
        %dma_start3A_302 = arith.constant 0 : i32
        %dma_start3A_303 = tpu.memref_slice %arg7[%add3A_263, %dma_start3A_302] : memref<80x128xi32, #tpu.memory_space<vmem>> -> memref<1x128xi32, #tpu.memory_space<vmem>>
        %dma_start3A_304 = tpu.memref_squeeze %dma_start3A_303 : memref<1x128xi32, #tpu.memory_space<vmem>> -> memref<128xi32, #tpu.memory_space<vmem>>
        %dma_start3A_305 = arith.constant 0 : i32
        %dma_start3A_306 = arith.constant 0 : i32
        %dma_start3A_307 = tpu.memref_slice %arg4[%dma_start3A_305, %dma_start3A_306] : memref<10000x64xf32, #tpu.memory_space<hbm>> -> memref<10000x64xf32, #tpu.memory_space<hbm>>
        tpu.enqueue_indirect_dma source(%dma_start3A_307 : memref<10000x64xf32, #tpu.memory_space<hbm>>) target(%arg13 : memref<128x64xf32, #tpu.memory_space<vmem>>) offsets(%dma_start3A_304 : memref<128xi32, #tpu.memory_space<vmem>>) semaphore(%arg22 : memref<!tpu.dma_semaphore, #tpu.memory_space<semaphore_mem>>)
      } else {
      }
      %add3A_269 = arith.constant 8 : i32
      %add3A_270 = arith.addi %add3A_114, %add3A_269 : i32
      %add3A_271 = arith.constant 5 : i32
      %add3A_272 = arith.addi %add3A_270, %add3A_271 : i32
      %lt3A_273 = arith.constant 80 : i32
      %lt3A_274 = arith.cmpi slt, %add3A_272, %lt3A_273 : i32
      %convert_element_type3A_275 = arith.extui %lt3A_274 : i1 to i32
      %cond3A_276 = arith.constant 0 : i32
      %cond3A_277 = arith.cmpi ne, %convert_element_type3A_275, %cond3A_276 : i32
      scf.if %cond3A_277 {
        %dma_wait3A_296 = arith.constant 0 : i32
        %dma_wait3A_297 = arith.constant 0 : i32
        %dma_wait3A_298 = tpu.memref_slice %arg4[%dma_wait3A_296, %dma_wait3A_297] : memref<10000x64xf32, #tpu.memory_space<hbm>> -> memref<128x64xf32, #tpu.memory_space<hbm>>
        %dma_wait3A_299 = arith.constant 0 : i32
        %dma_wait3A_300 = arith.constant 0 : i32
        %dma_wait3A_301 = tpu.memref_slice %arg4[%dma_wait3A_299, %dma_wait3A_300] : memref<10000x64xf32, #tpu.memory_space<hbm>> -> memref<128x64xf32, #tpu.memory_space<hbm>>
        tpu.wait_dma2 semaphore(%arg31 : memref<!tpu.dma_semaphore, #tpu.memory_space<semaphore_mem>>) src(%dma_wait3A_301 : memref<128x64xf32, #tpu.memory_space<hbm>>) dst(%arg14 : memref<128x64xf32, #tpu.memory_space<vmem>>)
        %dma_start3A_302 = arith.constant 0 : i32
        %dma_start3A_303 = tpu.memref_slice %arg7[%add3A_272, %dma_start3A_302] : memref<80x128xi32, #tpu.memory_space<vmem>> -> memref<1x128xi32, #tpu.memory_space<vmem>>
        %dma_start3A_304 = tpu.memref_squeeze %dma_start3A_303 : memref<1x128xi32, #tpu.memory_space<vmem>> -> memref<128xi32, #tpu.memory_space<vmem>>
        %dma_start3A_305 = arith.constant 0 : i32
        %dma_start3A_306 = arith.constant 0 : i32
        %dma_start3A_307 = tpu.memref_slice %arg4[%dma_start3A_305, %dma_start3A_306] : memref<10000x64xf32, #tpu.memory_space<hbm>> -> memref<10000x64xf32, #tpu.memory_space<hbm>>
        tpu.enqueue_indirect_dma source(%dma_start3A_307 : memref<10000x64xf32, #tpu.memory_space<hbm>>) target(%arg14 : memref<128x64xf32, #tpu.memory_space<vmem>>) offsets(%dma_start3A_304 : memref<128xi32, #tpu.memory_space<vmem>>) semaphore(%arg23 : memref<!tpu.dma_semaphore, #tpu.memory_space<semaphore_mem>>)
      } else {
      }
      %add3A_278 = arith.constant 8 : i32
      %add3A_279 = arith.addi %add3A_114, %add3A_278 : i32
      %add3A_280 = arith.constant 6 : i32
      %add3A_281 = arith.addi %add3A_279, %add3A_280 : i32
      %lt3A_282 = arith.constant 80 : i32
      %lt3A_283 = arith.cmpi slt, %add3A_281, %lt3A_282 : i32
      %convert_element_type3A_284 = arith.extui %lt3A_283 : i1 to i32
      %cond3A_285 = arith.constant 0 : i32
      %cond3A_286 = arith.cmpi ne, %convert_element_type3A_284, %cond3A_285 : i32
      scf.if %cond3A_286 {
        %dma_wait3A_296 = arith.constant 0 : i32
        %dma_wait3A_297 = arith.constant 0 : i32
        %dma_wait3A_298 = tpu.memref_slice %arg4[%dma_wait3A_296, %dma_wait3A_297] : memref<10000x64xf32, #tpu.memory_space<hbm>> -> memref<128x64xf32, #tpu.memory_space<hbm>>
        %dma_wait3A_299 = arith.constant 0 : i32
        %dma_wait3A_300 = arith.constant 0 : i32
        %dma_wait3A_301 = tpu.memref_slice %arg4[%dma_wait3A_299, %dma_wait3A_300] : memref<10000x64xf32, #tpu.memory_space<hbm>> -> memref<128x64xf32, #tpu.memory_space<hbm>>
        tpu.wait_dma2 semaphore(%arg32 : memref<!tpu.dma_semaphore, #tpu.memory_space<semaphore_mem>>) src(%dma_wait3A_301 : memref<128x64xf32, #tpu.memory_space<hbm>>) dst(%arg15 : memref<128x64xf32, #tpu.memory_space<vmem>>)
        %dma_start3A_302 = arith.constant 0 : i32
        %dma_start3A_303 = tpu.memref_slice %arg7[%add3A_281, %dma_start3A_302] : memref<80x128xi32, #tpu.memory_space<vmem>> -> memref<1x128xi32, #tpu.memory_space<vmem>>
        %dma_start3A_304 = tpu.memref_squeeze %dma_start3A_303 : memref<1x128xi32, #tpu.memory_space<vmem>> -> memref<128xi32, #tpu.memory_space<vmem>>
        %dma_start3A_305 = arith.constant 0 : i32
        %dma_start3A_306 = arith.constant 0 : i32
        %dma_start3A_307 = tpu.memref_slice %arg4[%dma_start3A_305, %dma_start3A_306] : memref<10000x64xf32, #tpu.memory_space<hbm>> -> memref<10000x64xf32, #tpu.memory_space<hbm>>
        tpu.enqueue_indirect_dma source(%dma_start3A_307 : memref<10000x64xf32, #tpu.memory_space<hbm>>) target(%arg15 : memref<128x64xf32, #tpu.memory_space<vmem>>) offsets(%dma_start3A_304 : memref<128xi32, #tpu.memory_space<vmem>>) semaphore(%arg24 : memref<!tpu.dma_semaphore, #tpu.memory_space<semaphore_mem>>)
      } else {
      }
      %add3A_287 = arith.constant 8 : i32
      %add3A_288 = arith.addi %add3A_114, %add3A_287 : i32
      %add3A_289 = arith.constant 7 : i32
      %add3A_290 = arith.addi %add3A_288, %add3A_289 : i32
      %lt3A_291 = arith.constant 80 : i32
      %lt3A_292 = arith.cmpi slt, %add3A_290, %lt3A_291 : i32
      %convert_element_type3A_293 = arith.extui %lt3A_292 : i1 to i32
      %cond3A_294 = arith.constant 0 : i32
      %cond3A_295 = arith.cmpi ne, %convert_element_type3A_293, %cond3A_294 : i32
      scf.if %cond3A_295 {
        %dma_wait3A_296 = arith.constant 0 : i32
        %dma_wait3A_297 = arith.constant 0 : i32
        %dma_wait3A_298 = tpu.memref_slice %arg4[%dma_wait3A_296, %dma_wait3A_297] : memref<10000x64xf32, #tpu.memory_space<hbm>> -> memref<128x64xf32, #tpu.memory_space<hbm>>
        %dma_wait3A_299 = arith.constant 0 : i32
        %dma_wait3A_300 = arith.constant 0 : i32
        %dma_wait3A_301 = tpu.memref_slice %arg4[%dma_wait3A_299, %dma_wait3A_300] : memref<10000x64xf32, #tpu.memory_space<hbm>> -> memref<128x64xf32, #tpu.memory_space<hbm>>
        tpu.wait_dma2 semaphore(%arg33 : memref<!tpu.dma_semaphore, #tpu.memory_space<semaphore_mem>>) src(%dma_wait3A_301 : memref<128x64xf32, #tpu.memory_space<hbm>>) dst(%arg16 : memref<128x64xf32, #tpu.memory_space<vmem>>)
        %dma_start3A_302 = arith.constant 0 : i32
        %dma_start3A_303 = tpu.memref_slice %arg7[%add3A_290, %dma_start3A_302] : memref<80x128xi32, #tpu.memory_space<vmem>> -> memref<1x128xi32, #tpu.memory_space<vmem>>
        %dma_start3A_304 = tpu.memref_squeeze %dma_start3A_303 : memref<1x128xi32, #tpu.memory_space<vmem>> -> memref<128xi32, #tpu.memory_space<vmem>>
        %dma_start3A_305 = arith.constant 0 : i32
        %dma_start3A_306 = arith.constant 0 : i32
        %dma_start3A_307 = tpu.memref_slice %arg4[%dma_start3A_305, %dma_start3A_306] : memref<10000x64xf32, #tpu.memory_space<hbm>> -> memref<10000x64xf32, #tpu.memory_space<hbm>>
        tpu.enqueue_indirect_dma source(%dma_start3A_307 : memref<10000x64xf32, #tpu.memory_space<hbm>>) target(%arg16 : memref<128x64xf32, #tpu.memory_space<vmem>>) offsets(%dma_start3A_304 : memref<128xi32, #tpu.memory_space<vmem>>) semaphore(%arg25 : memref<!tpu.dma_semaphore, #tpu.memory_space<semaphore_mem>>)
      } else {
      }
    }
    %scan3A_61 = arith.constant 10 : i32
    %dma_wait3A = arith.constant 0 : i32
    %dma_wait3A_62 = arith.constant 0 : i32
    %dma_wait3A_63 = tpu.memref_slice %arg4[%dma_wait3A, %dma_wait3A_62] : memref<10000x64xf32, #tpu.memory_space<hbm>> -> memref<128x64xf32, #tpu.memory_space<hbm>>
    %dma_wait3A_64 = arith.constant 0 : i32
    %dma_wait3A_65 = arith.constant 0 : i32
    %dma_wait3A_66 = tpu.memref_slice %arg4[%dma_wait3A_64, %dma_wait3A_65] : memref<10000x64xf32, #tpu.memory_space<hbm>> -> memref<128x64xf32, #tpu.memory_space<hbm>>
    tpu.wait_dma2 semaphore(%arg26 : memref<!tpu.dma_semaphore, #tpu.memory_space<semaphore_mem>>) src(%dma_wait3A_66 : memref<128x64xf32, #tpu.memory_space<hbm>>) dst(%arg9 : memref<128x64xf32, #tpu.memory_space<vmem>>)
    %dma_wait3A_67 = arith.constant 0 : i32
    %dma_wait3A_68 = arith.constant 0 : i32
    %dma_wait3A_69 = tpu.memref_slice %arg4[%dma_wait3A_67, %dma_wait3A_68] : memref<10000x64xf32, #tpu.memory_space<hbm>> -> memref<128x64xf32, #tpu.memory_space<hbm>>
    %dma_wait3A_70 = arith.constant 0 : i32
    %dma_wait3A_71 = arith.constant 0 : i32
    %dma_wait3A_72 = tpu.memref_slice %arg4[%dma_wait3A_70, %dma_wait3A_71] : memref<10000x64xf32, #tpu.memory_space<hbm>> -> memref<128x64xf32, #tpu.memory_space<hbm>>
    tpu.wait_dma2 semaphore(%arg27 : memref<!tpu.dma_semaphore, #tpu.memory_space<semaphore_mem>>) src(%dma_wait3A_72 : memref<128x64xf32, #tpu.memory_space<hbm>>) dst(%arg10 : memref<128x64xf32, #tpu.memory_space<vmem>>)
    %dma_wait3A_73 = arith.constant 0 : i32
    %dma_wait3A_74 = arith.constant 0 : i32
    %dma_wait3A_75 = tpu.memref_slice %arg4[%dma_wait3A_73, %dma_wait3A_74] : memref<10000x64xf32, #tpu.memory_space<hbm>> -> memref<128x64xf32, #tpu.memory_space<hbm>>
    %dma_wait3A_76 = arith.constant 0 : i32
    %dma_wait3A_77 = arith.constant 0 : i32
    %dma_wait3A_78 = tpu.memref_slice %arg4[%dma_wait3A_76, %dma_wait3A_77] : memref<10000x64xf32, #tpu.memory_space<hbm>> -> memref<128x64xf32, #tpu.memory_space<hbm>>
    tpu.wait_dma2 semaphore(%arg28 : memref<!tpu.dma_semaphore, #tpu.memory_space<semaphore_mem>>) src(%dma_wait3A_78 : memref<128x64xf32, #tpu.memory_space<hbm>>) dst(%arg11 : memref<128x64xf32, #tpu.memory_space<vmem>>)
    %dma_wait3A_79 = arith.constant 0 : i32
    %dma_wait3A_80 = arith.constant 0 : i32
    %dma_wait3A_81 = tpu.memref_slice %arg4[%dma_wait3A_79, %dma_wait3A_80] : memref<10000x64xf32, #tpu.memory_space<hbm>> -> memref<128x64xf32, #tpu.memory_space<hbm>>
    %dma_wait3A_82 = arith.constant 0 : i32
    %dma_wait3A_83 = arith.constant 0 : i32
    %dma_wait3A_84 = tpu.memref_slice %arg4[%dma_wait3A_82, %dma_wait3A_83] : memref<10000x64xf32, #tpu.memory_space<hbm>> -> memref<128x64xf32, #tpu.memory_space<hbm>>
    tpu.wait_dma2 semaphore(%arg29 : memref<!tpu.dma_semaphore, #tpu.memory_space<semaphore_mem>>) src(%dma_wait3A_84 : memref<128x64xf32, #tpu.memory_space<hbm>>) dst(%arg12 : memref<128x64xf32, #tpu.memory_space<vmem>>)
    %dma_wait3A_85 = arith.constant 0 : i32
    %dma_wait3A_86 = arith.constant 0 : i32
    %dma_wait3A_87 = tpu.memref_slice %arg4[%dma_wait3A_85, %dma_wait3A_86] : memref<10000x64xf32, #tpu.memory_space<hbm>> -> memref<128x64xf32, #tpu.memory_space<hbm>>
    %dma_wait3A_88 = arith.constant 0 : i32
    %dma_wait3A_89 = arith.constant 0 : i32
    %dma_wait3A_90 = tpu.memref_slice %arg4[%dma_wait3A_88, %dma_wait3A_89] : memref<10000x64xf32, #tpu.memory_space<hbm>> -> memref<128x64xf32, #tpu.memory_space<hbm>>
    tpu.wait_dma2 semaphore(%arg30 : memref<!tpu.dma_semaphore, #tpu.memory_space<semaphore_mem>>) src(%dma_wait3A_90 : memref<128x64xf32, #tpu.memory_space<hbm>>) dst(%arg13 : memref<128x64xf32, #tpu.memory_space<vmem>>)
    %dma_wait3A_91 = arith.constant 0 : i32
    %dma_wait3A_92 = arith.constant 0 : i32
    %dma_wait3A_93 = tpu.memref_slice %arg4[%dma_wait3A_91, %dma_wait3A_92] : memref<10000x64xf32, #tpu.memory_space<hbm>> -> memref<128x64xf32, #tpu.memory_space<hbm>>
    %dma_wait3A_94 = arith.constant 0 : i32
    %dma_wait3A_95 = arith.constant 0 : i32
    %dma_wait3A_96 = tpu.memref_slice %arg4[%dma_wait3A_94, %dma_wait3A_95] : memref<10000x64xf32, #tpu.memory_space<hbm>> -> memref<128x64xf32, #tpu.memory_space<hbm>>
    tpu.wait_dma2 semaphore(%arg31 : memref<!tpu.dma_semaphore, #tpu.memory_space<semaphore_mem>>) src(%dma_wait3A_96 : memref<128x64xf32, #tpu.memory_space<hbm>>) dst(%arg14 : memref<128x64xf32, #tpu.memory_space<vmem>>)
    %dma_wait3A_97 = arith.constant 0 : i32
    %dma_wait3A_98 = arith.constant 0 : i32
    %dma_wait3A_99 = tpu.memref_slice %arg4[%dma_wait3A_97, %dma_wait3A_98] : memref<10000x64xf32, #tpu.memory_space<hbm>> -> memref<128x64xf32, #tpu.memory_space<hbm>>
    %dma_wait3A_100 = arith.constant 0 : i32
    %dma_wait3A_101 = arith.constant 0 : i32
    %dma_wait3A_102 = tpu.memref_slice %arg4[%dma_wait3A_100, %dma_wait3A_101] : memref<10000x64xf32, #tpu.memory_space<hbm>> -> memref<128x64xf32, #tpu.memory_space<hbm>>
    tpu.wait_dma2 semaphore(%arg32 : memref<!tpu.dma_semaphore, #tpu.memory_space<semaphore_mem>>) src(%dma_wait3A_102 : memref<128x64xf32, #tpu.memory_space<hbm>>) dst(%arg15 : memref<128x64xf32, #tpu.memory_space<vmem>>)
    %dma_wait3A_103 = arith.constant 0 : i32
    %dma_wait3A_104 = arith.constant 0 : i32
    %dma_wait3A_105 = tpu.memref_slice %arg4[%dma_wait3A_103, %dma_wait3A_104] : memref<10000x64xf32, #tpu.memory_space<hbm>> -> memref<128x64xf32, #tpu.memory_space<hbm>>
    %dma_wait3A_106 = arith.constant 0 : i32
    %dma_wait3A_107 = arith.constant 0 : i32
    %dma_wait3A_108 = tpu.memref_slice %arg4[%dma_wait3A_106, %dma_wait3A_107] : memref<10000x64xf32, #tpu.memory_space<hbm>> -> memref<128x64xf32, #tpu.memory_space<hbm>>
    tpu.wait_dma2 semaphore(%arg33 : memref<!tpu.dma_semaphore, #tpu.memory_space<semaphore_mem>>) src(%dma_wait3A_108 : memref<128x64xf32, #tpu.memory_space<hbm>>) dst(%arg16 : memref<128x64xf32, #tpu.memory_space<vmem>>)
    %barrier3A_109 = arith.constant 0 : index
    tpu.barrier barrier_id(%barrier3A_109)
    "tpu.region"() ({
      %run_scoped3A = tpu.sem_alloc : memref<!tpu.dma_semaphore, #tpu.memory_space<semaphore_mem>>
      %dma_start3A_110 = arith.constant 0 : i32
      %dma_start3A_111 = tpu.memref_slice %arg6[%arg0, %mul3A_2, %dma_start3A_110] : memref<2x10240x64xf32, #tpu.memory_space<hbm>> -> memref<1x640x64xf32, #tpu.memory_space<hbm>>
      %dma_start3A_112 = tpu.memref_squeeze %dma_start3A_111 : memref<1x640x64xf32, #tpu.memory_space<hbm>> -> memref<640x64xf32, #tpu.memory_space<hbm>>
      %dma_start3A_113 = arith.constant 0 : i32
      %dma_start3A_114 = tpu.memref_slice %arg17[%mul3A_2, %dma_start3A_113] : memref<10240x64xf32, #tpu.memory_space<vmem_shared>> -> memref<640x64xf32, #tpu.memory_space<vmem_shared>>
      tpu.enqueue_dma source(%dma_start3A_114 : memref<640x64xf32, #tpu.memory_space<vmem_shared>>) target(%dma_start3A_112 : memref<640x64xf32, #tpu.memory_space<hbm>>) target_semaphore(%run_scoped3A : memref<!tpu.dma_semaphore, #tpu.memory_space<semaphore_mem>>)
      %dma_wait3A_115 = arith.constant 0 : i32
      %dma_wait3A_116 = tpu.memref_slice %arg6[%arg0, %mul3A_2, %dma_wait3A_115] : memref<2x10240x64xf32, #tpu.memory_space<hbm>> -> memref<1x640x64xf32, #tpu.memory_space<hbm>>
      %dma_wait3A_117 = tpu.memref_squeeze %dma_wait3A_116 : memref<1x640x64xf32, #tpu.memory_space<hbm>> -> memref<640x64xf32, #tpu.memory_space<hbm>>
      %dma_wait3A_118 = arith.constant 0 : i32
      %dma_wait3A_119 = tpu.memref_slice %arg17[%mul3A_2, %dma_wait3A_118] : memref<10240x64xf32, #tpu.memory_space<vmem_shared>> -> memref<640x64xf32, #tpu.memory_space<vmem_shared>>
      tpu.wait_dma2 semaphore(%run_scoped3A : memref<!tpu.dma_semaphore, #tpu.memory_space<semaphore_mem>>) src(%dma_wait3A_119 : memref<640x64xf32, #tpu.memory_space<vmem_shared>>) dst(%dma_wait3A_117 : memref<640x64xf32, #tpu.memory_space<hbm>>)
      tpu.yield
    }) : () -> ()
    return
  }
}

#map = affine_map<(d0, d1) -> (0, 0, 0)>
#map1 = affine_map<(d0, d1) -> (0)>
#map2 = affine_map<(d0, d1) -> (0, 0)>
module attributes {stable_mosaic.version = 14 : i64} {
  func.func @k(%arg0: i32, %arg1: i32, %arg2: memref<32x80x128xi32, #tpu.memory_space<hbm>>, %arg3: memref<10240xf32, #tpu.memory_space<hbm>>, %arg4: memref<2x10240xf32, #tpu.memory_space<hbm>>, %arg5: memref<80x128xi32, #tpu.memory_space<vmem>>, %arg6: memref<128xf32, #tpu.memory_space<vmem>>, %arg7: memref<10240xf32, #tpu.memory_space<vmem_shared>>, %arg8: memref<!tpu.dma_semaphore, #tpu.memory_space<semaphore_mem>>) attributes {dimension_semantics = [#tpu.dimension_semantics<core_parallel>, #tpu.dimension_semantics<subcore_parallel>], iteration_bounds = array<i64: 2, 16>, scalar_prefetch = 0 : i64, scratch_operands = 4 : i64, tpu.core_type = #tpu.core_type<sc_vector_subcore>, window_params = [{transform_indices = #map}, {transform_indices = #map1}, {transform_indices = #map2}]} {
    %mul3A = arith.constant 16 : i32
    %mul3A_0 = arith.muli %arg0, %mul3A : i32
    %add3A = arith.addi %mul3A_0, %arg1 : i32
    "tpu.region"() ({
      %run_scoped3A = tpu.sem_alloc : memref<!tpu.dma_semaphore, #tpu.memory_space<semaphore_mem>>
      %dma_start3A = arith.constant 0 : i32
      %dma_start3A_59 = arith.constant 0 : i32
      %dma_start3A_60 = tpu.memref_slice %arg2[%add3A, %dma_start3A, %dma_start3A_59] : memref<32x80x128xi32, #tpu.memory_space<hbm>> -> memref<1x80x128xi32, #tpu.memory_space<hbm>>
      %dma_start3A_61 = tpu.memref_squeeze %dma_start3A_60 : memref<1x80x128xi32, #tpu.memory_space<hbm>> -> memref<80x128xi32, #tpu.memory_space<hbm>>
      %dma_start3A_62 = arith.constant 0 : i32
      %dma_start3A_63 = arith.constant 0 : i32
      %dma_start3A_64 = tpu.memref_slice %arg2[%add3A, %dma_start3A_62, %dma_start3A_63] : memref<32x80x128xi32, #tpu.memory_space<hbm>> -> memref<1x80x128xi32, #tpu.memory_space<hbm>>
      %dma_start3A_65 = tpu.memref_squeeze %dma_start3A_64 : memref<1x80x128xi32, #tpu.memory_space<hbm>> -> memref<80x128xi32, #tpu.memory_space<hbm>>
      tpu.enqueue_dma source(%dma_start3A_65 : memref<80x128xi32, #tpu.memory_space<hbm>>) target(%arg5 : memref<80x128xi32, #tpu.memory_space<vmem>>) target_semaphore(%run_scoped3A : memref<!tpu.dma_semaphore, #tpu.memory_space<semaphore_mem>>)
      %dma_wait3A = arith.constant 0 : i32
      %dma_wait3A_66 = arith.constant 0 : i32
      %dma_wait3A_67 = tpu.memref_slice %arg2[%add3A, %dma_wait3A, %dma_wait3A_66] : memref<32x80x128xi32, #tpu.memory_space<hbm>> -> memref<1x80x128xi32, #tpu.memory_space<hbm>>
      %dma_wait3A_68 = tpu.memref_squeeze %dma_wait3A_67 : memref<1x80x128xi32, #tpu.memory_space<hbm>> -> memref<80x128xi32, #tpu.memory_space<hbm>>
      %dma_wait3A_69 = arith.constant 0 : i32
      %dma_wait3A_70 = arith.constant 0 : i32
      %dma_wait3A_71 = tpu.memref_slice %arg2[%add3A, %dma_wait3A_69, %dma_wait3A_70] : memref<32x80x128xi32, #tpu.memory_space<hbm>> -> memref<1x80x128xi32, #tpu.memory_space<hbm>>
      %dma_wait3A_72 = tpu.memref_squeeze %dma_wait3A_71 : memref<1x80x128xi32, #tpu.memory_space<hbm>> -> memref<80x128xi32, #tpu.memory_space<hbm>>
      tpu.wait_dma2 semaphore(%run_scoped3A : memref<!tpu.dma_semaphore, #tpu.memory_space<semaphore_mem>>) src(%dma_wait3A_72 : memref<80x128xi32, #tpu.memory_space<hbm>>) dst(%arg5 : memref<80x128xi32, #tpu.memory_space<vmem>>)
      tpu.yield
    }) : () -> ()
    %broadcast_in_dim3A = arith.constant 1.000000e+00 : f32
    %broadcast_in_dim3A_1 = vector.broadcast %broadcast_in_dim3A : f32 to vector<16xf32>
    %swap3A = arith.constant 0 : index
    %swap3A_2 = tpu.vector_load %arg6[%swap3A] {strides = array<i32>} : memref<128xf32, #tpu.memory_space<vmem>>, vector<16xf32>,
    %swap3A_3 = vector.shape_cast %swap3A_2 : vector<16xf32> to vector<16xf32>
    %swap3A_4 = vector.shape_cast %broadcast_in_dim3A_1 : vector<16xf32> to vector<16xf32>
    tpu.vector_store %arg6[%swap3A], %swap3A_4 {strides = array<i32>} : memref<128xf32, #tpu.memory_space<vmem>>, vector<16xf32>,
    %broadcast_in_dim3A_5 = arith.constant 1.000000e+00 : f32
    %broadcast_in_dim3A_6 = vector.broadcast %broadcast_in_dim3A_5 : f32 to vector<16xf32>
    %swap3A_7 = arith.constant 16 : index
    %swap3A_8 = tpu.vector_load %arg6[%swap3A_7] {strides = array<i32>} : memref<128xf32, #tpu.memory_space<vmem>>, vector<16xf32>,
    %swap3A_9 = vector.shape_cast %swap3A_8 : vector<16xf32> to vector<16xf32>
    %swap3A_10 = vector.shape_cast %broadcast_in_dim3A_6 : vector<16xf32> to vector<16xf32>
    tpu.vector_store %arg6[%swap3A_7], %swap3A_10 {strides = array<i32>} : memref<128xf32, #tpu.memory_space<vmem>>, vector<16xf32>,
    %broadcast_in_dim3A_11 = arith.constant 1.000000e+00 : f32
    %broadcast_in_dim3A_12 = vector.broadcast %broadcast_in_dim3A_11 : f32 to vector<16xf32>
    %swap3A_13 = arith.constant 32 : index
    %swap3A_14 = tpu.vector_load %arg6[%swap3A_13] {strides = array<i32>} : memref<128xf32, #tpu.memory_space<vmem>>, vector<16xf32>,
    %swap3A_15 = vector.shape_cast %swap3A_14 : vector<16xf32> to vector<16xf32>
    %swap3A_16 = vector.shape_cast %broadcast_in_dim3A_12 : vector<16xf32> to vector<16xf32>
    tpu.vector_store %arg6[%swap3A_13], %swap3A_16 {strides = array<i32>} : memref<128xf32, #tpu.memory_space<vmem>>, vector<16xf32>,
    %broadcast_in_dim3A_17 = arith.constant 1.000000e+00 : f32
    %broadcast_in_dim3A_18 = vector.broadcast %broadcast_in_dim3A_17 : f32 to vector<16xf32>
    %swap3A_19 = arith.constant 48 : index
    %swap3A_20 = tpu.vector_load %arg6[%swap3A_19] {strides = array<i32>} : memref<128xf32, #tpu.memory_space<vmem>>, vector<16xf32>,
    %swap3A_21 = vector.shape_cast %swap3A_20 : vector<16xf32> to vector<16xf32>
    %swap3A_22 = vector.shape_cast %broadcast_in_dim3A_18 : vector<16xf32> to vector<16xf32>
    tpu.vector_store %arg6[%swap3A_19], %swap3A_22 {strides = array<i32>} : memref<128xf32, #tpu.memory_space<vmem>>, vector<16xf32>,
    %broadcast_in_dim3A_23 = arith.constant 1.000000e+00 : f32
    %broadcast_in_dim3A_24 = vector.broadcast %broadcast_in_dim3A_23 : f32 to vector<16xf32>
    %swap3A_25 = arith.constant 64 : index
    %swap3A_26 = tpu.vector_load %arg6[%swap3A_25] {strides = array<i32>} : memref<128xf32, #tpu.memory_space<vmem>>, vector<16xf32>,
    %swap3A_27 = vector.shape_cast %swap3A_26 : vector<16xf32> to vector<16xf32>
    %swap3A_28 = vector.shape_cast %broadcast_in_dim3A_24 : vector<16xf32> to vector<16xf32>
    tpu.vector_store %arg6[%swap3A_25], %swap3A_28 {strides = array<i32>} : memref<128xf32, #tpu.memory_space<vmem>>, vector<16xf32>,
    %broadcast_in_dim3A_29 = arith.constant 1.000000e+00 : f32
    %broadcast_in_dim3A_30 = vector.broadcast %broadcast_in_dim3A_29 : f32 to vector<16xf32>
    %swap3A_31 = arith.constant 80 : index
    %swap3A_32 = tpu.vector_load %arg6[%swap3A_31] {strides = array<i32>} : memref<128xf32, #tpu.memory_space<vmem>>, vector<16xf32>,
    %swap3A_33 = vector.shape_cast %swap3A_32 : vector<16xf32> to vector<16xf32>
    %swap3A_34 = vector.shape_cast %broadcast_in_dim3A_30 : vector<16xf32> to vector<16xf32>
    tpu.vector_store %arg6[%swap3A_31], %swap3A_34 {strides = array<i32>} : memref<128xf32, #tpu.memory_space<vmem>>, vector<16xf32>,
    %broadcast_in_dim3A_35 = arith.constant 1.000000e+00 : f32
    %broadcast_in_dim3A_36 = vector.broadcast %broadcast_in_dim3A_35 : f32 to vector<16xf32>
    %swap3A_37 = arith.constant 96 : index
    %swap3A_38 = tpu.vector_load %arg6[%swap3A_37] {strides = array<i32>} : memref<128xf32, #tpu.memory_space<vmem>>, vector<16xf32>,
    %swap3A_39 = vector.shape_cast %swap3A_38 : vector<16xf32> to vector<16xf32>
    %swap3A_40 = vector.shape_cast %broadcast_in_dim3A_36 : vector<16xf32> to vector<16xf32>
    tpu.vector_store %arg6[%swap3A_37], %swap3A_40 {strides = array<i32>} : memref<128xf32, #tpu.memory_space<vmem>>, vector<16xf32>,
    %broadcast_in_dim3A_41 = arith.constant 1.000000e+00 : f32
    %broadcast_in_dim3A_42 = vector.broadcast %broadcast_in_dim3A_41 : f32 to vector<16xf32>
    %swap3A_43 = arith.constant 112 : index
    %swap3A_44 = tpu.vector_load %arg6[%swap3A_43] {strides = array<i32>} : memref<128xf32, #tpu.memory_space<vmem>>, vector<16xf32>,
    %swap3A_45 = vector.shape_cast %swap3A_44 : vector<16xf32> to vector<16xf32>
    %swap3A_46 = vector.shape_cast %broadcast_in_dim3A_42 : vector<16xf32> to vector<16xf32>
    tpu.vector_store %arg6[%swap3A_43], %swap3A_46 {strides = array<i32>} : memref<128xf32, #tpu.memory_space<vmem>>, vector<16xf32>,
    %mul3A_47 = arith.constant 640 : i32
    %mul3A_48 = arith.muli %arg1, %mul3A_47 : i32
    "tpu.region"() ({
      %run_scoped3A = tpu.sem_alloc : memref<!tpu.dma_semaphore, #tpu.memory_space<semaphore_mem>>
      %dma_start3A = tpu.memref_slice %arg7[%mul3A_48] : memref<10240xf32, #tpu.memory_space<vmem_shared>> -> memref<640xf32, #tpu.memory_space<vmem_shared>>
      %dma_start3A_59 = tpu.memref_slice %arg3[%mul3A_48] : memref<10240xf32, #tpu.memory_space<hbm>> -> memref<640xf32, #tpu.memory_space<hbm>>
      tpu.enqueue_dma source(%dma_start3A_59 : memref<640xf32, #tpu.memory_space<hbm>>) target(%dma_start3A : memref<640xf32, #tpu.memory_space<vmem_shared>>) target_semaphore(%run_scoped3A : memref<!tpu.dma_semaphore, #tpu.memory_space<semaphore_mem>>)
      %dma_wait3A = tpu.memref_slice %arg7[%mul3A_48] : memref<10240xf32, #tpu.memory_space<vmem_shared>> -> memref<640xf32, #tpu.memory_space<vmem_shared>>
      %dma_wait3A_60 = tpu.memref_slice %arg3[%mul3A_48] : memref<10240xf32, #tpu.memory_space<hbm>> -> memref<640xf32, #tpu.memory_space<hbm>>
      tpu.wait_dma2 semaphore(%run_scoped3A : memref<!tpu.dma_semaphore, #tpu.memory_space<semaphore_mem>>) src(%dma_wait3A_60 : memref<640xf32, #tpu.memory_space<hbm>>) dst(%dma_wait3A : memref<640xf32, #tpu.memory_space<vmem_shared>>)
      tpu.yield
    }) : () -> ()
    %barrier3A = arith.constant 0 : index
    tpu.barrier barrier_id(%barrier3A)
    %scan3A = arith.constant 0 : i32
    %scan3A_49 = arith.constant 80 : i32
    %scan3A_50 = arith.addi %scan3A, %scan3A_49 : i32
    %scan3A_51 = arith.constant 1 : i32
    scf.for %scan3A_59 = %scan3A to %scan3A_50 step %scan3A_51  : i32 {
      %mul3A_60 = arith.constant 1 : i32
      %mul3A_61 = arith.muli %scan3A_59, %mul3A_60 : i32
      %add3A_62 = arith.constant 0 : i32
      %add3A_63 = arith.addi %add3A_62, %mul3A_61 : i32
      %dma_start3A = arith.constant 0 : i32
      %dma_start3A_64 = tpu.memref_slice %arg5[%add3A_63, %dma_start3A] : memref<80x128xi32, #tpu.memory_space<vmem>> -> memref<1x128xi32, #tpu.memory_space<vmem>>
      %dma_start3A_65 = tpu.memref_squeeze %dma_start3A_64 : memref<1x128xi32, #tpu.memory_space<vmem>> -> memref<128xi32, #tpu.memory_space<vmem>>
      %dma_start3A_66 = arith.constant 0 : i32
      %dma_start3A_67 = tpu.memref_slice %arg7[%dma_start3A_66] : memref<10240xf32, #tpu.memory_space<vmem_shared>> -> memref<10240xf32, #tpu.memory_space<vmem_shared>>
      tpu.enqueue_indirect_dma source(%arg6 : memref<128xf32, #tpu.memory_space<vmem>>) target(%dma_start3A_67 : memref<10240xf32, #tpu.memory_space<vmem_shared>>) offsets(%dma_start3A_65 : memref<128xi32, #tpu.memory_space<vmem>>) semaphore(%arg8 : memref<!tpu.dma_semaphore, #tpu.memory_space<semaphore_mem>>) {add = true}
    }
    %scan3A_52 = arith.constant 80 : i32
    %scan3A_53 = arith.constant 0 : i32
    %scan3A_54 = arith.constant 80 : i32
    %scan3A_55 = arith.addi %scan3A_53, %scan3A_54 : i32
    %scan3A_56 = arith.constant 1 : i32
    scf.for %scan3A_59 = %scan3A_53 to %scan3A_55 step %scan3A_56  : i32 {
      %mul3A_60 = arith.constant 1 : i32
      %mul3A_61 = arith.muli %scan3A_59, %mul3A_60 : i32
      %add3A_62 = arith.constant 0 : i32
      %add3A_63 = arith.addi %add3A_62, %mul3A_61 : i32
      %dma_wait3A = arith.constant 0 : i32
      %dma_wait3A_64 = tpu.memref_slice %arg3[%dma_wait3A] : memref<10240xf32, #tpu.memory_space<hbm>> -> memref<128xf32, #tpu.memory_space<hbm>>
      %dma_wait3A_65 = arith.constant 0 : i32
      %dma_wait3A_66 = tpu.memref_slice %arg3[%dma_wait3A_65] : memref<10240xf32, #tpu.memory_space<hbm>> -> memref<128xf32, #tpu.memory_space<hbm>>
      tpu.wait_dma2 semaphore(%arg8 : memref<!tpu.dma_semaphore, #tpu.memory_space<semaphore_mem>>) src(%dma_wait3A_66 : memref<128xf32, #tpu.memory_space<hbm>>) dst(%arg6 : memref<128xf32, #tpu.memory_space<vmem>>)
    }
    %scan3A_57 = arith.constant 80 : i32
    %barrier3A_58 = arith.constant 0 : index
    tpu.barrier barrier_id(%barrier3A_58)
    "tpu.region"() ({
      %run_scoped3A = tpu.sem_alloc : memref<!tpu.dma_semaphore, #tpu.memory_space<semaphore_mem>>
      %dma_start3A = tpu.memref_slice %arg4[%arg0, %mul3A_48] : memref<2x10240xf32, #tpu.memory_space<hbm>> -> memref<1x640xf32, #tpu.memory_space<hbm>>
      %dma_start3A_59 = tpu.memref_squeeze %dma_start3A : memref<1x640xf32, #tpu.memory_space<hbm>> -> memref<640xf32, #tpu.memory_space<hbm>>
      %dma_start3A_60 = tpu.memref_slice %arg7[%mul3A_48] : memref<10240xf32, #tpu.memory_space<vmem_shared>> -> memref<640xf32, #tpu.memory_space<vmem_shared>>
      tpu.enqueue_dma source(%dma_start3A_60 : memref<640xf32, #tpu.memory_space<vmem_shared>>) target(%dma_start3A_59 : memref<640xf32, #tpu.memory_space<hbm>>) target_semaphore(%run_scoped3A : memref<!tpu.dma_semaphore, #tpu.memory_space<semaphore_mem>>)
      %dma_wait3A = tpu.memref_slice %arg4[%arg0, %mul3A_48] : memref<2x10240xf32, #tpu.memory_space<hbm>> -> memref<1x640xf32, #tpu.memory_space<hbm>>
      %dma_wait3A_61 = tpu.memref_squeeze %dma_wait3A : memref<1x640xf32, #tpu.memory_space<hbm>> -> memref<640xf32, #tpu.memory_space<hbm>>
      %dma_wait3A_62 = tpu.memref_slice %arg7[%mul3A_48] : memref<10240xf32, #tpu.memory_space<vmem_shared>> -> memref<640xf32, #tpu.memory_space<vmem_shared>>
      tpu.wait_dma2 semaphore(%run_scoped3A : memref<!tpu.dma_semaphore, #tpu.memory_space<semaphore_mem>>) src(%dma_wait3A_62 : memref<640xf32, #tpu.memory_space<vmem_shared>>) dst(%dma_wait3A_61 : memref<640xf32, #tpu.memory_space<hbm>>)
      tpu.yield
    }) : () -> ()
    return
  }
}

#map = affine_map<(d0, d1) -> (0, 0, 0)>
#map1 = affine_map<(d0, d1) -> (0, 0)>
module attributes {stable_mosaic.version = 14 : i64} {
  func.func @k(%arg0: i32, %arg1: i32, %arg2: memref<32x80x128xi32, #tpu.memory_space<hbm>>, %arg3: memref<32x80x128xi32, #tpu.memory_space<hbm>>, %arg4: memref<10000x64xf32, #tpu.memory_space<hbm>>, %arg5: memref<640x64xf32, #tpu.memory_space<hbm>>, %arg6: memref<2x10240x64xf32, #tpu.memory_space<hbm>>, %arg7: memref<80x128xi32, #tpu.memory_space<vmem>>, %arg8: memref<80x128xi32, #tpu.memory_space<vmem>>, %arg9: memref<128x64xf32, #tpu.memory_space<vmem>>, %arg10: memref<128x64xf32, #tpu.memory_space<vmem>>, %arg11: memref<128x64xf32, #tpu.memory_space<vmem>>, %arg12: memref<128x64xf32, #tpu.memory_space<vmem>>, %arg13: memref<128x64xf32, #tpu.memory_space<vmem>>, %arg14: memref<128x64xf32, #tpu.memory_space<vmem>>, %arg15: memref<128x64xf32, #tpu.memory_space<vmem>>, %arg16: memref<128x64xf32, #tpu.memory_space<vmem>>, %arg17: memref<10240x64xf32, #tpu.memory_space<vmem_shared>>, %arg18: memref<!tpu.dma_semaphore, #tpu.memory_space<semaphore_mem>>, %arg19: memref<!tpu.dma_semaphore, #tpu.memory_space<semaphore_mem>>, %arg20: memref<!tpu.dma_semaphore, #tpu.memory_space<semaphore_mem>>, %arg21: memref<!tpu.dma_semaphore, #tpu.memory_space<semaphore_mem>>, %arg22: memref<!tpu.dma_semaphore, #tpu.memory_space<semaphore_mem>>, %arg23: memref<!tpu.dma_semaphore, #tpu.memory_space<semaphore_mem>>, %arg24: memref<!tpu.dma_semaphore, #tpu.memory_space<semaphore_mem>>, %arg25: memref<!tpu.dma_semaphore, #tpu.memory_space<semaphore_mem>>, %arg26: memref<!tpu.dma_semaphore, #tpu.memory_space<semaphore_mem>>, %arg27: memref<!tpu.dma_semaphore, #tpu.memory_space<semaphore_mem>>, %arg28: memref<!tpu.dma_semaphore, #tpu.memory_space<semaphore_mem>>, %arg29: memref<!tpu.dma_semaphore, #tpu.memory_space<semaphore_mem>>, %arg30: memref<!tpu.dma_semaphore, #tpu.memory_space<semaphore_mem>>, %arg31: memref<!tpu.dma_semaphore, #tpu.memory_space<semaphore_mem>>, %arg32: memref<!tpu.dma_semaphore, #tpu.memory_space<semaphore_mem>>, %arg33: memref<!tpu.dma_semaphore, #tpu.memory_space<semaphore_mem>>) attributes {dimension_semantics = [#tpu.dimension_semantics<core_parallel>, #tpu.dimension_semantics<subcore_parallel>], iteration_bounds = array<i64: 2, 16>, scalar_prefetch = 0 : i64, scratch_operands = 27 : i64, tpu.core_type = #tpu.core_type<sc_vector_subcore>, window_params = [{transform_indices = #map}, {transform_indices = #map}, {transform_indices = #map1}, {transform_indices = #map1}, {transform_indices = #map}]} {
    %mul3A = arith.constant 16 : i32
    %mul3A_0 = arith.muli %arg0, %mul3A : i32
    %add3A = arith.addi %mul3A_0, %arg1 : i32
    "tpu.region"() ({
      %run_scoped3A = tpu.sem_alloc : memref<!tpu.dma_semaphore, #tpu.memory_space<semaphore_mem>>
      %dma_start3A_110 = arith.constant 0 : i32
      %dma_start3A_111 = arith.constant 0 : i32
      %dma_start3A_112 = tpu.memref_slice %arg2[%add3A, %dma_start3A_110, %dma_start3A_111] : memref<32x80x128xi32, #tpu.memory_space<hbm>> -> memref<1x80x128xi32, #tpu.memory_space<hbm>>
      %dma_start3A_113 = tpu.memref_squeeze %dma_start3A_112 : memref<1x80x128xi32, #tpu.memory_space<hbm>> -> memref<80x128xi32, #tpu.memory_space<hbm>>
      %dma_start3A_114 = arith.constant 0 : i32
      %dma_start3A_115 = arith.constant 0 : i32
      %dma_start3A_116 = tpu.memref_slice %arg2[%add3A, %dma_start3A_114, %dma_start3A_115] : memref<32x80x128xi32, #tpu.memory_space<hbm>> -> memref<1x80x128xi32, #tpu.memory_space<hbm>>
      %dma_start3A_117 = tpu.memref_squeeze %dma_start3A_116 : memref<1x80x128xi32, #tpu.memory_space<hbm>> -> memref<80x128xi32, #tpu.memory_space<hbm>>
      tpu.enqueue_dma source(%dma_start3A_117 : memref<80x128xi32, #tpu.memory_space<hbm>>) target(%arg7 : memref<80x128xi32, #tpu.memory_space<vmem>>) target_semaphore(%run_scoped3A : memref<!tpu.dma_semaphore, #tpu.memory_space<semaphore_mem>>)
      %dma_wait3A_118 = arith.constant 0 : i32
      %dma_wait3A_119 = arith.constant 0 : i32
      %dma_wait3A_120 = tpu.memref_slice %arg2[%add3A, %dma_wait3A_118, %dma_wait3A_119] : memref<32x80x128xi32, #tpu.memory_space<hbm>> -> memref<1x80x128xi32, #tpu.memory_space<hbm>>
      %dma_wait3A_121 = tpu.memref_squeeze %dma_wait3A_120 : memref<1x80x128xi32, #tpu.memory_space<hbm>> -> memref<80x128xi32, #tpu.memory_space<hbm>>
      %dma_wait3A_122 = arith.constant 0 : i32
      %dma_wait3A_123 = arith.constant 0 : i32
      %dma_wait3A_124 = tpu.memref_slice %arg2[%add3A, %dma_wait3A_122, %dma_wait3A_123] : memref<32x80x128xi32, #tpu.memory_space<hbm>> -> memref<1x80x128xi32, #tpu.memory_space<hbm>>
      %dma_wait3A_125 = tpu.memref_squeeze %dma_wait3A_124 : memref<1x80x128xi32, #tpu.memory_space<hbm>> -> memref<80x128xi32, #tpu.memory_space<hbm>>
      tpu.wait_dma2 semaphore(%run_scoped3A : memref<!tpu.dma_semaphore, #tpu.memory_space<semaphore_mem>>) src(%dma_wait3A_125 : memref<80x128xi32, #tpu.memory_space<hbm>>) dst(%arg7 : memref<80x128xi32, #tpu.memory_space<vmem>>)
      tpu.yield
    }) : () -> ()
    "tpu.region"() ({
      %run_scoped3A = tpu.sem_alloc : memref<!tpu.dma_semaphore, #tpu.memory_space<semaphore_mem>>
      %dma_start3A_110 = arith.constant 0 : i32
      %dma_start3A_111 = arith.constant 0 : i32
      %dma_start3A_112 = tpu.memref_slice %arg3[%add3A, %dma_start3A_110, %dma_start3A_111] : memref<32x80x128xi32, #tpu.memory_space<hbm>> -> memref<1x80x128xi32, #tpu.memory_space<hbm>>
      %dma_start3A_113 = tpu.memref_squeeze %dma_start3A_112 : memref<1x80x128xi32, #tpu.memory_space<hbm>> -> memref<80x128xi32, #tpu.memory_space<hbm>>
      %dma_start3A_114 = arith.constant 0 : i32
      %dma_start3A_115 = arith.constant 0 : i32
      %dma_start3A_116 = tpu.memref_slice %arg3[%add3A, %dma_start3A_114, %dma_start3A_115] : memref<32x80x128xi32, #tpu.memory_space<hbm>> -> memref<1x80x128xi32, #tpu.memory_space<hbm>>
      %dma_start3A_117 = tpu.memref_squeeze %dma_start3A_116 : memref<1x80x128xi32, #tpu.memory_space<hbm>> -> memref<80x128xi32, #tpu.memory_space<hbm>>
      tpu.enqueue_dma source(%dma_start3A_117 : memref<80x128xi32, #tpu.memory_space<hbm>>) target(%arg8 : memref<80x128xi32, #tpu.memory_space<vmem>>) target_semaphore(%run_scoped3A : memref<!tpu.dma_semaphore, #tpu.memory_space<semaphore_mem>>)
      %dma_wait3A_118 = arith.constant 0 : i32
      %dma_wait3A_119 = arith.constant 0 : i32
      %dma_wait3A_120 = tpu.memref_slice %arg3[%add3A, %dma_wait3A_118, %dma_wait3A_119] : memref<32x80x128xi32, #tpu.memory_space<hbm>> -> memref<1x80x128xi32, #tpu.memory_space<hbm>>
      %dma_wait3A_121 = tpu.memref_squeeze %dma_wait3A_120 : memref<1x80x128xi32, #tpu.memory_space<hbm>> -> memref<80x128xi32, #tpu.memory_space<hbm>>
      %dma_wait3A_122 = arith.constant 0 : i32
      %dma_wait3A_123 = arith.constant 0 : i32
      %dma_wait3A_124 = tpu.memref_slice %arg3[%add3A, %dma_wait3A_122, %dma_wait3A_123] : memref<32x80x128xi32, #tpu.memory_space<hbm>> -> memref<1x80x128xi32, #tpu.memory_space<hbm>>
      %dma_wait3A_125 = tpu.memref_squeeze %dma_wait3A_124 : memref<1x80x128xi32, #tpu.memory_space<hbm>> -> memref<80x128xi32, #tpu.memory_space<hbm>>
      tpu.wait_dma2 semaphore(%run_scoped3A : memref<!tpu.dma_semaphore, #tpu.memory_space<semaphore_mem>>) src(%dma_wait3A_125 : memref<80x128xi32, #tpu.memory_space<hbm>>) dst(%arg8 : memref<80x128xi32, #tpu.memory_space<vmem>>)
      tpu.yield
    }) : () -> ()
    %mul3A_1 = arith.constant 640 : i32
    %mul3A_2 = arith.muli %arg1, %mul3A_1 : i32
    "tpu.region"() ({
      %run_scoped3A = tpu.sem_alloc : memref<!tpu.dma_semaphore, #tpu.memory_space<semaphore_mem>>
      %dma_start3A_110 = arith.constant 0 : i32
      %dma_start3A_111 = tpu.memref_slice %arg17[%mul3A_2, %dma_start3A_110] : memref<10240x64xf32, #tpu.memory_space<vmem_shared>> -> memref<640x64xf32, #tpu.memory_space<vmem_shared>>
      tpu.enqueue_dma source(%arg5 : memref<640x64xf32, #tpu.memory_space<hbm>>) target(%dma_start3A_111 : memref<640x64xf32, #tpu.memory_space<vmem_shared>>) target_semaphore(%run_scoped3A : memref<!tpu.dma_semaphore, #tpu.memory_space<semaphore_mem>>)
      %dma_wait3A_112 = arith.constant 0 : i32
      %dma_wait3A_113 = tpu.memref_slice %arg17[%mul3A_2, %dma_wait3A_112] : memref<10240x64xf32, #tpu.memory_space<vmem_shared>> -> memref<640x64xf32, #tpu.memory_space<vmem_shared>>
      tpu.wait_dma2 semaphore(%run_scoped3A : memref<!tpu.dma_semaphore, #tpu.memory_space<semaphore_mem>>) src(%arg5 : memref<640x64xf32, #tpu.memory_space<hbm>>) dst(%dma_wait3A_113 : memref<640x64xf32, #tpu.memory_space<vmem_shared>>)
      tpu.yield
    }) : () -> ()
    %barrier3A = arith.constant 0 : index
    tpu.barrier barrier_id(%barrier3A)
    %dma_start3A = arith.constant 0 : i32
    %dma_start3A_3 = arith.constant 0 : i32
    %dma_start3A_4 = tpu.memref_slice %arg7[%dma_start3A, %dma_start3A_3] : memref<80x128xi32, #tpu.memory_space<vmem>> -> memref<1x128xi32, #tpu.memory_space<vmem>>
    %dma_start3A_5 = tpu.memref_squeeze %dma_start3A_4 : memref<1x128xi32, #tpu.memory_space<vmem>> -> memref<128xi32, #tpu.memory_space<vmem>>
    %dma_start3A_6 = arith.constant 0 : i32
    %dma_start3A_7 = arith.constant 0 : i32
    %dma_start3A_8 = tpu.memref_slice %arg4[%dma_start3A_6, %dma_start3A_7] : memref<10000x64xf32, #tpu.memory_space<hbm>> -> memref<10000x64xf32, #tpu.memory_space<hbm>>
    tpu.enqueue_indirect_dma source(%dma_start3A_8 : memref<10000x64xf32, #tpu.memory_space<hbm>>) target(%arg9 : memref<128x64xf32, #tpu.memory_space<vmem>>) offsets(%dma_start3A_5 : memref<128xi32, #tpu.memory_space<vmem>>) semaphore(%arg18 : memref<!tpu.dma_semaphore, #tpu.memory_space<semaphore_mem>>)
    %dma_start3A_9 = arith.constant 1 : i32
    %dma_start3A_10 = arith.constant 0 : i32
    %dma_start3A_11 = tpu.memref_slice %arg7[%dma_start3A_9, %dma_start3A_10] : memref<80x128xi32, #tpu.memory_space<vmem>> -> memref<1x128xi32, #tpu.memory_space<vmem>>
    %dma_start3A_12 = tpu.memref_squeeze %dma_start3A_11 : memref<1x128xi32, #tpu.memory_space<vmem>> -> memref<128xi32, #tpu.memory_space<vmem>>
    %dma_start3A_13 = arith.constant 0 : i32
    %dma_start3A_14 = arith.constant 0 : i32
    %dma_start3A_15 = tpu.memref_slice %arg4[%dma_start3A_13, %dma_start3A_14] : memref<10000x64xf32, #tpu.memory_space<hbm>> -> memref<10000x64xf32, #tpu.memory_space<hbm>>
    tpu.enqueue_indirect_dma source(%dma_start3A_15 : memref<10000x64xf32, #tpu.memory_space<hbm>>) target(%arg10 : memref<128x64xf32, #tpu.memory_space<vmem>>) offsets(%dma_start3A_12 : memref<128xi32, #tpu.memory_space<vmem>>) semaphore(%arg19 : memref<!tpu.dma_semaphore, #tpu.memory_space<semaphore_mem>>)
    %dma_start3A_16 = arith.constant 2 : i32
    %dma_start3A_17 = arith.constant 0 : i32
    %dma_start3A_18 = tpu.memref_slice %arg7[%dma_start3A_16, %dma_start3A_17] : memref<80x128xi32, #tpu.memory_space<vmem>> -> memref<1x128xi32, #tpu.memory_space<vmem>>
    %dma_start3A_19 = tpu.memref_squeeze %dma_start3A_18 : memref<1x128xi32, #tpu.memory_space<vmem>> -> memref<128xi32, #tpu.memory_space<vmem>>
    %dma_start3A_20 = arith.constant 0 : i32
    %dma_start3A_21 = arith.constant 0 : i32
    %dma_start3A_22 = tpu.memref_slice %arg4[%dma_start3A_20, %dma_start3A_21] : memref<10000x64xf32, #tpu.memory_space<hbm>> -> memref<10000x64xf32, #tpu.memory_space<hbm>>
    tpu.enqueue_indirect_dma source(%dma_start3A_22 : memref<10000x64xf32, #tpu.memory_space<hbm>>) target(%arg11 : memref<128x64xf32, #tpu.memory_space<vmem>>) offsets(%dma_start3A_19 : memref<128xi32, #tpu.memory_space<vmem>>) semaphore(%arg20 : memref<!tpu.dma_semaphore, #tpu.memory_space<semaphore_mem>>)
    %dma_start3A_23 = arith.constant 3 : i32
    %dma_start3A_24 = arith.constant 0 : i32
    %dma_start3A_25 = tpu.memref_slice %arg7[%dma_start3A_23, %dma_start3A_24] : memref<80x128xi32, #tpu.memory_space<vmem>> -> memref<1x128xi32, #tpu.memory_space<vmem>>
    %dma_start3A_26 = tpu.memref_squeeze %dma_start3A_25 : memref<1x128xi32, #tpu.memory_space<vmem>> -> memref<128xi32, #tpu.memory_space<vmem>>
    %dma_start3A_27 = arith.constant 0 : i32
    %dma_start3A_28 = arith.constant 0 : i32
    %dma_start3A_29 = tpu.memref_slice %arg4[%dma_start3A_27, %dma_start3A_28] : memref<10000x64xf32, #tpu.memory_space<hbm>> -> memref<10000x64xf32, #tpu.memory_space<hbm>>
    tpu.enqueue_indirect_dma source(%dma_start3A_29 : memref<10000x64xf32, #tpu.memory_space<hbm>>) target(%arg12 : memref<128x64xf32, #tpu.memory_space<vmem>>) offsets(%dma_start3A_26 : memref<128xi32, #tpu.memory_space<vmem>>) semaphore(%arg21 : memref<!tpu.dma_semaphore, #tpu.memory_space<semaphore_mem>>)
    %dma_start3A_30 = arith.constant 4 : i32
    %dma_start3A_31 = arith.constant 0 : i32
    %dma_start3A_32 = tpu.memref_slice %arg7[%dma_start3A_30, %dma_start3A_31] : memref<80x128xi32, #tpu.memory_space<vmem>> -> memref<1x128xi32, #tpu.memory_space<vmem>>
    %dma_start3A_33 = tpu.memref_squeeze %dma_start3A_32 : memref<1x128xi32, #tpu.memory_space<vmem>> -> memref<128xi32, #tpu.memory_space<vmem>>
    %dma_start3A_34 = arith.constant 0 : i32
    %dma_start3A_35 = arith.constant 0 : i32
    %dma_start3A_36 = tpu.memref_slice %arg4[%dma_start3A_34, %dma_start3A_35] : memref<10000x64xf32, #tpu.memory_space<hbm>> -> memref<10000x64xf32, #tpu.memory_space<hbm>>
    tpu.enqueue_indirect_dma source(%dma_start3A_36 : memref<10000x64xf32, #tpu.memory_space<hbm>>) target(%arg13 : memref<128x64xf32, #tpu.memory_space<vmem>>) offsets(%dma_start3A_33 : memref<128xi32, #tpu.memory_space<vmem>>) semaphore(%arg22 : memref<!tpu.dma_semaphore, #tpu.memory_space<semaphore_mem>>)
    %dma_start3A_37 = arith.constant 5 : i32
    %dma_start3A_38 = arith.constant 0 : i32
    %dma_start3A_39 = tpu.memref_slice %arg7[%dma_start3A_37, %dma_start3A_38] : memref<80x128xi32, #tpu.memory_space<vmem>> -> memref<1x128xi32, #tpu.memory_space<vmem>>
    %dma_start3A_40 = tpu.memref_squeeze %dma_start3A_39 : memref<1x128xi32, #tpu.memory_space<vmem>> -> memref<128xi32, #tpu.memory_space<vmem>>
    %dma_start3A_41 = arith.constant 0 : i32
    %dma_start3A_42 = arith.constant 0 : i32
    %dma_start3A_43 = tpu.memref_slice %arg4[%dma_start3A_41, %dma_start3A_42] : memref<10000x64xf32, #tpu.memory_space<hbm>> -> memref<10000x64xf32, #tpu.memory_space<hbm>>
    tpu.enqueue_indirect_dma source(%dma_start3A_43 : memref<10000x64xf32, #tpu.memory_space<hbm>>) target(%arg14 : memref<128x64xf32, #tpu.memory_space<vmem>>) offsets(%dma_start3A_40 : memref<128xi32, #tpu.memory_space<vmem>>) semaphore(%arg23 : memref<!tpu.dma_semaphore, #tpu.memory_space<semaphore_mem>>)
    %dma_start3A_44 = arith.constant 6 : i32
    %dma_start3A_45 = arith.constant 0 : i32
    %dma_start3A_46 = tpu.memref_slice %arg7[%dma_start3A_44, %dma_start3A_45] : memref<80x128xi32, #tpu.memory_space<vmem>> -> memref<1x128xi32, #tpu.memory_space<vmem>>
    %dma_start3A_47 = tpu.memref_squeeze %dma_start3A_46 : memref<1x128xi32, #tpu.memory_space<vmem>> -> memref<128xi32, #tpu.memory_space<vmem>>
    %dma_start3A_48 = arith.constant 0 : i32
    %dma_start3A_49 = arith.constant 0 : i32
    %dma_start3A_50 = tpu.memref_slice %arg4[%dma_start3A_48, %dma_start3A_49] : memref<10000x64xf32, #tpu.memory_space<hbm>> -> memref<10000x64xf32, #tpu.memory_space<hbm>>
    tpu.enqueue_indirect_dma source(%dma_start3A_50 : memref<10000x64xf32, #tpu.memory_space<hbm>>) target(%arg15 : memref<128x64xf32, #tpu.memory_space<vmem>>) offsets(%dma_start3A_47 : memref<128xi32, #tpu.memory_space<vmem>>) semaphore(%arg24 : memref<!tpu.dma_semaphore, #tpu.memory_space<semaphore_mem>>)
    %dma_start3A_51 = arith.constant 7 : i32
    %dma_start3A_52 = arith.constant 0 : i32
    %dma_start3A_53 = tpu.memref_slice %arg7[%dma_start3A_51, %dma_start3A_52] : memref<80x128xi32, #tpu.memory_space<vmem>> -> memref<1x128xi32, #tpu.memory_space<vmem>>
    %dma_start3A_54 = tpu.memref_squeeze %dma_start3A_53 : memref<1x128xi32, #tpu.memory_space<vmem>> -> memref<128xi32, #tpu.memory_space<vmem>>
    %dma_start3A_55 = arith.constant 0 : i32
    %dma_start3A_56 = arith.constant 0 : i32
    %dma_start3A_57 = tpu.memref_slice %arg4[%dma_start3A_55, %dma_start3A_56] : memref<10000x64xf32, #tpu.memory_space<hbm>> -> memref<10000x64xf32, #tpu.memory_space<hbm>>
    tpu.enqueue_indirect_dma source(%dma_start3A_57 : memref<10000x64xf32, #tpu.memory_space<hbm>>) target(%arg16 : memref<128x64xf32, #tpu.memory_space<vmem>>) offsets(%dma_start3A_54 : memref<128xi32, #tpu.memory_space<vmem>>) semaphore(%arg25 : memref<!tpu.dma_semaphore, #tpu.memory_space<semaphore_mem>>)
    %scan3A = arith.constant 0 : i32
    %scan3A_58 = arith.constant 10 : i32
    %scan3A_59 = arith.addi %scan3A, %scan3A_58 : i32
    %scan3A_60 = arith.constant 1 : i32
    scf.for %scan3A_110 = %scan3A to %scan3A_59 step %scan3A_60  : i32 {
      %mul3A_111 = arith.constant 8 : i32
      %mul3A_112 = arith.muli %scan3A_110, %mul3A_111 : i32
      %add3A_113 = arith.constant 0 : i32
      %add3A_114 = arith.addi %add3A_113, %mul3A_112 : i32
      %dma_wait3A_115 = arith.constant 0 : i32
      %dma_wait3A_116 = arith.constant 0 : i32
      %dma_wait3A_117 = tpu.memref_slice %arg4[%dma_wait3A_115, %dma_wait3A_116] : memref<10000x64xf32, #tpu.memory_space<hbm>> -> memref<128x64xf32, #tpu.memory_space<hbm>>
      %dma_wait3A_118 = arith.constant 0 : i32
      %dma_wait3A_119 = arith.constant 0 : i32
      %dma_wait3A_120 = tpu.memref_slice %arg4[%dma_wait3A_118, %dma_wait3A_119] : memref<10000x64xf32, #tpu.memory_space<hbm>> -> memref<128x64xf32, #tpu.memory_space<hbm>>
      tpu.wait_dma2 semaphore(%arg18 : memref<!tpu.dma_semaphore, #tpu.memory_space<semaphore_mem>>) src(%dma_wait3A_120 : memref<128x64xf32, #tpu.memory_space<hbm>>) dst(%arg9 : memref<128x64xf32, #tpu.memory_space<vmem>>)
      %add3A_121 = arith.constant 0 : i32
      %add3A_122 = arith.addi %add3A_114, %add3A_121 : i32
      %dma_start3A_123 = arith.constant 0 : i32
      %dma_start3A_124 = tpu.memref_slice %arg8[%add3A_122, %dma_start3A_123] : memref<80x128xi32, #tpu.memory_space<vmem>> -> memref<1x128xi32, #tpu.memory_space<vmem>>
      %dma_start3A_125 = tpu.memref_squeeze %dma_start3A_124 : memref<1x128xi32, #tpu.memory_space<vmem>> -> memref<128xi32, #tpu.memory_space<vmem>>
      %dma_start3A_126 = arith.constant 0 : i32
      %dma_start3A_127 = arith.constant 0 : i32
      %dma_start3A_128 = tpu.memref_slice %arg17[%dma_start3A_126, %dma_start3A_127] : memref<10240x64xf32, #tpu.memory_space<vmem_shared>> -> memref<10240x64xf32, #tpu.memory_space<vmem_shared>>
      tpu.enqueue_indirect_dma source(%arg9 : memref<128x64xf32, #tpu.memory_space<vmem>>) target(%dma_start3A_128 : memref<10240x64xf32, #tpu.memory_space<vmem_shared>>) offsets(%dma_start3A_125 : memref<128xi32, #tpu.memory_space<vmem>>) semaphore(%arg26 : memref<!tpu.dma_semaphore, #tpu.memory_space<semaphore_mem>>) {add = true}
      %dma_wait3A_129 = arith.constant 0 : i32
      %dma_wait3A_130 = arith.constant 0 : i32
      %dma_wait3A_131 = tpu.memref_slice %arg4[%dma_wait3A_129, %dma_wait3A_130] : memref<10000x64xf32, #tpu.memory_space<hbm>> -> memref<128x64xf32, #tpu.memory_space<hbm>>
      %dma_wait3A_132 = arith.constant 0 : i32
      %dma_wait3A_133 = arith.constant 0 : i32
      %dma_wait3A_134 = tpu.memref_slice %arg4[%dma_wait3A_132, %dma_wait3A_133] : memref<10000x64xf32, #tpu.memory_space<hbm>> -> memref<128x64xf32, #tpu.memory_space<hbm>>
      tpu.wait_dma2 semaphore(%arg19 : memref<!tpu.dma_semaphore, #tpu.memory_space<semaphore_mem>>) src(%dma_wait3A_134 : memref<128x64xf32, #tpu.memory_space<hbm>>) dst(%arg10 : memref<128x64xf32, #tpu.memory_space<vmem>>)
      %add3A_135 = arith.constant 1 : i32
      %add3A_136 = arith.addi %add3A_114, %add3A_135 : i32
      %dma_start3A_137 = arith.constant 0 : i32
      %dma_start3A_138 = tpu.memref_slice %arg8[%add3A_136, %dma_start3A_137] : memref<80x128xi32, #tpu.memory_space<vmem>> -> memref<1x128xi32, #tpu.memory_space<vmem>>
      %dma_start3A_139 = tpu.memref_squeeze %dma_start3A_138 : memref<1x128xi32, #tpu.memory_space<vmem>> -> memref<128xi32, #tpu.memory_space<vmem>>
      %dma_start3A_140 = arith.constant 0 : i32
      %dma_start3A_141 = arith.constant 0 : i32
      %dma_start3A_142 = tpu.memref_slice %arg17[%dma_start3A_140, %dma_start3A_141] : memref<10240x64xf32, #tpu.memory_space<vmem_shared>> -> memref<10240x64xf32, #tpu.memory_space<vmem_shared>>
      tpu.enqueue_indirect_dma source(%arg10 : memref<128x64xf32, #tpu.memory_space<vmem>>) target(%dma_start3A_142 : memref<10240x64xf32, #tpu.memory_space<vmem_shared>>) offsets(%dma_start3A_139 : memref<128xi32, #tpu.memory_space<vmem>>) semaphore(%arg27 : memref<!tpu.dma_semaphore, #tpu.memory_space<semaphore_mem>>) {add = true}
      %dma_wait3A_143 = arith.constant 0 : i32
      %dma_wait3A_144 = arith.constant 0 : i32
      %dma_wait3A_145 = tpu.memref_slice %arg4[%dma_wait3A_143, %dma_wait3A_144] : memref<10000x64xf32, #tpu.memory_space<hbm>> -> memref<128x64xf32, #tpu.memory_space<hbm>>
      %dma_wait3A_146 = arith.constant 0 : i32
      %dma_wait3A_147 = arith.constant 0 : i32
      %dma_wait3A_148 = tpu.memref_slice %arg4[%dma_wait3A_146, %dma_wait3A_147] : memref<10000x64xf32, #tpu.memory_space<hbm>> -> memref<128x64xf32, #tpu.memory_space<hbm>>
      tpu.wait_dma2 semaphore(%arg20 : memref<!tpu.dma_semaphore, #tpu.memory_space<semaphore_mem>>) src(%dma_wait3A_148 : memref<128x64xf32, #tpu.memory_space<hbm>>) dst(%arg11 : memref<128x64xf32, #tpu.memory_space<vmem>>)
      %add3A_149 = arith.constant 2 : i32
      %add3A_150 = arith.addi %add3A_114, %add3A_149 : i32
      %dma_start3A_151 = arith.constant 0 : i32
      %dma_start3A_152 = tpu.memref_slice %arg8[%add3A_150, %dma_start3A_151] : memref<80x128xi32, #tpu.memory_space<vmem>> -> memref<1x128xi32, #tpu.memory_space<vmem>>
      %dma_start3A_153 = tpu.memref_squeeze %dma_start3A_152 : memref<1x128xi32, #tpu.memory_space<vmem>> -> memref<128xi32, #tpu.memory_space<vmem>>
      %dma_start3A_154 = arith.constant 0 : i32
      %dma_start3A_155 = arith.constant 0 : i32
      %dma_start3A_156 = tpu.memref_slice %arg17[%dma_start3A_154, %dma_start3A_155] : memref<10240x64xf32, #tpu.memory_space<vmem_shared>> -> memref<10240x64xf32, #tpu.memory_space<vmem_shared>>
      tpu.enqueue_indirect_dma source(%arg11 : memref<128x64xf32, #tpu.memory_space<vmem>>) target(%dma_start3A_156 : memref<10240x64xf32, #tpu.memory_space<vmem_shared>>) offsets(%dma_start3A_153 : memref<128xi32, #tpu.memory_space<vmem>>) semaphore(%arg28 : memref<!tpu.dma_semaphore, #tpu.memory_space<semaphore_mem>>) {add = true}
      %dma_wait3A_157 = arith.constant 0 : i32
      %dma_wait3A_158 = arith.constant 0 : i32
      %dma_wait3A_159 = tpu.memref_slice %arg4[%dma_wait3A_157, %dma_wait3A_158] : memref<10000x64xf32, #tpu.memory_space<hbm>> -> memref<128x64xf32, #tpu.memory_space<hbm>>
      %dma_wait3A_160 = arith.constant 0 : i32
      %dma_wait3A_161 = arith.constant 0 : i32
      %dma_wait3A_162 = tpu.memref_slice %arg4[%dma_wait3A_160, %dma_wait3A_161] : memref<10000x64xf32, #tpu.memory_space<hbm>> -> memref<128x64xf32, #tpu.memory_space<hbm>>
      tpu.wait_dma2 semaphore(%arg21 : memref<!tpu.dma_semaphore, #tpu.memory_space<semaphore_mem>>) src(%dma_wait3A_162 : memref<128x64xf32, #tpu.memory_space<hbm>>) dst(%arg12 : memref<128x64xf32, #tpu.memory_space<vmem>>)
      %add3A_163 = arith.constant 3 : i32
      %add3A_164 = arith.addi %add3A_114, %add3A_163 : i32
      %dma_start3A_165 = arith.constant 0 : i32
      %dma_start3A_166 = tpu.memref_slice %arg8[%add3A_164, %dma_start3A_165] : memref<80x128xi32, #tpu.memory_space<vmem>> -> memref<1x128xi32, #tpu.memory_space<vmem>>
      %dma_start3A_167 = tpu.memref_squeeze %dma_start3A_166 : memref<1x128xi32, #tpu.memory_space<vmem>> -> memref<128xi32, #tpu.memory_space<vmem>>
      %dma_start3A_168 = arith.constant 0 : i32
      %dma_start3A_169 = arith.constant 0 : i32
      %dma_start3A_170 = tpu.memref_slice %arg17[%dma_start3A_168, %dma_start3A_169] : memref<10240x64xf32, #tpu.memory_space<vmem_shared>> -> memref<10240x64xf32, #tpu.memory_space<vmem_shared>>
      tpu.enqueue_indirect_dma source(%arg12 : memref<128x64xf32, #tpu.memory_space<vmem>>) target(%dma_start3A_170 : memref<10240x64xf32, #tpu.memory_space<vmem_shared>>) offsets(%dma_start3A_167 : memref<128xi32, #tpu.memory_space<vmem>>) semaphore(%arg29 : memref<!tpu.dma_semaphore, #tpu.memory_space<semaphore_mem>>) {add = true}
      %dma_wait3A_171 = arith.constant 0 : i32
      %dma_wait3A_172 = arith.constant 0 : i32
      %dma_wait3A_173 = tpu.memref_slice %arg4[%dma_wait3A_171, %dma_wait3A_172] : memref<10000x64xf32, #tpu.memory_space<hbm>> -> memref<128x64xf32, #tpu.memory_space<hbm>>
      %dma_wait3A_174 = arith.constant 0 : i32
      %dma_wait3A_175 = arith.constant 0 : i32
      %dma_wait3A_176 = tpu.memref_slice %arg4[%dma_wait3A_174, %dma_wait3A_175] : memref<10000x64xf32, #tpu.memory_space<hbm>> -> memref<128x64xf32, #tpu.memory_space<hbm>>
      tpu.wait_dma2 semaphore(%arg22 : memref<!tpu.dma_semaphore, #tpu.memory_space<semaphore_mem>>) src(%dma_wait3A_176 : memref<128x64xf32, #tpu.memory_space<hbm>>) dst(%arg13 : memref<128x64xf32, #tpu.memory_space<vmem>>)
      %add3A_177 = arith.constant 4 : i32
      %add3A_178 = arith.addi %add3A_114, %add3A_177 : i32
      %dma_start3A_179 = arith.constant 0 : i32
      %dma_start3A_180 = tpu.memref_slice %arg8[%add3A_178, %dma_start3A_179] : memref<80x128xi32, #tpu.memory_space<vmem>> -> memref<1x128xi32, #tpu.memory_space<vmem>>
      %dma_start3A_181 = tpu.memref_squeeze %dma_start3A_180 : memref<1x128xi32, #tpu.memory_space<vmem>> -> memref<128xi32, #tpu.memory_space<vmem>>
      %dma_start3A_182 = arith.constant 0 : i32
      %dma_start3A_183 = arith.constant 0 : i32
      %dma_start3A_184 = tpu.memref_slice %arg17[%dma_start3A_182, %dma_start3A_183] : memref<10240x64xf32, #tpu.memory_space<vmem_shared>> -> memref<10240x64xf32, #tpu.memory_space<vmem_shared>>
      tpu.enqueue_indirect_dma source(%arg13 : memref<128x64xf32, #tpu.memory_space<vmem>>) target(%dma_start3A_184 : memref<10240x64xf32, #tpu.memory_space<vmem_shared>>) offsets(%dma_start3A_181 : memref<128xi32, #tpu.memory_space<vmem>>) semaphore(%arg30 : memref<!tpu.dma_semaphore, #tpu.memory_space<semaphore_mem>>) {add = true}
      %dma_wait3A_185 = arith.constant 0 : i32
      %dma_wait3A_186 = arith.constant 0 : i32
      %dma_wait3A_187 = tpu.memref_slice %arg4[%dma_wait3A_185, %dma_wait3A_186] : memref<10000x64xf32, #tpu.memory_space<hbm>> -> memref<128x64xf32, #tpu.memory_space<hbm>>
      %dma_wait3A_188 = arith.constant 0 : i32
      %dma_wait3A_189 = arith.constant 0 : i32
      %dma_wait3A_190 = tpu.memref_slice %arg4[%dma_wait3A_188, %dma_wait3A_189] : memref<10000x64xf32, #tpu.memory_space<hbm>> -> memref<128x64xf32, #tpu.memory_space<hbm>>
      tpu.wait_dma2 semaphore(%arg23 : memref<!tpu.dma_semaphore, #tpu.memory_space<semaphore_mem>>) src(%dma_wait3A_190 : memref<128x64xf32, #tpu.memory_space<hbm>>) dst(%arg14 : memref<128x64xf32, #tpu.memory_space<vmem>>)
      %add3A_191 = arith.constant 5 : i32
      %add3A_192 = arith.addi %add3A_114, %add3A_191 : i32
      %dma_start3A_193 = arith.constant 0 : i32
      %dma_start3A_194 = tpu.memref_slice %arg8[%add3A_192, %dma_start3A_193] : memref<80x128xi32, #tpu.memory_space<vmem>> -> memref<1x128xi32, #tpu.memory_space<vmem>>
      %dma_start3A_195 = tpu.memref_squeeze %dma_start3A_194 : memref<1x128xi32, #tpu.memory_space<vmem>> -> memref<128xi32, #tpu.memory_space<vmem>>
      %dma_start3A_196 = arith.constant 0 : i32
      %dma_start3A_197 = arith.constant 0 : i32
      %dma_start3A_198 = tpu.memref_slice %arg17[%dma_start3A_196, %dma_start3A_197] : memref<10240x64xf32, #tpu.memory_space<vmem_shared>> -> memref<10240x64xf32, #tpu.memory_space<vmem_shared>>
      tpu.enqueue_indirect_dma source(%arg14 : memref<128x64xf32, #tpu.memory_space<vmem>>) target(%dma_start3A_198 : memref<10240x64xf32, #tpu.memory_space<vmem_shared>>) offsets(%dma_start3A_195 : memref<128xi32, #tpu.memory_space<vmem>>) semaphore(%arg31 : memref<!tpu.dma_semaphore, #tpu.memory_space<semaphore_mem>>) {add = true}
      %dma_wait3A_199 = arith.constant 0 : i32
      %dma_wait3A_200 = arith.constant 0 : i32
      %dma_wait3A_201 = tpu.memref_slice %arg4[%dma_wait3A_199, %dma_wait3A_200] : memref<10000x64xf32, #tpu.memory_space<hbm>> -> memref<128x64xf32, #tpu.memory_space<hbm>>
      %dma_wait3A_202 = arith.constant 0 : i32
      %dma_wait3A_203 = arith.constant 0 : i32
      %dma_wait3A_204 = tpu.memref_slice %arg4[%dma_wait3A_202, %dma_wait3A_203] : memref<10000x64xf32, #tpu.memory_space<hbm>> -> memref<128x64xf32, #tpu.memory_space<hbm>>
      tpu.wait_dma2 semaphore(%arg24 : memref<!tpu.dma_semaphore, #tpu.memory_space<semaphore_mem>>) src(%dma_wait3A_204 : memref<128x64xf32, #tpu.memory_space<hbm>>) dst(%arg15 : memref<128x64xf32, #tpu.memory_space<vmem>>)
      %add3A_205 = arith.constant 6 : i32
      %add3A_206 = arith.addi %add3A_114, %add3A_205 : i32
      %dma_start3A_207 = arith.constant 0 : i32
      %dma_start3A_208 = tpu.memref_slice %arg8[%add3A_206, %dma_start3A_207] : memref<80x128xi32, #tpu.memory_space<vmem>> -> memref<1x128xi32, #tpu.memory_space<vmem>>
      %dma_start3A_209 = tpu.memref_squeeze %dma_start3A_208 : memref<1x128xi32, #tpu.memory_space<vmem>> -> memref<128xi32, #tpu.memory_space<vmem>>
      %dma_start3A_210 = arith.constant 0 : i32
      %dma_start3A_211 = arith.constant 0 : i32
      %dma_start3A_212 = tpu.memref_slice %arg17[%dma_start3A_210, %dma_start3A_211] : memref<10240x64xf32, #tpu.memory_space<vmem_shared>> -> memref<10240x64xf32, #tpu.memory_space<vmem_shared>>
      tpu.enqueue_indirect_dma source(%arg15 : memref<128x64xf32, #tpu.memory_space<vmem>>) target(%dma_start3A_212 : memref<10240x64xf32, #tpu.memory_space<vmem_shared>>) offsets(%dma_start3A_209 : memref<128xi32, #tpu.memory_space<vmem>>) semaphore(%arg32 : memref<!tpu.dma_semaphore, #tpu.memory_space<semaphore_mem>>) {add = true}
      %dma_wait3A_213 = arith.constant 0 : i32
      %dma_wait3A_214 = arith.constant 0 : i32
      %dma_wait3A_215 = tpu.memref_slice %arg4[%dma_wait3A_213, %dma_wait3A_214] : memref<10000x64xf32, #tpu.memory_space<hbm>> -> memref<128x64xf32, #tpu.memory_space<hbm>>
      %dma_wait3A_216 = arith.constant 0 : i32
      %dma_wait3A_217 = arith.constant 0 : i32
      %dma_wait3A_218 = tpu.memref_slice %arg4[%dma_wait3A_216, %dma_wait3A_217] : memref<10000x64xf32, #tpu.memory_space<hbm>> -> memref<128x64xf32, #tpu.memory_space<hbm>>
      tpu.wait_dma2 semaphore(%arg25 : memref<!tpu.dma_semaphore, #tpu.memory_space<semaphore_mem>>) src(%dma_wait3A_218 : memref<128x64xf32, #tpu.memory_space<hbm>>) dst(%arg16 : memref<128x64xf32, #tpu.memory_space<vmem>>)
      %add3A_219 = arith.constant 7 : i32
      %add3A_220 = arith.addi %add3A_114, %add3A_219 : i32
      %dma_start3A_221 = arith.constant 0 : i32
      %dma_start3A_222 = tpu.memref_slice %arg8[%add3A_220, %dma_start3A_221] : memref<80x128xi32, #tpu.memory_space<vmem>> -> memref<1x128xi32, #tpu.memory_space<vmem>>
      %dma_start3A_223 = tpu.memref_squeeze %dma_start3A_222 : memref<1x128xi32, #tpu.memory_space<vmem>> -> memref<128xi32, #tpu.memory_space<vmem>>
      %dma_start3A_224 = arith.constant 0 : i32
      %dma_start3A_225 = arith.constant 0 : i32
      %dma_start3A_226 = tpu.memref_slice %arg17[%dma_start3A_224, %dma_start3A_225] : memref<10240x64xf32, #tpu.memory_space<vmem_shared>> -> memref<10240x64xf32, #tpu.memory_space<vmem_shared>>
      tpu.enqueue_indirect_dma source(%arg16 : memref<128x64xf32, #tpu.memory_space<vmem>>) target(%dma_start3A_226 : memref<10240x64xf32, #tpu.memory_space<vmem_shared>>) offsets(%dma_start3A_223 : memref<128xi32, #tpu.memory_space<vmem>>) semaphore(%arg33 : memref<!tpu.dma_semaphore, #tpu.memory_space<semaphore_mem>>) {add = true}
      %add3A_227 = arith.constant 8 : i32
      %add3A_228 = arith.addi %add3A_114, %add3A_227 : i32
      %add3A_229 = arith.constant 0 : i32
      %add3A_230 = arith.addi %add3A_228, %add3A_229 : i32
      %lt3A = arith.constant 80 : i32
      %lt3A_231 = arith.cmpi slt, %add3A_230, %lt3A : i32
      %convert_element_type3A = arith.extui %lt3A_231 : i1 to i32
      %cond3A = arith.constant 0 : i32
      %cond3A_232 = arith.cmpi ne, %convert_element_type3A, %cond3A : i32
      scf.if %cond3A_232 {
        %dma_wait3A_296 = arith.constant 0 : i32
        %dma_wait3A_297 = arith.constant 0 : i32
        %dma_wait3A_298 = tpu.memref_slice %arg4[%dma_wait3A_296, %dma_wait3A_297] : memref<10000x64xf32, #tpu.memory_space<hbm>> -> memref<128x64xf32, #tpu.memory_space<hbm>>
        %dma_wait3A_299 = arith.constant 0 : i32
        %dma_wait3A_300 = arith.constant 0 : i32
        %dma_wait3A_301 = tpu.memref_slice %arg4[%dma_wait3A_299, %dma_wait3A_300] : memref<10000x64xf32, #tpu.memory_space<hbm>> -> memref<128x64xf32, #tpu.memory_space<hbm>>
        tpu.wait_dma2 semaphore(%arg26 : memref<!tpu.dma_semaphore, #tpu.memory_space<semaphore_mem>>) src(%dma_wait3A_301 : memref<128x64xf32, #tpu.memory_space<hbm>>) dst(%arg9 : memref<128x64xf32, #tpu.memory_space<vmem>>)
        %dma_start3A_302 = arith.constant 0 : i32
        %dma_start3A_303 = tpu.memref_slice %arg7[%add3A_230, %dma_start3A_302] : memref<80x128xi32, #tpu.memory_space<vmem>> -> memref<1x128xi32, #tpu.memory_space<vmem>>
        %dma_start3A_304 = tpu.memref_squeeze %dma_start3A_303 : memref<1x128xi32, #tpu.memory_space<vmem>> -> memref<128xi32, #tpu.memory_space<vmem>>
        %dma_start3A_305 = arith.constant 0 : i32
        %dma_start3A_306 = arith.constant 0 : i32
        %dma_start3A_307 = tpu.memref_slice %arg4[%dma_start3A_305, %dma_start3A_306] : memref<10000x64xf32, #tpu.memory_space<hbm>> -> memref<10000x64xf32, #tpu.memory_space<hbm>>
        tpu.enqueue_indirect_dma source(%dma_start3A_307 : memref<10000x64xf32, #tpu.memory_space<hbm>>) target(%arg9 : memref<128x64xf32, #tpu.memory_space<vmem>>) offsets(%dma_start3A_304 : memref<128xi32, #tpu.memory_space<vmem>>) semaphore(%arg18 : memref<!tpu.dma_semaphore, #tpu.memory_space<semaphore_mem>>)
      } else {
      }
      %add3A_233 = arith.constant 8 : i32
      %add3A_234 = arith.addi %add3A_114, %add3A_233 : i32
      %add3A_235 = arith.constant 1 : i32
      %add3A_236 = arith.addi %add3A_234, %add3A_235 : i32
      %lt3A_237 = arith.constant 80 : i32
      %lt3A_238 = arith.cmpi slt, %add3A_236, %lt3A_237 : i32
      %convert_element_type3A_239 = arith.extui %lt3A_238 : i1 to i32
      %cond3A_240 = arith.constant 0 : i32
      %cond3A_241 = arith.cmpi ne, %convert_element_type3A_239, %cond3A_240 : i32
      scf.if %cond3A_241 {
        %dma_wait3A_296 = arith.constant 0 : i32
        %dma_wait3A_297 = arith.constant 0 : i32
        %dma_wait3A_298 = tpu.memref_slice %arg4[%dma_wait3A_296, %dma_wait3A_297] : memref<10000x64xf32, #tpu.memory_space<hbm>> -> memref<128x64xf32, #tpu.memory_space<hbm>>
        %dma_wait3A_299 = arith.constant 0 : i32
        %dma_wait3A_300 = arith.constant 0 : i32
        %dma_wait3A_301 = tpu.memref_slice %arg4[%dma_wait3A_299, %dma_wait3A_300] : memref<10000x64xf32, #tpu.memory_space<hbm>> -> memref<128x64xf32, #tpu.memory_space<hbm>>
        tpu.wait_dma2 semaphore(%arg27 : memref<!tpu.dma_semaphore, #tpu.memory_space<semaphore_mem>>) src(%dma_wait3A_301 : memref<128x64xf32, #tpu.memory_space<hbm>>) dst(%arg10 : memref<128x64xf32, #tpu.memory_space<vmem>>)
        %dma_start3A_302 = arith.constant 0 : i32
        %dma_start3A_303 = tpu.memref_slice %arg7[%add3A_236, %dma_start3A_302] : memref<80x128xi32, #tpu.memory_space<vmem>> -> memref<1x128xi32, #tpu.memory_space<vmem>>
        %dma_start3A_304 = tpu.memref_squeeze %dma_start3A_303 : memref<1x128xi32, #tpu.memory_space<vmem>> -> memref<128xi32, #tpu.memory_space<vmem>>
        %dma_start3A_305 = arith.constant 0 : i32
        %dma_start3A_306 = arith.constant 0 : i32
        %dma_start3A_307 = tpu.memref_slice %arg4[%dma_start3A_305, %dma_start3A_306] : memref<10000x64xf32, #tpu.memory_space<hbm>> -> memref<10000x64xf32, #tpu.memory_space<hbm>>
        tpu.enqueue_indirect_dma source(%dma_start3A_307 : memref<10000x64xf32, #tpu.memory_space<hbm>>) target(%arg10 : memref<128x64xf32, #tpu.memory_space<vmem>>) offsets(%dma_start3A_304 : memref<128xi32, #tpu.memory_space<vmem>>) semaphore(%arg19 : memref<!tpu.dma_semaphore, #tpu.memory_space<semaphore_mem>>)
      } else {
      }
      %add3A_242 = arith.constant 8 : i32
      %add3A_243 = arith.addi %add3A_114, %add3A_242 : i32
      %add3A_244 = arith.constant 2 : i32
      %add3A_245 = arith.addi %add3A_243, %add3A_244 : i32
      %lt3A_246 = arith.constant 80 : i32
      %lt3A_247 = arith.cmpi slt, %add3A_245, %lt3A_246 : i32
      %convert_element_type3A_248 = arith.extui %lt3A_247 : i1 to i32
      %cond3A_249 = arith.constant 0 : i32
      %cond3A_250 = arith.cmpi ne, %convert_element_type3A_248, %cond3A_249 : i32
      scf.if %cond3A_250 {
        %dma_wait3A_296 = arith.constant 0 : i32
        %dma_wait3A_297 = arith.constant 0 : i32
        %dma_wait3A_298 = tpu.memref_slice %arg4[%dma_wait3A_296, %dma_wait3A_297] : memref<10000x64xf32, #tpu.memory_space<hbm>> -> memref<128x64xf32, #tpu.memory_space<hbm>>
        %dma_wait3A_299 = arith.constant 0 : i32
        %dma_wait3A_300 = arith.constant 0 : i32
        %dma_wait3A_301 = tpu.memref_slice %arg4[%dma_wait3A_299, %dma_wait3A_300] : memref<10000x64xf32, #tpu.memory_space<hbm>> -> memref<128x64xf32, #tpu.memory_space<hbm>>
        tpu.wait_dma2 semaphore(%arg28 : memref<!tpu.dma_semaphore, #tpu.memory_space<semaphore_mem>>) src(%dma_wait3A_301 : memref<128x64xf32, #tpu.memory_space<hbm>>) dst(%arg11 : memref<128x64xf32, #tpu.memory_space<vmem>>)
        %dma_start3A_302 = arith.constant 0 : i32
        %dma_start3A_303 = tpu.memref_slice %arg7[%add3A_245, %dma_start3A_302] : memref<80x128xi32, #tpu.memory_space<vmem>> -> memref<1x128xi32, #tpu.memory_space<vmem>>
        %dma_start3A_304 = tpu.memref_squeeze %dma_start3A_303 : memref<1x128xi32, #tpu.memory_space<vmem>> -> memref<128xi32, #tpu.memory_space<vmem>>
        %dma_start3A_305 = arith.constant 0 : i32
        %dma_start3A_306 = arith.constant 0 : i32
        %dma_start3A_307 = tpu.memref_slice %arg4[%dma_start3A_305, %dma_start3A_306] : memref<10000x64xf32, #tpu.memory_space<hbm>> -> memref<10000x64xf32, #tpu.memory_space<hbm>>
        tpu.enqueue_indirect_dma source(%dma_start3A_307 : memref<10000x64xf32, #tpu.memory_space<hbm>>) target(%arg11 : memref<128x64xf32, #tpu.memory_space<vmem>>) offsets(%dma_start3A_304 : memref<128xi32, #tpu.memory_space<vmem>>) semaphore(%arg20 : memref<!tpu.dma_semaphore, #tpu.memory_space<semaphore_mem>>)
      } else {
      }
      %add3A_251 = arith.constant 8 : i32
      %add3A_252 = arith.addi %add3A_114, %add3A_251 : i32
      %add3A_253 = arith.constant 3 : i32
      %add3A_254 = arith.addi %add3A_252, %add3A_253 : i32
      %lt3A_255 = arith.constant 80 : i32
      %lt3A_256 = arith.cmpi slt, %add3A_254, %lt3A_255 : i32
      %convert_element_type3A_257 = arith.extui %lt3A_256 : i1 to i32
      %cond3A_258 = arith.constant 0 : i32
      %cond3A_259 = arith.cmpi ne, %convert_element_type3A_257, %cond3A_258 : i32
      scf.if %cond3A_259 {
        %dma_wait3A_296 = arith.constant 0 : i32
        %dma_wait3A_297 = arith.constant 0 : i32
        %dma_wait3A_298 = tpu.memref_slice %arg4[%dma_wait3A_296, %dma_wait3A_297] : memref<10000x64xf32, #tpu.memory_space<hbm>> -> memref<128x64xf32, #tpu.memory_space<hbm>>
        %dma_wait3A_299 = arith.constant 0 : i32
        %dma_wait3A_300 = arith.constant 0 : i32
        %dma_wait3A_301 = tpu.memref_slice %arg4[%dma_wait3A_299, %dma_wait3A_300] : memref<10000x64xf32, #tpu.memory_space<hbm>> -> memref<128x64xf32, #tpu.memory_space<hbm>>
        tpu.wait_dma2 semaphore(%arg29 : memref<!tpu.dma_semaphore, #tpu.memory_space<semaphore_mem>>) src(%dma_wait3A_301 : memref<128x64xf32, #tpu.memory_space<hbm>>) dst(%arg12 : memref<128x64xf32, #tpu.memory_space<vmem>>)
        %dma_start3A_302 = arith.constant 0 : i32
        %dma_start3A_303 = tpu.memref_slice %arg7[%add3A_254, %dma_start3A_302] : memref<80x128xi32, #tpu.memory_space<vmem>> -> memref<1x128xi32, #tpu.memory_space<vmem>>
        %dma_start3A_304 = tpu.memref_squeeze %dma_start3A_303 : memref<1x128xi32, #tpu.memory_space<vmem>> -> memref<128xi32, #tpu.memory_space<vmem>>
        %dma_start3A_305 = arith.constant 0 : i32
        %dma_start3A_306 = arith.constant 0 : i32
        %dma_start3A_307 = tpu.memref_slice %arg4[%dma_start3A_305, %dma_start3A_306] : memref<10000x64xf32, #tpu.memory_space<hbm>> -> memref<10000x64xf32, #tpu.memory_space<hbm>>
        tpu.enqueue_indirect_dma source(%dma_start3A_307 : memref<10000x64xf32, #tpu.memory_space<hbm>>) target(%arg12 : memref<128x64xf32, #tpu.memory_space<vmem>>) offsets(%dma_start3A_304 : memref<128xi32, #tpu.memory_space<vmem>>) semaphore(%arg21 : memref<!tpu.dma_semaphore, #tpu.memory_space<semaphore_mem>>)
      } else {
      }
      %add3A_260 = arith.constant 8 : i32
      %add3A_261 = arith.addi %add3A_114, %add3A_260 : i32
      %add3A_262 = arith.constant 4 : i32
      %add3A_263 = arith.addi %add3A_261, %add3A_262 : i32
      %lt3A_264 = arith.constant 80 : i32
      %lt3A_265 = arith.cmpi slt, %add3A_263, %lt3A_264 : i32
      %convert_element_type3A_266 = arith.extui %lt3A_265 : i1 to i32
      %cond3A_267 = arith.constant 0 : i32
      %cond3A_268 = arith.cmpi ne, %convert_element_type3A_266, %cond3A_267 : i32
      scf.if %cond3A_268 {
        %dma_wait3A_296 = arith.constant 0 : i32
        %dma_wait3A_297 = arith.constant 0 : i32
        %dma_wait3A_298 = tpu.memref_slice %arg4[%dma_wait3A_296, %dma_wait3A_297] : memref<10000x64xf32, #tpu.memory_space<hbm>> -> memref<128x64xf32, #tpu.memory_space<hbm>>
        %dma_wait3A_299 = arith.constant 0 : i32
        %dma_wait3A_300 = arith.constant 0 : i32
        %dma_wait3A_301 = tpu.memref_slice %arg4[%dma_wait3A_299, %dma_wait3A_300] : memref<10000x64xf32, #tpu.memory_space<hbm>> -> memref<128x64xf32, #tpu.memory_space<hbm>>
        tpu.wait_dma2 semaphore(%arg30 : memref<!tpu.dma_semaphore, #tpu.memory_space<semaphore_mem>>) src(%dma_wait3A_301 : memref<128x64xf32, #tpu.memory_space<hbm>>) dst(%arg13 : memref<128x64xf32, #tpu.memory_space<vmem>>)
        %dma_start3A_302 = arith.constant 0 : i32
        %dma_start3A_303 = tpu.memref_slice %arg7[%add3A_263, %dma_start3A_302] : memref<80x128xi32, #tpu.memory_space<vmem>> -> memref<1x128xi32, #tpu.memory_space<vmem>>
        %dma_start3A_304 = tpu.memref_squeeze %dma_start3A_303 : memref<1x128xi32, #tpu.memory_space<vmem>> -> memref<128xi32, #tpu.memory_space<vmem>>
        %dma_start3A_305 = arith.constant 0 : i32
        %dma_start3A_306 = arith.constant 0 : i32
        %dma_start3A_307 = tpu.memref_slice %arg4[%dma_start3A_305, %dma_start3A_306] : memref<10000x64xf32, #tpu.memory_space<hbm>> -> memref<10000x64xf32, #tpu.memory_space<hbm>>
        tpu.enqueue_indirect_dma source(%dma_start3A_307 : memref<10000x64xf32, #tpu.memory_space<hbm>>) target(%arg13 : memref<128x64xf32, #tpu.memory_space<vmem>>) offsets(%dma_start3A_304 : memref<128xi32, #tpu.memory_space<vmem>>) semaphore(%arg22 : memref<!tpu.dma_semaphore, #tpu.memory_space<semaphore_mem>>)
      } else {
      }
      %add3A_269 = arith.constant 8 : i32
      %add3A_270 = arith.addi %add3A_114, %add3A_269 : i32
      %add3A_271 = arith.constant 5 : i32
      %add3A_272 = arith.addi %add3A_270, %add3A_271 : i32
      %lt3A_273 = arith.constant 80 : i32
      %lt3A_274 = arith.cmpi slt, %add3A_272, %lt3A_273 : i32
      %convert_element_type3A_275 = arith.extui %lt3A_274 : i1 to i32
      %cond3A_276 = arith.constant 0 : i32
      %cond3A_277 = arith.cmpi ne, %convert_element_type3A_275, %cond3A_276 : i32
      scf.if %cond3A_277 {
        %dma_wait3A_296 = arith.constant 0 : i32
        %dma_wait3A_297 = arith.constant 0 : i32
        %dma_wait3A_298 = tpu.memref_slice %arg4[%dma_wait3A_296, %dma_wait3A_297] : memref<10000x64xf32, #tpu.memory_space<hbm>> -> memref<128x64xf32, #tpu.memory_space<hbm>>
        %dma_wait3A_299 = arith.constant 0 : i32
        %dma_wait3A_300 = arith.constant 0 : i32
        %dma_wait3A_301 = tpu.memref_slice %arg4[%dma_wait3A_299, %dma_wait3A_300] : memref<10000x64xf32, #tpu.memory_space<hbm>> -> memref<128x64xf32, #tpu.memory_space<hbm>>
        tpu.wait_dma2 semaphore(%arg31 : memref<!tpu.dma_semaphore, #tpu.memory_space<semaphore_mem>>) src(%dma_wait3A_301 : memref<128x64xf32, #tpu.memory_space<hbm>>) dst(%arg14 : memref<128x64xf32, #tpu.memory_space<vmem>>)
        %dma_start3A_302 = arith.constant 0 : i32
        %dma_start3A_303 = tpu.memref_slice %arg7[%add3A_272, %dma_start3A_302] : memref<80x128xi32, #tpu.memory_space<vmem>> -> memref<1x128xi32, #tpu.memory_space<vmem>>
        %dma_start3A_304 = tpu.memref_squeeze %dma_start3A_303 : memref<1x128xi32, #tpu.memory_space<vmem>> -> memref<128xi32, #tpu.memory_space<vmem>>
        %dma_start3A_305 = arith.constant 0 : i32
        %dma_start3A_306 = arith.constant 0 : i32
        %dma_start3A_307 = tpu.memref_slice %arg4[%dma_start3A_305, %dma_start3A_306] : memref<10000x64xf32, #tpu.memory_space<hbm>> -> memref<10000x64xf32, #tpu.memory_space<hbm>>
        tpu.enqueue_indirect_dma source(%dma_start3A_307 : memref<10000x64xf32, #tpu.memory_space<hbm>>) target(%arg14 : memref<128x64xf32, #tpu.memory_space<vmem>>) offsets(%dma_start3A_304 : memref<128xi32, #tpu.memory_space<vmem>>) semaphore(%arg23 : memref<!tpu.dma_semaphore, #tpu.memory_space<semaphore_mem>>)
      } else {
      }
      %add3A_278 = arith.constant 8 : i32
      %add3A_279 = arith.addi %add3A_114, %add3A_278 : i32
      %add3A_280 = arith.constant 6 : i32
      %add3A_281 = arith.addi %add3A_279, %add3A_280 : i32
      %lt3A_282 = arith.constant 80 : i32
      %lt3A_283 = arith.cmpi slt, %add3A_281, %lt3A_282 : i32
      %convert_element_type3A_284 = arith.extui %lt3A_283 : i1 to i32
      %cond3A_285 = arith.constant 0 : i32
      %cond3A_286 = arith.cmpi ne, %convert_element_type3A_284, %cond3A_285 : i32
      scf.if %cond3A_286 {
        %dma_wait3A_296 = arith.constant 0 : i32
        %dma_wait3A_297 = arith.constant 0 : i32
        %dma_wait3A_298 = tpu.memref_slice %arg4[%dma_wait3A_296, %dma_wait3A_297] : memref<10000x64xf32, #tpu.memory_space<hbm>> -> memref<128x64xf32, #tpu.memory_space<hbm>>
        %dma_wait3A_299 = arith.constant 0 : i32
        %dma_wait3A_300 = arith.constant 0 : i32
        %dma_wait3A_301 = tpu.memref_slice %arg4[%dma_wait3A_299, %dma_wait3A_300] : memref<10000x64xf32, #tpu.memory_space<hbm>> -> memref<128x64xf32, #tpu.memory_space<hbm>>
        tpu.wait_dma2 semaphore(%arg32 : memref<!tpu.dma_semaphore, #tpu.memory_space<semaphore_mem>>) src(%dma_wait3A_301 : memref<128x64xf32, #tpu.memory_space<hbm>>) dst(%arg15 : memref<128x64xf32, #tpu.memory_space<vmem>>)
        %dma_start3A_302 = arith.constant 0 : i32
        %dma_start3A_303 = tpu.memref_slice %arg7[%add3A_281, %dma_start3A_302] : memref<80x128xi32, #tpu.memory_space<vmem>> -> memref<1x128xi32, #tpu.memory_space<vmem>>
        %dma_start3A_304 = tpu.memref_squeeze %dma_start3A_303 : memref<1x128xi32, #tpu.memory_space<vmem>> -> memref<128xi32, #tpu.memory_space<vmem>>
        %dma_start3A_305 = arith.constant 0 : i32
        %dma_start3A_306 = arith.constant 0 : i32
        %dma_start3A_307 = tpu.memref_slice %arg4[%dma_start3A_305, %dma_start3A_306] : memref<10000x64xf32, #tpu.memory_space<hbm>> -> memref<10000x64xf32, #tpu.memory_space<hbm>>
        tpu.enqueue_indirect_dma source(%dma_start3A_307 : memref<10000x64xf32, #tpu.memory_space<hbm>>) target(%arg15 : memref<128x64xf32, #tpu.memory_space<vmem>>) offsets(%dma_start3A_304 : memref<128xi32, #tpu.memory_space<vmem>>) semaphore(%arg24 : memref<!tpu.dma_semaphore, #tpu.memory_space<semaphore_mem>>)
      } else {
      }
      %add3A_287 = arith.constant 8 : i32
      %add3A_288 = arith.addi %add3A_114, %add3A_287 : i32
      %add3A_289 = arith.constant 7 : i32
      %add3A_290 = arith.addi %add3A_288, %add3A_289 : i32
      %lt3A_291 = arith.constant 80 : i32
      %lt3A_292 = arith.cmpi slt, %add3A_290, %lt3A_291 : i32
      %convert_element_type3A_293 = arith.extui %lt3A_292 : i1 to i32
      %cond3A_294 = arith.constant 0 : i32
      %cond3A_295 = arith.cmpi ne, %convert_element_type3A_293, %cond3A_294 : i32
      scf.if %cond3A_295 {
        %dma_wait3A_296 = arith.constant 0 : i32
        %dma_wait3A_297 = arith.constant 0 : i32
        %dma_wait3A_298 = tpu.memref_slice %arg4[%dma_wait3A_296, %dma_wait3A_297] : memref<10000x64xf32, #tpu.memory_space<hbm>> -> memref<128x64xf32, #tpu.memory_space<hbm>>
        %dma_wait3A_299 = arith.constant 0 : i32
        %dma_wait3A_300 = arith.constant 0 : i32
        %dma_wait3A_301 = tpu.memref_slice %arg4[%dma_wait3A_299, %dma_wait3A_300] : memref<10000x64xf32, #tpu.memory_space<hbm>> -> memref<128x64xf32, #tpu.memory_space<hbm>>
        tpu.wait_dma2 semaphore(%arg33 : memref<!tpu.dma_semaphore, #tpu.memory_space<semaphore_mem>>) src(%dma_wait3A_301 : memref<128x64xf32, #tpu.memory_space<hbm>>) dst(%arg16 : memref<128x64xf32, #tpu.memory_space<vmem>>)
        %dma_start3A_302 = arith.constant 0 : i32
        %dma_start3A_303 = tpu.memref_slice %arg7[%add3A_290, %dma_start3A_302] : memref<80x128xi32, #tpu.memory_space<vmem>> -> memref<1x128xi32, #tpu.memory_space<vmem>>
        %dma_start3A_304 = tpu.memref_squeeze %dma_start3A_303 : memref<1x128xi32, #tpu.memory_space<vmem>> -> memref<128xi32, #tpu.memory_space<vmem>>
        %dma_start3A_305 = arith.constant 0 : i32
        %dma_start3A_306 = arith.constant 0 : i32
        %dma_start3A_307 = tpu.memref_slice %arg4[%dma_start3A_305, %dma_start3A_306] : memref<10000x64xf32, #tpu.memory_space<hbm>> -> memref<10000x64xf32, #tpu.memory_space<hbm>>
        tpu.enqueue_indirect_dma source(%dma_start3A_307 : memref<10000x64xf32, #tpu.memory_space<hbm>>) target(%arg16 : memref<128x64xf32, #tpu.memory_space<vmem>>) offsets(%dma_start3A_304 : memref<128xi32, #tpu.memory_space<vmem>>) semaphore(%arg25 : memref<!tpu.dma_semaphore, #tpu.memory_space<semaphore_mem>>)
      } else {
      }
    }
    %scan3A_61 = arith.constant 10 : i32
    %dma_wait3A = arith.constant 0 : i32
    %dma_wait3A_62 = arith.constant 0 : i32
    %dma_wait3A_63 = tpu.memref_slice %arg4[%dma_wait3A, %dma_wait3A_62] : memref<10000x64xf32, #tpu.memory_space<hbm>> -> memref<128x64xf32, #tpu.memory_space<hbm>>
    %dma_wait3A_64 = arith.constant 0 : i32
    %dma_wait3A_65 = arith.constant 0 : i32
    %dma_wait3A_66 = tpu.memref_slice %arg4[%dma_wait3A_64, %dma_wait3A_65] : memref<10000x64xf32, #tpu.memory_space<hbm>> -> memref<128x64xf32, #tpu.memory_space<hbm>>
    tpu.wait_dma2 semaphore(%arg26 : memref<!tpu.dma_semaphore, #tpu.memory_space<semaphore_mem>>) src(%dma_wait3A_66 : memref<128x64xf32, #tpu.memory_space<hbm>>) dst(%arg9 : memref<128x64xf32, #tpu.memory_space<vmem>>)
    %dma_wait3A_67 = arith.constant 0 : i32
    %dma_wait3A_68 = arith.constant 0 : i32
    %dma_wait3A_69 = tpu.memref_slice %arg4[%dma_wait3A_67, %dma_wait3A_68] : memref<10000x64xf32, #tpu.memory_space<hbm>> -> memref<128x64xf32, #tpu.memory_space<hbm>>
    %dma_wait3A_70 = arith.constant 0 : i32
    %dma_wait3A_71 = arith.constant 0 : i32
    %dma_wait3A_72 = tpu.memref_slice %arg4[%dma_wait3A_70, %dma_wait3A_71] : memref<10000x64xf32, #tpu.memory_space<hbm>> -> memref<128x64xf32, #tpu.memory_space<hbm>>
    tpu.wait_dma2 semaphore(%arg27 : memref<!tpu.dma_semaphore, #tpu.memory_space<semaphore_mem>>) src(%dma_wait3A_72 : memref<128x64xf32, #tpu.memory_space<hbm>>) dst(%arg10 : memref<128x64xf32, #tpu.memory_space<vmem>>)
    %dma_wait3A_73 = arith.constant 0 : i32
    %dma_wait3A_74 = arith.constant 0 : i32
    %dma_wait3A_75 = tpu.memref_slice %arg4[%dma_wait3A_73, %dma_wait3A_74] : memref<10000x64xf32, #tpu.memory_space<hbm>> -> memref<128x64xf32, #tpu.memory_space<hbm>>
    %dma_wait3A_76 = arith.constant 0 : i32
    %dma_wait3A_77 = arith.constant 0 : i32
    %dma_wait3A_78 = tpu.memref_slice %arg4[%dma_wait3A_76, %dma_wait3A_77] : memref<10000x64xf32, #tpu.memory_space<hbm>> -> memref<128x64xf32, #tpu.memory_space<hbm>>
    tpu.wait_dma2 semaphore(%arg28 : memref<!tpu.dma_semaphore, #tpu.memory_space<semaphore_mem>>) src(%dma_wait3A_78 : memref<128x64xf32, #tpu.memory_space<hbm>>) dst(%arg11 : memref<128x64xf32, #tpu.memory_space<vmem>>)
    %dma_wait3A_79 = arith.constant 0 : i32
    %dma_wait3A_80 = arith.constant 0 : i32
    %dma_wait3A_81 = tpu.memref_slice %arg4[%dma_wait3A_79, %dma_wait3A_80] : memref<10000x64xf32, #tpu.memory_space<hbm>> -> memref<128x64xf32, #tpu.memory_space<hbm>>
    %dma_wait3A_82 = arith.constant 0 : i32
    %dma_wait3A_83 = arith.constant 0 : i32
    %dma_wait3A_84 = tpu.memref_slice %arg4[%dma_wait3A_82, %dma_wait3A_83] : memref<10000x64xf32, #tpu.memory_space<hbm>> -> memref<128x64xf32, #tpu.memory_space<hbm>>
    tpu.wait_dma2 semaphore(%arg29 : memref<!tpu.dma_semaphore, #tpu.memory_space<semaphore_mem>>) src(%dma_wait3A_84 : memref<128x64xf32, #tpu.memory_space<hbm>>) dst(%arg12 : memref<128x64xf32, #tpu.memory_space<vmem>>)
    %dma_wait3A_85 = arith.constant 0 : i32
    %dma_wait3A_86 = arith.constant 0 : i32
    %dma_wait3A_87 = tpu.memref_slice %arg4[%dma_wait3A_85, %dma_wait3A_86] : memref<10000x64xf32, #tpu.memory_space<hbm>> -> memref<128x64xf32, #tpu.memory_space<hbm>>
    %dma_wait3A_88 = arith.constant 0 : i32
    %dma_wait3A_89 = arith.constant 0 : i32
    %dma_wait3A_90 = tpu.memref_slice %arg4[%dma_wait3A_88, %dma_wait3A_89] : memref<10000x64xf32, #tpu.memory_space<hbm>> -> memref<128x64xf32, #tpu.memory_space<hbm>>
    tpu.wait_dma2 semaphore(%arg30 : memref<!tpu.dma_semaphore, #tpu.memory_space<semaphore_mem>>) src(%dma_wait3A_90 : memref<128x64xf32, #tpu.memory_space<hbm>>) dst(%arg13 : memref<128x64xf32, #tpu.memory_space<vmem>>)
    %dma_wait3A_91 = arith.constant 0 : i32
    %dma_wait3A_92 = arith.constant 0 : i32
    %dma_wait3A_93 = tpu.memref_slice %arg4[%dma_wait3A_91, %dma_wait3A_92] : memref<10000x64xf32, #tpu.memory_space<hbm>> -> memref<128x64xf32, #tpu.memory_space<hbm>>
    %dma_wait3A_94 = arith.constant 0 : i32
    %dma_wait3A_95 = arith.constant 0 : i32
    %dma_wait3A_96 = tpu.memref_slice %arg4[%dma_wait3A_94, %dma_wait3A_95] : memref<10000x64xf32, #tpu.memory_space<hbm>> -> memref<128x64xf32, #tpu.memory_space<hbm>>
    tpu.wait_dma2 semaphore(%arg31 : memref<!tpu.dma_semaphore, #tpu.memory_space<semaphore_mem>>) src(%dma_wait3A_96 : memref<128x64xf32, #tpu.memory_space<hbm>>) dst(%arg14 : memref<128x64xf32, #tpu.memory_space<vmem>>)
    %dma_wait3A_97 = arith.constant 0 : i32
    %dma_wait3A_98 = arith.constant 0 : i32
    %dma_wait3A_99 = tpu.memref_slice %arg4[%dma_wait3A_97, %dma_wait3A_98] : memref<10000x64xf32, #tpu.memory_space<hbm>> -> memref<128x64xf32, #tpu.memory_space<hbm>>
    %dma_wait3A_100 = arith.constant 0 : i32
    %dma_wait3A_101 = arith.constant 0 : i32
    %dma_wait3A_102 = tpu.memref_slice %arg4[%dma_wait3A_100, %dma_wait3A_101] : memref<10000x64xf32, #tpu.memory_space<hbm>> -> memref<128x64xf32, #tpu.memory_space<hbm>>
    tpu.wait_dma2 semaphore(%arg32 : memref<!tpu.dma_semaphore, #tpu.memory_space<semaphore_mem>>) src(%dma_wait3A_102 : memref<128x64xf32, #tpu.memory_space<hbm>>) dst(%arg15 : memref<128x64xf32, #tpu.memory_space<vmem>>)
    %dma_wait3A_103 = arith.constant 0 : i32
    %dma_wait3A_104 = arith.constant 0 : i32
    %dma_wait3A_105 = tpu.memref_slice %arg4[%dma_wait3A_103, %dma_wait3A_104] : memref<10000x64xf32, #tpu.memory_space<hbm>> -> memref<128x64xf32, #tpu.memory_space<hbm>>
    %dma_wait3A_106 = arith.constant 0 : i32
    %dma_wait3A_107 = arith.constant 0 : i32
    %dma_wait3A_108 = tpu.memref_slice %arg4[%dma_wait3A_106, %dma_wait3A_107] : memref<10000x64xf32, #tpu.memory_space<hbm>> -> memref<128x64xf32, #tpu.memory_space<hbm>>
    tpu.wait_dma2 semaphore(%arg33 : memref<!tpu.dma_semaphore, #tpu.memory_space<semaphore_mem>>) src(%dma_wait3A_108 : memref<128x64xf32, #tpu.memory_space<hbm>>) dst(%arg16 : memref<128x64xf32, #tpu.memory_space<vmem>>)
    %barrier3A_109 = arith.constant 0 : index
    tpu.barrier barrier_id(%barrier3A_109)
    "tpu.region"() ({
      %run_scoped3A = tpu.sem_alloc : memref<!tpu.dma_semaphore, #tpu.memory_space<semaphore_mem>>
      %dma_start3A_110 = arith.constant 0 : i32
      %dma_start3A_111 = tpu.memref_slice %arg6[%arg0, %mul3A_2, %dma_start3A_110] : memref<2x10240x64xf32, #tpu.memory_space<hbm>> -> memref<1x640x64xf32, #tpu.memory_space<hbm>>
      %dma_start3A_112 = tpu.memref_squeeze %dma_start3A_111 : memref<1x640x64xf32, #tpu.memory_space<hbm>> -> memref<640x64xf32, #tpu.memory_space<hbm>>
      %dma_start3A_113 = arith.constant 0 : i32
      %dma_start3A_114 = tpu.memref_slice %arg17[%mul3A_2, %dma_start3A_113] : memref<10240x64xf32, #tpu.memory_space<vmem_shared>> -> memref<640x64xf32, #tpu.memory_space<vmem_shared>>
      tpu.enqueue_dma source(%dma_start3A_114 : memref<640x64xf32, #tpu.memory_space<vmem_shared>>) target(%dma_start3A_112 : memref<640x64xf32, #tpu.memory_space<hbm>>) target_semaphore(%run_scoped3A : memref<!tpu.dma_semaphore, #tpu.memory_space<semaphore_mem>>)
      %dma_wait3A_115 = arith.constant 0 : i32
      %dma_wait3A_116 = tpu.memref_slice %arg6[%arg0, %mul3A_2, %dma_wait3A_115] : memref<2x10240x64xf32, #tpu.memory_space<hbm>> -> memref<1x640x64xf32, #tpu.memory_space<hbm>>
      %dma_wait3A_117 = tpu.memref_squeeze %dma_wait3A_116 : memref<1x640x64xf32, #tpu.memory_space<hbm>> -> memref<640x64xf32, #tpu.memory_space<hbm>>
      %dma_wait3A_118 = arith.constant 0 : i32
      %dma_wait3A_119 = tpu.memref_slice %arg17[%mul3A_2, %dma_wait3A_118] : memref<10240x64xf32, #tpu.memory_space<vmem_shared>> -> memref<640x64xf32, #tpu.memory_space<vmem_shared>>
      tpu.wait_dma2 semaphore(%run_scoped3A : memref<!tpu.dma_semaphore, #tpu.memory_space<semaphore_mem>>) src(%dma_wait3A_119 : memref<640x64xf32, #tpu.memory_space<vmem_shared>>) dst(%dma_wait3A_117 : memref<640x64xf32, #tpu.memory_space<hbm>>)
      tpu.yield
    }) : () -> ()
    return
  }
}

module attributes {stable_mosaic.version = 14 : i64} {
  func.func @_mm1_body(%arg0: i32, %arg1: memref<1000x128xf32, #tpu.memory_space<vmem>>, %arg2: memref<1000x128xf32, #tpu.memory_space<vmem>>, %arg3: memref<128x64xf32, #tpu.memory_space<vmem>>, %arg4: memref<1000x128xf32, #tpu.memory_space<vmem>>) attributes {dimension_semantics = [#tpu.dimension_semantics<arbitrary>], iteration_bounds = array<i64: 5>, scalar_prefetch = 0 : i64, scratch_operands = 0 : i64, tpu.core_type = #tpu.core_type<tc>, window_params = [{transform_indices = @transform_0, window_bounds = array<i64: 1000, 128>}, {transform_indices = @transform_1, window_bounds = array<i64: 1000, 128>}, {pipeline_mode = #tpu.pipeline_mode<synchronous>, transform_indices = @transform_2, window_bounds = array<i64: 128, 64>}, {transform_indices = @transform_3, window_bounds = array<i64: 1000, 128>}]} {
    %get3A = arith.constant 0 : index
    %get3A_0 = arith.constant 0 : index
    %get3A_1 = vector.load %arg3[%get3A, %get3A_0] : memref<128x64xf32, #tpu.memory_space<vmem>>, vector<128x64xf32>
    %get3A_2 = arith.constant 0 : index
    %get3A_3 = arith.constant 0 : index
    %get3A_4 = vector.load %arg1[%get3A_2, %get3A_3] : memref<1000x128xf32, #tpu.memory_space<vmem>>, vector<1000x128xf32>
    %dot_general3A = arith.constant dense<0.000000e+00> : vector<1000x64xf32>
    %dot_general3A_5 = tpu.matmul %get3A_4, %get3A_1, %dot_general3A {dimension_numbers = #tpu.dot_dimension_numbers<[1], [0], [0], [1], [0, 0, 1, 1], [], []>, transpose_lhs_hint = false} : vector<1000x128xf32>, vector<128x64xf32>, vector<1000x64xf32> -> vector<1000x64xf32>
    %get3A_6 = arith.constant 0 : index
    %get3A_7 = arith.constant 0 : index
    %get3A_8 = vector.load %arg2[%get3A_6, %get3A_7] : memref<1000x128xf32, #tpu.memory_space<vmem>>, vector<1000x128xf32>
    %dot_general3A_9 = arith.constant dense<0.000000e+00> : vector<1000x64xf32>
    %dot_general3A_10 = tpu.matmul %get3A_8, %get3A_1, %dot_general3A_9 {dimension_numbers = #tpu.dot_dimension_numbers<[1], [0], [0], [1], [0, 0, 1, 1], [], []>, transpose_lhs_hint = false} : vector<1000x128xf32>, vector<128x64xf32>, vector<1000x64xf32> -> vector<1000x64xf32>
    %concatenate3A = tpu.concatenate %dot_general3A_5, %dot_general3A_10 in 1 : vector<1000x64xf32>, vector<1000x64xf32> -> vector<1000x128xf32>
    %swap3A = arith.constant 0 : index
    %swap3A_11 = arith.constant 0 : index
    %swap3A_12 = vector.load %arg4[%swap3A, %swap3A_11] : memref<1000x128xf32, #tpu.memory_space<vmem>>, vector<1000x128xf32>
    tpu.vector_store %arg4[%swap3A, %swap3A_11], %concatenate3A {strides = array<i32>} : memref<1000x128xf32, #tpu.memory_space<vmem>>, vector<1000x128xf32>,
    return
  }
  func.func @transform_0(%arg0: i32) -> (i32, i32) {
    %c0_i32 = arith.constant 0 : i32
    %c0_i32_0 = arith.constant 0 : i32
    return %arg0, %c0_i32 : i32, i32
  }
  func.func @transform_1(%arg0: i32) -> (i32, i32) {
    %add3A = arith.constant 5 : i32
    %add3A_0 = arith.addi %arg0, %add3A : i32
    %c0_i32 = arith.constant 0 : i32
    %c0_i32_1 = arith.constant 0 : i32
    return %add3A_0, %c0_i32 : i32, i32
  }
  func.func @transform_2(%arg0: i32) -> (i32, i32) {
    %c0_i32 = arith.constant 0 : i32
    %c0_i32_0 = arith.constant 0 : i32
    %c0_i32_1 = arith.constant 0 : i32
    return %c0_i32, %c0_i32_0 : i32, i32
  }
  func.func @transform_3(%arg0: i32) -> (i32, i32) {
    %c0_i32 = arith.constant 0 : i32
    %c0_i32_0 = arith.constant 0 : i32
    return %arg0, %c0_i32 : i32, i32
  }
}

module attributes {stable_mosaic.version = 14 : i64} {
  func.func @_stage1_body(%arg0: i32, %arg1: memref<2x1000x2xf32, #tpu.memory_space<vmem>>, %arg2: memref<1000x128xf32, #tpu.memory_space<vmem>>, %arg3: memref<1000x128xf32, #tpu.memory_space<vmem>>, %arg4: memref<1000x128xf32, #tpu.memory_space<vmem>>) attributes {dimension_semantics = [#tpu.dimension_semantics<arbitrary>], iteration_bounds = array<i64: 5>, scalar_prefetch = 0 : i64, scratch_operands = 0 : i64, tpu.core_type = #tpu.core_type<tc>, window_params = [{transform_indices = @transform_0, window_bounds = array<i64: 2, 1000, 2>}, {transform_indices = @transform_1, window_bounds = array<i64: 1000, 128>}, {transform_indices = @transform_2, window_bounds = array<i64: 1000, 128>}, {transform_indices = @transform_3, window_bounds = array<i64: 1000, 128>}]} {
    %get3A = arith.constant 0 : index
    %get3A_0 = arith.constant 0 : index
    %get3A_1 = arith.constant 0 : index
    %get3A_2 = vector.load %arg1[%get3A, %get3A_0, %get3A_1] : memref<2x1000x2xf32, #tpu.memory_space<vmem>>, vector<1x1000x2xf32>
    %get3A_3 = vector.shape_cast %get3A_2 : vector<1x1000x2xf32> to vector<1000x2xf32>
    %get3A_4 = arith.constant 1 : index
    %get3A_5 = arith.constant 0 : index
    %get3A_6 = arith.constant 0 : index
    %get3A_7 = vector.load %arg1[%get3A_4, %get3A_5, %get3A_6] : memref<2x1000x2xf32, #tpu.memory_space<vmem>>, vector<1x1000x2xf32>
    %get3A_8 = vector.shape_cast %get3A_7 : vector<1x1000x2xf32> to vector<1000x2xf32>
    %add3A = arith.addf %get3A_3, %get3A_8 : vector<1000x2xf32>
    %add3A_9 = arith.constant 1.000000e+00 : f32
    %add3A_10 = vector.broadcast %add3A_9 : f32 to vector<1000x2xf32>
    %add3A_11 = arith.addf %add3A, %add3A_10 : vector<1000x2xf32>
    %rsqrt3A = math.rsqrt %add3A_11 : vector<1000x2xf32>
    %slice3A = vector.extract_strided_slice %rsqrt3A {offsets = [0, 0], sizes = [1000, 1], strides = [1, 1]} : vector<1000x2xf32> to vector<1000x1xf32>
    %broadcast_in_dim3A = vector.shape_cast %slice3A : vector<1000x1xf32> to vector<1000x1xf32>
    %broadcast_in_dim3A_12 = vector.broadcast %broadcast_in_dim3A : vector<1000x1xf32> to vector<1000x64xf32>
    %slice3A_13 = vector.extract_strided_slice %rsqrt3A {offsets = [0, 1], sizes = [1000, 1], strides = [1, 1]} : vector<1000x2xf32> to vector<1000x1xf32>
    %broadcast_in_dim3A_14 = vector.shape_cast %slice3A_13 : vector<1000x1xf32> to vector<1000x1xf32>
    %broadcast_in_dim3A_15 = vector.broadcast %broadcast_in_dim3A_14 : vector<1000x1xf32> to vector<1000x64xf32>
    %concatenate3A = tpu.concatenate %broadcast_in_dim3A_12, %broadcast_in_dim3A_15 in 1 : vector<1000x64xf32>, vector<1000x64xf32> -> vector<1000x128xf32>
    %swap3A = arith.constant 0 : index
    %swap3A_16 = arith.constant 0 : index
    %swap3A_17 = vector.load %arg3[%swap3A, %swap3A_16] : memref<1000x128xf32, #tpu.memory_space<vmem>>, vector<1000x128xf32>
    tpu.vector_store %arg3[%swap3A, %swap3A_16], %concatenate3A {strides = array<i32>} : memref<1000x128xf32, #tpu.memory_space<vmem>>, vector<1000x128xf32>,
    %get3A_18 = arith.constant 0 : index
    %get3A_19 = arith.constant 0 : index
    %get3A_20 = vector.load %arg2[%get3A_18, %get3A_19] : memref<1000x128xf32, #tpu.memory_space<vmem>>, vector<1000x128xf32>
    %mul3A = arith.mulf %get3A_20, %concatenate3A : vector<1000x128xf32>
    %swap3A_21 = arith.constant 0 : index
    %swap3A_22 = arith.constant 0 : index
    %swap3A_23 = vector.load %arg4[%swap3A_21, %swap3A_22] : memref<1000x128xf32, #tpu.memory_space<vmem>>, vector<1000x128xf32>
    tpu.vector_store %arg4[%swap3A_21, %swap3A_22], %mul3A {strides = array<i32>} : memref<1000x128xf32, #tpu.memory_space<vmem>>, vector<1000x128xf32>,
    return
  }
  func.func @transform_0(%arg0: i32) -> (i32, i32, i32) {
    %c0_i32 = arith.constant 0 : i32
    %c0_i32_0 = arith.constant 0 : i32
    %c0_i32_1 = arith.constant 0 : i32
    return %c0_i32, %arg0, %c0_i32_0 : i32, i32, i32
  }
  func.func @transform_1(%arg0: i32) -> (i32, i32) {
    %c0_i32 = arith.constant 0 : i32
    %c0_i32_0 = arith.constant 0 : i32
    return %arg0, %c0_i32 : i32, i32
  }
  func.func @transform_2(%arg0: i32) -> (i32, i32) {
    %c0_i32 = arith.constant 0 : i32
    %c0_i32_0 = arith.constant 0 : i32
    return %arg0, %c0_i32 : i32, i32
  }
  func.func @transform_3(%arg0: i32) -> (i32, i32) {
    %c0_i32 = arith.constant 0 : i32
    %c0_i32_0 = arith.constant 0 : i32
    return %arg0, %c0_i32 : i32, i32
  }
}

module attributes {stable_mosaic.version = 14 : i64} {
  func.func @_mid_body(%arg0: i32, %arg1: memref<2x1000x128xf32, #tpu.memory_space<vmem>>, %arg2: memref<1000x128xf32, #tpu.memory_space<vmem>>, %arg3: memref<1000x128xf32, #tpu.memory_space<vmem>>, %arg4: memref<1x128xf32, #tpu.memory_space<vmem>>, %arg5: memref<128x128xf32, #tpu.memory_space<vmem>>, %arg6: memref<1000x128xf32, #tpu.memory_space<vmem>>) attributes {dimension_semantics = [#tpu.dimension_semantics<arbitrary>], iteration_bounds = array<i64: 5>, scalar_prefetch = 0 : i64, scratch_operands = 0 : i64, tpu.core_type = #tpu.core_type<tc>, window_params = [{transform_indices = @transform_0, window_bounds = array<i64: 2, 1000, 128>}, {transform_indices = @transform_1, window_bounds = array<i64: 1000, 128>}, {transform_indices = @transform_2, window_bounds = array<i64: 1000, 128>}, {pipeline_mode = #tpu.pipeline_mode<synchronous>, transform_indices = @transform_3, window_bounds = array<i64: 1, 128>}, {pipeline_mode = #tpu.pipeline_mode<synchronous>, transform_indices = @transform_4, window_bounds = array<i64: 128, 128>}, {transform_indices = @transform_5, window_bounds = array<i64: 1000, 128>}]} {
    %get3A = arith.constant 0 : index
    %get3A_0 = arith.constant 0 : index
    %get3A_1 = vector.load %arg3[%get3A, %get3A_0] : memref<1000x128xf32, #tpu.memory_space<vmem>>, vector<1000x128xf32>
    %get3A_2 = arith.constant 0 : index
    %get3A_3 = arith.constant 0 : index
    %get3A_4 = arith.constant 0 : index
    %get3A_5 = vector.load %arg1[%get3A_2, %get3A_3, %get3A_4] : memref<2x1000x128xf32, #tpu.memory_space<vmem>>, vector<1x1000x128xf32>
    %get3A_6 = vector.shape_cast %get3A_5 : vector<1x1000x128xf32> to vector<1000x128xf32>
    %get3A_7 = arith.constant 1 : index
    %get3A_8 = arith.constant 0 : index
    %get3A_9 = arith.constant 0 : index
    %get3A_10 = vector.load %arg1[%get3A_7, %get3A_8, %get3A_9] : memref<2x1000x128xf32, #tpu.memory_space<vmem>>, vector<1x1000x128xf32>
    %get3A_11 = vector.shape_cast %get3A_10 : vector<1x1000x128xf32> to vector<1000x128xf32>
    %add3A = arith.addf %get3A_6, %get3A_11 : vector<1000x128xf32>
    %get3A_12 = arith.constant 0 : index
    %get3A_13 = arith.constant 0 : index
    %get3A_14 = vector.load %arg2[%get3A_12, %get3A_13] : memref<1000x128xf32, #tpu.memory_space<vmem>>, vector<1000x128xf32>
    %add3A_15 = arith.addf %add3A, %get3A_14 : vector<1000x128xf32>
    %mul3A = arith.mulf %get3A_1, %add3A_15 : vector<1000x128xf32>
    %get3A_16 = arith.constant 0 : index
    %get3A_17 = arith.constant 0 : index
    %get3A_18 = vector.load %arg4[%get3A_16, %get3A_17] : memref<1x128xf32, #tpu.memory_space<vmem>>, vector<1x128xf32>
    %add3A_19 = vector.broadcast %get3A_18 : vector<1x128xf32> to vector<1000x128xf32>
    %add3A_20 = arith.addf %mul3A, %add3A_19 : vector<1000x128xf32>
    %max3A = arith.constant 0.000000e+00 : f32
    %max3A_21 = vector.broadcast %max3A : f32 to vector<1000x128xf32>
    %max3A_22 = arith.maximumf %add3A_20, %max3A_21 : vector<1000x128xf32>
    %get3A_23 = arith.constant 0 : index
    %get3A_24 = arith.constant 0 : index
    %get3A_25 = vector.load %arg5[%get3A_23, %get3A_24] : memref<128x128xf32, #tpu.memory_space<vmem>>, vector<128x128xf32>
    %dot_general3A = arith.constant dense<0.000000e+00> : vector<1000x128xf32>
    %dot_general3A_26 = tpu.matmul %max3A_22, %get3A_25, %dot_general3A {dimension_numbers = #tpu.dot_dimension_numbers<[1], [0], [0], [1], [0, 0, 1, 1], [], []>, transpose_lhs_hint = false} : vector<1000x128xf32>, vector<128x128xf32>, vector<1000x128xf32> -> vector<1000x128xf32>
    %mul3A_27 = arith.mulf %dot_general3A_26, %get3A_1 : vector<1000x128xf32>
    %swap3A = arith.constant 0 : index
    %swap3A_28 = arith.constant 0 : index
    %swap3A_29 = vector.load %arg6[%swap3A, %swap3A_28] : memref<1000x128xf32, #tpu.memory_space<vmem>>, vector<1000x128xf32>
    tpu.vector_store %arg6[%swap3A, %swap3A_28], %mul3A_27 {strides = array<i32>} : memref<1000x128xf32, #tpu.memory_space<vmem>>, vector<1000x128xf32>,
    return
  }
  func.func @transform_0(%arg0: i32) -> (i32, i32, i32) {
    %c0_i32 = arith.constant 0 : i32
    %c0_i32_0 = arith.constant 0 : i32
    %c0_i32_1 = arith.constant 0 : i32
    return %c0_i32, %arg0, %c0_i32_0 : i32, i32, i32
  }
  func.func @transform_1(%arg0: i32) -> (i32, i32) {
    %c0_i32 = arith.constant 0 : i32
    %c0_i32_0 = arith.constant 0 : i32
    return %arg0, %c0_i32 : i32, i32
  }
  func.func @transform_2(%arg0: i32) -> (i32, i32) {
    %c0_i32 = arith.constant 0 : i32
    %c0_i32_0 = arith.constant 0 : i32
    return %arg0, %c0_i32 : i32, i32
  }
  func.func @transform_3(%arg0: i32) -> (i32, i32) {
    %c0_i32 = arith.constant 0 : i32
    %c0_i32_0 = arith.constant 0 : i32
    %c0_i32_1 = arith.constant 0 : i32
    return %c0_i32, %c0_i32_0 : i32, i32
  }
  func.func @transform_4(%arg0: i32) -> (i32, i32) {
    %c0_i32 = arith.constant 0 : i32
    %c0_i32_0 = arith.constant 0 : i32
    %c0_i32_1 = arith.constant 0 : i32
    return %c0_i32, %c0_i32_0 : i32, i32
  }
  func.func @transform_5(%arg0: i32) -> (i32, i32) {
    %c0_i32 = arith.constant 0 : i32
    %c0_i32_0 = arith.constant 0 : i32
    return %arg0, %c0_i32 : i32, i32
  }
}

module attributes {stable_mosaic.version = 14 : i64} {
  func.func @_final_body(%arg0: i32, %arg1: memref<2x1000x128xf32, #tpu.memory_space<vmem>>, %arg2: memref<1000x128xf32, #tpu.memory_space<vmem>>, %arg3: memref<1000x128xf32, #tpu.memory_space<vmem>>, %arg4: memref<1x128xf32, #tpu.memory_space<vmem>>, %arg5: memref<128x4xf32, #tpu.memory_space<vmem>>, %arg6: memref<1x4xf32, #tpu.memory_space<vmem>>, %arg7: memref<1000x4xf32, #tpu.memory_space<vmem>>) attributes {dimension_semantics = [#tpu.dimension_semantics<arbitrary>], iteration_bounds = array<i64: 5>, scalar_prefetch = 0 : i64, scratch_operands = 0 : i64, tpu.core_type = #tpu.core_type<tc>, window_params = [{transform_indices = @transform_0, window_bounds = array<i64: 2, 1000, 128>}, {transform_indices = @transform_1, window_bounds = array<i64: 1000, 128>}, {transform_indices = @transform_2, window_bounds = array<i64: 1000, 128>}, {pipeline_mode = #tpu.pipeline_mode<synchronous>, transform_indices = @transform_3, window_bounds = array<i64: 1, 128>}, {pipeline_mode = #tpu.pipeline_mode<synchronous>, transform_indices = @transform_4, window_bounds = array<i64: 128, 4>}, {pipeline_mode = #tpu.pipeline_mode<synchronous>, transform_indices = @transform_5, window_bounds = array<i64: 1, 4>}, {transform_indices = @transform_6, window_bounds = array<i64: 1000, 4>}]} {
    %get3A = arith.constant 0 : index
    %get3A_0 = arith.constant 0 : index
    %get3A_1 = vector.load %arg3[%get3A, %get3A_0] : memref<1000x128xf32, #tpu.memory_space<vmem>>, vector<1000x128xf32>
    %get3A_2 = arith.constant 0 : index
    %get3A_3 = arith.constant 0 : index
    %get3A_4 = arith.constant 0 : index
    %get3A_5 = vector.load %arg1[%get3A_2, %get3A_3, %get3A_4] : memref<2x1000x128xf32, #tpu.memory_space<vmem>>, vector<1x1000x128xf32>
    %get3A_6 = vector.shape_cast %get3A_5 : vector<1x1000x128xf32> to vector<1000x128xf32>
    %get3A_7 = arith.constant 1 : index
    %get3A_8 = arith.constant 0 : index
    %get3A_9 = arith.constant 0 : index
    %get3A_10 = vector.load %arg1[%get3A_7, %get3A_8, %get3A_9] : memref<2x1000x128xf32, #tpu.memory_space<vmem>>, vector<1x1000x128xf32>
    %get3A_11 = vector.shape_cast %get3A_10 : vector<1x1000x128xf32> to vector<1000x128xf32>
    %add3A = arith.addf %get3A_6, %get3A_11 : vector<1000x128xf32>
    %get3A_12 = arith.constant 0 : index
    %get3A_13 = arith.constant 0 : index
    %get3A_14 = vector.load %arg2[%get3A_12, %get3A_13] : memref<1000x128xf32, #tpu.memory_space<vmem>>, vector<1000x128xf32>
    %add3A_15 = arith.addf %add3A, %get3A_14 : vector<1000x128xf32>
    %mul3A = arith.mulf %get3A_1, %add3A_15 : vector<1000x128xf32>
    %get3A_16 = arith.constant 0 : index
    %get3A_17 = arith.constant 0 : index
    %get3A_18 = vector.load %arg4[%get3A_16, %get3A_17] : memref<1x128xf32, #tpu.memory_space<vmem>>, vector<1x128xf32>
    %add3A_19 = vector.broadcast %get3A_18 : vector<1x128xf32> to vector<1000x128xf32>
    %add3A_20 = arith.addf %mul3A, %add3A_19 : vector<1000x128xf32>
    %max3A = arith.constant 0.000000e+00 : f32
    %max3A_21 = vector.broadcast %max3A : f32 to vector<1000x128xf32>
    %max3A_22 = arith.maximumf %add3A_20, %max3A_21 : vector<1000x128xf32>
    %get3A_23 = arith.constant 0 : index
    %get3A_24 = arith.constant 0 : index
    %get3A_25 = vector.load %arg5[%get3A_23, %get3A_24] : memref<128x4xf32, #tpu.memory_space<vmem>>, vector<128x4xf32>
    %dot_general3A = arith.constant dense<0.000000e+00> : vector<1000x4xf32>
    %dot_general3A_26 = tpu.matmul %max3A_22, %get3A_25, %dot_general3A {dimension_numbers = #tpu.dot_dimension_numbers<[1], [0], [0], [1], [0, 0, 1, 1], [], []>, transpose_lhs_hint = false} : vector<1000x128xf32>, vector<128x4xf32>, vector<1000x4xf32> -> vector<1000x4xf32>
    %get3A_27 = arith.constant 0 : index
    %get3A_28 = arith.constant 0 : index
    %get3A_29 = vector.load %arg6[%get3A_27, %get3A_28] : memref<1x4xf32, #tpu.memory_space<vmem>>, vector<1x4xf32>
    %add3A_30 = vector.broadcast %get3A_29 : vector<1x4xf32> to vector<1000x4xf32>
    %add3A_31 = arith.addf %dot_general3A_26, %add3A_30 : vector<1000x4xf32>
    %slice3A = vector.extract_strided_slice %add3A_31 {offsets = [0, 0], sizes = [1000, 2], strides = [1, 1]} : vector<1000x4xf32> to vector<1000x2xf32>
    %slice3A_32 = vector.extract_strided_slice %add3A_31 {offsets = [0, 2], sizes = [1000, 2], strides = [1, 1]} : vector<1000x4xf32> to vector<1000x2xf32>
    %reduce_max3A = arith.constant dense<0xFF800000> : vector<1000xf32>
    %reduce_max3A_33 = vector.multi_reduction <maximumf>, %slice3A, %reduce_max3A [1] : vector<1000x2xf32> to vector<1000xf32>
    %broadcast_in_dim3A = vector.shape_cast %reduce_max3A_33 : vector<1000xf32> to vector<1000x1xf32>
    %reduce_max3A_34 = arith.constant dense<0xFF800000> : vector<1000xf32>
    %reduce_max3A_35 = vector.multi_reduction <maximumf>, %slice3A_32, %reduce_max3A_34 [1] : vector<1000x2xf32> to vector<1000xf32>
    %broadcast_in_dim3A_36 = vector.shape_cast %reduce_max3A_35 : vector<1000xf32> to vector<1000x1xf32>
    %sub3A = vector.broadcast %broadcast_in_dim3A : vector<1000x1xf32> to vector<1000x2xf32>
    %sub3A_37 = arith.subf %slice3A, %sub3A : vector<1000x2xf32>
    %exp3A = math.exp %sub3A_37 : vector<1000x2xf32>
    %reduce_sum3A = arith.constant dense<0.000000e+00> : vector<1000xf32>
    %reduce_sum3A_38 = vector.multi_reduction <add>, %exp3A, %reduce_sum3A [1] : vector<1000x2xf32> to vector<1000xf32>
    %broadcast_in_dim3A_39 = vector.shape_cast %reduce_sum3A_38 : vector<1000xf32> to vector<1000x1xf32>
    %log3A = math.log %broadcast_in_dim3A_39 : vector<1000x1xf32>
    %add3A_40 = arith.addf %log3A, %broadcast_in_dim3A : vector<1000x1xf32>
    %sub3A_41 = vector.broadcast %broadcast_in_dim3A_36 : vector<1000x1xf32> to vector<1000x2xf32>
    %sub3A_42 = arith.subf %slice3A_32, %sub3A_41 : vector<1000x2xf32>
    %exp3A_43 = math.exp %sub3A_42 : vector<1000x2xf32>
    %reduce_sum3A_44 = arith.constant dense<0.000000e+00> : vector<1000xf32>
    %reduce_sum3A_45 = vector.multi_reduction <add>, %exp3A_43, %reduce_sum3A_44 [1] : vector<1000x2xf32> to vector<1000xf32>
    %broadcast_in_dim3A_46 = vector.shape_cast %reduce_sum3A_45 : vector<1000xf32> to vector<1000x1xf32>
    %log3A_47 = math.log %broadcast_in_dim3A_46 : vector<1000x1xf32>
    %add3A_48 = arith.addf %log3A_47, %broadcast_in_dim3A_36 : vector<1000x1xf32>
    %sub3A_49 = vector.broadcast %add3A_40 : vector<1000x1xf32> to vector<1000x2xf32>
    %sub3A_50 = arith.subf %slice3A, %sub3A_49 : vector<1000x2xf32>
    %sub3A_51 = vector.broadcast %add3A_48 : vector<1000x1xf32> to vector<1000x2xf32>
    %sub3A_52 = arith.subf %slice3A_32, %sub3A_51 : vector<1000x2xf32>
    %concatenate3A = tpu.concatenate %sub3A_50, %sub3A_52 in 1 : vector<1000x2xf32>, vector<1000x2xf32> -> vector<1000x4xf32>
    %swap3A = arith.constant 0 : index
    %swap3A_53 = arith.constant 0 : index
    %swap3A_54 = vector.load %arg7[%swap3A, %swap3A_53] : memref<1000x4xf32, #tpu.memory_space<vmem>>, vector<1000x4xf32>
    tpu.vector_store %arg7[%swap3A, %swap3A_53], %concatenate3A {strides = array<i32>} : memref<1000x4xf32, #tpu.memory_space<vmem>>, vector<1000x4xf32>,
    return
  }
  func.func @transform_0(%arg0: i32) -> (i32, i32, i32) {
    %c0_i32 = arith.constant 0 : i32
    %c0_i32_0 = arith.constant 0 : i32
    %c0_i32_1 = arith.constant 0 : i32
    return %c0_i32, %arg0, %c0_i32_0 : i32, i32, i32
  }
  func.func @transform_1(%arg0: i32) -> (i32, i32) {
    %c0_i32 = arith.constant 0 : i32
    %c0_i32_0 = arith.constant 0 : i32
    return %arg0, %c0_i32 : i32, i32
  }
  func.func @transform_2(%arg0: i32) -> (i32, i32) {
    %c0_i32 = arith.constant 0 : i32
    %c0_i32_0 = arith.constant 0 : i32
    return %arg0, %c0_i32 : i32, i32
  }
  func.func @transform_3(%arg0: i32) -> (i32, i32) {
    %c0_i32 = arith.constant 0 : i32
    %c0_i32_0 = arith.constant 0 : i32
    %c0_i32_1 = arith.constant 0 : i32
    return %c0_i32, %c0_i32_0 : i32, i32
  }
  func.func @transform_4(%arg0: i32) -> (i32, i32) {
    %c0_i32 = arith.constant 0 : i32
    %c0_i32_0 = arith.constant 0 : i32
    %c0_i32_1 = arith.constant 0 : i32
    return %c0_i32, %c0_i32_0 : i32, i32
  }
  func.func @transform_5(%arg0: i32) -> (i32, i32) {
    %c0_i32 = arith.constant 0 : i32
    %c0_i32_0 = arith.constant 0 : i32
    %c0_i32_1 = arith.constant 0 : i32
    return %c0_i32, %c0_i32_0 : i32, i32
  }
  func.func @transform_6(%arg0: i32) -> (i32, i32) {
    %c0_i32 = arith.constant 0 : i32
    %c0_i32_0 = arith.constant 0 : i32
    return %arg0, %c0_i32 : i32, i32
  }
}

</mosaic_0001>

<sc_bundles>
// kernel: kernel.11.cloned.1.call-start
scs
__scs_entry_jumppad:
0x0: {  	(pc) =	sbr.rel $0x88, $3  }
0x1: {  	(tag) =	ssettag $0x0;
	lr =	simm.s32 $0x1  }
0x2: {  	[smem:$0x3F97] =	sst lr;
	_ =	strace $0xD0000000  }
0x3: {  	_ = 	snop  }
0x4: {  	_ = 	snop  }
0x5: {  	_ = 	snop  }
0x6: {  	_ = 	snop  }
0x7: {  	_ = 	snop  }
__scs_overlays_trampoline_lowered:
0x8: {  	[smem:$0x3FA6] =	sst s0  }
0x9: {  	[smem:$0x3FA7] =	sst s1  }
0xa: {  	[smem:$0x3FA8] =	sst s2  }
0xb: {  	[smem:$0x3FA9] =	sst s3  }
0xc: {  	[smem:$0x3FAA] =	sst s4  }
0xd: {  	[smem:$0x3FAB] =	sst s5  }
0xe: {  	[smem:$0x3FAC] =	sst s6  }
0xf: {  	[smem:$0x3FAD] =	sst s7  }
0x10: {  	[smem:$0x3FAE] =	sst s8  }
0x11: {  	[smem:$0x3FAF] =	sst s9;
	s0 =	simm.s32 @!p0 $0x0  }
0x12: {  	s1 =	sld [smem:$0x3F95];
	s0 =	simm.s32 @p0 $0x1  }
0x13: {  	[smem:$0x3FB0] =	sst s0;
	s0 =	simm.s32 @!p1 $0x0  }
0x14: {  	s2 =	sld [smem:$0x3F94];
	s0 =	simm.s32 @p1 $0x1  }
0x15: {  	[smem:$0x3FB1] =	sst s0;
	s0 =	simm.s32 @!p2 $0x0  }
0x16: {  	s3 =	sld [smem:$0x3FDB];
	s0 =	simm.s32 @p2 $0x1  }
0x17: {  	s4 =	simm.s32 $0x1BF5;
	[smem:$0x3FB3] =	sst s0  }
0x18: {  	s0 =	sld [smem:$0x3F96];
	_ =	swait.ge [sflag:s4], $0x0  }
0x19: {  	s7 =	sld [smem:$0x3F97]  }
0x1a: {  	s8 =	sadd.s32 $0xFFFFE003, lr  }
0x1b: {  	s9 =	sadd.s32 $0xFFFFFEF7, lr;
	s5 =	simm.s32 $0xFFFFFFFF;
	p2 =	slt.u32 s8, $0xFFFFF086  }
0x1c: {  	p1 =	slt.u32 s9, $0xF7A;
	s5 =	simm.s32 @!p2 $0x0  }
0x1d: {  	s5 =	simm.s32 @p1 $0x1;
	p0 =	seq.s32 s7, s2  }
0x1e: {  	s7 =	smul.u32 @!p0 $0xF7A, s2;
	p2 =	seq.s32 @!p0 s5, $0x0  }
0x1f: {  	s9 =	smul.u32 $0xF7A, s1;
	s8 =	simm.s32 @!p0 $0x1BF5;
	p2 =	por !p2, p0  }
0x20: {  	[sflag:s8] =	ssyncset.s32 @!p0 $0xFFFFF086;
	s6 =	sadd.s32 @!p0 s3, s7;
	s7 =	simm.s32 @!p0 $0x108  }
0x21: {  	s3 =	sadd.s32 s3, s9;
	s6 =	sadd.s32 @!p0 $0x88, s6;
	s7 =	simm.s32 @p2 $0x1082  }
0x22: {  	[simem:s7], [sflag:s8] =	dma.local @!p0 [hbm:s6], $0xF7A  }
0x23: {  	s9 =	sor.u32 $0xD0000000, s2;
	s6 =	simm.s32 $0x108;
	_ =	swait.ge @!p0 [sflag:s8], $0x0  }
0x24: {  	s3 =	sadd.s32 $0x88, s3;
	s6 =	simm.s32 @!p1 $0x1082;
	[sflag:s4] =	ssyncset.s32 $0xFFFFF086  }
0x25: {  	[simem:s6], [sflag:s4] =	dma.local [hbm:s3], $0xF7A  }
0x26: {  	[smem:$0x3F97] =	sst s1;
	(tag) =	ssettag s2;
	_ =	strace s9  }
0x27: {  	s1 =	sld [smem:$0x3FA7]  }
0x28: {  	s2 =	sld [smem:$0x3FA8]  }
0x29: {  	s4 =	sld [smem:$0x3FAA]  }
0x2a: {  	p0 =	seq.s32 s5, $0x0;
	s5 =	sld [smem:$0x3FAB]  }
0x2b: {  	s6 =	sld [smem:$0x3FAC]  }
0x2c: {  	s7 =	sld [smem:$0x3FAD]  }
0x2d: {  	s3 =	simm.s32 $0x108;
	s8 =	sld [smem:$0x3FAE]  }
0x2e: {  	s3 =	simm.s32 @!p0 $0x1082;
	s9 =	sld [smem:$0x3FAF]  }
0x2f: {  	lr =	sadd.s32 s0, s3;
	s0 =	sld [smem:$0x3FA6]  }
0x30: {  	s3 =	sld [smem:$0x3FA9]  }
0x31: {  	[smem:$0x3FB2] =	sst s10  }
0x32: {  	s10 =	sld [smem:$0x3FB0];
	_ =	sdelay $0x3  }
0x33: {  	p0 =	seq.s32 s10, $0x1;
	s10 =	sld [smem:$0x3FB2];
	_ =	sdelay $0x3  }
0x34: {  	[smem:$0x3FB2] =	sst s10  }
0x35: {  	s10 =	sld [smem:$0x3FB1];
	_ =	sdelay $0x3  }
0x36: {  	p1 =	seq.s32 s10, $0x1;
	s10 =	sld [smem:$0x3FB2];
	_ =	sdelay $0x3  }
0x37: {  	[smem:$0x3FB2] =	sst s10  }
0x38: {  	s10 =	sld [smem:$0x3FB3]  }
0x39: {  	_ = 	snop;
	(pc) =	sbr.ind lr, $3  }
0x3a: {  	_ = 	snop  }
0x3b: {  	_ = 	snop  }
0x3c: {  	p2 =	seq.s32 s10, $0x1;
	s10 =	sld [smem:$0x3FB2]  }
0x3d: {  	_ =	shalt  }
0x3e: {  	_ =	shalt  }
0x3f: {  	_ =	shalt  }
0x40: {  	_ =	shalt  }
0x41: {  	_ =	shalt  }
0x42: {  	_ =	shalt  }
0x43: {  	_ =	shalt  }
0x44: {  	_ =	shalt  }
0x45: {  	_ =	shalt  }
0x46: {  	_ =	shalt  }
0x47: {  	_ =	shalt  }
0x48: {  	_ =	shalt  }
0x49: {  	_ =	shalt  }
0x4a: {  	_ =	shalt  }
0x4b: {  	_ =	shalt  }
0x4c: {  	_ =	shalt  }
0x4d: {  	_ =	shalt  }
0x4e: {  	_ =	shalt  }
0x4f: {  	_ =	shalt  }
0x50: {  	_ =	shalt  }
0x51: {  	_ =	shalt  }
0x52: {  	_ =	shalt  }
0x53: {  	_ =	shalt  }
0x54: {  	_ =	shalt  }
0x55: {  	_ =	shalt  }
0x56: {  	_ =	shalt  }
0x57: {  	_ =	shalt  }
0x58: {  	_ =	shalt  }
0x59: {  	_ =	shalt  }
0x5a: {  	_ =	shalt  }
0x5b: {  	_ =	shalt  }
0x5c: {  	_ =	shalt  }
0x5d: {  	_ =	shalt  }
0x5e: {  	_ =	shalt  }
0x5f: {  	_ =	shalt  }
0x60: {  	_ =	shalt  }
0x61: {  	_ =	shalt  }
0x62: {  	_ =	shalt  }
0x63: {  	_ =	shalt  }
0x64: {  	_ =	shalt  }
0x65: {  	_ =	shalt  }
0x66: {  	_ =	shalt  }
0x67: {  	_ =	shalt  }
0x68: {  	_ =	shalt  }
0x69: {  	_ =	shalt  }
0x6a: {  	_ =	shalt  }
0x6b: {  	_ =	shalt  }
0x6c: {  	_ =	shalt  }
0x6d: {  	_ =	shalt  }
0x6e: {  	_ =	shalt  }
0x6f: {  	_ =	shalt  }
0x70: {  	_ =	shalt  }
0x71: {  	_ =	shalt  }
0x72: {  	_ =	shalt  }
0x73: {  	_ =	shalt  }
0x74: {  	_ =	shalt  }
0x75: {  	_ =	shalt  }
0x76: {  	_ =	shalt  }
0x77: {  	_ =	shalt  }
0x78: {  	_ =	shalt  }
0x79: {  	_ =	shalt  }
0x7a: {  	_ =	shalt  }
0x7b: {  	_ =	shalt  }
0x7c: {  	_ =	shalt  }
0x7d: {  	_ =	shalt  }
0x7e: {  	_ =	shalt  }
0x7f: {  	_ =	shalt  }
0x80: {  	_ =	shalt  }
0x81: {  	_ =	shalt  }
0x82: {  	_ =	shalt  }
0x83: {  	_ =	shalt  }
0x84: {  	_ =	shalt  }
0x85: {  	_ =	shalt  }
0x86: {  	_ =	shalt  }
0x87: {  	_ =	shalt  }
.Lfunc_end0:
.L_simem_size_0:
called_computation_lowered:
.L_overlay_start_0:
0x88: {  	s2 =	sld [smem:$0x3FD9]  }
0x89: {  	s3 =	sld [smem:$0x3FFE];
	_ =	sdelay $0x1  }
0x8a: {  	s1 =	srdreg.scid  }
0x8b: {  	s0 =	sand.u32 $0x1, s1  }
0x8c: {  	s17 =	sshll.u32 s0, $0xA;
	s2 =	sadd.s32 s3, s2  }
0x8d: {  	s2 =	sadd.s32 s2, s17  }
0x8e: {  	[smem:$0x3FBE] =	sst s2  }
0x8f: {  	_ = 	snop  }
0x90: {  	s2 =	sld [smem:$0x3FD0];
	(tm) =	ssettm $0x1  }
0x91: {  	s18 =	sld [smem:$0x3FFB];
	_ =	sdelay $0x3  }
0x92: {  	_ =	strace s18  }
0x93: {  	s3 =	sld [smem:$0x3FFC];
	_ =	sdelay $0x3  }
0x94: {  	_ =	strace s3  }
0x95: {  	s3 =	sld [smem:$0x3FFD];
	_ =	sdelay $0x3  }
0x96: {  	_ =	strace s3  }
0x97: {  	_ =	strace $0x8FFFFFFF  }
0x98: {  	s19 =	sld [smem:$0x3FDB];
	_ =	sdelay $0x1  }
0x99: {  	s4 =	simm.s32 $_scs_section_size  }
0x9a: {  	s5 =	simm.s32 $_size__tile_overlayer_lowered;
	s6 =	simm.s32 $_tile_overlayer_lowered  }
0x9b: {  	s22 =	simm.s32 $0x1BFF;
	s21 =	sshll.u32 s6, $0x1;
	s3 =	sadd.s32 s4, s19  }
0x9c: {  	s7 =	simm.s32 $0x0;
	s20 =	sshll.u32 s5, $0x1;
	s5 =	sadd.s32 s21, s3  }
0x9d: {  	[timem:s7], [sflag:s22] =	dma.local [hbm:s5], s20  }
0x9e: {  	_ =	swait.ge [sflag:s22], s20  }
0x9f: {  	s4 =	ssub.s32 $0x0, s20;
	[sflag:s22] =	ssyncset.done $0x0  }
0xa0: {  	[sflag:s22] =	ssyncadd.s32 s4;
	_ =	sdelay $0x1  }
0xa1: {  	s23 =	simm.s32 $0x1B8B  }
0xa2: {  	_ =	swait.ge [sflag:s23], $0x1  }
0xa3: {  	[sflag:s23] =	ssyncset.done $0x0  }
0xa4: {  	s25 =	simm.s32 $0x1B8E;
	s24 =	sld [smem:$0x3FFE];
	[sflag:s23] =	ssyncadd.s32 $0xFFFFFFFF  }
0xa5: {  	s26 =	simm.s32 $execute0_lowered;
	[smem:$0x3FD2] =	sst s25  }
0xa6: {  	s5 =	sshll.u32 s26, $0x1;
	_ =	strace $0x80000046;
	[dreg:$0x1] =	wrdreg $0xFFFFFFFF  }
0xa7: {  	s28 =	simm.s32 $_size_execute0_lowered;
	s3 =	sadd.s32 s3, s5;
	[dreg:$0x0] =	wrdreg $0x0  }
0xa8: {  	s5 =	sshll.u32 s28, $0x1;
	[dreg:$0x2] =	wrdreg s3  }
0xa9: {  	[dreg:$0x3] =	wrdreg s5  }
0xaa: {  	[dreg:$0x4] =	wrdreg $0xC0  }
0xab: {  	_ =	task [dreg:s7], $0x5FFFF  }
0xac: {  	[dreg:$0x1] =	wrdreg $0xFFFFFFFF  }
0xad: {  	[dreg:$0x0] =	wrdreg $0x60  }
0xae: {  	[dreg:$0x2] =	wrdreg s24  }
0xaf: {  	[dreg:$0x3] =	wrdreg s2  }
0xb0: {  	[dreg:$0x4] =	wrdreg $0x28800  }
0xb1: {  	[dreg:$0x5] =	wrdreg $0x9  }
0xb2: {  	_ =	task.clear_ibuf [dreg:s7], $0x6FFFF;
	_ =	strace $0x90000046  }
0xb3: {  	s29 =	simm.s32 $0x9;
	_ =	strace $0x80000048  }
0xb4: {  	_ =	swait.ge [sflag:s29], $0x1  }
0xb5: {  	[sflag:s29] =	ssyncadd.s32 $0xFFFFFFFF  }
0xb6: {  	_ =	strace $0x90000048  }
0xb7: {  	_ =	sfence  }
0xb8: {  	s30 =	sld [smem:$0x0];
	_ =	sdelay $0x2  }
0xb9: {  	s31 =	sshll.u32 s1, $0xD;
	s1 =	sshrl.u32 s1, $0x2  }
0xba: {  	s3 =	sand.u32 $0x4000, s31;
	s1 =	sadd.s32 s1, s30  }
0xbb: {  	s0 =	sor.u32 s3, s0;
	s1 =	sshll.u32 s1, $0x11  }
0xbc: {  	s0 =	sor.u32 s1, s0  }
0xbd: {  	s0 =	sadd.s32 $0x8F2B, s0  }
0xbe: {  	[sflag:s0] =	ssyncadd.remote.s32 $0x1  }
0xbf: {  	_ =	sfence.sel $0xFFFF  }
0xc0: {  	[dreg:$0x0] =	wrdreg $0xFFFFFFFF;
	(pc) =	sbr.abs _section_cstart, $3  }
0xc1: {  	[dreg:$0x1] =	wrdreg $0xFFFFFFFF  }
0xc2: {  	_ =	task.clear_ibuf [dreg:s7], $0x2FFFF;
	_ =	strace $0x9FFFFFFF  }
0xc3: {  	(tm) =	ssettm $0x7FFFFFFF  }
tec
execute0_lowered:
.L_overlay_start_1:
0x0: {  	(tag) =	ssettag $0x1  }
0x1: {  	s4 =	rddreg [dreg:$0x0]  }
0x2: {  	s1 =	srdreg.scid;
	s5 =	rddreg [dreg:$0x1]  }
0x3: {  	s0 =	stileid.u32;
	s2 =	rddreg [dreg:$0x2];
	s3 =	simm.s32 $0x0  }
0x4: {  	s12 =	simm.s32 $0x2800;
	s13 =	simm.s32 $0x1;
	s14 =	simm.s32 $0x0  }
0x5: {  	s6 =	sand.u32 $0x1, s1;
	s7 =	smul.u32 $0x280, s0;
	s1 =	rddreg [dreg:$0x3]  }
0x6: {  	[smem:$0x7FF] =	sst s3;
	s31 =	sshll.u32 s0, $0x6;
	s8 =	sshll.u32 s6, $0x4  }
0x7: {  	s9 =	smul.u32 $0x2800, s6;
	_ =	strace $0x80000047;
	s6 =	ssub.s32 $0x2, s6  }
0x8: {  	s8 =	sor.u32 s0, s8;
	s29 =	sshrl.u32 s6, $0x1;
	s30 =	sshrl.u32 s7, $0x3  }
0x9: {  	s11 =	sadd.s32 s7, s2;
	s8 =	smul.u32 $0x500, s8;
	s9 =	sadd.s32 s7, s9  }
0xa: {  	s10 =	ssub.s32 s6, s29;
	s5 =	sadd.s32 s5, s30;
	s9 =	sshrl.u32 s9, $0x3  }
0xb: {  	s7 =	smax.u32 s10, $0x1;
	s10 =	sshrl.u32 s11, $0x3;
	s8 =	sadd.s32 s8, s4  }
0xc: {  	s11 =	simm.s32 $0x80;
	s9 =	sadd.s32 s9, s4;
	s4 =	sadd.s32 $0xD800, s8  }
0xd: {  	v0 =	vimm.f32 $1.000000000e+00;
	s6 =	sadd.s32 $0x17800, s9;
	s8 =	simm.s32 $0x2;
	s9 =	sor.u32 $0x1C02, s31  }
.LBB2_1:
0xe: {  	[tilespmem:s3], [sflag:$0x2] =	stream.linear.gather [hbm4b:s4+s3], $0x2800, $0x38;
	[tilespmem:$0x2B00] =	vst v63  }
0xf: {  	_ =	swait.ge [sflag:s8], $0x2800  }
0x10: {  	[sflag:s8] =	ssyncset.done $0x0  }
0x11: {  	[sflag:s8] =	ssyncadd.s32 $0xFFFFD800  }
0x12: {  	[tilespmem:$0x2800] =	vst v0  }
0x13: {  	[tilespmem:$0x2810] =	vst v0  }
0x14: {  	[tilespmem:$0x2820] =	vst v0  }
0x15: {  	[tilespmem:$0x2830] =	vst v0  }
0x16: {  	[tilespmem:$0x2840] =	vst v0  }
0x17: {  	[tilespmem:$0x2850] =	vst v0  }
0x18: {  	[tilespmem:$0x2860] =	vst v0  }
0x19: {  	[tilespmem:$0x2870] =	vst v0  }
0x1a: {  	[spmem:s10], [sflag:s9] =	dma.local [hbm:s5], $0x50  }
0x1b: {  	_ =	swait.ge [sflag:s8], $0x50  }
0x1c: {  	[sflag:s8] =	ssyncset.done $0x0  }
0x1d: {  	[sflag:s8] =	ssyncadd.s32 $0xFFFFFFB0  }
0x1e: {  	s15 =	simm.s32 $0x0;
	[bflag:$0x0] =	sbarrier.arrive $0xFFFF  }
.LBB2_2:
0x1f: {  	p0 =	sne.s32 s15, $0x9E00  }
.Ltmp0:
0x20: {  	_ = 	snop;
	(pc) =	sbr.rel @p0 .LBB2_2-.Ltmp0, $3  }
0x21: {  	_ =	sdelay $0x1  }
0x22: {  	s16 =	sshra.s32 s15, $0x2;
	s15 =	sadd.s32 $0x200, s15  }
0x23: {  	[spmem:s2] =	stream.indirect.scatter.add.f32 [tilespmem:s12], [sflag:$0x1], $0x1, s16, s11, $0xb8;
	[tilespmem:$0x2B00] =	vst v63  }
0x24: {  	_ =	swait.ge [sflag:s13], $0x80  }
0x25: {  	s15 =	simm.s32 $0x4F;
	[sflag:s13] =	ssyncset.done $0x0  }
.LBB2_4:
0x26: {  	p0 =	sne.s32 s15, $0x1;
	s15 =	sadd.s32 $0xFFFFFFFF, s15;
	[sflag:s13] =	ssyncadd.s32 $0xFFFFFF80  }
.Ltmp1:
0x27: {  	(pc) =	sbr.rel @p0 .LBB2_4-.Ltmp1, $3  }
0x28: {  	_ =	sdelay $0x1  }
0x29: {  	_ =	swait.ge [sflag:s13], $0x80  }
0x2a: {  	[sflag:s13] =	ssyncset.done $0x0  }
0x2b: {  	s14 =	sadd.s32 $0x1, s14  }
0x2c: {  	[sflag:s13] =	ssyncadd.s32 $0xFFFFFF80;
	p0 =	sne.s32 s14, s7  }
.Ltmp2:
0x2d: {  	[bflag:$0x0] =	sbarrier.arrive $0xFFFF;
	(pc) =	sbr.rel @p0 .LBB2_1-.Ltmp2, $4  }
0x2e: {  	[hbm:s6], [sflag:s9] =	dma.local [spmem:s10], $0x50  }
0x2f: {  	_ =	swait.ge [sflag:s8], $0x50  }
0x30: {  	[sflag:s8] =	ssyncset.done $0x0  }
0x31: {  	[sflag:s8] =	ssyncadd.s32 $0xFFFFFFB0  }
0x32: {  	_ =	sfence.sel $0x180000  }
0x33: {  	[bflag:$0x0] =	sbarrier.arrive $0xFFFF  }
0x34: {  	p0 =	sne.s32 s0, $0x0;
	_ =	strace $0x90000047  }
0x35: {  	s0 =	sadd.s32 @!p0 $0x100000, s1;
	[bflag:$0x2] =	sbarrier.arrive $0xFFFF  }
0x36: {  	[sflag:s0] =	ssyncadd.tile.s32 @!p0 $0x1;
	_ =	shalt  }
.Lfunc_end2:
_tile_overlayer_lowered:
.L_overlay_start_2:
0x37: {  	(tag) =	ssettag $0x2  }
0x38: {  	s0 =	rddreg [dreg:$0x0];
	s2 =	stileid.u32  }
0x39: {  	s1 =	rddreg [dreg:$0x1];
	p0 =	sne.s32 s2, $0x0  }
0x3a: {  	s3 =	rddreg [dreg:$0x2];
	[bflag:$0x3] =	sbarrier.arrive $0xFFFF;
	s2 =	simm.s32 @!p0 $0x1C02  }
0x3b: {  	[timem:s3], [sflag:s2] =	dma.local @!p0 [hbm:s0], s1  }
0x3c: {  	s0 =	simm.s32 @!p0 $0x2  }
0x3d: {  	_ =	swait.ge @!p0 [sflag:s0], s1  }
0x3e: {  	s1 =	ssub.s32 @!p0 $0x0, s1;
	[sflag:s0] =	ssyncset.done @!p0 $0x0  }
0x3f: {  	[sflag:s0] =	ssyncadd.s32 @!p0 s1  }
0x40: {  	[bflag:$0x3] =	sbarrier.arrive $0xFFFF  }
0x41: {  	_ =	shalt  }

// kernel: kernel.14.cloned.1.call-start
scs
__scs_entry_jumppad:
0x0: {  	(pc) =	sbr.rel $0x88, $3  }
0x1: {  	(tag) =	ssettag $0x0;
	lr =	simm.s32 $0x1  }
0x2: {  	[smem:$0x3F97] =	sst lr;
	_ =	strace $0xD0000000  }
0x3: {  	_ = 	snop  }
0x4: {  	_ = 	snop  }
0x5: {  	_ = 	snop  }
0x6: {  	_ = 	snop  }
0x7: {  	_ = 	snop  }
__scs_overlays_trampoline_lowered:
0x8: {  	[smem:$0x3FA6] =	sst s0  }
0x9: {  	[smem:$0x3FA7] =	sst s1  }
0xa: {  	[smem:$0x3FA8] =	sst s2  }
0xb: {  	[smem:$0x3FA9] =	sst s3  }
0xc: {  	[smem:$0x3FAA] =	sst s4  }
0xd: {  	[smem:$0x3FAB] =	sst s5  }
0xe: {  	[smem:$0x3FAC] =	sst s6  }
0xf: {  	[smem:$0x3FAD] =	sst s7  }
0x10: {  	[smem:$0x3FAE] =	sst s8  }
0x11: {  	[smem:$0x3FAF] =	sst s9;
	s0 =	simm.s32 @!p0 $0x0  }
0x12: {  	s1 =	sld [smem:$0x3F95];
	s0 =	simm.s32 @p0 $0x1  }
0x13: {  	[smem:$0x3FB0] =	sst s0;
	s0 =	simm.s32 @!p1 $0x0  }
0x14: {  	s2 =	sld [smem:$0x3F94];
	s0 =	simm.s32 @p1 $0x1  }
0x15: {  	[smem:$0x3FB1] =	sst s0;
	s0 =	simm.s32 @!p2 $0x0  }
0x16: {  	s3 =	sld [smem:$0x3FDB];
	s0 =	simm.s32 @p2 $0x1  }
0x17: {  	s4 =	simm.s32 $0x1BF5;
	[smem:$0x3FB3] =	sst s0  }
0x18: {  	s0 =	sld [smem:$0x3F96];
	_ =	swait.ge [sflag:s4], $0x0  }
0x19: {  	s7 =	sld [smem:$0x3F97]  }
0x1a: {  	s8 =	sadd.s32 $0xFFFFE003, lr  }
0x1b: {  	s9 =	sadd.s32 $0xFFFFFEF7, lr;
	s5 =	simm.s32 $0xFFFFFFFF;
	p2 =	slt.u32 s8, $0xFFFFF086  }
0x1c: {  	p1 =	slt.u32 s9, $0xF7A;
	s5 =	simm.s32 @!p2 $0x0  }
0x1d: {  	s5 =	simm.s32 @p1 $0x1;
	p0 =	seq.s32 s7, s2  }
0x1e: {  	s7 =	smul.u32 @!p0 $0xF7A, s2;
	p2 =	seq.s32 @!p0 s5, $0x0  }
0x1f: {  	s9 =	smul.u32 $0xF7A, s1;
	s8 =	simm.s32 @!p0 $0x1BF5;
	p2 =	por !p2, p0  }
0x20: {  	[sflag:s8] =	ssyncset.s32 @!p0 $0xFFFFF086;
	s6 =	sadd.s32 @!p0 s3, s7;
	s7 =	simm.s32 @!p0 $0x108  }
0x21: {  	s3 =	sadd.s32 s3, s9;
	s6 =	sadd.s32 @!p0 $0x88, s6;
	s7 =	simm.s32 @p2 $0x1082  }
0x22: {  	[simem:s7], [sflag:s8] =	dma.local @!p0 [hbm:s6], $0xF7A  }
0x23: {  	s9 =	sor.u32 $0xD0000000, s2;
	s6 =	simm.s32 $0x108;
	_ =	swait.ge @!p0 [sflag:s8], $0x0  }
0x24: {  	s3 =	sadd.s32 $0x88, s3;
	s6 =	simm.s32 @!p1 $0x1082;
	[sflag:s4] =	ssyncset.s32 $0xFFFFF086  }
0x25: {  	[simem:s6], [sflag:s4] =	dma.local [hbm:s3], $0xF7A  }
0x26: {  	[smem:$0x3F97] =	sst s1;
	(tag) =	ssettag s2;
	_ =	strace s9  }
0x27: {  	s1 =	sld [smem:$0x3FA7]  }
0x28: {  	s2 =	sld [smem:$0x3FA8]  }
0x29: {  	s4 =	sld [smem:$0x3FAA]  }
0x2a: {  	p0 =	seq.s32 s5, $0x0;
	s5 =	sld [smem:$0x3FAB]  }
0x2b: {  	s6 =	sld [smem:$0x3FAC]  }
0x2c: {  	s7 =	sld [smem:$0x3FAD]  }
0x2d: {  	s3 =	simm.s32 $0x108;
	s8 =	sld [smem:$0x3FAE]  }
0x2e: {  	s3 =	simm.s32 @!p0 $0x1082;
	s9 =	sld [smem:$0x3FAF]  }
0x2f: {  	lr =	sadd.s32 s0, s3;
	s0 =	sld [smem:$0x3FA6]  }
0x30: {  	s3 =	sld [smem:$0x3FA9]  }
0x31: {  	[smem:$0x3FB2] =	sst s10  }
0x32: {  	s10 =	sld [smem:$0x3FB0];
	_ =	sdelay $0x3  }
0x33: {  	p0 =	seq.s32 s10, $0x1;
	s10 =	sld [smem:$0x3FB2];
	_ =	sdelay $0x3  }
0x34: {  	[smem:$0x3FB2] =	sst s10  }
0x35: {  	s10 =	sld [smem:$0x3FB1];
	_ =	sdelay $0x3  }
0x36: {  	p1 =	seq.s32 s10, $0x1;
	s10 =	sld [smem:$0x3FB2];
	_ =	sdelay $0x3  }
0x37: {  	[smem:$0x3FB2] =	sst s10  }
0x38: {  	s10 =	sld [smem:$0x3FB3]  }
0x39: {  	_ = 	snop;
	(pc) =	sbr.ind lr, $3  }
0x3a: {  	_ = 	snop  }
0x3b: {  	_ = 	snop  }
0x3c: {  	p2 =	seq.s32 s10, $0x1;
	s10 =	sld [smem:$0x3FB2]  }
0x3d: {  	_ =	shalt  }
0x3e: {  	_ =	shalt  }
0x3f: {  	_ =	shalt  }
0x40: {  	_ =	shalt  }
0x41: {  	_ =	shalt  }
0x42: {  	_ =	shalt  }
0x43: {  	_ =	shalt  }
0x44: {  	_ =	shalt  }
0x45: {  	_ =	shalt  }
0x46: {  	_ =	shalt  }
0x47: {  	_ =	shalt  }
0x48: {  	_ =	shalt  }
0x49: {  	_ =	shalt  }
0x4a: {  	_ =	shalt  }
0x4b: {  	_ =	shalt  }
0x4c: {  	_ =	shalt  }
0x4d: {  	_ =	shalt  }
0x4e: {  	_ =	shalt  }
0x4f: {  	_ =	shalt  }
0x50: {  	_ =	shalt  }
0x51: {  	_ =	shalt  }
0x52: {  	_ =	shalt  }
0x53: {  	_ =	shalt  }
0x54: {  	_ =	shalt  }
0x55: {  	_ =	shalt  }
0x56: {  	_ =	shalt  }
0x57: {  	_ =	shalt  }
0x58: {  	_ =	shalt  }
0x59: {  	_ =	shalt  }
0x5a: {  	_ =	shalt  }
0x5b: {  	_ =	shalt  }
0x5c: {  	_ =	shalt  }
0x5d: {  	_ =	shalt  }
0x5e: {  	_ =	shalt  }
0x5f: {  	_ =	shalt  }
0x60: {  	_ =	shalt  }
0x61: {  	_ =	shalt  }
0x62: {  	_ =	shalt  }
0x63: {  	_ =	shalt  }
0x64: {  	_ =	shalt  }
0x65: {  	_ =	shalt  }
0x66: {  	_ =	shalt  }
0x67: {  	_ =	shalt  }
0x68: {  	_ =	shalt  }
0x69: {  	_ =	shalt  }
0x6a: {  	_ =	shalt  }
0x6b: {  	_ =	shalt  }
0x6c: {  	_ =	shalt  }
0x6d: {  	_ =	shalt  }
0x6e: {  	_ =	shalt  }
0x6f: {  	_ =	shalt  }
0x70: {  	_ =	shalt  }
0x71: {  	_ =	shalt  }
0x72: {  	_ =	shalt  }
0x73: {  	_ =	shalt  }
0x74: {  	_ =	shalt  }
0x75: {  	_ =	shalt  }
0x76: {  	_ =	shalt  }
0x77: {  	_ =	shalt  }
0x78: {  	_ =	shalt  }
0x79: {  	_ =	shalt  }
0x7a: {  	_ =	shalt  }
0x7b: {  	_ =	shalt  }
0x7c: {  	_ =	shalt  }
0x7d: {  	_ =	shalt  }
0x7e: {  	_ =	shalt  }
0x7f: {  	_ =	shalt  }
0x80: {  	_ =	shalt  }
0x81: {  	_ =	shalt  }
0x82: {  	_ =	shalt  }
0x83: {  	_ =	shalt  }
0x84: {  	_ =	shalt  }
0x85: {  	_ =	shalt  }
0x86: {  	_ =	shalt  }
0x87: {  	_ =	shalt  }
.Lfunc_end0:
.L_simem_size_0:
called_computation.1_lowered:
.L_overlay_start_0:
0x88: {  	s2 =	sld [smem:$0x3FD9]  }
0x89: {  	s3 =	sld [smem:$0x3FFE];
	_ =	sdelay $0x1  }
0x8a: {  	s1 =	srdreg.scid  }
0x8b: {  	s0 =	sand.u32 $0x1, s1  }
0x8c: {  	s16 =	sshll.u32 s0, $0xA;
	s2 =	sadd.s32 s3, s2  }
0x8d: {  	s2 =	sadd.s32 s2, s16  }
0x8e: {  	[smem:$0x3FBE] =	sst s2  }
0x8f: {  	_ = 	snop  }
0x90: {  	(tm) =	ssettm $0x1  }
0x91: {  	s17 =	sld [smem:$0x3FFB];
	_ =	sdelay $0x3  }
0x92: {  	_ =	strace s17  }
0x93: {  	s2 =	sld [smem:$0x3FFC];
	_ =	sdelay $0x3  }
0x94: {  	_ =	strace s2  }
0x95: {  	s2 =	sld [smem:$0x3FFD];
	_ =	sdelay $0x3  }
0x96: {  	_ =	strace s2  }
0x97: {  	_ =	strace $0x8FFFFFFF  }
0x98: {  	s18 =	sld [smem:$0x3FDB];
	_ =	sdelay $0x1  }
0x99: {  	s19 =	simm.s32 $_scs_section_size  }
0x9a: {  	s4 =	simm.s32 $_size__tile_overlayer_lowered;
	s5 =	simm.s32 $_tile_overlayer_lowered  }
0x9b: {  	s22 =	simm.s32 $0x1BFF;
	s21 =	sshll.u32 s5, $0x1;
	s2 =	sadd.s32 s19, s18  }
0x9c: {  	s6 =	simm.s32 $0x0;
	s20 =	sshll.u32 s4, $0x1;
	s4 =	sadd.s32 s21, s2  }
0x9d: {  	[timem:s6], [sflag:s22] =	dma.local [hbm:s4], s20  }
0x9e: {  	_ =	swait.ge [sflag:s22], s20  }
0x9f: {  	s3 =	ssub.s32 $0x0, s20;
	[sflag:s22] =	ssyncset.done $0x0  }
0xa0: {  	[sflag:s22] =	ssyncadd.s32 s3;
	_ =	sdelay $0x1  }
0xa1: {  	s23 =	simm.s32 $0x1B8B  }
0xa2: {  	_ =	swait.ge [sflag:s23], $0x1  }
0xa3: {  	[sflag:s23] =	ssyncset.done $0x0  }
0xa4: {  	s25 =	simm.s32 $0x1B8E;
	s24 =	sld [smem:$0x3FFE];
	[sflag:s23] =	ssyncadd.s32 $0xFFFFFFFF  }
0xa5: {  	s26 =	simm.s32 $execute0_lowered;
	[smem:$0x3FD2] =	sst s25  }
0xa6: {  	s4 =	sshll.u32 s26, $0x1;
	_ =	strace $0x80000049;
	[dreg:$0x1] =	wrdreg $0xFFFFFFFF  }
0xa7: {  	s28 =	simm.s32 $_size_execute0_lowered;
	s2 =	sadd.s32 s2, s4;
	[dreg:$0x0] =	wrdreg $0x0  }
0xa8: {  	s4 =	sshll.u32 s28, $0x1;
	[dreg:$0x2] =	wrdreg s2  }
0xa9: {  	[dreg:$0x3] =	wrdreg s4  }
0xaa: {  	[dreg:$0x4] =	wrdreg $0xC0  }
0xab: {  	_ =	task [dreg:s6], $0x5FFFF  }
0xac: {  	[dreg:$0x1] =	wrdreg $0xFFFFFFFF  }
0xad: {  	[dreg:$0x0] =	wrdreg $0x60  }
0xae: {  	[dreg:$0x2] =	wrdreg s24  }
0xaf: {  	[dreg:$0x3] =	wrdreg $0x150000  }
0xb0: {  	[dreg:$0x4] =	wrdreg $0x9  }
0xb1: {  	_ =	task.clear_ibuf [dreg:s6], $0x5FFFF;
	_ =	strace $0x90000049  }
0xb2: {  	s29 =	simm.s32 $0x9;
	_ =	strace $0x8000004B  }
0xb3: {  	_ =	swait.ge [sflag:s29], $0x1  }
0xb4: {  	[sflag:s29] =	ssyncadd.s32 $0xFFFFFFFF  }
0xb5: {  	_ =	strace $0x9000004B  }
0xb6: {  	_ =	sfence  }
0xb7: {  	s30 =	sld [smem:$0x0];
	_ =	sdelay $0x2  }
0xb8: {  	s31 =	sshll.u32 s1, $0xD;
	s1 =	sshrl.u32 s1, $0x2  }
0xb9: {  	s3 =	sand.u32 $0x4000, s31;
	s1 =	sadd.s32 s1, s30  }
0xba: {  	s0 =	sor.u32 s3, s0;
	s1 =	sshll.u32 s1, $0x11  }
0xbb: {  	s0 =	sor.u32 s1, s0  }
0xbc: {  	s0 =	sadd.s32 $0x8F2B, s0  }
0xbd: {  	[sflag:s0] =	ssyncadd.remote.s32 $0x1  }
0xbe: {  	_ =	sfence.sel $0xFFFF  }
0xbf: {  	[dreg:$0x0] =	wrdreg $0xFFFFFFFF;
	(pc) =	sbr.abs _section_cstart, $3  }
0xc0: {  	[dreg:$0x1] =	wrdreg $0xFFFFFFFF  }
0xc1: {  	_ =	task.clear_ibuf [dreg:s6], $0x2FFFF;
	_ =	strace $0x9FFFFFFF  }
0xc2: {  	(tm) =	ssettm $0x7FFFFFFF  }
0xc3: {  	_ =	shalt  }
tec
execute0_lowered:
.L_overlay_start_1:
0x0: {  	(tag) =	ssettag $0x1  }
0x1: {  	s0 =	srdreg.scid;
	s3 =	rddreg [dreg:$0x0]  }
0x2: {  	s7 =	stileid.u32;
	s2 =	rddreg [dreg:$0x1];
	s6 =	simm.s32 $0x0  }
0x3: {  	s13 =	simm.s32 $0x11;
	s14 =	simm.s32 $0x80;
	s15 =	simm.s32 $0x5000  }
0x4: {  	s16 =	simm.s32 $0x7000;
	s18 =	simm.s32 $0x9000;
	s20 =	simm.s32 $0xB000  }
0x5: {  	s29 =	simm.s32 $0x13000;
	s30 =	simm.s32 $0x1;
	s31 =	simm.s32 $0x2  }
0x6: {  	s11 =	simm.s32 $0x5;
	s17 =	simm.s32 $0x6;
	s19 =	simm.s32 $0x7  }
0x7: {  	s21 =	simm.s32 $0x8;
	s28 =	simm.s32 $0xB;
	s9 =	simm.s32 $0x10  }
0x8: {  	s10 =	simm.s32 $0x0;
	s0 =	sand.u32 $0x1, s0;
	s5 =	smul.u32 $0xA000, s7  }
0x9: {  	[smem:$0x7FF] =	sst s6;
	s8 =	sadd.s32 $0x2B200, s3;
	s26 =	sshll.u32 s7, $0x6  }
0xa: {  	s1 =	sshll.u32 s0, $0x4;
	s4 =	smul.u32 $0xA0000, s0;
	_ =	strace $0x8000004A  }
0xb: {  	s0 =	ssub.s32 $0x2, s0;
	[dreg:$0x3] =	wrdreg s8;
	s8 =	simm.s32 $0xF  }
0xc: {  	[dreg:$0xa] =	wrdreg s10;
	s1 =	sor.u32 s7, s1;
	s23 =	sshrl.u32 s0, $0x1  }
0xd: {  	s25 =	sadd.s32 s5, s2;
	s7 =	simm.s32 $0xE;
	s1 =	smul.u32 $0x500, s1  }
0xe: {  	s22 =	sadd.s32 s5, s4;
	s4 =	sadd.s32 $0x17800, s3;
	s0 =	ssub.s32 s0, s23  }
0xf: {  	s12 =	sshrl.u32 s25, $0x3;
	s23 =	simm.s32 $0x9;
	s25 =	simm.s32 $0xA  }
0x10: {  	s5 =	simm.s32 $0xC;
	s6 =	sshrl.u32 s22, $0x3;
	s0 =	smax.u32 s0, $0x1  }
0x11: {  	s22 =	simm.s32 $0xD000;
	[dreg:$0x8] =	wrdreg s12;
	s1 =	sadd.s32 s1, s3  }
0x12: {  	s3 =	sadd.s32 s6, s3;
	[dreg:$0x7] =	wrdreg s0;
	s0 =	sor.u32 $0x1C11, s26  }
0x13: {  	s26 =	simm.s32 $0x11000;
	s24 =	sadd.s32 $0x3800, s1;
	[dreg:$0x9] =	wrdreg s0  }
0x14: {  	s6 =	simm.s32 $0xD;
	s1 =	sadd.s32 $0xD800, s1;
	[dreg:$0x4] =	wrdreg s24  }
0x15: {  	s3 =	sadd.s32 $0x2C600, s3;
	s0 =	simm.s32 $0x4;
	[dreg:$0x5] =	wrdreg s1  }
0x16: {  	[dreg:$0x6] =	wrdreg s3;
	s24 =	simm.s32 $0xF000;
	s1 =	simm.s32 $0x3  }
.LBB2_1:
0x17: {  	s3 =	simm.s32 $0x0;
	s12 =	rddreg [dreg:$0x4]  }
0x18: {  	[tilespmem:s3], [sflag:$0x11] =	stream.linear.gather [hbm4b:s12+s3], $0x2800, $0x38;
	[tilespmem:$0x1F000] =	vst v63  }
0x19: {  	_ =	swait.ge [sflag:s13], $0x2800  }
0x1a: {  	s10 =	simm.s32 $0x0;
	[sflag:s13] =	ssyncset.done $0x0  }
0x1b: {  	s3 =	simm.s32 $0x2800;
	s12 =	rddreg [dreg:$0x5];
	[sflag:s13] =	ssyncadd.s32 $0xFFFFD800  }
0x1c: {  	[tilespmem:s3], [sflag:$0x11] =	stream.linear.gather [hbm4b:s12+s10], $0x2800, $0x38;
	[tilespmem:$0x1F000] =	vst v63  }
0x1d: {  	s10 =	rddreg [dreg:$0x9];
	_ =	swait.ge [sflag:s13], $0x2800  }
0x1e: {  	[sflag:s13] =	ssyncset.done $0x0;
	s12 =	rddreg [dreg:$0x3]  }
0x1f: {  	s3 =	rddreg [dreg:$0x8];
	[sflag:s13] =	ssyncadd.s32 $0xFFFFD800  }
0x20: {  	[spmem:s3], [sflag:s10] =	dma.local [hbm:s12], $0x1400  }
0x21: {  	_ =	swait.ge [sflag:s13], $0x1400  }
0x22: {  	[sflag:s13] =	ssyncset.done $0x0  }
0x23: {  	[sflag:s13] =	ssyncadd.s32 $0xFFFFEC00  }
0x24: {  	s13 =	simm.s32 $0x0;
	[bflag:$0x0] =	sbarrier.arrive $0xFFFF  }
0x25: {  	[tilespmem:s15], [sflag:$0x1] =	stream.indirect.gather [hbm4b:s4+s14], $0x40, s13, s14, $0xb8;
	[tilespmem:$0x1F000] =	vst v63  }
0x26: {  	_ = 	snop  }
0x27: {  	[tilespmem:s16], [sflag:$0x2] =	stream.indirect.gather [hbm4b:s4+s14], $0x40, s14, s14, $0xb8;
	[tilespmem:$0x1F000] =	vst v63  }
0x28: {  	s3 =	simm.s32 $0x100  }
0x29: {  	[tilespmem:s18], [sflag:$0x3] =	stream.indirect.gather [hbm4b:s4+s14], $0x40, s3, s14, $0xb8;
	[tilespmem:$0x1F000] =	vst v63  }
0x2a: {  	s12 =	simm.s32 $0x180  }
0x2b: {  	[tilespmem:s20], [sflag:$0x4] =	stream.indirect.gather [hbm4b:s4+s14], $0x40, s12, s14, $0xb8;
	[tilespmem:$0x1F000] =	vst v63  }
0x2c: {  	s13 =	simm.s32 $0x200  }
0x2d: {  	[tilespmem:s22], [sflag:$0x5] =	stream.indirect.gather [hbm4b:s4+s14], $0x40, s13, s14, $0xb8;
	[tilespmem:$0x1F000] =	vst v63  }
0x2e: {  	s3 =	simm.s32 $0x280  }
0x2f: {  	[tilespmem:s24], [sflag:$0x6] =	stream.indirect.gather [hbm4b:s4+s14], $0x40, s3, s14, $0xb8;
	[tilespmem:$0x1F000] =	vst v63  }
0x30: {  	s12 =	simm.s32 $0x300  }
0x31: {  	[tilespmem:s26], [sflag:$0x7] =	stream.indirect.gather [hbm4b:s4+s14], $0x40, s12, s14, $0xb8;
	[tilespmem:$0x1F000] =	vst v63  }
0x32: {  	s13 =	simm.s32 $0x380  }
0x33: {  	[tilespmem:s29], [sflag:$0x8] =	stream.indirect.gather [hbm4b:s4+s14], $0x40, s13, s14, $0xb8;
	[tilespmem:$0x1F000] =	vst v63  }
0x34: {  	_ =	swait.ge [sflag:s30], $0x2000  }
0x35: {  	[sflag:s30] =	ssyncset.done $0x0  }
0x36: {  	s3 =	simm.s32 $0x2800;
	[sflag:s30] =	ssyncadd.s32 $0xFFFFE000  }
0x37: {  	[spmem:s2] =	stream.indirect.scatter.add.f32 [tilespmem:s15], [sflag:$0x9], $0x40, s3, s14, $0xb8;
	[tilespmem:$0x1F000] =	vst v63  }
0x38: {  	_ =	swait.ge [sflag:s31], $0x2000  }
0x39: {  	[sflag:s31] =	ssyncset.done $0x0  }
0x3a: {  	s10 =	simm.s32 $0x2880;
	[sflag:s31] =	ssyncadd.s32 $0xFFFFE000  }
0x3b: {  	[spmem:s2] =	stream.indirect.scatter.add.f32 [tilespmem:s16], [sflag:$0xA], $0x40, s10, s14, $0xb8;
	[tilespmem:$0x1F000] =	vst v63  }
0x3c: {  	_ =	swait.ge [sflag:s1], $0x2000  }
0x3d: {  	[sflag:s1] =	ssyncset.done $0x0  }
0x3e: {  	s13 =	simm.s32 $0x2900;
	[sflag:s1] =	ssyncadd.s32 $0xFFFFE000  }
0x3f: {  	[spmem:s2] =	stream.indirect.scatter.add.f32 [tilespmem:s18], [sflag:$0xB], $0x40, s13, s14, $0xb8;
	[tilespmem:$0x1F000] =	vst v63  }
0x40: {  	_ =	swait.ge [sflag:s0], $0x2000  }
0x41: {  	[sflag:s0] =	ssyncset.done $0x0  }
0x42: {  	s3 =	simm.s32 $0x2980;
	[sflag:s0] =	ssyncadd.s32 $0xFFFFE000  }
0x43: {  	[spmem:s2] =	stream.indirect.scatter.add.f32 [tilespmem:s20], [sflag:$0xC], $0x40, s3, s14, $0xb8;
	[tilespmem:$0x1F000] =	vst v63  }
0x44: {  	_ =	swait.ge [sflag:s11], $0x2000  }
0x45: {  	[sflag:s11] =	ssyncset.done $0x0  }
0x46: {  	s10 =	simm.s32 $0x2A00;
	[sflag:s11] =	ssyncadd.s32 $0xFFFFE000  }
0x47: {  	[spmem:s2] =	stream.indirect.scatter.add.f32 [tilespmem:s22], [sflag:$0xD], $0x40, s10, s14, $0xb8;
	[tilespmem:$0x1F000] =	vst v63  }
0x48: {  	_ =	swait.ge [sflag:s17], $0x2000  }
0x49: {  	[sflag:s17] =	ssyncset.done $0x0  }
0x4a: {  	s13 =	simm.s32 $0x2A80;
	[sflag:s17] =	ssyncadd.s32 $0xFFFFE000  }
0x4b: {  	[spmem:s2] =	stream.indirect.scatter.add.f32 [tilespmem:s24], [sflag:$0xE], $0x40, s13, s14, $0xb8;
	[tilespmem:$0x1F000] =	vst v63  }
0x4c: {  	_ =	swait.ge [sflag:s19], $0x2000  }
0x4d: {  	[sflag:s19] =	ssyncset.done $0x0  }
0x4e: {  	s3 =	simm.s32 $0x2B00;
	[sflag:s19] =	ssyncadd.s32 $0xFFFFE000  }
0x4f: {  	[spmem:s2] =	stream.indirect.scatter.add.f32 [tilespmem:s26], [sflag:$0xF], $0x40, s3, s14, $0xb8;
	[tilespmem:$0x1F000] =	vst v63  }
0x50: {  	_ =	swait.ge [sflag:s21], $0x2000  }
0x51: {  	[sflag:s21] =	ssyncset.done $0x0  }
0x52: {  	s10 =	simm.s32 $0x2B80;
	[sflag:s21] =	ssyncadd.s32 $0xFFFFE000  }
0x53: {  	[spmem:s2] =	stream.indirect.scatter.add.f32 [tilespmem:s29], [sflag:$0x10], $0x40, s10, s14, $0xb8;
	[tilespmem:$0x1F000] =	vst v63  }
0x54: {  	_ =	swait.ge [sflag:s23], $0x2000  }
0x55: {  	[sflag:s23] =	ssyncset.done $0x0  }
0x56: {  	s13 =	simm.s32 $0x400;
	[sflag:s23] =	ssyncadd.s32 $0xFFFFE000  }
0x57: {  	[tilespmem:s15], [sflag:$0x1] =	stream.indirect.gather [hbm4b:s4+s14], $0x40, s13, s14, $0xb8;
	[tilespmem:$0x1F000] =	vst v63  }
0x58: {  	_ =	swait.ge [sflag:s25], $0x2000  }
0x59: {  	[sflag:s25] =	ssyncset.done $0x0  }
0x5a: {  	s3 =	simm.s32 $0x480;
	[sflag:s25] =	ssyncadd.s32 $0xFFFFE000  }
0x5b: {  	[tilespmem:s16], [sflag:$0x2] =	stream.indirect.gather [hbm4b:s4+s14], $0x40, s3, s14, $0xb8;
	[tilespmem:$0x1F000] =	vst v63  }
0x5c: {  	_ =	swait.ge [sflag:s28], $0x2000  }
0x5d: {  	[sflag:s28] =	ssyncset.done $0x0  }
0x5e: {  	s10 =	simm.s32 $0x500;
	[sflag:s28] =	ssyncadd.s32 $0xFFFFE000  }
0x5f: {  	[tilespmem:s18], [sflag:$0x3] =	stream.indirect.gather [hbm4b:s4+s14], $0x40, s10, s14, $0xb8;
	[tilespmem:$0x1F000] =	vst v63  }
0x60: {  	_ =	swait.ge [sflag:s5], $0x2000  }
0x61: {  	[sflag:s5] =	ssyncset.done $0x0  }
0x62: {  	s13 =	simm.s32 $0x580;
	[sflag:s5] =	ssyncadd.s32 $0xFFFFE000  }
0x63: {  	[tilespmem:s20], [sflag:$0x4] =	stream.indirect.gather [hbm4b:s4+s14], $0x40, s13, s14, $0xb8;
	[tilespmem:$0x1F000] =	vst v63  }
0x64: {  	_ =	swait.ge [sflag:s6], $0x2000  }
0x65: {  	[sflag:s6] =	ssyncset.done $0x0  }
0x66: {  	s3 =	simm.s32 $0x600;
	[sflag:s6] =	ssyncadd.s32 $0xFFFFE000  }
0x67: {  	[tilespmem:s22], [sflag:$0x5] =	stream.indirect.gather [hbm4b:s4+s14], $0x40, s3, s14, $0xb8;
	[tilespmem:$0x1F000] =	vst v63  }
0x68: {  	_ =	swait.ge [sflag:s7], $0x2000  }
0x69: {  	[sflag:s7] =	ssyncset.done $0x0  }
0x6a: {  	s10 =	simm.s32 $0x680;
	[sflag:s7] =	ssyncadd.s32 $0xFFFFE000  }
0x6b: {  	[tilespmem:s24], [sflag:$0x6] =	stream.indirect.gather [hbm4b:s4+s14], $0x40, s10, s14, $0xb8;
	[tilespmem:$0x1F000] =	vst v63  }
0x6c: {  	_ =	swait.ge [sflag:s8], $0x2000  }
0x6d: {  	[sflag:s8] =	ssyncset.done $0x0  }
0x6e: {  	s13 =	simm.s32 $0x700;
	[sflag:s8] =	ssyncadd.s32 $0xFFFFE000  }
0x6f: {  	[tilespmem:s26], [sflag:$0x7] =	stream.indirect.gather [hbm4b:s4+s14], $0x40, s13, s14, $0xb8;
	[tilespmem:$0x1F000] =	vst v63  }
0x70: {  	_ =	swait.ge [sflag:s9], $0x2000  }
0x71: {  	[sflag:s9] =	ssyncset.done $0x0  }
0x72: {  	s12 =	simm.s32 $0x1000;
	s13 =	simm.s32 $0x780;
	[sflag:s9] =	ssyncadd.s32 $0xFFFFE000  }
.LBB2_2:
0x73: {  	[tilespmem:s29], [sflag:$0x8] =	stream.indirect.gather [hbm4b:s4+s14], $0x40, s13, s14, $0xb8;
	[tilespmem:$0x1F000] =	vst v63  }
0x74: {  	s13 =	smov.u32 s12  }
0x75: {  	p0 =	sne.s32 s12, $0x8000;
	s12 =	sadd.s32 $0x1000, s12;
	_ =	swait.ge [sflag:s30], $0x2000  }
0x76: {  	s13 =	sshra.s32 s13, $0x2;
	[sflag:s30] =	ssyncset.done $0x0  }
0x77: {  	s10 =	sadd.s32 $0x2800, s13;
	[sflag:s30] =	ssyncadd.s32 $0xFFFFE000  }
0x78: {  	[spmem:s2] =	stream.indirect.scatter.add.f32 [tilespmem:s15], [sflag:$0x9], $0x40, s10, s14, $0xb8;
	[tilespmem:$0x1F000] =	vst v63  }
0x79: {  	_ =	swait.ge [sflag:s31], $0x2000  }
0x7a: {  	[sflag:s31] =	ssyncset.done $0x0  }
0x7b: {  	s10 =	sadd.s32 $0x2880, s13;
	[sflag:s31] =	ssyncadd.s32 $0xFFFFE000  }
0x7c: {  	[spmem:s2] =	stream.indirect.scatter.add.f32 [tilespmem:s16], [sflag:$0xA], $0x40, s10, s14, $0xb8;
	[tilespmem:$0x1F000] =	vst v63  }
0x7d: {  	_ =	swait.ge [sflag:s1], $0x2000  }
0x7e: {  	[sflag:s1] =	ssyncset.done $0x0  }
0x7f: {  	s10 =	sadd.s32 $0x2900, s13;
	[sflag:s1] =	ssyncadd.s32 $0xFFFFE000  }
0x80: {  	[spmem:s2] =	stream.indirect.scatter.add.f32 [tilespmem:s18], [sflag:$0xB], $0x40, s10, s14, $0xb8;
	[tilespmem:$0x1F000] =	vst v63  }
0x81: {  	_ =	swait.ge [sflag:s0], $0x2000  }
0x82: {  	[sflag:s0] =	ssyncset.done $0x0  }
0x83: {  	s10 =	sadd.s32 $0x2980, s13;
	[sflag:s0] =	ssyncadd.s32 $0xFFFFE000  }
0x84: {  	[spmem:s2] =	stream.indirect.scatter.add.f32 [tilespmem:s20], [sflag:$0xC], $0x40, s10, s14, $0xb8;
	[tilespmem:$0x1F000] =	vst v63  }
0x85: {  	_ =	swait.ge [sflag:s11], $0x2000  }
0x86: {  	[sflag:s11] =	ssyncset.done $0x0  }
0x87: {  	s10 =	sadd.s32 $0x2A00, s13;
	[sflag:s11] =	ssyncadd.s32 $0xFFFFE000  }
0x88: {  	[spmem:s2] =	stream.indirect.scatter.add.f32 [tilespmem:s22], [sflag:$0xD], $0x40, s10, s14, $0xb8;
	[tilespmem:$0x1F000] =	vst v63  }
0x89: {  	_ =	swait.ge [sflag:s17], $0x2000  }
0x8a: {  	[sflag:s17] =	ssyncset.done $0x0  }
0x8b: {  	s10 =	sadd.s32 $0x2A80, s13;
	[sflag:s17] =	ssyncadd.s32 $0xFFFFE000  }
0x8c: {  	[spmem:s2] =	stream.indirect.scatter.add.f32 [tilespmem:s24], [sflag:$0xE], $0x40, s10, s14, $0xb8;
	[tilespmem:$0x1F000] =	vst v63  }
0x8d: {  	_ =	swait.ge [sflag:s19], $0x2000  }
0x8e: {  	[sflag:s19] =	ssyncset.done $0x0  }
0x8f: {  	s10 =	sadd.s32 $0x2B00, s13;
	[sflag:s19] =	ssyncadd.s32 $0xFFFFE000  }
0x90: {  	[spmem:s2] =	stream.indirect.scatter.add.f32 [tilespmem:s26], [sflag:$0xF], $0x40, s10, s14, $0xb8;
	[tilespmem:$0x1F000] =	vst v63  }
0x91: {  	_ =	swait.ge [sflag:s21], $0x2000  }
0x92: {  	[sflag:s21] =	ssyncset.done $0x0  }
0x93: {  	s10 =	sadd.s32 $0x2B80, s13;
	[sflag:s21] =	ssyncadd.s32 $0xFFFFE000  }
0x94: {  	[spmem:s2] =	stream.indirect.scatter.add.f32 [tilespmem:s29], [sflag:$0x10], $0x40, s10, s14, $0xb8;
	[tilespmem:$0x1F000] =	vst v63  }
0x95: {  	_ =	swait.ge [sflag:s23], $0x2000  }
0x96: {  	[sflag:s23] =	ssyncset.done $0x0  }
0x97: {  	s10 =	sadd.s32 $0x400, s13;
	[sflag:s23] =	ssyncadd.s32 $0xFFFFE000  }
0x98: {  	[tilespmem:s15], [sflag:$0x1] =	stream.indirect.gather [hbm4b:s4+s14], $0x40, s10, s14, $0xb8;
	[tilespmem:$0x1F000] =	vst v63  }
0x99: {  	_ =	swait.ge [sflag:s25], $0x2000  }
0x9a: {  	[sflag:s25] =	ssyncset.done $0x0  }
0x9b: {  	s10 =	sadd.s32 $0x480, s13;
	[sflag:s25] =	ssyncadd.s32 $0xFFFFE000  }
0x9c: {  	[tilespmem:s16], [sflag:$0x2] =	stream.indirect.gather [hbm4b:s4+s14], $0x40, s10, s14, $0xb8;
	[tilespmem:$0x1F000] =	vst v63  }
0x9d: {  	_ =	swait.ge [sflag:s28], $0x2000  }
0x9e: {  	[sflag:s28] =	ssyncset.done $0x0  }
0x9f: {  	s10 =	sadd.s32 $0x500, s13;
	[sflag:s28] =	ssyncadd.s32 $0xFFFFE000  }
0xa0: {  	[tilespmem:s18], [sflag:$0x3] =	stream.indirect.gather [hbm4b:s4+s14], $0x40, s10, s14, $0xb8;
	[tilespmem:$0x1F000] =	vst v63  }
0xa1: {  	_ =	swait.ge [sflag:s5], $0x2000  }
0xa2: {  	[sflag:s5] =	ssyncset.done $0x0  }
0xa3: {  	s10 =	sadd.s32 $0x580, s13;
	[sflag:s5] =	ssyncadd.s32 $0xFFFFE000  }
0xa4: {  	[tilespmem:s20], [sflag:$0x4] =	stream.indirect.gather [hbm4b:s4+s14], $0x40, s10, s14, $0xb8;
	[tilespmem:$0x1F000] =	vst v63  }
0xa5: {  	_ =	swait.ge [sflag:s6], $0x2000  }
0xa6: {  	[sflag:s6] =	ssyncset.done $0x0  }
0xa7: {  	s10 =	sadd.s32 $0x600, s13;
	[sflag:s6] =	ssyncadd.s32 $0xFFFFE000  }
0xa8: {  	[tilespmem:s22], [sflag:$0x5] =	stream.indirect.gather [hbm4b:s4+s14], $0x40, s10, s14, $0xb8;
	[tilespmem:$0x1F000] =	vst v63  }
0xa9: {  	_ =	swait.ge [sflag:s7], $0x2000  }
0xaa: {  	[sflag:s7] =	ssyncset.done $0x0  }
0xab: {  	s10 =	sadd.s32 $0x680, s13;
	[sflag:s7] =	ssyncadd.s32 $0xFFFFE000  }
0xac: {  	[tilespmem:s24], [sflag:$0x6] =	stream.indirect.gather [hbm4b:s4+s14], $0x40, s10, s14, $0xb8;
	[tilespmem:$0x1F000] =	vst v63  }
0xad: {  	_ =	swait.ge [sflag:s8], $0x2000  }
0xae: {  	[sflag:s8] =	ssyncset.done $0x0  }
.Ltmp0:
0xaf: {  	s10 =	sadd.s32 $0x700, s13;
	[sflag:s8] =	ssyncadd.s32 $0xFFFFE000;
	(pc) =	sbr.rel @p0 .LBB2_2-.Ltmp0, $4  }
0xb0: {  	[tilespmem:s26], [sflag:$0x7] =	stream.indirect.gather [hbm4b:s4+s14], $0x40, s10, s14, $0xb8;
	[tilespmem:$0x1F000] =	vst v63  }
0xb1: {  	_ =	swait.ge [sflag:s9], $0x2000  }
0xb2: {  	[sflag:s9] =	ssyncset.done $0x0  }
0xb3: {  	s13 =	sadd.s32 $0x780, s13;
	[sflag:s9] =	ssyncadd.s32 $0xFFFFE000  }
0xb4: {  	[tilespmem:s29], [sflag:$0x8] =	stream.indirect.gather [hbm4b:s4+s14], $0x40, s13, s14, $0xb8;
	[tilespmem:$0x1F000] =	vst v63  }
0xb5: {  	_ =	swait.ge [sflag:s30], $0x2000  }
0xb6: {  	[sflag:s30] =	ssyncset.done $0x0  }
0xb7: {  	s10 =	simm.s32 $0x4C00;
	[sflag:s30] =	ssyncadd.s32 $0xFFFFE000  }
0xb8: {  	[spmem:s2] =	stream.indirect.scatter.add.f32 [tilespmem:s15], [sflag:$0x9], $0x40, s10, s14, $0xb8;
	[tilespmem:$0x1F000] =	vst v63  }
0xb9: {  	_ =	swait.ge [sflag:s31], $0x2000  }
0xba: {  	[sflag:s31] =	ssyncset.done $0x0  }
0xbb: {  	s12 =	simm.s32 $0x4C80;
	[sflag:s31] =	ssyncadd.s32 $0xFFFFE000  }
0xbc: {  	[spmem:s2] =	stream.indirect.scatter.add.f32 [tilespmem:s16], [sflag:$0xA], $0x40, s12, s14, $0xb8;
	[tilespmem:$0x1F000] =	vst v63  }
0xbd: {  	_ =	swait.ge [sflag:s1], $0x2000  }
0xbe: {  	[sflag:s1] =	ssyncset.done $0x0  }
0xbf: {  	s13 =	simm.s32 $0x4D00;
	[sflag:s1] =	ssyncadd.s32 $0xFFFFE000  }
0xc0: {  	[spmem:s2] =	stream.indirect.scatter.add.f32 [tilespmem:s18], [sflag:$0xB], $0x40, s13, s14, $0xb8;
	[tilespmem:$0x1F000] =	vst v63  }
0xc1: {  	_ =	swait.ge [sflag:s0], $0x2000  }
0xc2: {  	[sflag:s0] =	ssyncset.done $0x0  }
0xc3: {  	s3 =	simm.s32 $0x4D80;
	[sflag:s0] =	ssyncadd.s32 $0xFFFFE000  }
0xc4: {  	[spmem:s2] =	stream.indirect.scatter.add.f32 [tilespmem:s20], [sflag:$0xC], $0x40, s3, s14, $0xb8;
	[tilespmem:$0x1F000] =	vst v63  }
0xc5: {  	_ =	swait.ge [sflag:s11], $0x2000  }
0xc6: {  	[sflag:s11] =	ssyncset.done $0x0  }
0xc7: {  	s12 =	simm.s32 $0x4E00;
	[sflag:s11] =	ssyncadd.s32 $0xFFFFE000  }
0xc8: {  	[spmem:s2] =	stream.indirect.scatter.add.f32 [tilespmem:s22], [sflag:$0xD], $0x40, s12, s14, $0xb8;
	[tilespmem:$0x1F000] =	vst v63  }
0xc9: {  	_ =	swait.ge [sflag:s17], $0x2000  }
0xca: {  	[sflag:s17] =	ssyncset.done $0x0  }
0xcb: {  	s13 =	simm.s32 $0x4E80;
	[sflag:s17] =	ssyncadd.s32 $0xFFFFE000  }
0xcc: {  	[spmem:s2] =	stream.indirect.scatter.add.f32 [tilespmem:s24], [sflag:$0xE], $0x40, s13, s14, $0xb8;
	[tilespmem:$0x1F000] =	vst v63  }
0xcd: {  	_ =	swait.ge [sflag:s19], $0x2000  }
0xce: {  	[sflag:s19] =	ssyncset.done $0x0  }
0xcf: {  	s3 =	simm.s32 $0x4F00;
	[sflag:s19] =	ssyncadd.s32 $0xFFFFE000  }
0xd0: {  	[spmem:s2] =	stream.indirect.scatter.add.f32 [tilespmem:s26], [sflag:$0xF], $0x40, s3, s14, $0xb8;
	[tilespmem:$0x1F000] =	vst v63  }
0xd1: {  	_ =	swait.ge [sflag:s21], $0x2000  }
0xd2: {  	[sflag:s21] =	ssyncset.done $0x0  }
0xd3: {  	s12 =	simm.s32 $0x4F80;
	[sflag:s21] =	ssyncadd.s32 $0xFFFFE000  }
0xd4: {  	[spmem:s2] =	stream.indirect.scatter.add.f32 [tilespmem:s29], [sflag:$0x10], $0x40, s12, s14, $0xb8;
	[tilespmem:$0x1F000] =	vst v63  }
0xd5: {  	_ =	swait.ge [sflag:s23], $0x2000  }
0xd6: {  	[sflag:s23] =	ssyncset.done $0x0  }
0xd7: {  	[sflag:s23] =	ssyncadd.s32 $0xFFFFE000  }
0xd8: {  	_ =	swait.ge [sflag:s25], $0x2000  }
0xd9: {  	[sflag:s25] =	ssyncset.done $0x0  }
0xda: {  	[sflag:s25] =	ssyncadd.s32 $0xFFFFE000  }
0xdb: {  	_ =	swait.ge [sflag:s28], $0x2000  }
0xdc: {  	[sflag:s28] =	ssyncset.done $0x0  }
0xdd: {  	[sflag:s28] =	ssyncadd.s32 $0xFFFFE000  }
0xde: {  	_ =	swait.ge [sflag:s5], $0x2000  }
0xdf: {  	[sflag:s5] =	ssyncset.done $0x0  }
0xe0: {  	[sflag:s5] =	ssyncadd.s32 $0xFFFFE000  }
0xe1: {  	_ =	swait.ge [sflag:s6], $0x2000  }
0xe2: {  	[sflag:s6] =	ssyncset.done $0x0  }
0xe3: {  	[sflag:s6] =	ssyncadd.s32 $0xFFFFE000  }
0xe4: {  	_ =	swait.ge [sflag:s7], $0x2000  }
0xe5: {  	[sflag:s7] =	ssyncset.done $0x0  }
0xe6: {  	[sflag:s7] =	ssyncadd.s32 $0xFFFFE000  }
0xe7: {  	_ =	swait.ge [sflag:s8], $0x2000  }
0xe8: {  	[sflag:s8] =	ssyncset.done $0x0  }
0xe9: {  	[sflag:s8] =	ssyncadd.s32 $0xFFFFE000  }
0xea: {  	_ =	swait.ge [sflag:s9], $0x2000  }
0xeb: {  	[sflag:s9] =	ssyncset.done $0x0  }
0xec: {  	[sflag:s9] =	ssyncadd.s32 $0xFFFFE000  }
0xed: {  	[bflag:$0x0] =	sbarrier.arrive $0xFFFF  }
0xee: {  	s13 =	rddreg [dreg:$0x6]  }
0xef: {  	s12 =	rddreg [dreg:$0x8]  }
0xf0: {  	s3 =	rddreg [dreg:$0x9]  }
0xf1: {  	[hbm:s13], [sflag:s3] =	dma.local [spmem:s12], $0x1400  }
0xf2: {  	s13 =	simm.s32 $0x11  }
0xf3: {  	_ =	swait.ge [sflag:s13], $0x1400  }
0xf4: {  	s10 =	rddreg [dreg:$0xa]  }
0xf5: {  	s12 =	rddreg [dreg:$0x7];
	s3 =	sadd.s32 $0x1, s10  }
0xf6: {  	p0 =	sne.s32 s3, s12  }
.Ltmp1:
0xf7: {  	_ = 	snop;
	(pc) =	sbr.rel @p0 .LBB2_1-.Ltmp1, $3  }
0xf8: {  	_ =	sdelay $0x1  }
0xf9: {  	[sflag:s13] =	ssyncset.done $0x0  }
0xfa: {  	[sflag:s13] =	ssyncadd.s32 $0xFFFFEC00;
	[dreg:$0xa] =	wrdreg s3  }
0xfb: {  	_ =	sfence.sel $0x180000  }
0xfc: {  	[bflag:$0x0] =	sbarrier.arrive $0xFFFF  }
0xfd: {  	_ =	strace $0x9000004A  }
0xfe: {  	s0 =	stileid.u32;
	[bflag:$0x2] =	sbarrier.arrive $0xFFFF  }
0xff: {  	p0 =	sne.s32 s0, $0x0;
	s0 =	rddreg [dreg:$0x2]  }
0x100: {  	s0 =	sadd.s32 @!p0 $0x100000, s0  }
0x101: {  	[sflag:s0] =	ssyncadd.tile.s32 @!p0 $0x1;
	_ =	shalt  }
.Lfunc_end2:
_tile_overlayer_lowered:
.L_overlay_start_2:
0x102: {  	(tag) =	ssettag $0x2  }
0x103: {  	s0 =	rddreg [dreg:$0x0];
	s2 =	stileid.u32  }
0x104: {  	s1 =	rddreg [dreg:$0x1];
	p0 =	sne.s32 s2, $0x0  }
0x105: {  	s3 =	rddreg [dreg:$0x2];
	[bflag:$0x3] =	sbarrier.arrive $0xFFFF;
	s2 =	simm.s32 @!p0 $0x1C11  }
0x106: {  	[timem:s3], [sflag:s2] =	dma.local @!p0 [hbm:s0], s1  }
0x107: {  	s0 =	simm.s32 @!p0 $0x11  }
0x108: {  	_ =	swait.ge @!p0 [sflag:s0], s1  }
0x109: {  	s1 =	ssub.s32 @!p0 $0x0, s1;
	[sflag:s0] =	ssyncset.done @!p0 $0x0  }
0x10a: {  	[sflag:s0] =	ssyncadd.s32 @!p0 s1  }
0x10b: {  	[bflag:$0x3] =	sbarrier.arrive $0xFFFF  }
0x10c: {  	_ =	shalt  }

// kernel: kernel.17.cloned.1.call-start
scs
__scs_entry_jumppad:
0x0: {  	(pc) =	sbr.rel $0x88, $3  }
0x1: {  	(tag) =	ssettag $0x0;
	lr =	simm.s32 $0x1  }
0x2: {  	[smem:$0x3F97] =	sst lr;
	_ =	strace $0xD0000000  }
0x3: {  	_ = 	snop  }
0x4: {  	_ = 	snop  }
0x5: {  	_ = 	snop  }
0x6: {  	_ = 	snop  }
0x7: {  	_ = 	snop  }
__scs_overlays_trampoline_lowered:
0x8: {  	[smem:$0x3FA6] =	sst s0  }
0x9: {  	[smem:$0x3FA7] =	sst s1  }
0xa: {  	[smem:$0x3FA8] =	sst s2  }
0xb: {  	[smem:$0x3FA9] =	sst s3  }
0xc: {  	[smem:$0x3FAA] =	sst s4  }
0xd: {  	[smem:$0x3FAB] =	sst s5  }
0xe: {  	[smem:$0x3FAC] =	sst s6  }
0xf: {  	[smem:$0x3FAD] =	sst s7  }
0x10: {  	[smem:$0x3FAE] =	sst s8  }
0x11: {  	[smem:$0x3FAF] =	sst s9;
	s0 =	simm.s32 @!p0 $0x0  }
0x12: {  	s1 =	sld [smem:$0x3F95];
	s0 =	simm.s32 @p0 $0x1  }
0x13: {  	[smem:$0x3FB0] =	sst s0;
	s0 =	simm.s32 @!p1 $0x0  }
0x14: {  	s2 =	sld [smem:$0x3F94];
	s0 =	simm.s32 @p1 $0x1  }
0x15: {  	[smem:$0x3FB1] =	sst s0;
	s0 =	simm.s32 @!p2 $0x0  }
0x16: {  	s3 =	sld [smem:$0x3FDB];
	s0 =	simm.s32 @p2 $0x1  }
0x17: {  	s4 =	simm.s32 $0x1BF5;
	[smem:$0x3FB3] =	sst s0  }
0x18: {  	s0 =	sld [smem:$0x3F96];
	_ =	swait.ge [sflag:s4], $0x0  }
0x19: {  	s7 =	sld [smem:$0x3F97]  }
0x1a: {  	s8 =	sadd.s32 $0xFFFFE003, lr  }
0x1b: {  	s9 =	sadd.s32 $0xFFFFFEF7, lr;
	s5 =	simm.s32 $0xFFFFFFFF;
	p2 =	slt.u32 s8, $0xFFFFF086  }
0x1c: {  	p1 =	slt.u32 s9, $0xF7A;
	s5 =	simm.s32 @!p2 $0x0  }
0x1d: {  	s5 =	simm.s32 @p1 $0x1;
	p0 =	seq.s32 s7, s2  }
0x1e: {  	s7 =	smul.u32 @!p0 $0xF7A, s2;
	p2 =	seq.s32 @!p0 s5, $0x0  }
0x1f: {  	s9 =	smul.u32 $0xF7A, s1;
	s8 =	simm.s32 @!p0 $0x1BF5;
	p2 =	por !p2, p0  }
0x20: {  	[sflag:s8] =	ssyncset.s32 @!p0 $0xFFFFF086;
	s6 =	sadd.s32 @!p0 s3, s7;
	s7 =	simm.s32 @!p0 $0x108  }
0x21: {  	s3 =	sadd.s32 s3, s9;
	s6 =	sadd.s32 @!p0 $0x88, s6;
	s7 =	simm.s32 @p2 $0x1082  }
0x22: {  	[simem:s7], [sflag:s8] =	dma.local @!p0 [hbm:s6], $0xF7A  }
0x23: {  	s9 =	sor.u32 $0xD0000000, s2;
	s6 =	simm.s32 $0x108;
	_ =	swait.ge @!p0 [sflag:s8], $0x0  }
0x24: {  	s3 =	sadd.s32 $0x88, s3;
	s6 =	simm.s32 @!p1 $0x1082;
	[sflag:s4] =	ssyncset.s32 $0xFFFFF086  }
0x25: {  	[simem:s6], [sflag:s4] =	dma.local [hbm:s3], $0xF7A  }
0x26: {  	[smem:$0x3F97] =	sst s1;
	(tag) =	ssettag s2;
	_ =	strace s9  }
0x27: {  	s1 =	sld [smem:$0x3FA7]  }
0x28: {  	s2 =	sld [smem:$0x3FA8]  }
0x29: {  	s4 =	sld [smem:$0x3FAA]  }
0x2a: {  	p0 =	seq.s32 s5, $0x0;
	s5 =	sld [smem:$0x3FAB]  }
0x2b: {  	s6 =	sld [smem:$0x3FAC]  }
0x2c: {  	s7 =	sld [smem:$0x3FAD]  }
0x2d: {  	s3 =	simm.s32 $0x108;
	s8 =	sld [smem:$0x3FAE]  }
0x2e: {  	s3 =	simm.s32 @!p0 $0x1082;
	s9 =	sld [smem:$0x3FAF]  }
0x2f: {  	lr =	sadd.s32 s0, s3;
	s0 =	sld [smem:$0x3FA6]  }
0x30: {  	s3 =	sld [smem:$0x3FA9]  }
0x31: {  	[smem:$0x3FB2] =	sst s10  }
0x32: {  	s10 =	sld [smem:$0x3FB0];
	_ =	sdelay $0x3  }
0x33: {  	p0 =	seq.s32 s10, $0x1;
	s10 =	sld [smem:$0x3FB2];
	_ =	sdelay $0x3  }
0x34: {  	[smem:$0x3FB2] =	sst s10  }
0x35: {  	s10 =	sld [smem:$0x3FB1];
	_ =	sdelay $0x3  }
0x36: {  	p1 =	seq.s32 s10, $0x1;
	s10 =	sld [smem:$0x3FB2];
	_ =	sdelay $0x3  }
0x37: {  	[smem:$0x3FB2] =	sst s10  }
0x38: {  	s10 =	sld [smem:$0x3FB3]  }
0x39: {  	_ = 	snop;
	(pc) =	sbr.ind lr, $3  }
0x3a: {  	_ = 	snop  }
0x3b: {  	_ = 	snop  }
0x3c: {  	p2 =	seq.s32 s10, $0x1;
	s10 =	sld [smem:$0x3FB2]  }
0x3d: {  	_ =	shalt  }
0x3e: {  	_ =	shalt  }
0x3f: {  	_ =	shalt  }
0x40: {  	_ =	shalt  }
0x41: {  	_ =	shalt  }
0x42: {  	_ =	shalt  }
0x43: {  	_ =	shalt  }
0x44: {  	_ =	shalt  }
0x45: {  	_ =	shalt  }
0x46: {  	_ =	shalt  }
0x47: {  	_ =	shalt  }
0x48: {  	_ =	shalt  }
0x49: {  	_ =	shalt  }
0x4a: {  	_ =	shalt  }
0x4b: {  	_ =	shalt  }
0x4c: {  	_ =	shalt  }
0x4d: {  	_ =	shalt  }
0x4e: {  	_ =	shalt  }
0x4f: {  	_ =	shalt  }
0x50: {  	_ =	shalt  }
0x51: {  	_ =	shalt  }
0x52: {  	_ =	shalt  }
0x53: {  	_ =	shalt  }
0x54: {  	_ =	shalt  }
0x55: {  	_ =	shalt  }
0x56: {  	_ =	shalt  }
0x57: {  	_ =	shalt  }
0x58: {  	_ =	shalt  }
0x59: {  	_ =	shalt  }
0x5a: {  	_ =	shalt  }
0x5b: {  	_ =	shalt  }
0x5c: {  	_ =	shalt  }
0x5d: {  	_ =	shalt  }
0x5e: {  	_ =	shalt  }
0x5f: {  	_ =	shalt  }
0x60: {  	_ =	shalt  }
0x61: {  	_ =	shalt  }
0x62: {  	_ =	shalt  }
0x63: {  	_ =	shalt  }
0x64: {  	_ =	shalt  }
0x65: {  	_ =	shalt  }
0x66: {  	_ =	shalt  }
0x67: {  	_ =	shalt  }
0x68: {  	_ =	shalt  }
0x69: {  	_ =	shalt  }
0x6a: {  	_ =	shalt  }
0x6b: {  	_ =	shalt  }
0x6c: {  	_ =	shalt  }
0x6d: {  	_ =	shalt  }
0x6e: {  	_ =	shalt  }
0x6f: {  	_ =	shalt  }
0x70: {  	_ =	shalt  }
0x71: {  	_ =	shalt  }
0x72: {  	_ =	shalt  }
0x73: {  	_ =	shalt  }
0x74: {  	_ =	shalt  }
0x75: {  	_ =	shalt  }
0x76: {  	_ =	shalt  }
0x77: {  	_ =	shalt  }
0x78: {  	_ =	shalt  }
0x79: {  	_ =	shalt  }
0x7a: {  	_ =	shalt  }
0x7b: {  	_ =	shalt  }
0x7c: {  	_ =	shalt  }
0x7d: {  	_ =	shalt  }
0x7e: {  	_ =	shalt  }
0x7f: {  	_ =	shalt  }
0x80: {  	_ =	shalt  }
0x81: {  	_ =	shalt  }
0x82: {  	_ =	shalt  }
0x83: {  	_ =	shalt  }
0x84: {  	_ =	shalt  }
0x85: {  	_ =	shalt  }
0x86: {  	_ =	shalt  }
0x87: {  	_ =	shalt  }
.Lfunc_end0:
.L_simem_size_0:
called_computation.2_lowered:
.L_overlay_start_0:
0x88: {  	s2 =	sld [smem:$0x3FD9]  }
0x89: {  	s3 =	sld [smem:$0x3FFE];
	_ =	sdelay $0x1  }
0x8a: {  	s1 =	srdreg.scid  }
0x8b: {  	s0 =	sand.u32 $0x1, s1  }
0x8c: {  	s16 =	sshll.u32 s0, $0xA;
	s2 =	sadd.s32 s3, s2  }
0x8d: {  	s2 =	sadd.s32 s2, s16  }
0x8e: {  	[smem:$0x3FBE] =	sst s2  }
0x8f: {  	_ = 	snop  }
0x90: {  	(tm) =	ssettm $0x1  }
0x91: {  	s17 =	sld [smem:$0x3FFB];
	_ =	sdelay $0x3  }
0x92: {  	_ =	strace s17  }
0x93: {  	s2 =	sld [smem:$0x3FFC];
	_ =	sdelay $0x3  }
0x94: {  	_ =	strace s2  }
0x95: {  	s2 =	sld [smem:$0x3FFD];
	_ =	sdelay $0x3  }
0x96: {  	_ =	strace s2  }
0x97: {  	_ =	strace $0x8FFFFFFF  }
0x98: {  	s18 =	sld [smem:$0x3FDB];
	_ =	sdelay $0x1  }
0x99: {  	s19 =	simm.s32 $_scs_section_size  }
0x9a: {  	s4 =	simm.s32 $_size__tile_overlayer_lowered;
	s5 =	simm.s32 $_tile_overlayer_lowered  }
0x9b: {  	s22 =	simm.s32 $0x1BFF;
	s21 =	sshll.u32 s5, $0x1;
	s2 =	sadd.s32 s19, s18  }
0x9c: {  	s6 =	simm.s32 $0x0;
	s20 =	sshll.u32 s4, $0x1;
	s4 =	sadd.s32 s21, s2  }
0x9d: {  	[timem:s6], [sflag:s22] =	dma.local [hbm:s4], s20  }
0x9e: {  	_ =	swait.ge [sflag:s22], s20  }
0x9f: {  	s3 =	ssub.s32 $0x0, s20;
	[sflag:s22] =	ssyncset.done $0x0  }
0xa0: {  	[sflag:s22] =	ssyncadd.s32 s3;
	_ =	sdelay $0x1  }
0xa1: {  	s23 =	simm.s32 $0x1B8B  }
0xa2: {  	_ =	swait.ge [sflag:s23], $0x1  }
0xa3: {  	[sflag:s23] =	ssyncset.done $0x0  }
0xa4: {  	s25 =	simm.s32 $0x1B8E;
	s24 =	sld [smem:$0x3FFE];
	[sflag:s23] =	ssyncadd.s32 $0xFFFFFFFF  }
0xa5: {  	s26 =	simm.s32 $execute0_lowered;
	[smem:$0x3FD2] =	sst s25  }
0xa6: {  	s4 =	sshll.u32 s26, $0x1;
	_ =	strace $0x8000004C;
	[dreg:$0x1] =	wrdreg $0xFFFFFFFF  }
0xa7: {  	s28 =	simm.s32 $_size_execute0_lowered;
	s2 =	sadd.s32 s2, s4;
	[dreg:$0x0] =	wrdreg $0x0  }
0xa8: {  	s4 =	sshll.u32 s28, $0x1;
	[dreg:$0x2] =	wrdreg s2  }
0xa9: {  	[dreg:$0x3] =	wrdreg s4  }
0xaa: {  	[dreg:$0x4] =	wrdreg $0xC0  }
0xab: {  	_ =	task [dreg:s6], $0x5FFFF  }
0xac: {  	[dreg:$0x1] =	wrdreg $0xFFFFFFFF  }
0xad: {  	[dreg:$0x0] =	wrdreg $0x60  }
0xae: {  	[dreg:$0x2] =	wrdreg s24  }
0xaf: {  	[dreg:$0x3] =	wrdreg $0x150000  }
0xb0: {  	[dreg:$0x4] =	wrdreg $0x9  }
0xb1: {  	_ =	task.clear_ibuf [dreg:s6], $0x5FFFF;
	_ =	strace $0x9000004C  }
0xb2: {  	s29 =	simm.s32 $0x9;
	_ =	strace $0x8000004E  }
0xb3: {  	_ =	swait.ge [sflag:s29], $0x1  }
0xb4: {  	[sflag:s29] =	ssyncadd.s32 $0xFFFFFFFF  }
0xb5: {  	_ =	strace $0x9000004E  }
0xb6: {  	_ =	sfence  }
0xb7: {  	s30 =	sld [smem:$0x0];
	_ =	sdelay $0x2  }
0xb8: {  	s31 =	sshll.u32 s1, $0xD;
	s1 =	sshrl.u32 s1, $0x2  }
0xb9: {  	s3 =	sand.u32 $0x4000, s31;
	s1 =	sadd.s32 s1, s30  }
0xba: {  	s0 =	sor.u32 s3, s0;
	s1 =	sshll.u32 s1, $0x11  }
0xbb: {  	s0 =	sor.u32 s1, s0  }
0xbc: {  	s0 =	sadd.s32 $0x8F2B, s0  }
0xbd: {  	[sflag:s0] =	ssyncadd.remote.s32 $0x1  }
0xbe: {  	_ =	sfence.sel $0xFFFF  }
0xbf: {  	[dreg:$0x0] =	wrdreg $0xFFFFFFFF;
	(pc) =	sbr.abs _section_cstart, $3  }
0xc0: {  	[dreg:$0x1] =	wrdreg $0xFFFFFFFF  }
0xc1: {  	_ =	task.clear_ibuf [dreg:s6], $0x2FFFF;
	_ =	strace $0x9FFFFFFF  }
0xc2: {  	(tm) =	ssettm $0x7FFFFFFF  }
0xc3: {  	_ =	shalt  }
tec
execute0_lowered:
.L_overlay_start_1:
0x0: {  	(tag) =	ssettag $0x1  }
0x1: {  	s0 =	srdreg.scid;
	s3 =	rddreg [dreg:$0x0]  }
0x2: {  	s7 =	stileid.u32;
	s2 =	rddreg [dreg:$0x1];
	s6 =	simm.s32 $0x0  }
0x3: {  	s13 =	simm.s32 $0x11;
	s14 =	simm.s32 $0x80;
	s15 =	simm.s32 $0x5000  }
0x4: {  	s16 =	simm.s32 $0x7000;
	s18 =	simm.s32 $0x9000;
	s20 =	simm.s32 $0xB000  }
0x5: {  	s29 =	simm.s32 $0x13000;
	s30 =	simm.s32 $0x1;
	s31 =	simm.s32 $0x2  }
0x6: {  	s11 =	simm.s32 $0x5;
	s17 =	simm.s32 $0x6;
	s19 =	simm.s32 $0x7  }
0x7: {  	s21 =	simm.s32 $0x8;
	s28 =	simm.s32 $0xB;
	s9 =	simm.s32 $0x10  }
0x8: {  	s10 =	simm.s32 $0x0;
	s0 =	sand.u32 $0x1, s0;
	s5 =	smul.u32 $0xA000, s7  }
0x9: {  	[smem:$0x7FF] =	sst s6;
	s8 =	sadd.s32 $0x2B200, s3;
	s26 =	sshll.u32 s7, $0x6  }
0xa: {  	s1 =	sshll.u32 s0, $0x4;
	s4 =	smul.u32 $0xA0000, s0;
	_ =	strace $0x8000004D  }
0xb: {  	s0 =	ssub.s32 $0x2, s0;
	[dreg:$0x3] =	wrdreg s8;
	s8 =	simm.s32 $0xF  }
0xc: {  	[dreg:$0xa] =	wrdreg s10;
	s1 =	sor.u32 s7, s1;
	s23 =	sshrl.u32 s0, $0x1  }
0xd: {  	s25 =	sadd.s32 s5, s2;
	s7 =	simm.s32 $0xE;
	s1 =	smul.u32 $0x500, s1  }
0xe: {  	s22 =	sadd.s32 s5, s4;
	s4 =	sadd.s32 $0x17800, s3;
	s0 =	ssub.s32 s0, s23  }
0xf: {  	s12 =	sshrl.u32 s25, $0x3;
	s23 =	simm.s32 $0x9;
	s25 =	simm.s32 $0xA  }
0x10: {  	s5 =	simm.s32 $0xC;
	s6 =	sshrl.u32 s22, $0x3;
	s0 =	smax.u32 s0, $0x1  }
0x11: {  	s22 =	simm.s32 $0xD000;
	[dreg:$0x8] =	wrdreg s12;
	s1 =	sadd.s32 s1, s3  }
0x12: {  	s3 =	sadd.s32 s6, s3;
	[dreg:$0x7] =	wrdreg s0;
	s0 =	sor.u32 $0x1C11, s26  }
0x13: {  	s26 =	simm.s32 $0x11000;
	s24 =	sadd.s32 $0x3800, s1;
	[dreg:$0x9] =	wrdreg s0  }
0x14: {  	s6 =	simm.s32 $0xD;
	s1 =	sadd.s32 $0xD800, s1;
	[dreg:$0x4] =	wrdreg s24  }
0x15: {  	s3 =	sadd.s32 $0x2C600, s3;
	s0 =	simm.s32 $0x4;
	[dreg:$0x5] =	wrdreg s1  }
0x16: {  	[dreg:$0x6] =	wrdreg s3;
	s24 =	simm.s32 $0xF000;
	s1 =	simm.s32 $0x3  }
.LBB2_1:
0x17: {  	s3 =	simm.s32 $0x0;
	s12 =	rddreg [dreg:$0x4]  }
0x18: {  	[tilespmem:s3], [sflag:$0x11] =	stream.linear.gather [hbm4b:s12+s3], $0x2800, $0x38;
	[tilespmem:$0x1F000] =	vst v63  }
0x19: {  	_ =	swait.ge [sflag:s13], $0x2800  }
0x1a: {  	s10 =	simm.s32 $0x0;
	[sflag:s13] =	ssyncset.done $0x0  }
0x1b: {  	s3 =	simm.s32 $0x2800;
	s12 =	rddreg [dreg:$0x5];
	[sflag:s13] =	ssyncadd.s32 $0xFFFFD800  }
0x1c: {  	[tilespmem:s3], [sflag:$0x11] =	stream.linear.gather [hbm4b:s12+s10], $0x2800, $0x38;
	[tilespmem:$0x1F000] =	vst v63  }
0x1d: {  	s10 =	rddreg [dreg:$0x9];
	_ =	swait.ge [sflag:s13], $0x2800  }
0x1e: {  	[sflag:s13] =	ssyncset.done $0x0;
	s12 =	rddreg [dreg:$0x3]  }
0x1f: {  	s3 =	rddreg [dreg:$0x8];
	[sflag:s13] =	ssyncadd.s32 $0xFFFFD800  }
0x20: {  	[spmem:s3], [sflag:s10] =	dma.local [hbm:s12], $0x1400  }
0x21: {  	_ =	swait.ge [sflag:s13], $0x1400  }
0x22: {  	[sflag:s13] =	ssyncset.done $0x0  }
0x23: {  	[sflag:s13] =	ssyncadd.s32 $0xFFFFEC00  }
0x24: {  	s13 =	simm.s32 $0x0;
	[bflag:$0x0] =	sbarrier.arrive $0xFFFF  }
0x25: {  	[tilespmem:s15], [sflag:$0x1] =	stream.indirect.gather [hbm4b:s4+s14], $0x40, s13, s14, $0xb8;
	[tilespmem:$0x1F000] =	vst v63  }
0x26: {  	_ = 	snop  }
0x27: {  	[tilespmem:s16], [sflag:$0x2] =	stream.indirect.gather [hbm4b:s4+s14], $0x40, s14, s14, $0xb8;
	[tilespmem:$0x1F000] =	vst v63  }
0x28: {  	s3 =	simm.s32 $0x100  }
0x29: {  	[tilespmem:s18], [sflag:$0x3] =	stream.indirect.gather [hbm4b:s4+s14], $0x40, s3, s14, $0xb8;
	[tilespmem:$0x1F000] =	vst v63  }
0x2a: {  	s12 =	simm.s32 $0x180  }
0x2b: {  	[tilespmem:s20], [sflag:$0x4] =	stream.indirect.gather [hbm4b:s4+s14], $0x40, s12, s14, $0xb8;
	[tilespmem:$0x1F000] =	vst v63  }
0x2c: {  	s13 =	simm.s32 $0x200  }
0x2d: {  	[tilespmem:s22], [sflag:$0x5] =	stream.indirect.gather [hbm4b:s4+s14], $0x40, s13, s14, $0xb8;
	[tilespmem:$0x1F000] =	vst v63  }
0x2e: {  	s3 =	simm.s32 $0x280  }
0x2f: {  	[tilespmem:s24], [sflag:$0x6] =	stream.indirect.gather [hbm4b:s4+s14], $0x40, s3, s14, $0xb8;
	[tilespmem:$0x1F000] =	vst v63  }
0x30: {  	s12 =	simm.s32 $0x300  }
0x31: {  	[tilespmem:s26], [sflag:$0x7] =	stream.indirect.gather [hbm4b:s4+s14], $0x40, s12, s14, $0xb8;
	[tilespmem:$0x1F000] =	vst v63  }
0x32: {  	s13 =	simm.s32 $0x380  }
0x33: {  	[tilespmem:s29], [sflag:$0x8] =	stream.indirect.gather [hbm4b:s4+s14], $0x40, s13, s14, $0xb8;
	[tilespmem:$0x1F000] =	vst v63  }
0x34: {  	_ =	swait.ge [sflag:s30], $0x2000  }
0x35: {  	[sflag:s30] =	ssyncset.done $0x0  }
0x36: {  	s3 =	simm.s32 $0x2800;
	[sflag:s30] =	ssyncadd.s32 $0xFFFFE000  }
0x37: {  	[spmem:s2] =	stream.indirect.scatter.add.f32 [tilespmem:s15], [sflag:$0x9], $0x40, s3, s14, $0xb8;
	[tilespmem:$0x1F000] =	vst v63  }
0x38: {  	_ =	swait.ge [sflag:s31], $0x2000  }
0x39: {  	[sflag:s31] =	ssyncset.done $0x0  }
0x3a: {  	s10 =	simm.s32 $0x2880;
	[sflag:s31] =	ssyncadd.s32 $0xFFFFE000  }
0x3b: {  	[spmem:s2] =	stream.indirect.scatter.add.f32 [tilespmem:s16], [sflag:$0xA], $0x40, s10, s14, $0xb8;
	[tilespmem:$0x1F000] =	vst v63  }
0x3c: {  	_ =	swait.ge [sflag:s1], $0x2000  }
0x3d: {  	[sflag:s1] =	ssyncset.done $0x0  }
0x3e: {  	s13 =	simm.s32 $0x2900;
	[sflag:s1] =	ssyncadd.s32 $0xFFFFE000  }
0x3f: {  	[spmem:s2] =	stream.indirect.scatter.add.f32 [tilespmem:s18], [sflag:$0xB], $0x40, s13, s14, $0xb8;
	[tilespmem:$0x1F000] =	vst v63  }
0x40: {  	_ =	swait.ge [sflag:s0], $0x2000  }
0x41: {  	[sflag:s0] =	ssyncset.done $0x0  }
0x42: {  	s3 =	simm.s32 $0x2980;
	[sflag:s0] =	ssyncadd.s32 $0xFFFFE000  }
0x43: {  	[spmem:s2] =	stream.indirect.scatter.add.f32 [tilespmem:s20], [sflag:$0xC], $0x40, s3, s14, $0xb8;
	[tilespmem:$0x1F000] =	vst v63  }
0x44: {  	_ =	swait.ge [sflag:s11], $0x2000  }
0x45: {  	[sflag:s11] =	ssyncset.done $0x0  }
0x46: {  	s10 =	simm.s32 $0x2A00;
	[sflag:s11] =	ssyncadd.s32 $0xFFFFE000  }
0x47: {  	[spmem:s2] =	stream.indirect.scatter.add.f32 [tilespmem:s22], [sflag:$0xD], $0x40, s10, s14, $0xb8;
	[tilespmem:$0x1F000] =	vst v63  }
0x48: {  	_ =	swait.ge [sflag:s17], $0x2000  }
0x49: {  	[sflag:s17] =	ssyncset.done $0x0  }
0x4a: {  	s13 =	simm.s32 $0x2A80;
	[sflag:s17] =	ssyncadd.s32 $0xFFFFE000  }
0x4b: {  	[spmem:s2] =	stream.indirect.scatter.add.f32 [tilespmem:s24], [sflag:$0xE], $0x40, s13, s14, $0xb8;
	[tilespmem:$0x1F000] =	vst v63  }
0x4c: {  	_ =	swait.ge [sflag:s19], $0x2000  }
0x4d: {  	[sflag:s19] =	ssyncset.done $0x0  }
0x4e: {  	s3 =	simm.s32 $0x2B00;
	[sflag:s19] =	ssyncadd.s32 $0xFFFFE000  }
0x4f: {  	[spmem:s2] =	stream.indirect.scatter.add.f32 [tilespmem:s26], [sflag:$0xF], $0x40, s3, s14, $0xb8;
	[tilespmem:$0x1F000] =	vst v63  }
0x50: {  	_ =	swait.ge [sflag:s21], $0x2000  }
0x51: {  	[sflag:s21] =	ssyncset.done $0x0  }
0x52: {  	s10 =	simm.s32 $0x2B80;
	[sflag:s21] =	ssyncadd.s32 $0xFFFFE000  }
0x53: {  	[spmem:s2] =	stream.indirect.scatter.add.f32 [tilespmem:s29], [sflag:$0x10], $0x40, s10, s14, $0xb8;
	[tilespmem:$0x1F000] =	vst v63  }
0x54: {  	_ =	swait.ge [sflag:s23], $0x2000  }
0x55: {  	[sflag:s23] =	ssyncset.done $0x0  }
0x56: {  	s13 =	simm.s32 $0x400;
	[sflag:s23] =	ssyncadd.s32 $0xFFFFE000  }
0x57: {  	[tilespmem:s15], [sflag:$0x1] =	stream.indirect.gather [hbm4b:s4+s14], $0x40, s13, s14, $0xb8;
	[tilespmem:$0x1F000] =	vst v63  }
0x58: {  	_ =	swait.ge [sflag:s25], $0x2000  }
0x59: {  	[sflag:s25] =	ssyncset.done $0x0  }
0x5a: {  	s3 =	simm.s32 $0x480;
	[sflag:s25] =	ssyncadd.s32 $0xFFFFE000  }
0x5b: {  	[tilespmem:s16], [sflag:$0x2] =	stream.indirect.gather [hbm4b:s4+s14], $0x40, s3, s14, $0xb8;
	[tilespmem:$0x1F000] =	vst v63  }
0x5c: {  	_ =	swait.ge [sflag:s28], $0x2000  }
0x5d: {  	[sflag:s28] =	ssyncset.done $0x0  }
0x5e: {  	s10 =	simm.s32 $0x500;
	[sflag:s28] =	ssyncadd.s32 $0xFFFFE000  }
0x5f: {  	[tilespmem:s18], [sflag:$0x3] =	stream.indirect.gather [hbm4b:s4+s14], $0x40, s10, s14, $0xb8;
	[tilespmem:$0x1F000] =	vst v63  }
0x60: {  	_ =	swait.ge [sflag:s5], $0x2000  }
0x61: {  	[sflag:s5] =	ssyncset.done $0x0  }
0x62: {  	s13 =	simm.s32 $0x580;
	[sflag:s5] =	ssyncadd.s32 $0xFFFFE000  }
0x63: {  	[tilespmem:s20], [sflag:$0x4] =	stream.indirect.gather [hbm4b:s4+s14], $0x40, s13, s14, $0xb8;
	[tilespmem:$0x1F000] =	vst v63  }
0x64: {  	_ =	swait.ge [sflag:s6], $0x2000  }
0x65: {  	[sflag:s6] =	ssyncset.done $0x0  }
0x66: {  	s3 =	simm.s32 $0x600;
	[sflag:s6] =	ssyncadd.s32 $0xFFFFE000  }
0x67: {  	[tilespmem:s22], [sflag:$0x5] =	stream.indirect.gather [hbm4b:s4+s14], $0x40, s3, s14, $0xb8;
	[tilespmem:$0x1F000] =	vst v63  }
0x68: {  	_ =	swait.ge [sflag:s7], $0x2000  }
0x69: {  	[sflag:s7] =	ssyncset.done $0x0  }
0x6a: {  	s10 =	simm.s32 $0x680;
	[sflag:s7] =	ssyncadd.s32 $0xFFFFE000  }
0x6b: {  	[tilespmem:s24], [sflag:$0x6] =	stream.indirect.gather [hbm4b:s4+s14], $0x40, s10, s14, $0xb8;
	[tilespmem:$0x1F000] =	vst v63  }
0x6c: {  	_ =	swait.ge [sflag:s8], $0x2000  }
0x6d: {  	[sflag:s8] =	ssyncset.done $0x0  }
0x6e: {  	s13 =	simm.s32 $0x700;
	[sflag:s8] =	ssyncadd.s32 $0xFFFFE000  }
0x6f: {  	[tilespmem:s26], [sflag:$0x7] =	stream.indirect.gather [hbm4b:s4+s14], $0x40, s13, s14, $0xb8;
	[tilespmem:$0x1F000] =	vst v63  }
0x70: {  	_ =	swait.ge [sflag:s9], $0x2000  }
0x71: {  	[sflag:s9] =	ssyncset.done $0x0  }
0x72: {  	s12 =	simm.s32 $0x1000;
	s13 =	simm.s32 $0x780;
	[sflag:s9] =	ssyncadd.s32 $0xFFFFE000  }
.LBB2_2:
0x73: {  	[tilespmem:s29], [sflag:$0x8] =	stream.indirect.gather [hbm4b:s4+s14], $0x40, s13, s14, $0xb8;
	[tilespmem:$0x1F000] =	vst v63  }
0x74: {  	s13 =	smov.u32 s12  }
0x75: {  	p0 =	sne.s32 s12, $0x8000;
	s12 =	sadd.s32 $0x1000, s12;
	_ =	swait.ge [sflag:s30], $0x2000  }
0x76: {  	s13 =	sshra.s32 s13, $0x2;
	[sflag:s30] =	ssyncset.done $0x0  }
0x77: {  	s10 =	sadd.s32 $0x2800, s13;
	[sflag:s30] =	ssyncadd.s32 $0xFFFFE000  }
0x78: {  	[spmem:s2] =	stream.indirect.scatter.add.f32 [tilespmem:s15], [sflag:$0x9], $0x40, s10, s14, $0xb8;
	[tilespmem:$0x1F000] =	vst v63  }
0x79: {  	_ =	swait.ge [sflag:s31], $0x2000  }
0x7a: {  	[sflag:s31] =	ssyncset.done $0x0  }
0x7b: {  	s10 =	sadd.s32 $0x2880, s13;
	[sflag:s31] =	ssyncadd.s32 $0xFFFFE000  }
0x7c: {  	[spmem:s2] =	stream.indirect.scatter.add.f32 [tilespmem:s16], [sflag:$0xA], $0x40, s10, s14, $0xb8;
	[tilespmem:$0x1F000] =	vst v63  }
0x7d: {  	_ =	swait.ge [sflag:s1], $0x2000  }
0x7e: {  	[sflag:s1] =	ssyncset.done $0x0  }
0x7f: {  	s10 =	sadd.s32 $0x2900, s13;
	[sflag:s1] =	ssyncadd.s32 $0xFFFFE000  }
0x80: {  	[spmem:s2] =	stream.indirect.scatter.add.f32 [tilespmem:s18], [sflag:$0xB], $0x40, s10, s14, $0xb8;
	[tilespmem:$0x1F000] =	vst v63  }
0x81: {  	_ =	swait.ge [sflag:s0], $0x2000  }
0x82: {  	[sflag:s0] =	ssyncset.done $0x0  }
0x83: {  	s10 =	sadd.s32 $0x2980, s13;
	[sflag:s0] =	ssyncadd.s32 $0xFFFFE000  }
0x84: {  	[spmem:s2] =	stream.indirect.scatter.add.f32 [tilespmem:s20], [sflag:$0xC], $0x40, s10, s14, $0xb8;
	[tilespmem:$0x1F000] =	vst v63  }
0x85: {  	_ =	swait.ge [sflag:s11], $0x2000  }
0x86: {  	[sflag:s11] =	ssyncset.done $0x0  }
0x87: {  	s10 =	sadd.s32 $0x2A00, s13;
	[sflag:s11] =	ssyncadd.s32 $0xFFFFE000  }
0x88: {  	[spmem:s2] =	stream.indirect.scatter.add.f32 [tilespmem:s22], [sflag:$0xD], $0x40, s10, s14, $0xb8;
	[tilespmem:$0x1F000] =	vst v63  }
0x89: {  	_ =	swait.ge [sflag:s17], $0x2000  }
0x8a: {  	[sflag:s17] =	ssyncset.done $0x0  }
0x8b: {  	s10 =	sadd.s32 $0x2A80, s13;
	[sflag:s17] =	ssyncadd.s32 $0xFFFFE000  }
0x8c: {  	[spmem:s2] =	stream.indirect.scatter.add.f32 [tilespmem:s24], [sflag:$0xE], $0x40, s10, s14, $0xb8;
	[tilespmem:$0x1F000] =	vst v63  }
0x8d: {  	_ =	swait.ge [sflag:s19], $0x2000  }
0x8e: {  	[sflag:s19] =	ssyncset.done $0x0  }
0x8f: {  	s10 =	sadd.s32 $0x2B00, s13;
	[sflag:s19] =	ssyncadd.s32 $0xFFFFE000  }
0x90: {  	[spmem:s2] =	stream.indirect.scatter.add.f32 [tilespmem:s26], [sflag:$0xF], $0x40, s10, s14, $0xb8;
	[tilespmem:$0x1F000] =	vst v63  }
0x91: {  	_ =	swait.ge [sflag:s21], $0x2000  }
0x92: {  	[sflag:s21] =	ssyncset.done $0x0  }
0x93: {  	s10 =	sadd.s32 $0x2B80, s13;
	[sflag:s21] =	ssyncadd.s32 $0xFFFFE000  }
0x94: {  	[spmem:s2] =	stream.indirect.scatter.add.f32 [tilespmem:s29], [sflag:$0x10], $0x40, s10, s14, $0xb8;
	[tilespmem:$0x1F000] =	vst v63  }
0x95: {  	_ =	swait.ge [sflag:s23], $0x2000  }
0x96: {  	[sflag:s23] =	ssyncset.done $0x0  }
0x97: {  	s10 =	sadd.s32 $0x400, s13;
	[sflag:s23] =	ssyncadd.s32 $0xFFFFE000  }
0x98: {  	[tilespmem:s15], [sflag:$0x1] =	stream.indirect.gather [hbm4b:s4+s14], $0x40, s10, s14, $0xb8;
	[tilespmem:$0x1F000] =	vst v63  }
0x99: {  	_ =	swait.ge [sflag:s25], $0x2000  }
0x9a: {  	[sflag:s25] =	ssyncset.done $0x0  }
0x9b: {  	s10 =	sadd.s32 $0x480, s13;
	[sflag:s25] =	ssyncadd.s32 $0xFFFFE000  }
0x9c: {  	[tilespmem:s16], [sflag:$0x2] =	stream.indirect.gather [hbm4b:s4+s14], $0x40, s10, s14, $0xb8;
	[tilespmem:$0x1F000] =	vst v63  }
0x9d: {  	_ =	swait.ge [sflag:s28], $0x2000  }
0x9e: {  	[sflag:s28] =	ssyncset.done $0x0  }
0x9f: {  	s10 =	sadd.s32 $0x500, s13;
	[sflag:s28] =	ssyncadd.s32 $0xFFFFE000  }
0xa0: {  	[tilespmem:s18], [sflag:$0x3] =	stream.indirect.gather [hbm4b:s4+s14], $0x40, s10, s14, $0xb8;
	[tilespmem:$0x1F000] =	vst v63  }
0xa1: {  	_ =	swait.ge [sflag:s5], $0x2000  }
0xa2: {  	[sflag:s5] =	ssyncset.done $0x0  }
0xa3: {  	s10 =	sadd.s32 $0x580, s13;
	[sflag:s5] =	ssyncadd.s32 $0xFFFFE000  }
0xa4: {  	[tilespmem:s20], [sflag:$0x4] =	stream.indirect.gather [hbm4b:s4+s14], $0x40, s10, s14, $0xb8;
	[tilespmem:$0x1F000] =	vst v63  }
0xa5: {  	_ =	swait.ge [sflag:s6], $0x2000  }
0xa6: {  	[sflag:s6] =	ssyncset.done $0x0  }
0xa7: {  	s10 =	sadd.s32 $0x600, s13;
	[sflag:s6] =	ssyncadd.s32 $0xFFFFE000  }
0xa8: {  	[tilespmem:s22], [sflag:$0x5] =	stream.indirect.gather [hbm4b:s4+s14], $0x40, s10, s14, $0xb8;
	[tilespmem:$0x1F000] =	vst v63  }
0xa9: {  	_ =	swait.ge [sflag:s7], $0x2000  }
0xaa: {  	[sflag:s7] =	ssyncset.done $0x0  }
0xab: {  	s10 =	sadd.s32 $0x680, s13;
	[sflag:s7] =	ssyncadd.s32 $0xFFFFE000  }
0xac: {  	[tilespmem:s24], [sflag:$0x6] =	stream.indirect.gather [hbm4b:s4+s14], $0x40, s10, s14, $0xb8;
	[tilespmem:$0x1F000] =	vst v63  }
0xad: {  	_ =	swait.ge [sflag:s8], $0x2000  }
0xae: {  	[sflag:s8] =	ssyncset.done $0x0  }
.Ltmp0:
0xaf: {  	s10 =	sadd.s32 $0x700, s13;
	[sflag:s8] =	ssyncadd.s32 $0xFFFFE000;
	(pc) =	sbr.rel @p0 .LBB2_2-.Ltmp0, $4  }
0xb0: {  	[tilespmem:s26], [sflag:$0x7] =	stream.indirect.gather [hbm4b:s4+s14], $0x40, s10, s14, $0xb8;
	[tilespmem:$0x1F000] =	vst v63  }
0xb1: {  	_ =	swait.ge [sflag:s9], $0x2000  }
0xb2: {  	[sflag:s9] =	ssyncset.done $0x0  }
0xb3: {  	s13 =	sadd.s32 $0x780, s13;
	[sflag:s9] =	ssyncadd.s32 $0xFFFFE000  }
0xb4: {  	[tilespmem:s29], [sflag:$0x8] =	stream.indirect.gather [hbm4b:s4+s14], $0x40, s13, s14, $0xb8;
	[tilespmem:$0x1F000] =	vst v63  }
0xb5: {  	_ =	swait.ge [sflag:s30], $0x2000  }
0xb6: {  	[sflag:s30] =	ssyncset.done $0x0  }
0xb7: {  	s10 =	simm.s32 $0x4C00;
	[sflag:s30] =	ssyncadd.s32 $0xFFFFE000  }
0xb8: {  	[spmem:s2] =	stream.indirect.scatter.add.f32 [tilespmem:s15], [sflag:$0x9], $0x40, s10, s14, $0xb8;
	[tilespmem:$0x1F000] =	vst v63  }
0xb9: {  	_ =	swait.ge [sflag:s31], $0x2000  }
0xba: {  	[sflag:s31] =	ssyncset.done $0x0  }
0xbb: {  	s12 =	simm.s32 $0x4C80;
	[sflag:s31] =	ssyncadd.s32 $0xFFFFE000  }
0xbc: {  	[spmem:s2] =	stream.indirect.scatter.add.f32 [tilespmem:s16], [sflag:$0xA], $0x40, s12, s14, $0xb8;
	[tilespmem:$0x1F000] =	vst v63  }
0xbd: {  	_ =	swait.ge [sflag:s1], $0x2000  }
0xbe: {  	[sflag:s1] =	ssyncset.done $0x0  }
0xbf: {  	s13 =	simm.s32 $0x4D00;
	[sflag:s1] =	ssyncadd.s32 $0xFFFFE000  }
0xc0: {  	[spmem:s2] =	stream.indirect.scatter.add.f32 [tilespmem:s18], [sflag:$0xB], $0x40, s13, s14, $0xb8;
	[tilespmem:$0x1F000] =	vst v63  }
0xc1: {  	_ =	swait.ge [sflag:s0], $0x2000  }
0xc2: {  	[sflag:s0] =	ssyncset.done $0x0  }
0xc3: {  	s3 =	simm.s32 $0x4D80;
	[sflag:s0] =	ssyncadd.s32 $0xFFFFE000  }
0xc4: {  	[spmem:s2] =	stream.indirect.scatter.add.f32 [tilespmem:s20], [sflag:$0xC], $0x40, s3, s14, $0xb8;
	[tilespmem:$0x1F000] =	vst v63  }
0xc5: {  	_ =	swait.ge [sflag:s11], $0x2000  }
0xc6: {  	[sflag:s11] =	ssyncset.done $0x0  }
0xc7: {  	s12 =	simm.s32 $0x4E00;
	[sflag:s11] =	ssyncadd.s32 $0xFFFFE000  }
0xc8: {  	[spmem:s2] =	stream.indirect.scatter.add.f32 [tilespmem:s22], [sflag:$0xD], $0x40, s12, s14, $0xb8;
	[tilespmem:$0x1F000] =	vst v63  }
0xc9: {  	_ =	swait.ge [sflag:s17], $0x2000  }
0xca: {  	[sflag:s17] =	ssyncset.done $0x0  }
0xcb: {  	s13 =	simm.s32 $0x4E80;
	[sflag:s17] =	ssyncadd.s32 $0xFFFFE000  }
0xcc: {  	[spmem:s2] =	stream.indirect.scatter.add.f32 [tilespmem:s24], [sflag:$0xE], $0x40, s13, s14, $0xb8;
	[tilespmem:$0x1F000] =	vst v63  }
0xcd: {  	_ =	swait.ge [sflag:s19], $0x2000  }
0xce: {  	[sflag:s19] =	ssyncset.done $0x0  }
0xcf: {  	s3 =	simm.s32 $0x4F00;
	[sflag:s19] =	ssyncadd.s32 $0xFFFFE000  }
0xd0: {  	[spmem:s2] =	stream.indirect.scatter.add.f32 [tilespmem:s26], [sflag:$0xF], $0x40, s3, s14, $0xb8;
	[tilespmem:$0x1F000] =	vst v63  }
0xd1: {  	_ =	swait.ge [sflag:s21], $0x2000  }
0xd2: {  	[sflag:s21] =	ssyncset.done $0x0  }
0xd3: {  	s12 =	simm.s32 $0x4F80;
	[sflag:s21] =	ssyncadd.s32 $0xFFFFE000  }
0xd4: {  	[spmem:s2] =	stream.indirect.scatter.add.f32 [tilespmem:s29], [sflag:$0x10], $0x40, s12, s14, $0xb8;
	[tilespmem:$0x1F000] =	vst v63  }
0xd5: {  	_ =	swait.ge [sflag:s23], $0x2000  }
0xd6: {  	[sflag:s23] =	ssyncset.done $0x0  }
0xd7: {  	[sflag:s23] =	ssyncadd.s32 $0xFFFFE000  }
0xd8: {  	_ =	swait.ge [sflag:s25], $0x2000  }
0xd9: {  	[sflag:s25] =	ssyncset.done $0x0  }
0xda: {  	[sflag:s25] =	ssyncadd.s32 $0xFFFFE000  }
0xdb: {  	_ =	swait.ge [sflag:s28], $0x2000  }
0xdc: {  	[sflag:s28] =	ssyncset.done $0x0  }
0xdd: {  	[sflag:s28] =	ssyncadd.s32 $0xFFFFE000  }
0xde: {  	_ =	swait.ge [sflag:s5], $0x2000  }
0xdf: {  	[sflag:s5] =	ssyncset.done $0x0  }
0xe0: {  	[sflag:s5] =	ssyncadd.s32 $0xFFFFE000  }
0xe1: {  	_ =	swait.ge [sflag:s6], $0x2000  }
0xe2: {  	[sflag:s6] =	ssyncset.done $0x0  }
0xe3: {  	[sflag:s6] =	ssyncadd.s32 $0xFFFFE000  }
0xe4: {  	_ =	swait.ge [sflag:s7], $0x2000  }
0xe5: {  	[sflag:s7] =	ssyncset.done $0x0  }
0xe6: {  	[sflag:s7] =	ssyncadd.s32 $0xFFFFE000  }
0xe7: {  	_ =	swait.ge [sflag:s8], $0x2000  }
0xe8: {  	[sflag:s8] =	ssyncset.done $0x0  }
0xe9: {  	[sflag:s8] =	ssyncadd.s32 $0xFFFFE000  }
0xea: {  	_ =	swait.ge [sflag:s9], $0x2000  }
0xeb: {  	[sflag:s9] =	ssyncset.done $0x0  }
0xec: {  	[sflag:s9] =	ssyncadd.s32 $0xFFFFE000  }
0xed: {  	[bflag:$0x0] =	sbarrier.arrive $0xFFFF  }
0xee: {  	s13 =	rddreg [dreg:$0x6]  }
0xef: {  	s12 =	rddreg [dreg:$0x8]  }
0xf0: {  	s3 =	rddreg [dreg:$0x9]  }
0xf1: {  	[hbm:s13], [sflag:s3] =	dma.local [spmem:s12], $0x1400  }
0xf2: {  	s13 =	simm.s32 $0x11  }
0xf3: {  	_ =	swait.ge [sflag:s13], $0x1400  }
0xf4: {  	s10 =	rddreg [dreg:$0xa]  }
0xf5: {  	s12 =	rddreg [dreg:$0x7];
	s3 =	sadd.s32 $0x1, s10  }
0xf6: {  	p0 =	sne.s32 s3, s12  }
.Ltmp1:
0xf7: {  	_ = 	snop;
	(pc) =	sbr.rel @p0 .LBB2_1-.Ltmp1, $3  }
0xf8: {  	_ =	sdelay $0x1  }
0xf9: {  	[sflag:s13] =	ssyncset.done $0x0  }
0xfa: {  	[sflag:s13] =	ssyncadd.s32 $0xFFFFEC00;
	[dreg:$0xa] =	wrdreg s3  }
0xfb: {  	_ =	sfence.sel $0x180000  }
0xfc: {  	[bflag:$0x0] =	sbarrier.arrive $0xFFFF  }
0xfd: {  	_ =	strace $0x9000004D  }
0xfe: {  	s0 =	stileid.u32;
	[bflag:$0x2] =	sbarrier.arrive $0xFFFF  }
0xff: {  	p0 =	sne.s32 s0, $0x0;
	s0 =	rddreg [dreg:$0x2]  }
0x100: {  	s0 =	sadd.s32 @!p0 $0x100000, s0  }
0x101: {  	[sflag:s0] =	ssyncadd.tile.s32 @!p0 $0x1;
	_ =	shalt  }
.Lfunc_end2:
_tile_overlayer_lowered:
.L_overlay_start_2:
0x102: {  	(tag) =	ssettag $0x2  }
0x103: {  	s0 =	rddreg [dreg:$0x0];
	s2 =	stileid.u32  }
0x104: {  	s1 =	rddreg [dreg:$0x1];
	p0 =	sne.s32 s2, $0x0  }
0x105: {  	s3 =	rddreg [dreg:$0x2];
	[bflag:$0x3] =	sbarrier.arrive $0xFFFF;
	s2 =	simm.s32 @!p0 $0x1C11  }
0x106: {  	[timem:s3], [sflag:s2] =	dma.local @!p0 [hbm:s0], s1  }
0x107: {  	s0 =	simm.s32 @!p0 $0x11  }
0x108: {  	_ =	swait.ge @!p0 [sflag:s0], s1  }
0x109: {  	s1 =	ssub.s32 @!p0 $0x0, s1;
	[sflag:s0] =	ssyncset.done @!p0 $0x0  }
0x10a: {  	[sflag:s0] =	ssyncadd.s32 @!p0 s1  }
0x10b: {  	[bflag:$0x3] =	sbarrier.arrive $0xFFFF  }
0x10c: {  	_ =	shalt  }

// kernel: kernel.20.cloned.1.call-start
scs
__scs_entry_jumppad:
0x0: {  	(pc) =	sbr.rel $0x88, $3  }
0x1: {  	(tag) =	ssettag $0x0;
	lr =	simm.s32 $0x1  }
0x2: {  	[smem:$0x3F97] =	sst lr;
	_ =	strace $0xD0000000  }
0x3: {  	_ = 	snop  }
0x4: {  	_ = 	snop  }
0x5: {  	_ = 	snop  }
0x6: {  	_ = 	snop  }
0x7: {  	_ = 	snop  }
__scs_overlays_trampoline_lowered:
0x8: {  	[smem:$0x3FA6] =	sst s0  }
0x9: {  	[smem:$0x3FA7] =	sst s1  }
0xa: {  	[smem:$0x3FA8] =	sst s2  }
0xb: {  	[smem:$0x3FA9] =	sst s3  }
0xc: {  	[smem:$0x3FAA] =	sst s4  }
0xd: {  	[smem:$0x3FAB] =	sst s5  }
0xe: {  	[smem:$0x3FAC] =	sst s6  }
0xf: {  	[smem:$0x3FAD] =	sst s7  }
0x10: {  	[smem:$0x3FAE] =	sst s8  }
0x11: {  	[smem:$0x3FAF] =	sst s9;
	s0 =	simm.s32 @!p0 $0x0  }
0x12: {  	s1 =	sld [smem:$0x3F95];
	s0 =	simm.s32 @p0 $0x1  }
0x13: {  	[smem:$0x3FB0] =	sst s0;
	s0 =	simm.s32 @!p1 $0x0  }
0x14: {  	s2 =	sld [smem:$0x3F94];
	s0 =	simm.s32 @p1 $0x1  }
0x15: {  	[smem:$0x3FB1] =	sst s0;
	s0 =	simm.s32 @!p2 $0x0  }
0x16: {  	s3 =	sld [smem:$0x3FDB];
	s0 =	simm.s32 @p2 $0x1  }
0x17: {  	s4 =	simm.s32 $0x1BF5;
	[smem:$0x3FB3] =	sst s0  }
0x18: {  	s0 =	sld [smem:$0x3F96];
	_ =	swait.ge [sflag:s4], $0x0  }
0x19: {  	s7 =	sld [smem:$0x3F97]  }
0x1a: {  	s8 =	sadd.s32 $0xFFFFE003, lr  }
0x1b: {  	s9 =	sadd.s32 $0xFFFFFEF7, lr;
	s5 =	simm.s32 $0xFFFFFFFF;
	p2 =	slt.u32 s8, $0xFFFFF086  }
0x1c: {  	p1 =	slt.u32 s9, $0xF7A;
	s5 =	simm.s32 @!p2 $0x0  }
0x1d: {  	s5 =	simm.s32 @p1 $0x1;
	p0 =	seq.s32 s7, s2  }
0x1e: {  	s7 =	smul.u32 @!p0 $0xF7A, s2;
	p2 =	seq.s32 @!p0 s5, $0x0  }
0x1f: {  	s9 =	smul.u32 $0xF7A, s1;
	s8 =	simm.s32 @!p0 $0x1BF5;
	p2 =	por !p2, p0  }
0x20: {  	[sflag:s8] =	ssyncset.s32 @!p0 $0xFFFFF086;
	s6 =	sadd.s32 @!p0 s3, s7;
	s7 =	simm.s32 @!p0 $0x108  }
0x21: {  	s3 =	sadd.s32 s3, s9;
	s6 =	sadd.s32 @!p0 $0x88, s6;
	s7 =	simm.s32 @p2 $0x1082  }
0x22: {  	[simem:s7], [sflag:s8] =	dma.local @!p0 [hbm:s6], $0xF7A  }
0x23: {  	s9 =	sor.u32 $0xD0000000, s2;
	s6 =	simm.s32 $0x108;
	_ =	swait.ge @!p0 [sflag:s8], $0x0  }
0x24: {  	s3 =	sadd.s32 $0x88, s3;
	s6 =	simm.s32 @!p1 $0x1082;
	[sflag:s4] =	ssyncset.s32 $0xFFFFF086  }
0x25: {  	[simem:s6], [sflag:s4] =	dma.local [hbm:s3], $0xF7A  }
0x26: {  	[smem:$0x3F97] =	sst s1;
	(tag) =	ssettag s2;
	_ =	strace s9  }
0x27: {  	s1 =	sld [smem:$0x3FA7]  }
0x28: {  	s2 =	sld [smem:$0x3FA8]  }
0x29: {  	s4 =	sld [smem:$0x3FAA]  }
0x2a: {  	p0 =	seq.s32 s5, $0x0;
	s5 =	sld [smem:$0x3FAB]  }
0x2b: {  	s6 =	sld [smem:$0x3FAC]  }
0x2c: {  	s7 =	sld [smem:$0x3FAD]  }
0x2d: {  	s3 =	simm.s32 $0x108;
	s8 =	sld [smem:$0x3FAE]  }
0x2e: {  	s3 =	simm.s32 @!p0 $0x1082;
	s9 =	sld [smem:$0x3FAF]  }
0x2f: {  	lr =	sadd.s32 s0, s3;
	s0 =	sld [smem:$0x3FA6]  }
0x30: {  	s3 =	sld [smem:$0x3FA9]  }
0x31: {  	[smem:$0x3FB2] =	sst s10  }
0x32: {  	s10 =	sld [smem:$0x3FB0];
	_ =	sdelay $0x3  }
0x33: {  	p0 =	seq.s32 s10, $0x1;
	s10 =	sld [smem:$0x3FB2];
	_ =	sdelay $0x3  }
0x34: {  	[smem:$0x3FB2] =	sst s10  }
0x35: {  	s10 =	sld [smem:$0x3FB1];
	_ =	sdelay $0x3  }
0x36: {  	p1 =	seq.s32 s10, $0x1;
	s10 =	sld [smem:$0x3FB2];
	_ =	sdelay $0x3  }
0x37: {  	[smem:$0x3FB2] =	sst s10  }
0x38: {  	s10 =	sld [smem:$0x3FB3]  }
0x39: {  	_ = 	snop;
	(pc) =	sbr.ind lr, $3  }
0x3a: {  	_ = 	snop  }
0x3b: {  	_ = 	snop  }
0x3c: {  	p2 =	seq.s32 s10, $0x1;
	s10 =	sld [smem:$0x3FB2]  }
0x3d: {  	_ =	shalt  }
0x3e: {  	_ =	shalt  }
0x3f: {  	_ =	shalt  }
0x40: {  	_ =	shalt  }
0x41: {  	_ =	shalt  }
0x42: {  	_ =	shalt  }
0x43: {  	_ =	shalt  }
0x44: {  	_ =	shalt  }
0x45: {  	_ =	shalt  }
0x46: {  	_ =	shalt  }
0x47: {  	_ =	shalt  }
0x48: {  	_ =	shalt  }
0x49: {  	_ =	shalt  }
0x4a: {  	_ =	shalt  }
0x4b: {  	_ =	shalt  }
0x4c: {  	_ =	shalt  }
0x4d: {  	_ =	shalt  }
0x4e: {  	_ =	shalt  }
0x4f: {  	_ =	shalt  }
0x50: {  	_ =	shalt  }
0x51: {  	_ =	shalt  }
0x52: {  	_ =	shalt  }
0x53: {  	_ =	shalt  }
0x54: {  	_ =	shalt  }
0x55: {  	_ =	shalt  }
0x56: {  	_ =	shalt  }
0x57: {  	_ =	shalt  }
0x58: {  	_ =	shalt  }
0x59: {  	_ =	shalt  }
0x5a: {  	_ =	shalt  }
0x5b: {  	_ =	shalt  }
0x5c: {  	_ =	shalt  }
0x5d: {  	_ =	shalt  }
0x5e: {  	_ =	shalt  }
0x5f: {  	_ =	shalt  }
0x60: {  	_ =	shalt  }
0x61: {  	_ =	shalt  }
0x62: {  	_ =	shalt  }
0x63: {  	_ =	shalt  }
0x64: {  	_ =	shalt  }
0x65: {  	_ =	shalt  }
0x66: {  	_ =	shalt  }
0x67: {  	_ =	shalt  }
0x68: {  	_ =	shalt  }
0x69: {  	_ =	shalt  }
0x6a: {  	_ =	shalt  }
0x6b: {  	_ =	shalt  }
0x6c: {  	_ =	shalt  }
0x6d: {  	_ =	shalt  }
0x6e: {  	_ =	shalt  }
0x6f: {  	_ =	shalt  }
0x70: {  	_ =	shalt  }
0x71: {  	_ =	shalt  }
0x72: {  	_ =	shalt  }
0x73: {  	_ =	shalt  }
0x74: {  	_ =	shalt  }
0x75: {  	_ =	shalt  }
0x76: {  	_ =	shalt  }
0x77: {  	_ =	shalt  }
0x78: {  	_ =	shalt  }
0x79: {  	_ =	shalt  }
0x7a: {  	_ =	shalt  }
0x7b: {  	_ =	shalt  }
0x7c: {  	_ =	shalt  }
0x7d: {  	_ =	shalt  }
0x7e: {  	_ =	shalt  }
0x7f: {  	_ =	shalt  }
0x80: {  	_ =	shalt  }
0x81: {  	_ =	shalt  }
0x82: {  	_ =	shalt  }
0x83: {  	_ =	shalt  }
0x84: {  	_ =	shalt  }
0x85: {  	_ =	shalt  }
0x86: {  	_ =	shalt  }
0x87: {  	_ =	shalt  }
.Lfunc_end0:
.L_simem_size_0:
called_computation.3_lowered:
.L_overlay_start_0:
0x88: {  	s2 =	sld [smem:$0x3FD9]  }
0x89: {  	s3 =	sld [smem:$0x3FFE];
	_ =	sdelay $0x1  }
0x8a: {  	s1 =	srdreg.scid  }
0x8b: {  	s0 =	sand.u32 $0x1, s1  }
0x8c: {  	s16 =	sshll.u32 s0, $0xA;
	s2 =	sadd.s32 s3, s2  }
0x8d: {  	s2 =	sadd.s32 s2, s16  }
0x8e: {  	[smem:$0x3FBE] =	sst s2  }
0x8f: {  	_ = 	snop  }
0x90: {  	(tm) =	ssettm $0x1  }
0x91: {  	s17 =	sld [smem:$0x3FFB];
	_ =	sdelay $0x3  }
0x92: {  	_ =	strace s17  }
0x93: {  	s2 =	sld [smem:$0x3FFC];
	_ =	sdelay $0x3  }
0x94: {  	_ =	strace s2  }
0x95: {  	s2 =	sld [smem:$0x3FFD];
	_ =	sdelay $0x3  }
0x96: {  	_ =	strace s2  }
0x97: {  	_ =	strace $0x8FFFFFFF  }
0x98: {  	s18 =	sld [smem:$0x3FDB];
	_ =	sdelay $0x1  }
0x99: {  	s19 =	simm.s32 $_scs_section_size  }
0x9a: {  	s4 =	simm.s32 $_size__tile_overlayer_lowered;
	s5 =	simm.s32 $_tile_overlayer_lowered  }
0x9b: {  	s22 =	simm.s32 $0x1BFF;
	s21 =	sshll.u32 s5, $0x1;
	s2 =	sadd.s32 s19, s18  }
0x9c: {  	s6 =	simm.s32 $0x0;
	s20 =	sshll.u32 s4, $0x1;
	s4 =	sadd.s32 s21, s2  }
0x9d: {  	[timem:s6], [sflag:s22] =	dma.local [hbm:s4], s20  }
0x9e: {  	_ =	swait.ge [sflag:s22], s20  }
0x9f: {  	s3 =	ssub.s32 $0x0, s20;
	[sflag:s22] =	ssyncset.done $0x0  }
0xa0: {  	[sflag:s22] =	ssyncadd.s32 s3;
	_ =	sdelay $0x1  }
0xa1: {  	s23 =	simm.s32 $0x1B8B  }
0xa2: {  	_ =	swait.ge [sflag:s23], $0x1  }
0xa3: {  	[sflag:s23] =	ssyncset.done $0x0  }
0xa4: {  	s25 =	simm.s32 $0x1B8E;
	s24 =	sld [smem:$0x3FFE];
	[sflag:s23] =	ssyncadd.s32 $0xFFFFFFFF  }
0xa5: {  	s26 =	simm.s32 $execute0_lowered;
	[smem:$0x3FD2] =	sst s25  }
0xa6: {  	s4 =	sshll.u32 s26, $0x1;
	_ =	strace $0x8000004F;
	[dreg:$0x1] =	wrdreg $0xFFFFFFFF  }
0xa7: {  	s28 =	simm.s32 $_size_execute0_lowered;
	s2 =	sadd.s32 s2, s4;
	[dreg:$0x0] =	wrdreg $0x0  }
0xa8: {  	s4 =	sshll.u32 s28, $0x1;
	[dreg:$0x2] =	wrdreg s2  }
0xa9: {  	[dreg:$0x3] =	wrdreg s4  }
0xaa: {  	[dreg:$0x4] =	wrdreg $0xC0  }
0xab: {  	_ =	task [dreg:s6], $0x5FFFF  }
0xac: {  	[dreg:$0x1] =	wrdreg $0xFFFFFFFF  }
0xad: {  	[dreg:$0x0] =	wrdreg $0x60  }
0xae: {  	[dreg:$0x2] =	wrdreg s24  }
0xaf: {  	[dreg:$0x3] =	wrdreg $0x150000  }
0xb0: {  	[dreg:$0x4] =	wrdreg $0x9  }
0xb1: {  	_ =	task.clear_ibuf [dreg:s6], $0x5FFFF;
	_ =	strace $0x9000004F  }
0xb2: {  	s29 =	simm.s32 $0x9;
	_ =	strace $0x80000051  }
0xb3: {  	_ =	swait.ge [sflag:s29], $0x1  }
0xb4: {  	[sflag:s29] =	ssyncadd.s32 $0xFFFFFFFF  }
0xb5: {  	_ =	strace $0x90000051  }
0xb6: {  	_ =	sfence  }
0xb7: {  	s30 =	sld [smem:$0x0];
	_ =	sdelay $0x2  }
0xb8: {  	s31 =	sshll.u32 s1, $0xD;
	s1 =	sshrl.u32 s1, $0x2  }
0xb9: {  	s3 =	sand.u32 $0x4000, s31;
	s1 =	sadd.s32 s1, s30  }
0xba: {  	s0 =	sor.u32 s3, s0;
	s1 =	sshll.u32 s1, $0x11  }
0xbb: {  	s0 =	sor.u32 s1, s0  }
0xbc: {  	s0 =	sadd.s32 $0x8F2B, s0  }
0xbd: {  	[sflag:s0] =	ssyncadd.remote.s32 $0x1  }
0xbe: {  	_ =	sfence.sel $0xFFFF  }
0xbf: {  	[dreg:$0x0] =	wrdreg $0xFFFFFFFF;
	(pc) =	sbr.abs _section_cstart, $3  }
0xc0: {  	[dreg:$0x1] =	wrdreg $0xFFFFFFFF  }
0xc1: {  	_ =	task.clear_ibuf [dreg:s6], $0x2FFFF;
	_ =	strace $0x9FFFFFFF  }
0xc2: {  	(tm) =	ssettm $0x7FFFFFFF  }
0xc3: {  	_ =	shalt  }
tec
execute0_lowered:
.L_overlay_start_1:
0x0: {  	(tag) =	ssettag $0x1  }
0x1: {  	s0 =	srdreg.scid;
	s3 =	rddreg [dreg:$0x0]  }
0x2: {  	s7 =	stileid.u32;
	s2 =	rddreg [dreg:$0x1];
	s6 =	simm.s32 $0x0  }
0x3: {  	s13 =	simm.s32 $0x11;
	s14 =	simm.s32 $0x80;
	s15 =	simm.s32 $0x5000  }
0x4: {  	s16 =	simm.s32 $0x7000;
	s18 =	simm.s32 $0x9000;
	s20 =	simm.s32 $0xB000  }
0x5: {  	s29 =	simm.s32 $0x13000;
	s30 =	simm.s32 $0x1;
	s31 =	simm.s32 $0x2  }
0x6: {  	s11 =	simm.s32 $0x5;
	s17 =	simm.s32 $0x6;
	s19 =	simm.s32 $0x7  }
0x7: {  	s21 =	simm.s32 $0x8;
	s28 =	simm.s32 $0xB;
	s9 =	simm.s32 $0x10  }
0x8: {  	s10 =	simm.s32 $0x0;
	s0 =	sand.u32 $0x1, s0;
	s5 =	smul.u32 $0xA000, s7  }
0x9: {  	[smem:$0x7FF] =	sst s6;
	s8 =	sadd.s32 $0x2B200, s3;
	s26 =	sshll.u32 s7, $0x6  }
0xa: {  	s1 =	sshll.u32 s0, $0x4;
	s4 =	smul.u32 $0xA0000, s0;
	_ =	strace $0x80000050  }
0xb: {  	s0 =	ssub.s32 $0x2, s0;
	[dreg:$0x3] =	wrdreg s8;
	s8 =	simm.s32 $0xF  }
0xc: {  	[dreg:$0xa] =	wrdreg s10;
	s1 =	sor.u32 s7, s1;
	s23 =	sshrl.u32 s0, $0x1  }
0xd: {  	s25 =	sadd.s32 s5, s2;
	s7 =	simm.s32 $0xE;
	s1 =	smul.u32 $0x500, s1  }
0xe: {  	s22 =	sadd.s32 s5, s4;
	s4 =	sadd.s32 $0x17800, s3;
	s0 =	ssub.s32 s0, s23  }
0xf: {  	s12 =	sshrl.u32 s25, $0x3;
	s23 =	simm.s32 $0x9;
	s25 =	simm.s32 $0xA  }
0x10: {  	s5 =	simm.s32 $0xC;
	s6 =	sshrl.u32 s22, $0x3;
	s0 =	smax.u32 s0, $0x1  }
0x11: {  	s22 =	simm.s32 $0xD000;
	[dreg:$0x8] =	wrdreg s12;
	s1 =	sadd.s32 s1, s3  }
0x12: {  	s3 =	sadd.s32 s6, s3;
	[dreg:$0x7] =	wrdreg s0;
	s0 =	sor.u32 $0x1C11, s26  }
0x13: {  	s26 =	simm.s32 $0x11000;
	s24 =	sadd.s32 $0x3800, s1;
	[dreg:$0x9] =	wrdreg s0  }
0x14: {  	s6 =	simm.s32 $0xD;
	s1 =	sadd.s32 $0xD800, s1;
	[dreg:$0x4] =	wrdreg s24  }
0x15: {  	s3 =	sadd.s32 $0x2C600, s3;
	s0 =	simm.s32 $0x4;
	[dreg:$0x5] =	wrdreg s1  }
0x16: {  	[dreg:$0x6] =	wrdreg s3;
	s24 =	simm.s32 $0xF000;
	s1 =	simm.s32 $0x3  }
.LBB2_1:
0x17: {  	s3 =	simm.s32 $0x0;
	s12 =	rddreg [dreg:$0x4]  }
0x18: {  	[tilespmem:s3], [sflag:$0x11] =	stream.linear.gather [hbm4b:s12+s3], $0x2800, $0x38;
	[tilespmem:$0x1F000] =	vst v63  }
0x19: {  	_ =	swait.ge [sflag:s13], $0x2800  }
0x1a: {  	s10 =	simm.s32 $0x0;
	[sflag:s13] =	ssyncset.done $0x0  }
0x1b: {  	s3 =	simm.s32 $0x2800;
	s12 =	rddreg [dreg:$0x5];
	[sflag:s13] =	ssyncadd.s32 $0xFFFFD800  }
0x1c: {  	[tilespmem:s3], [sflag:$0x11] =	stream.linear.gather [hbm4b:s12+s10], $0x2800, $0x38;
	[tilespmem:$0x1F000] =	vst v63  }
0x1d: {  	s10 =	rddreg [dreg:$0x9];
	_ =	swait.ge [sflag:s13], $0x2800  }
0x1e: {  	[sflag:s13] =	ssyncset.done $0x0;
	s12 =	rddreg [dreg:$0x3]  }
0x1f: {  	s3 =	rddreg [dreg:$0x8];
	[sflag:s13] =	ssyncadd.s32 $0xFFFFD800  }
0x20: {  	[spmem:s3], [sflag:s10] =	dma.local [hbm:s12], $0x1400  }
0x21: {  	_ =	swait.ge [sflag:s13], $0x1400  }
0x22: {  	[sflag:s13] =	ssyncset.done $0x0  }
0x23: {  	[sflag:s13] =	ssyncadd.s32 $0xFFFFEC00  }
0x24: {  	s13 =	simm.s32 $0x0;
	[bflag:$0x0] =	sbarrier.arrive $0xFFFF  }
0x25: {  	[tilespmem:s15], [sflag:$0x1] =	stream.indirect.gather [hbm4b:s4+s14], $0x40, s13, s14, $0xb8;
	[tilespmem:$0x1F000] =	vst v63  }
0x26: {  	_ = 	snop  }
0x27: {  	[tilespmem:s16], [sflag:$0x2] =	stream.indirect.gather [hbm4b:s4+s14], $0x40, s14, s14, $0xb8;
	[tilespmem:$0x1F000] =	vst v63  }
0x28: {  	s3 =	simm.s32 $0x100  }
0x29: {  	[tilespmem:s18], [sflag:$0x3] =	stream.indirect.gather [hbm4b:s4+s14], $0x40, s3, s14, $0xb8;
	[tilespmem:$0x1F000] =	vst v63  }
0x2a: {  	s12 =	simm.s32 $0x180  }
0x2b: {  	[tilespmem:s20], [sflag:$0x4] =	stream.indirect.gather [hbm4b:s4+s14], $0x40, s12, s14, $0xb8;
	[tilespmem:$0x1F000] =	vst v63  }
0x2c: {  	s13 =	simm.s32 $0x200  }
0x2d: {  	[tilespmem:s22], [sflag:$0x5] =	stream.indirect.gather [hbm4b:s4+s14], $0x40, s13, s14, $0xb8;
	[tilespmem:$0x1F000] =	vst v63  }
0x2e: {  	s3 =	simm.s32 $0x280  }
0x2f: {  	[tilespmem:s24], [sflag:$0x6] =	stream.indirect.gather [hbm4b:s4+s14], $0x40, s3, s14, $0xb8;
	[tilespmem:$0x1F000] =	vst v63  }
0x30: {  	s12 =	simm.s32 $0x300  }
0x31: {  	[tilespmem:s26], [sflag:$0x7] =	stream.indirect.gather [hbm4b:s4+s14], $0x40, s12, s14, $0xb8;
	[tilespmem:$0x1F000] =	vst v63  }
0x32: {  	s13 =	simm.s32 $0x380  }
0x33: {  	[tilespmem:s29], [sflag:$0x8] =	stream.indirect.gather [hbm4b:s4+s14], $0x40, s13, s14, $0xb8;
	[tilespmem:$0x1F000] =	vst v63  }
0x34: {  	_ =	swait.ge [sflag:s30], $0x2000  }
0x35: {  	[sflag:s30] =	ssyncset.done $0x0  }
0x36: {  	s3 =	simm.s32 $0x2800;
	[sflag:s30] =	ssyncadd.s32 $0xFFFFE000  }
0x37: {  	[spmem:s2] =	stream.indirect.scatter.add.f32 [tilespmem:s15], [sflag:$0x9], $0x40, s3, s14, $0xb8;
	[tilespmem:$0x1F000] =	vst v63  }
0x38: {  	_ =	swait.ge [sflag:s31], $0x2000  }
0x39: {  	[sflag:s31] =	ssyncset.done $0x0  }
0x3a: {  	s10 =	simm.s32 $0x2880;
	[sflag:s31] =	ssyncadd.s32 $0xFFFFE000  }
0x3b: {  	[spmem:s2] =	stream.indirect.scatter.add.f32 [tilespmem:s16], [sflag:$0xA], $0x40, s10, s14, $0xb8;
	[tilespmem:$0x1F000] =	vst v63  }
0x3c: {  	_ =	swait.ge [sflag:s1], $0x2000  }
0x3d: {  	[sflag:s1] =	ssyncset.done $0x0  }
0x3e: {  	s13 =	simm.s32 $0x2900;
	[sflag:s1] =	ssyncadd.s32 $0xFFFFE000  }
0x3f: {  	[spmem:s2] =	stream.indirect.scatter.add.f32 [tilespmem:s18], [sflag:$0xB], $0x40, s13, s14, $0xb8;
	[tilespmem:$0x1F000] =	vst v63  }
0x40: {  	_ =	swait.ge [sflag:s0], $0x2000  }
0x41: {  	[sflag:s0] =	ssyncset.done $0x0  }
0x42: {  	s3 =	simm.s32 $0x2980;
	[sflag:s0] =	ssyncadd.s32 $0xFFFFE000  }
0x43: {  	[spmem:s2] =	stream.indirect.scatter.add.f32 [tilespmem:s20], [sflag:$0xC], $0x40, s3, s14, $0xb8;
	[tilespmem:$0x1F000] =	vst v63  }
0x44: {  	_ =	swait.ge [sflag:s11], $0x2000  }
0x45: {  	[sflag:s11] =	ssyncset.done $0x0  }
0x46: {  	s10 =	simm.s32 $0x2A00;
	[sflag:s11] =	ssyncadd.s32 $0xFFFFE000  }
0x47: {  	[spmem:s2] =	stream.indirect.scatter.add.f32 [tilespmem:s22], [sflag:$0xD], $0x40, s10, s14, $0xb8;
	[tilespmem:$0x1F000] =	vst v63  }
0x48: {  	_ =	swait.ge [sflag:s17], $0x2000  }
0x49: {  	[sflag:s17] =	ssyncset.done $0x0  }
0x4a: {  	s13 =	simm.s32 $0x2A80;
	[sflag:s17] =	ssyncadd.s32 $0xFFFFE000  }
0x4b: {  	[spmem:s2] =	stream.indirect.scatter.add.f32 [tilespmem:s24], [sflag:$0xE], $0x40, s13, s14, $0xb8;
	[tilespmem:$0x1F000] =	vst v63  }
0x4c: {  	_ =	swait.ge [sflag:s19], $0x2000  }
0x4d: {  	[sflag:s19] =	ssyncset.done $0x0  }
0x4e: {  	s3 =	simm.s32 $0x2B00;
	[sflag:s19] =	ssyncadd.s32 $0xFFFFE000  }
0x4f: {  	[spmem:s2] =	stream.indirect.scatter.add.f32 [tilespmem:s26], [sflag:$0xF], $0x40, s3, s14, $0xb8;
	[tilespmem:$0x1F000] =	vst v63  }
0x50: {  	_ =	swait.ge [sflag:s21], $0x2000  }
0x51: {  	[sflag:s21] =	ssyncset.done $0x0  }
0x52: {  	s10 =	simm.s32 $0x2B80;
	[sflag:s21] =	ssyncadd.s32 $0xFFFFE000  }
0x53: {  	[spmem:s2] =	stream.indirect.scatter.add.f32 [tilespmem:s29], [sflag:$0x10], $0x40, s10, s14, $0xb8;
	[tilespmem:$0x1F000] =	vst v63  }
0x54: {  	_ =	swait.ge [sflag:s23], $0x2000  }
0x55: {  	[sflag:s23] =	ssyncset.done $0x0  }
0x56: {  	s13 =	simm.s32 $0x400;
	[sflag:s23] =	ssyncadd.s32 $0xFFFFE000  }
0x57: {  	[tilespmem:s15], [sflag:$0x1] =	stream.indirect.gather [hbm4b:s4+s14], $0x40, s13, s14, $0xb8;
	[tilespmem:$0x1F000] =	vst v63  }
0x58: {  	_ =	swait.ge [sflag:s25], $0x2000  }
0x59: {  	[sflag:s25] =	ssyncset.done $0x0  }
0x5a: {  	s3 =	simm.s32 $0x480;
	[sflag:s25] =	ssyncadd.s32 $0xFFFFE000  }
0x5b: {  	[tilespmem:s16], [sflag:$0x2] =	stream.indirect.gather [hbm4b:s4+s14], $0x40, s3, s14, $0xb8;
	[tilespmem:$0x1F000] =	vst v63  }
0x5c: {  	_ =	swait.ge [sflag:s28], $0x2000  }
0x5d: {  	[sflag:s28] =	ssyncset.done $0x0  }
0x5e: {  	s10 =	simm.s32 $0x500;
	[sflag:s28] =	ssyncadd.s32 $0xFFFFE000  }
0x5f: {  	[tilespmem:s18], [sflag:$0x3] =	stream.indirect.gather [hbm4b:s4+s14], $0x40, s10, s14, $0xb8;
	[tilespmem:$0x1F000] =	vst v63  }
0x60: {  	_ =	swait.ge [sflag:s5], $0x2000  }
0x61: {  	[sflag:s5] =	ssyncset.done $0x0  }
0x62: {  	s13 =	simm.s32 $0x580;
	[sflag:s5] =	ssyncadd.s32 $0xFFFFE000  }
0x63: {  	[tilespmem:s20], [sflag:$0x4] =	stream.indirect.gather [hbm4b:s4+s14], $0x40, s13, s14, $0xb8;
	[tilespmem:$0x1F000] =	vst v63  }
0x64: {  	_ =	swait.ge [sflag:s6], $0x2000  }
0x65: {  	[sflag:s6] =	ssyncset.done $0x0  }
0x66: {  	s3 =	simm.s32 $0x600;
	[sflag:s6] =	ssyncadd.s32 $0xFFFFE000  }
0x67: {  	[tilespmem:s22], [sflag:$0x5] =	stream.indirect.gather [hbm4b:s4+s14], $0x40, s3, s14, $0xb8;
	[tilespmem:$0x1F000] =	vst v63  }
0x68: {  	_ =	swait.ge [sflag:s7], $0x2000  }
0x69: {  	[sflag:s7] =	ssyncset.done $0x0  }
0x6a: {  	s10 =	simm.s32 $0x680;
	[sflag:s7] =	ssyncadd.s32 $0xFFFFE000  }
0x6b: {  	[tilespmem:s24], [sflag:$0x6] =	stream.indirect.gather [hbm4b:s4+s14], $0x40, s10, s14, $0xb8;
	[tilespmem:$0x1F000] =	vst v63  }
0x6c: {  	_ =	swait.ge [sflag:s8], $0x2000  }
0x6d: {  	[sflag:s8] =	ssyncset.done $0x0  }
0x6e: {  	s13 =	simm.s32 $0x700;
	[sflag:s8] =	ssyncadd.s32 $0xFFFFE000  }
0x6f: {  	[tilespmem:s26], [sflag:$0x7] =	stream.indirect.gather [hbm4b:s4+s14], $0x40, s13, s14, $0xb8;
	[tilespmem:$0x1F000] =	vst v63  }
0x70: {  	_ =	swait.ge [sflag:s9], $0x2000  }
0x71: {  	[sflag:s9] =	ssyncset.done $0x0  }
0x72: {  	s12 =	simm.s32 $0x1000;
	s13 =	simm.s32 $0x780;
	[sflag:s9] =	ssyncadd.s32 $0xFFFFE000  }
.LBB2_2:
0x73: {  	[tilespmem:s29], [sflag:$0x8] =	stream.indirect.gather [hbm4b:s4+s14], $0x40, s13, s14, $0xb8;
	[tilespmem:$0x1F000] =	vst v63  }
0x74: {  	s13 =	smov.u32 s12  }
0x75: {  	p0 =	sne.s32 s12, $0x8000;
	s12 =	sadd.s32 $0x1000, s12;
	_ =	swait.ge [sflag:s30], $0x2000  }
0x76: {  	s13 =	sshra.s32 s13, $0x2;
	[sflag:s30] =	ssyncset.done $0x0  }
0x77: {  	s10 =	sadd.s32 $0x2800, s13;
	[sflag:s30] =	ssyncadd.s32 $0xFFFFE000  }
0x78: {  	[spmem:s2] =	stream.indirect.scatter.add.f32 [tilespmem:s15], [sflag:$0x9], $0x40, s10, s14, $0xb8;
	[tilespmem:$0x1F000] =	vst v63  }
0x79: {  	_ =	swait.ge [sflag:s31], $0x2000  }
0x7a: {  	[sflag:s31] =	ssyncset.done $0x0  }
0x7b: {  	s10 =	sadd.s32 $0x2880, s13;
	[sflag:s31] =	ssyncadd.s32 $0xFFFFE000  }
0x7c: {  	[spmem:s2] =	stream.indirect.scatter.add.f32 [tilespmem:s16], [sflag:$0xA], $0x40, s10, s14, $0xb8;
	[tilespmem:$0x1F000] =	vst v63  }
0x7d: {  	_ =	swait.ge [sflag:s1], $0x2000  }
0x7e: {  	[sflag:s1] =	ssyncset.done $0x0  }
0x7f: {  	s10 =	sadd.s32 $0x2900, s13;
	[sflag:s1] =	ssyncadd.s32 $0xFFFFE000  }
0x80: {  	[spmem:s2] =	stream.indirect.scatter.add.f32 [tilespmem:s18], [sflag:$0xB], $0x40, s10, s14, $0xb8;
	[tilespmem:$0x1F000] =	vst v63  }
0x81: {  	_ =	swait.ge [sflag:s0], $0x2000  }
0x82: {  	[sflag:s0] =	ssyncset.done $0x0  }
0x83: {  	s10 =	sadd.s32 $0x2980, s13;
	[sflag:s0] =	ssyncadd.s32 $0xFFFFE000  }
0x84: {  	[spmem:s2] =	stream.indirect.scatter.add.f32 [tilespmem:s20], [sflag:$0xC], $0x40, s10, s14, $0xb8;
	[tilespmem:$0x1F000] =	vst v63  }
0x85: {  	_ =	swait.ge [sflag:s11], $0x2000  }
0x86: {  	[sflag:s11] =	ssyncset.done $0x0  }
0x87: {  	s10 =	sadd.s32 $0x2A00, s13;
	[sflag:s11] =	ssyncadd.s32 $0xFFFFE000  }
0x88: {  	[spmem:s2] =	stream.indirect.scatter.add.f32 [tilespmem:s22], [sflag:$0xD], $0x40, s10, s14, $0xb8;
	[tilespmem:$0x1F000] =	vst v63  }
0x89: {  	_ =	swait.ge [sflag:s17], $0x2000  }
0x8a: {  	[sflag:s17] =	ssyncset.done $0x0  }
0x8b: {  	s10 =	sadd.s32 $0x2A80, s13;
	[sflag:s17] =	ssyncadd.s32 $0xFFFFE000  }
0x8c: {  	[spmem:s2] =	stream.indirect.scatter.add.f32 [tilespmem:s24], [sflag:$0xE], $0x40, s10, s14, $0xb8;
	[tilespmem:$0x1F000] =	vst v63  }
0x8d: {  	_ =	swait.ge [sflag:s19], $0x2000  }
0x8e: {  	[sflag:s19] =	ssyncset.done $0x0  }
0x8f: {  	s10 =	sadd.s32 $0x2B00, s13;
	[sflag:s19] =	ssyncadd.s32 $0xFFFFE000  }
0x90: {  	[spmem:s2] =	stream.indirect.scatter.add.f32 [tilespmem:s26], [sflag:$0xF], $0x40, s10, s14, $0xb8;
	[tilespmem:$0x1F000] =	vst v63  }
0x91: {  	_ =	swait.ge [sflag:s21], $0x2000  }
0x92: {  	[sflag:s21] =	ssyncset.done $0x0  }
0x93: {  	s10 =	sadd.s32 $0x2B80, s13;
	[sflag:s21] =	ssyncadd.s32 $0xFFFFE000  }
0x94: {  	[spmem:s2] =	stream.indirect.scatter.add.f32 [tilespmem:s29], [sflag:$0x10], $0x40, s10, s14, $0xb8;
	[tilespmem:$0x1F000] =	vst v63  }
0x95: {  	_ =	swait.ge [sflag:s23], $0x2000  }
0x96: {  	[sflag:s23] =	ssyncset.done $0x0  }
0x97: {  	s10 =	sadd.s32 $0x400, s13;
	[sflag:s23] =	ssyncadd.s32 $0xFFFFE000  }
0x98: {  	[tilespmem:s15], [sflag:$0x1] =	stream.indirect.gather [hbm4b:s4+s14], $0x40, s10, s14, $0xb8;
	[tilespmem:$0x1F000] =	vst v63  }
0x99: {  	_ =	swait.ge [sflag:s25], $0x2000  }
0x9a: {  	[sflag:s25] =	ssyncset.done $0x0  }
0x9b: {  	s10 =	sadd.s32 $0x480, s13;
	[sflag:s25] =	ssyncadd.s32 $0xFFFFE000  }
0x9c: {  	[tilespmem:s16], [sflag:$0x2] =	stream.indirect.gather [hbm4b:s4+s14], $0x40, s10, s14, $0xb8;
	[tilespmem:$0x1F000] =	vst v63  }
0x9d: {  	_ =	swait.ge [sflag:s28], $0x2000  }
0x9e: {  	[sflag:s28] =	ssyncset.done $0x0  }
0x9f: {  	s10 =	sadd.s32 $0x500, s13;
	[sflag:s28] =	ssyncadd.s32 $0xFFFFE000  }
0xa0: {  	[tilespmem:s18], [sflag:$0x3] =	stream.indirect.gather [hbm4b:s4+s14], $0x40, s10, s14, $0xb8;
	[tilespmem:$0x1F000] =	vst v63  }
0xa1: {  	_ =	swait.ge [sflag:s5], $0x2000  }
0xa2: {  	[sflag:s5] =	ssyncset.done $0x0  }
0xa3: {  	s10 =	sadd.s32 $0x580, s13;
	[sflag:s5] =	ssyncadd.s32 $0xFFFFE000  }
0xa4: {  	[tilespmem:s20], [sflag:$0x4] =	stream.indirect.gather [hbm4b:s4+s14], $0x40, s10, s14, $0xb8;
	[tilespmem:$0x1F000] =	vst v63  }
0xa5: {  	_ =	swait.ge [sflag:s6], $0x2000  }
0xa6: {  	[sflag:s6] =	ssyncset.done $0x0  }
0xa7: {  	s10 =	sadd.s32 $0x600, s13;
	[sflag:s6] =	ssyncadd.s32 $0xFFFFE000  }
0xa8: {  	[tilespmem:s22], [sflag:$0x5] =	stream.indirect.gather [hbm4b:s4+s14], $0x40, s10, s14, $0xb8;
	[tilespmem:$0x1F000] =	vst v63  }
0xa9: {  	_ =	swait.ge [sflag:s7], $0x2000  }
0xaa: {  	[sflag:s7] =	ssyncset.done $0x0  }
0xab: {  	s10 =	sadd.s32 $0x680, s13;
	[sflag:s7] =	ssyncadd.s32 $0xFFFFE000  }
0xac: {  	[tilespmem:s24], [sflag:$0x6] =	stream.indirect.gather [hbm4b:s4+s14], $0x40, s10, s14, $0xb8;
	[tilespmem:$0x1F000] =	vst v63  }
0xad: {  	_ =	swait.ge [sflag:s8], $0x2000  }
0xae: {  	[sflag:s8] =	ssyncset.done $0x0  }
.Ltmp0:
0xaf: {  	s10 =	sadd.s32 $0x700, s13;
	[sflag:s8] =	ssyncadd.s32 $0xFFFFE000;
	(pc) =	sbr.rel @p0 .LBB2_2-.Ltmp0, $4  }
0xb0: {  	[tilespmem:s26], [sflag:$0x7] =	stream.indirect.gather [hbm4b:s4+s14], $0x40, s10, s14, $0xb8;
	[tilespmem:$0x1F000] =	vst v63  }
0xb1: {  	_ =	swait.ge [sflag:s9], $0x2000  }
0xb2: {  	[sflag:s9] =	ssyncset.done $0x0  }
0xb3: {  	s13 =	sadd.s32 $0x780, s13;
	[sflag:s9] =	ssyncadd.s32 $0xFFFFE000  }
0xb4: {  	[tilespmem:s29], [sflag:$0x8] =	stream.indirect.gather [hbm4b:s4+s14], $0x40, s13, s14, $0xb8;
	[tilespmem:$0x1F000] =	vst v63  }
0xb5: {  	_ =	swait.ge [sflag:s30], $0x2000  }
0xb6: {  	[sflag:s30] =	ssyncset.done $0x0  }
0xb7: {  	s10 =	simm.s32 $0x4C00;
	[sflag:s30] =	ssyncadd.s32 $0xFFFFE000  }
0xb8: {  	[spmem:s2] =	stream.indirect.scatter.add.f32 [tilespmem:s15], [sflag:$0x9], $0x40, s10, s14, $0xb8;
	[tilespmem:$0x1F000] =	vst v63  }
0xb9: {  	_ =	swait.ge [sflag:s31], $0x2000  }
0xba: {  	[sflag:s31] =	ssyncset.done $0x0  }
0xbb: {  	s12 =	simm.s32 $0x4C80;
	[sflag:s31] =	ssyncadd.s32 $0xFFFFE000  }
0xbc: {  	[spmem:s2] =	stream.indirect.scatter.add.f32 [tilespmem:s16], [sflag:$0xA], $0x40, s12, s14, $0xb8;
	[tilespmem:$0x1F000] =	vst v63  }
0xbd: {  	_ =	swait.ge [sflag:s1], $0x2000  }
0xbe: {  	[sflag:s1] =	ssyncset.done $0x0  }
0xbf: {  	s13 =	simm.s32 $0x4D00;
	[sflag:s1] =	ssyncadd.s32 $0xFFFFE000  }
0xc0: {  	[spmem:s2] =	stream.indirect.scatter.add.f32 [tilespmem:s18], [sflag:$0xB], $0x40, s13, s14, $0xb8;
	[tilespmem:$0x1F000] =	vst v63  }
0xc1: {  	_ =	swait.ge [sflag:s0], $0x2000  }
0xc2: {  	[sflag:s0] =	ssyncset.done $0x0  }
0xc3: {  	s3 =	simm.s32 $0x4D80;
	[sflag:s0] =	ssyncadd.s32 $0xFFFFE000  }
0xc4: {  	[spmem:s2] =	stream.indirect.scatter.add.f32 [tilespmem:s20], [sflag:$0xC], $0x40, s3, s14, $0xb8;
	[tilespmem:$0x1F000] =	vst v63  }
0xc5: {  	_ =	swait.ge [sflag:s11], $0x2000  }
0xc6: {  	[sflag:s11] =	ssyncset.done $0x0  }
0xc7: {  	s12 =	simm.s32 $0x4E00;
	[sflag:s11] =	ssyncadd.s32 $0xFFFFE000  }
0xc8: {  	[spmem:s2] =	stream.indirect.scatter.add.f32 [tilespmem:s22], [sflag:$0xD], $0x40, s12, s14, $0xb8;
	[tilespmem:$0x1F000] =	vst v63  }
0xc9: {  	_ =	swait.ge [sflag:s17], $0x2000  }
0xca: {  	[sflag:s17] =	ssyncset.done $0x0  }
0xcb: {  	s13 =	simm.s32 $0x4E80;
	[sflag:s17] =	ssyncadd.s32 $0xFFFFE000  }
0xcc: {  	[spmem:s2] =	stream.indirect.scatter.add.f32 [tilespmem:s24], [sflag:$0xE], $0x40, s13, s14, $0xb8;
	[tilespmem:$0x1F000] =	vst v63  }
0xcd: {  	_ =	swait.ge [sflag:s19], $0x2000  }
0xce: {  	[sflag:s19] =	ssyncset.done $0x0  }
0xcf: {  	s3 =	simm.s32 $0x4F00;
	[sflag:s19] =	ssyncadd.s32 $0xFFFFE000  }
0xd0: {  	[spmem:s2] =	stream.indirect.scatter.add.f32 [tilespmem:s26], [sflag:$0xF], $0x40, s3, s14, $0xb8;
	[tilespmem:$0x1F000] =	vst v63  }
0xd1: {  	_ =	swait.ge [sflag:s21], $0x2000  }
0xd2: {  	[sflag:s21] =	ssyncset.done $0x0  }
0xd3: {  	s12 =	simm.s32 $0x4F80;
	[sflag:s21] =	ssyncadd.s32 $0xFFFFE000  }
0xd4: {  	[spmem:s2] =	stream.indirect.scatter.add.f32 [tilespmem:s29], [sflag:$0x10], $0x40, s12, s14, $0xb8;
	[tilespmem:$0x1F000] =	vst v63  }
0xd5: {  	_ =	swait.ge [sflag:s23], $0x2000  }
0xd6: {  	[sflag:s23] =	ssyncset.done $0x0  }
0xd7: {  	[sflag:s23] =	ssyncadd.s32 $0xFFFFE000  }
0xd8: {  	_ =	swait.ge [sflag:s25], $0x2000  }
0xd9: {  	[sflag:s25] =	ssyncset.done $0x0  }
0xda: {  	[sflag:s25] =	ssyncadd.s32 $0xFFFFE000  }
0xdb: {  	_ =	swait.ge [sflag:s28], $0x2000  }
0xdc: {  	[sflag:s28] =	ssyncset.done $0x0  }
0xdd: {  	[sflag:s28] =	ssyncadd.s32 $0xFFFFE000  }
0xde: {  	_ =	swait.ge [sflag:s5], $0x2000  }
0xdf: {  	[sflag:s5] =	ssyncset.done $0x0  }
0xe0: {  	[sflag:s5] =	ssyncadd.s32 $0xFFFFE000  }
0xe1: {  	_ =	swait.ge [sflag:s6], $0x2000  }
0xe2: {  	[sflag:s6] =	ssyncset.done $0x0  }
0xe3: {  	[sflag:s6] =	ssyncadd.s32 $0xFFFFE000  }
0xe4: {  	_ =	swait.ge [sflag:s7], $0x2000  }
0xe5: {  	[sflag:s7] =	ssyncset.done $0x0  }
0xe6: {  	[sflag:s7] =	ssyncadd.s32 $0xFFFFE000  }
0xe7: {  	_ =	swait.ge [sflag:s8], $0x2000  }
0xe8: {  	[sflag:s8] =	ssyncset.done $0x0  }
0xe9: {  	[sflag:s8] =	ssyncadd.s32 $0xFFFFE000  }
0xea: {  	_ =	swait.ge [sflag:s9], $0x2000  }
0xeb: {  	[sflag:s9] =	ssyncset.done $0x0  }
0xec: {  	[sflag:s9] =	ssyncadd.s32 $0xFFFFE000  }
0xed: {  	[bflag:$0x0] =	sbarrier.arrive $0xFFFF  }
0xee: {  	s13 =	rddreg [dreg:$0x6]  }
0xef: {  	s12 =	rddreg [dreg:$0x8]  }
0xf0: {  	s3 =	rddreg [dreg:$0x9]  }
0xf1: {  	[hbm:s13], [sflag:s3] =	dma.local [spmem:s12], $0x1400  }
0xf2: {  	s13 =	simm.s32 $0x11  }
0xf3: {  	_ =	swait.ge [sflag:s13], $0x1400  }
0xf4: {  	s10 =	rddreg [dreg:$0xa]  }
0xf5: {  	s12 =	rddreg [dreg:$0x7];
	s3 =	sadd.s32 $0x1, s10  }
0xf6: {  	p0 =	sne.s32 s3, s12  }
.Ltmp1:
0xf7: {  	_ = 	snop;
	(pc) =	sbr.rel @p0 .LBB2_1-.Ltmp1, $3  }
0xf8: {  	_ =	sdelay $0x1  }
0xf9: {  	[sflag:s13] =	ssyncset.done $0x0  }
0xfa: {  	[sflag:s13] =	ssyncadd.s32 $0xFFFFEC00;
	[dreg:$0xa] =	wrdreg s3  }
0xfb: {  	_ =	sfence.sel $0x180000  }
0xfc: {  	[bflag:$0x0] =	sbarrier.arrive $0xFFFF  }
0xfd: {  	_ =	strace $0x90000050  }
0xfe: {  	s0 =	stileid.u32;
	[bflag:$0x2] =	sbarrier.arrive $0xFFFF  }
0xff: {  	p0 =	sne.s32 s0, $0x0;
	s0 =	rddreg [dreg:$0x2]  }
0x100: {  	s0 =	sadd.s32 @!p0 $0x100000, s0  }
0x101: {  	[sflag:s0] =	ssyncadd.tile.s32 @!p0 $0x1;
	_ =	shalt  }
.Lfunc_end2:
_tile_overlayer_lowered:
.L_overlay_start_2:
0x102: {  	(tag) =	ssettag $0x2  }
0x103: {  	s0 =	rddreg [dreg:$0x0];
	s2 =	stileid.u32  }
0x104: {  	s1 =	rddreg [dreg:$0x1];
	p0 =	sne.s32 s2, $0x0  }
0x105: {  	s3 =	rddreg [dreg:$0x2];
	[bflag:$0x3] =	sbarrier.arrive $0xFFFF;
	s2 =	simm.s32 @!p0 $0x1C11  }
0x106: {  	[timem:s3], [sflag:s2] =	dma.local @!p0 [hbm:s0], s1  }
0x107: {  	s0 =	simm.s32 @!p0 $0x11  }
0x108: {  	_ =	swait.ge @!p0 [sflag:s0], s1  }
0x109: {  	s1 =	ssub.s32 @!p0 $0x0, s1;
	[sflag:s0] =	ssyncset.done @!p0 $0x0  }
0x10a: {  	[sflag:s0] =	ssyncadd.s32 @!p0 s1  }
0x10b: {  	[bflag:$0x3] =	sbarrier.arrive $0xFFFF  }
0x10c: {  	_ =	shalt  }

</sc_bundles>
